<compile_context>
chip_gen: v7x
topology: tpu7x:2x2x1
jax: 0.10.2.dev20260603
libtpu: 0.0.44.dev20260713+nightly
codegen_flags: <defaults>
</compile_context>

<pallas_src>
import functools

import jax
import jax.numpy as jnp
from jax.experimental import pallas as pl
from jax.experimental.pallas import tpu as pltpu
from jax.experimental.pallas import tpu_sc as plsc

_B = 4
_N = 65536
_C = 128
_M = 16
_LANES = 128
_ROWS = _N // _LANES


def _fps_body(loc_ref, idx64_ref, pts_ref):
    xs = loc_ref[:, 0]
    ys = loc_ref[:, 1]
    zs = loc_ref[:, 2]
    shape2 = (_ROWS, _LANES)
    row = jax.lax.broadcasted_iota(jnp.int32, shape2, 0)
    col = jax.lax.broadcasted_iota(jnp.int32, shape2, 1)
    lin = row * _LANES + col
    lane3 = jax.lax.broadcasted_iota(jnp.int32, (3, 1, _LANES), 2)
    big = jnp.int32(jnp.iinfo(jnp.int32).max)

    def coords_of(b, n):
        r = n // _LANES
        c = n % _LANES
        rowv = loc_ref[b, :, pl.ds(r, 1), :]
        return jnp.sum(jnp.where(lane3 == c, rowv, 0.0), axis=2, keepdims=True)

    dists = jnp.full((_B,) + shape2, 1e10, dtype=jnp.float32)
    cur = [jnp.zeros((), dtype=jnp.int32) for _ in range(_B)]
    idx64_ref[...] = jnp.zeros((1, _B * _M), jnp.int32)

    for i in range(1, _M + 1):
        l3s = [coords_of(b, cur[b]) for b in range(_B)]
        for b in range(_B):
            pts_ref[b:b + 1, i - 1:i, :] = l3s[b].reshape(1, 1, 3)
        if i == _M:
            break
        lx = jnp.concatenate([l3[0:1] for l3 in l3s], axis=0)
        ly = jnp.concatenate([l3[1:2] for l3 in l3s], axis=0)
        lz = jnp.concatenate([l3[2:3] for l3 in l3s], axis=0)
        dx = xs - lx
        dy = ys - ly
        dz = zs - lz
        d = (dx * dx + dy * dy) + dz * dz
        dmin = jnp.minimum(dists, d)
        dists = dmin
        m = jnp.max(dmin, axis=(1, 2), keepdims=True)
        nxtv = jnp.min(jnp.where(dmin == m, lin, big), axis=(1, 2))
        nxtv = nxtv.astype(jnp.int32)
        for b in range(_B):
            idx64_ref[0:1, b * _M + i:b * _M + i + 1] = nxtv[b:b + 1].reshape(1, 1)
            cur[b] = jnp.max(nxtv[b:b + 1])


_SC_NC = 2
_SC_NS = 16
_SC_L = 16
_PAIRS = _B * _M
_NW = _SC_NC * _SC_NS
_PPW = _PAIRS // _NW


def _sc_gather_features(features, idx64):
    table = features.reshape(_B * _C, _N)
    mesh = plsc.VectorSubcoreMesh(core_axis_name="c", subcore_axis_name="s")

    @functools.partial(
        pl.kernel,
        out_type=jax.ShapeDtypeStruct((_B * _M * _C,), jnp.float32),
        mesh=mesh,
        scratch_types=[
            pltpu.VMEM((_PAIRS,), jnp.int32),
            pltpu.VMEM((_C, 128), jnp.float32),
            pltpu.VMEM((_C, 128), jnp.float32),
            pltpu.VMEM((_C,), jnp.float32),
            pltpu.VMEM((_C,), jnp.float32),
            pltpu.SemaphoreType.DMA,
            pltpu.SemaphoreType.DMA,
        ],
        compiler_params=pltpu.CompilerParams(needs_layout_passes=False),
    )
    def gather_kernel(t_hbm, i_hbm, o_hbm, idx_v, blk0, blk1, ob0, ob1,
                      sem, osem):
        wid = jax.lax.axis_index("s") * _SC_NC + jax.lax.axis_index("c")
        pltpu.sync_copy(i_hbm.at[0], idx_v)
        lane_iota = jax.lax.iota(jnp.int32, _SC_L)
        blks = (blk0, blk1)
        obs = (ob0, ob1)
        lanes = []
        copies = []
        for pair_local in range(_PPW):
            p = wid * _PPW + pair_local
            b = p // _M
            idxval = plsc.load_gather(idx_v, [jnp.full((_SC_L,), p, jnp.int32)])
            lanes.append(jnp.bitwise_and(idxval, 127))
            idx_s = jnp.max(idxval)
            col0 = pl.multiple_of((idx_s >> 7) << 7, 128)
            row0 = pl.multiple_of(b * _C, _C)
            copies.append(pltpu.async_copy(
                t_hbm.at[pl.ds(row0, _C), pl.ds(col0, 128)], blks[pair_local],
                sem,
            ))
        outcopies = []
        for pair_local in range(_PPW):
            p = wid * _PPW + pair_local
            copies[pair_local].wait()
            for j in range(_C // _SC_L):
                vals = plsc.load_gather(
                    blks[pair_local], [j * _SC_L + lane_iota, lanes[pair_local]]
                )
                obs[pair_local][pl.ds(j * _SC_L, _SC_L)] = vals
            off = pl.multiple_of(p * _C, _C)
            outcopies.append(pltpu.async_copy(
                obs[pair_local], o_hbm.at[pl.ds(off, _C)], osem,
            ))
        for cp in outcopies:
            cp.wait()

    out = gather_kernel(table, idx64)
    return out.reshape(_B, _M, _C).transpose(0, 2, 1)


def kernel(locations, features):
    loc4 = locations.transpose(0, 2, 1).reshape(_B, 3, _ROWS, _LANES)
    idx64, anchor_points = pl.pallas_call(
        _fps_body,
        out_shape=(
            jax.ShapeDtypeStruct((1, _B * _M), jnp.int32),
            jax.ShapeDtypeStruct((_B, _M, 3), jnp.float32),
        ),
    )(loc4)
    anchor_features = _sc_gather_features(features, idx64)
    anchor_idx = idx64.reshape(_B, _M)
    return anchor_points, anchor_features, anchor_idx

# --- scband reference (transcript-rebuilt; emitter-appended) ---
"""Pipeline reference for scband-relation-anchor-19481971655246 (READ-ONLY COPY).

The authoritative reference and input builder live on the scoring server;
editing this copy changes nothing except your own understanding.
"""

import jax, jax.numpy as jnp
import numpy as np

NUM_ANCHORS = 16


def furthest_point_sample(xyz, npoint):
    # xyz: [B, N, 3] -> indices [B, npoint] int32 (standard FPS starting at index 0)
    B, N, _ = xyz.shape

    def fps_single(points):
        def body(i, carry):
            dists, indices = carry
            last_pt = points[indices[i - 1]]
            d = jnp.sum((points - last_pt) ** 2, axis=1)
            dists = jnp.minimum(dists, d)
            nxt = jnp.argmax(dists).astype(jnp.int32)
            indices = indices.at[i].set(nxt)
            return (dists, indices)

        dists0 = jnp.full((N,), 1e10, dtype=points.dtype)
        idx0 = jnp.zeros((npoint,), dtype=jnp.int32)
        _, indices = jax.lax.fori_loop(1, npoint, body, (dists0, idx0))
        return indices

    return jax.vmap(fps_single)(xyz)


def gather_points(features, idx):
    # features: [B, C, N], idx: [B, M] -> [B, C, M]
    return jnp.take_along_axis(features, idx[:, None, :].astype(jnp.int32), axis=2)


def setup_inputs(seed: int = 0) -> dict:
    key = jax.random.key(seed)
    k1, k2 = jax.random.split(key)
    locations = jax.random.normal(k1, (4, 65536, 3), dtype=jnp.float32)
    features = jax.random.normal(k2, (4, 128, 65536), dtype=jnp.float32)
    return {"locations": locations, "features": features}


def reference(locations, features):
    # D-FPS branch of RelationAnchor.forward
    anchor_indices = furthest_point_sample(locations, NUM_ANCHORS)

    loc_t = jnp.transpose(locations, (0, 2, 1))  # [B, 3, N]
    anchor_points = gather_points(loc_t, anchor_indices)  # [B, 3, M]
    anchor_points = jnp.transpose(anchor_points, (0, 2, 1))  # [B, M, 3]
    anchor_features = gather_points(features, anchor_indices)  # [B, C, M]

    # original module returns detached anchor points/features
    anchor_points = jax.lax.stop_gradient(anchor_points)
    anchor_features = jax.lax.stop_gradient(anchor_features)
    return (anchor_points, anchor_features, anchor_indices)

if __name__ == "__main__":
    import jax
    _d = setup_inputs()
    print(jax.jit(kernel)(*tuple(_d.values())))

</pallas_src>

<mosaic_0001>
#map = affine_map<(d0, d1) -> (0, 0)>
#map1 = affine_map<(d0, d1) -> (0)>
module attributes {stable_mosaic.version = 14 : i64} {
  func.func @gather_kernel(%arg0: i32, %arg1: i32, %arg2: memref<512x65536xf32, #tpu.memory_space<hbm>>, %arg3: memref<1x64xi32, #tpu.memory_space<hbm>>, %arg4: memref<8192xf32, #tpu.memory_space<hbm>>, %arg5: memref<64xi32, #tpu.memory_space<vmem>>, %arg6: memref<128x128xf32, #tpu.memory_space<vmem>>, %arg7: memref<128x128xf32, #tpu.memory_space<vmem>>, %arg8: memref<128xf32, #tpu.memory_space<vmem>>, %arg9: memref<128xf32, #tpu.memory_space<vmem>>, %arg10: memref<!tpu.dma_semaphore, #tpu.memory_space<semaphore_mem>>, %arg11: memref<!tpu.dma_semaphore, #tpu.memory_space<semaphore_mem>>) attributes {dimension_semantics = [#tpu.dimension_semantics<core_parallel>, #tpu.dimension_semantics<subcore_parallel>], iteration_bounds = array<i64: 2, 16>, scalar_prefetch = 0 : i64, scratch_operands = 7 : i64, tpu.core_type = #tpu.core_type<sc_vector_subcore>, window_params = [{transform_indices = #map}, {transform_indices = #map}, {transform_indices = #map1}]} {
    %mul3A = arith.constant 2 : i32
    %mul3A_0 = arith.muli %arg1, %mul3A : i32
    %add3A = arith.addi %mul3A_0, %arg0 : i32
    %run_scoped3A = arith.constant 0 : i32
    "tpu.region"() ({
      %run_scoped3A_208 = tpu.sem_alloc : memref<!tpu.dma_semaphore, #tpu.memory_space<semaphore_mem>>
      %dma_start3A_209 = arith.constant 0 : i32
      %dma_start3A_210 = tpu.memref_slice %arg3[%run_scoped3A, %dma_start3A_209] : memref<1x64xi32, #tpu.memory_space<hbm>> -> memref<1x64xi32, #tpu.memory_space<hbm>>
      %dma_start3A_211 = tpu.memref_squeeze %dma_start3A_210 : memref<1x64xi32, #tpu.memory_space<hbm>> -> memref<64xi32, #tpu.memory_space<hbm>>
      %dma_start3A_212 = arith.constant 0 : i32
      %dma_start3A_213 = tpu.memref_slice %arg3[%run_scoped3A, %dma_start3A_212] : memref<1x64xi32, #tpu.memory_space<hbm>> -> memref<1x64xi32, #tpu.memory_space<hbm>>
      %dma_start3A_214 = tpu.memref_squeeze %dma_start3A_213 : memref<1x64xi32, #tpu.memory_space<hbm>> -> memref<64xi32, #tpu.memory_space<hbm>>
      tpu.enqueue_dma source(%dma_start3A_214 : memref<64xi32, #tpu.memory_space<hbm>>) target(%arg5 : memref<64xi32, #tpu.memory_space<vmem>>) target_semaphore(%run_scoped3A_208 : memref<!tpu.dma_semaphore, #tpu.memory_space<semaphore_mem>>)
      %dma_wait3A_215 = arith.constant 0 : i32
      %dma_wait3A_216 = tpu.memref_slice %arg3[%run_scoped3A, %dma_wait3A_215] : memref<1x64xi32, #tpu.memory_space<hbm>> -> memref<1x64xi32, #tpu.memory_space<hbm>>
      %dma_wait3A_217 = tpu.memref_squeeze %dma_wait3A_216 : memref<1x64xi32, #tpu.memory_space<hbm>> -> memref<64xi32, #tpu.memory_space<hbm>>
      %dma_wait3A_218 = arith.constant 0 : i32
      %dma_wait3A_219 = tpu.memref_slice %arg3[%run_scoped3A, %dma_wait3A_218] : memref<1x64xi32, #tpu.memory_space<hbm>> -> memref<1x64xi32, #tpu.memory_space<hbm>>
      %dma_wait3A_220 = tpu.memref_squeeze %dma_wait3A_219 : memref<1x64xi32, #tpu.memory_space<hbm>> -> memref<64xi32, #tpu.memory_space<hbm>>
      tpu.wait_dma2 semaphore(%run_scoped3A_208 : memref<!tpu.dma_semaphore, #tpu.memory_space<semaphore_mem>>) src(%dma_wait3A_220 : memref<64xi32, #tpu.memory_space<hbm>>) dst(%arg5 : memref<64xi32, #tpu.memory_space<vmem>>)
      tpu.yield
    }) : () -> ()
    %iota3A = tpu.iota {dimensions = array<i32: 0>} : vector<16xi32>
    %mul3A_1 = arith.constant 2 : i32
    %mul3A_2 = arith.muli %add3A, %mul3A_1 : i32
    %add3A_3 = arith.constant 0 : i32
    %add3A_4 = arith.addi %mul3A_2, %add3A_3 : i32
    %jit3A = arith.constant 16 : i32
    %div3A = arith.divsi %add3A_4, %jit3A : i32
    %sign3A = arith.constant 0 : i32
    %sign3A_5 = arith.cmpi sgt, %add3A_4, %sign3A : i32
    %sign3A_6 = arith.extui %sign3A_5 : i1 to i32
    %sign3A_7 = arith.constant 0 : i32
    %sign3A_8 = arith.cmpi slt, %add3A_4, %sign3A_7 : i32
    %sign3A_9 = arith.extui %sign3A_8 : i1 to i32
    %sign3A_10 = arith.subi %sign3A_6, %sign3A_9 : i32
    %sign3A_11 = arith.constant 0 : i32
    %sign3A_12 = arith.cmpi sgt, %jit3A, %sign3A_11 : i32
    %sign3A_13 = arith.extui %sign3A_12 : i1 to i32
    %sign3A_14 = arith.constant 0 : i32
    %sign3A_15 = arith.cmpi slt, %jit3A, %sign3A_14 : i32
    %sign3A_16 = arith.extui %sign3A_15 : i1 to i32
    %sign3A_17 = arith.subi %sign3A_13, %sign3A_16 : i32
    %ne3A = arith.cmpi ne, %sign3A_10, %sign3A_17 : i32
    %rem3A = arith.remsi %add3A_4, %jit3A : i32
    %ne3A_18 = arith.constant 0 : i32
    %ne3A_19 = arith.cmpi ne, %rem3A, %ne3A_18 : i32
    %and3A = arith.andi %ne3A, %ne3A_19 : i1
    %sub3A = arith.constant 1 : i32
    %sub3A_20 = arith.subi %div3A, %sub3A : i32
    %select_n3A = arith.select %and3A, %sub3A_20, %div3A : i32
    %broadcast_in_dim3A = vector.broadcast %add3A_4 : i32 to vector<16xi32>
    %gather3A = tpu.vector_load_idx %arg5[%broadcast_in_dim3A] : memref<64xi32, #tpu.memory_space<vmem>>[vector<16xi32>], vector<16xi32>,
    %and3A_21 = arith.constant 127 : i32
    %and3A_22 = vector.broadcast %and3A_21 : i32 to vector<16xi32>
    %and3A_23 = arith.andi %gather3A, %and3A_22 : vector<16xi32>
    %reduce_max3A = arith.constant true
    %reduce_max3A_24 = vector.broadcast %reduce_max3A : i1 to vector<16xi1>
    %reduce_max3A_25 = arith.constant -2147483648 : i32
    %reduce_max3A_26 = vector.broadcast %reduce_max3A_25 : i32 to vector<16xi32>
    %reduce_max3A_27 = arith.xori %gather3A, %reduce_max3A_26 : vector<16xi32>
    %reduce_max3A_28 = tpu.scan <max>, %reduce_max3A_27 masked %reduce_max3A_24 : vector<16xi32>, vector<16xi1> -> vector<16xi32>
    %reduce_max3A_29 = arith.xori %reduce_max3A_28, %reduce_max3A_26 : vector<16xi32>
    %reduce_max3A_30 = vector.extract %reduce_max3A_29[15] : i32 from vector<16xi32>
    %shift_right_arithmetic3A = arith.constant 7 : i32
    %shift_right_arithmetic3A_31 = arith.shrsi %reduce_max3A_30, %shift_right_arithmetic3A : i32
    %shift_left3A = arith.constant 7 : i32
    %shift_left3A_32 = arith.shli %shift_right_arithmetic3A_31, %shift_left3A : i32
    %multiple_of3A = tpu.assume_multiple %shift_left3A_32, 128 : i32
    %mul3A_33 = arith.constant 128 : i32
    %mul3A_34 = arith.muli %select_n3A, %mul3A_33 : i32
    %multiple_of3A_35 = tpu.assume_multiple %mul3A_34, 128 : i32
    %dma_start3A = tpu.memref_slice %arg2[%multiple_of3A_35, %multiple_of3A] : memref<512x65536xf32, #tpu.memory_space<hbm>> -> memref<128x128xf32, #tpu.memory_space<hbm>>
    %dma_start3A_36 = tpu.memref_slice %arg2[%multiple_of3A_35, %multiple_of3A] : memref<512x65536xf32, #tpu.memory_space<hbm>> -> memref<128x128xf32, #tpu.memory_space<hbm>>
    tpu.enqueue_dma source(%dma_start3A_36 : memref<128x128xf32, #tpu.memory_space<hbm>>) target(%arg6 : memref<128x128xf32, #tpu.memory_space<vmem>>) target_semaphore(%arg10 : memref<!tpu.dma_semaphore, #tpu.memory_space<semaphore_mem>>)
    %mul3A_37 = arith.constant 2 : i32
    %mul3A_38 = arith.muli %add3A, %mul3A_37 : i32
    %add3A_39 = arith.constant 1 : i32
    %add3A_40 = arith.addi %mul3A_38, %add3A_39 : i32
    %jit3A_41 = arith.constant 16 : i32
    %div3A_42 = arith.divsi %add3A_40, %jit3A_41 : i32
    %sign3A_43 = arith.constant 0 : i32
    %sign3A_44 = arith.cmpi sgt, %add3A_40, %sign3A_43 : i32
    %sign3A_45 = arith.extui %sign3A_44 : i1 to i32
    %sign3A_46 = arith.constant 0 : i32
    %sign3A_47 = arith.cmpi slt, %add3A_40, %sign3A_46 : i32
    %sign3A_48 = arith.extui %sign3A_47 : i1 to i32
    %sign3A_49 = arith.subi %sign3A_45, %sign3A_48 : i32
    %sign3A_50 = arith.constant 0 : i32
    %sign3A_51 = arith.cmpi sgt, %jit3A_41, %sign3A_50 : i32
    %sign3A_52 = arith.extui %sign3A_51 : i1 to i32
    %sign3A_53 = arith.constant 0 : i32
    %sign3A_54 = arith.cmpi slt, %jit3A_41, %sign3A_53 : i32
    %sign3A_55 = arith.extui %sign3A_54 : i1 to i32
    %sign3A_56 = arith.subi %sign3A_52, %sign3A_55 : i32
    %ne3A_57 = arith.cmpi ne, %sign3A_49, %sign3A_56 : i32
    %rem3A_58 = arith.remsi %add3A_40, %jit3A_41 : i32
    %ne3A_59 = arith.constant 0 : i32
    %ne3A_60 = arith.cmpi ne, %rem3A_58, %ne3A_59 : i32
    %and3A_61 = arith.andi %ne3A_57, %ne3A_60 : i1
    %sub3A_62 = arith.constant 1 : i32
    %sub3A_63 = arith.subi %div3A_42, %sub3A_62 : i32
    %select_n3A_64 = arith.select %and3A_61, %sub3A_63, %div3A_42 : i32
    %broadcast_in_dim3A_65 = vector.broadcast %add3A_40 : i32 to vector<16xi32>
    %gather3A_66 = tpu.vector_load_idx %arg5[%broadcast_in_dim3A_65] : memref<64xi32, #tpu.memory_space<vmem>>[vector<16xi32>], vector<16xi32>,
    %and3A_67 = arith.constant 127 : i32
    %and3A_68 = vector.broadcast %and3A_67 : i32 to vector<16xi32>
    %and3A_69 = arith.andi %gather3A_66, %and3A_68 : vector<16xi32>
    %reduce_max3A_70 = arith.constant true
    %reduce_max3A_71 = vector.broadcast %reduce_max3A_70 : i1 to vector<16xi1>
    %reduce_max3A_72 = arith.constant -2147483648 : i32
    %reduce_max3A_73 = vector.broadcast %reduce_max3A_72 : i32 to vector<16xi32>
    %reduce_max3A_74 = arith.xori %gather3A_66, %reduce_max3A_73 : vector<16xi32>
    %reduce_max3A_75 = tpu.scan <max>, %reduce_max3A_74 masked %reduce_max3A_71 : vector<16xi32>, vector<16xi1> -> vector<16xi32>
    %reduce_max3A_76 = arith.xori %reduce_max3A_75, %reduce_max3A_73 : vector<16xi32>
    %reduce_max3A_77 = vector.extract %reduce_max3A_76[15] : i32 from vector<16xi32>
    %shift_right_arithmetic3A_78 = arith.constant 7 : i32
    %shift_right_arithmetic3A_79 = arith.shrsi %reduce_max3A_77, %shift_right_arithmetic3A_78 : i32
    %shift_left3A_80 = arith.constant 7 : i32
    %shift_left3A_81 = arith.shli %shift_right_arithmetic3A_79, %shift_left3A_80 : i32
    %multiple_of3A_82 = tpu.assume_multiple %shift_left3A_81, 128 : i32
    %mul3A_83 = arith.constant 128 : i32
    %mul3A_84 = arith.muli %select_n3A_64, %mul3A_83 : i32
    %multiple_of3A_85 = tpu.assume_multiple %mul3A_84, 128 : i32
    %dma_start3A_86 = tpu.memref_slice %arg2[%multiple_of3A_85, %multiple_of3A_82] : memref<512x65536xf32, #tpu.memory_space<hbm>> -> memref<128x128xf32, #tpu.memory_space<hbm>>
    %dma_start3A_87 = tpu.memref_slice %arg2[%multiple_of3A_85, %multiple_of3A_82] : memref<512x65536xf32, #tpu.memory_space<hbm>> -> memref<128x128xf32, #tpu.memory_space<hbm>>
    tpu.enqueue_dma source(%dma_start3A_87 : memref<128x128xf32, #tpu.memory_space<hbm>>) target(%arg7 : memref<128x128xf32, #tpu.memory_space<vmem>>) target_semaphore(%arg10 : memref<!tpu.dma_semaphore, #tpu.memory_space<semaphore_mem>>)
    %mul3A_88 = arith.constant 2 : i32
    %mul3A_89 = arith.muli %add3A, %mul3A_88 : i32
    %add3A_90 = arith.constant 0 : i32
    %add3A_91 = arith.addi %mul3A_89, %add3A_90 : i32
    %dma_wait3A = tpu.memref_slice %arg2[%multiple_of3A_35, %multiple_of3A] : memref<512x65536xf32, #tpu.memory_space<hbm>> -> memref<128x128xf32, #tpu.memory_space<hbm>>
    %dma_wait3A_92 = tpu.memref_slice %arg2[%multiple_of3A_35, %multiple_of3A] : memref<512x65536xf32, #tpu.memory_space<hbm>> -> memref<128x128xf32, #tpu.memory_space<hbm>>
    tpu.wait_dma2 semaphore(%arg10 : memref<!tpu.dma_semaphore, #tpu.memory_space<semaphore_mem>>) src(%dma_wait3A_92 : memref<128x128xf32, #tpu.memory_space<hbm>>) dst(%arg6 : memref<128x128xf32, #tpu.memory_space<vmem>>)
    %add3A_93 = arith.constant 0 : i32
    %add3A_94 = vector.broadcast %add3A_93 : i32 to vector<16xi32>
    %add3A_95 = arith.addi %add3A_94, %iota3A : vector<16xi32>
    %gather3A_96 = tpu.vector_load_idx %arg6[%add3A_95, %and3A_23] : memref<128x128xf32, #tpu.memory_space<vmem>>[vector<16xi32>, vector<16xi32>], vector<16xf32>,
    %swap3A = arith.constant 0 : index
    %swap3A_97 = tpu.vector_load %arg8[%swap3A] {strides = array<i32>} : memref<128xf32, #tpu.memory_space<vmem>>, vector<16xf32>,
    tpu.vector_store %arg8[%swap3A], %gather3A_96 {strides = array<i32>} : memref<128xf32, #tpu.memory_space<vmem>>, vector<16xf32>,
    %add3A_98 = arith.constant 16 : i32
    %add3A_99 = vector.broadcast %add3A_98 : i32 to vector<16xi32>
    %add3A_100 = arith.addi %add3A_99, %iota3A : vector<16xi32>
    %gather3A_101 = tpu.vector_load_idx %arg6[%add3A_100, %and3A_23] : memref<128x128xf32, #tpu.memory_space<vmem>>[vector<16xi32>, vector<16xi32>], vector<16xf32>,
    %swap3A_102 = arith.constant 16 : index
    %swap3A_103 = tpu.vector_load %arg8[%swap3A_102] {strides = array<i32>} : memref<128xf32, #tpu.memory_space<vmem>>, vector<16xf32>,
    tpu.vector_store %arg8[%swap3A_102], %gather3A_101 {strides = array<i32>} : memref<128xf32, #tpu.memory_space<vmem>>, vector<16xf32>,
    %add3A_104 = arith.constant 32 : i32
    %add3A_105 = vector.broadcast %add3A_104 : i32 to vector<16xi32>
    %add3A_106 = arith.addi %add3A_105, %iota3A : vector<16xi32>
    %gather3A_107 = tpu.vector_load_idx %arg6[%add3A_106, %and3A_23] : memref<128x128xf32, #tpu.memory_space<vmem>>[vector<16xi32>, vector<16xi32>], vector<16xf32>,
    %swap3A_108 = arith.constant 32 : index
    %swap3A_109 = tpu.vector_load %arg8[%swap3A_108] {strides = array<i32>} : memref<128xf32, #tpu.memory_space<vmem>>, vector<16xf32>,
    tpu.vector_store %arg8[%swap3A_108], %gather3A_107 {strides = array<i32>} : memref<128xf32, #tpu.memory_space<vmem>>, vector<16xf32>,
    %add3A_110 = arith.constant 48 : i32
    %add3A_111 = vector.broadcast %add3A_110 : i32 to vector<16xi32>
    %add3A_112 = arith.addi %add3A_111, %iota3A : vector<16xi32>
    %gather3A_113 = tpu.vector_load_idx %arg6[%add3A_112, %and3A_23] : memref<128x128xf32, #tpu.memory_space<vmem>>[vector<16xi32>, vector<16xi32>], vector<16xf32>,
    %swap3A_114 = arith.constant 48 : index
    %swap3A_115 = tpu.vector_load %arg8[%swap3A_114] {strides = array<i32>} : memref<128xf32, #tpu.memory_space<vmem>>, vector<16xf32>,
    tpu.vector_store %arg8[%swap3A_114], %gather3A_113 {strides = array<i32>} : memref<128xf32, #tpu.memory_space<vmem>>, vector<16xf32>,
    %add3A_116 = arith.constant 64 : i32
    %add3A_117 = vector.broadcast %add3A_116 : i32 to vector<16xi32>
    %add3A_118 = arith.addi %add3A_117, %iota3A : vector<16xi32>
    %gather3A_119 = tpu.vector_load_idx %arg6[%add3A_118, %and3A_23] : memref<128x128xf32, #tpu.memory_space<vmem>>[vector<16xi32>, vector<16xi32>], vector<16xf32>,
    %swap3A_120 = arith.constant 64 : index
    %swap3A_121 = tpu.vector_load %arg8[%swap3A_120] {strides = array<i32>} : memref<128xf32, #tpu.memory_space<vmem>>, vector<16xf32>,
    tpu.vector_store %arg8[%swap3A_120], %gather3A_119 {strides = array<i32>} : memref<128xf32, #tpu.memory_space<vmem>>, vector<16xf32>,
    %add3A_122 = arith.constant 80 : i32
    %add3A_123 = vector.broadcast %add3A_122 : i32 to vector<16xi32>
    %add3A_124 = arith.addi %add3A_123, %iota3A : vector<16xi32>
    %gather3A_125 = tpu.vector_load_idx %arg6[%add3A_124, %and3A_23] : memref<128x128xf32, #tpu.memory_space<vmem>>[vector<16xi32>, vector<16xi32>], vector<16xf32>,
    %swap3A_126 = arith.constant 80 : index
    %swap3A_127 = tpu.vector_load %arg8[%swap3A_126] {strides = array<i32>} : memref<128xf32, #tpu.memory_space<vmem>>, vector<16xf32>,
    tpu.vector_store %arg8[%swap3A_126], %gather3A_125 {strides = array<i32>} : memref<128xf32, #tpu.memory_space<vmem>>, vector<16xf32>,
    %add3A_128 = arith.constant 96 : i32
    %add3A_129 = vector.broadcast %add3A_128 : i32 to vector<16xi32>
    %add3A_130 = arith.addi %add3A_129, %iota3A : vector<16xi32>
    %gather3A_131 = tpu.vector_load_idx %arg6[%add3A_130, %and3A_23] : memref<128x128xf32, #tpu.memory_space<vmem>>[vector<16xi32>, vector<16xi32>], vector<16xf32>,
    %swap3A_132 = arith.constant 96 : index
    %swap3A_133 = tpu.vector_load %arg8[%swap3A_132] {strides = array<i32>} : memref<128xf32, #tpu.memory_space<vmem>>, vector<16xf32>,
    tpu.vector_store %arg8[%swap3A_132], %gather3A_131 {strides = array<i32>} : memref<128xf32, #tpu.memory_space<vmem>>, vector<16xf32>,
    %add3A_134 = arith.constant 112 : i32
    %add3A_135 = vector.broadcast %add3A_134 : i32 to vector<16xi32>
    %add3A_136 = arith.addi %add3A_135, %iota3A : vector<16xi32>
    %gather3A_137 = tpu.vector_load_idx %arg6[%add3A_136, %and3A_23] : memref<128x128xf32, #tpu.memory_space<vmem>>[vector<16xi32>, vector<16xi32>], vector<16xf32>,
    %swap3A_138 = arith.constant 112 : index
    %swap3A_139 = tpu.vector_load %arg8[%swap3A_138] {strides = array<i32>} : memref<128xf32, #tpu.memory_space<vmem>>, vector<16xf32>,
    tpu.vector_store %arg8[%swap3A_138], %gather3A_137 {strides = array<i32>} : memref<128xf32, #tpu.memory_space<vmem>>, vector<16xf32>,
    %mul3A_140 = arith.constant 128 : i32
    %mul3A_141 = arith.muli %add3A_91, %mul3A_140 : i32
    %multiple_of3A_142 = tpu.assume_multiple %mul3A_141, 128 : i32
    %dma_start3A_143 = tpu.memref_slice %arg4[%multiple_of3A_142] : memref<8192xf32, #tpu.memory_space<hbm>> -> memref<128xf32, #tpu.memory_space<hbm>>
    %dma_start3A_144 = tpu.memref_slice %arg4[%multiple_of3A_142] : memref<8192xf32, #tpu.memory_space<hbm>> -> memref<128xf32, #tpu.memory_space<hbm>>
    tpu.enqueue_dma source(%arg8 : memref<128xf32, #tpu.memory_space<vmem>>) target(%dma_start3A_144 : memref<128xf32, #tpu.memory_space<hbm>>) target_semaphore(%arg11 : memref<!tpu.dma_semaphore, #tpu.memory_space<semaphore_mem>>)
    %mul3A_145 = arith.constant 2 : i32
    %mul3A_146 = arith.muli %add3A, %mul3A_145 : i32
    %add3A_147 = arith.constant 1 : i32
    %add3A_148 = arith.addi %mul3A_146, %add3A_147 : i32
    %dma_wait3A_149 = tpu.memref_slice %arg2[%multiple_of3A_85, %multiple_of3A_82] : memref<512x65536xf32, #tpu.memory_space<hbm>> -> memref<128x128xf32, #tpu.memory_space<hbm>>
    %dma_wait3A_150 = tpu.memref_slice %arg2[%multiple_of3A_85, %multiple_of3A_82] : memref<512x65536xf32, #tpu.memory_space<hbm>> -> memref<128x128xf32, #tpu.memory_space<hbm>>
    tpu.wait_dma2 semaphore(%arg10 : memref<!tpu.dma_semaphore, #tpu.memory_space<semaphore_mem>>) src(%dma_wait3A_150 : memref<128x128xf32, #tpu.memory_space<hbm>>) dst(%arg7 : memref<128x128xf32, #tpu.memory_space<vmem>>)
    %add3A_151 = arith.constant 0 : i32
    %add3A_152 = vector.broadcast %add3A_151 : i32 to vector<16xi32>
    %add3A_153 = arith.addi %add3A_152, %iota3A : vector<16xi32>
    %gather3A_154 = tpu.vector_load_idx %arg7[%add3A_153, %and3A_69] : memref<128x128xf32, #tpu.memory_space<vmem>>[vector<16xi32>, vector<16xi32>], vector<16xf32>,
    %swap3A_155 = arith.constant 0 : index
    %swap3A_156 = tpu.vector_load %arg9[%swap3A_155] {strides = array<i32>} : memref<128xf32, #tpu.memory_space<vmem>>, vector<16xf32>,
    tpu.vector_store %arg9[%swap3A_155], %gather3A_154 {strides = array<i32>} : memref<128xf32, #tpu.memory_space<vmem>>, vector<16xf32>,
    %add3A_157 = arith.constant 16 : i32
    %add3A_158 = vector.broadcast %add3A_157 : i32 to vector<16xi32>
    %add3A_159 = arith.addi %add3A_158, %iota3A : vector<16xi32>
    %gather3A_160 = tpu.vector_load_idx %arg7[%add3A_159, %and3A_69] : memref<128x128xf32, #tpu.memory_space<vmem>>[vector<16xi32>, vector<16xi32>], vector<16xf32>,
    %swap3A_161 = arith.constant 16 : index
    %swap3A_162 = tpu.vector_load %arg9[%swap3A_161] {strides = array<i32>} : memref<128xf32, #tpu.memory_space<vmem>>, vector<16xf32>,
    tpu.vector_store %arg9[%swap3A_161], %gather3A_160 {strides = array<i32>} : memref<128xf32, #tpu.memory_space<vmem>>, vector<16xf32>,
    %add3A_163 = arith.constant 32 : i32
    %add3A_164 = vector.broadcast %add3A_163 : i32 to vector<16xi32>
    %add3A_165 = arith.addi %add3A_164, %iota3A : vector<16xi32>
    %gather3A_166 = tpu.vector_load_idx %arg7[%add3A_165, %and3A_69] : memref<128x128xf32, #tpu.memory_space<vmem>>[vector<16xi32>, vector<16xi32>], vector<16xf32>,
    %swap3A_167 = arith.constant 32 : index
    %swap3A_168 = tpu.vector_load %arg9[%swap3A_167] {strides = array<i32>} : memref<128xf32, #tpu.memory_space<vmem>>, vector<16xf32>,
    tpu.vector_store %arg9[%swap3A_167], %gather3A_166 {strides = array<i32>} : memref<128xf32, #tpu.memory_space<vmem>>, vector<16xf32>,
    %add3A_169 = arith.constant 48 : i32
    %add3A_170 = vector.broadcast %add3A_169 : i32 to vector<16xi32>
    %add3A_171 = arith.addi %add3A_170, %iota3A : vector<16xi32>
    %gather3A_172 = tpu.vector_load_idx %arg7[%add3A_171, %and3A_69] : memref<128x128xf32, #tpu.memory_space<vmem>>[vector<16xi32>, vector<16xi32>], vector<16xf32>,
    %swap3A_173 = arith.constant 48 : index
    %swap3A_174 = tpu.vector_load %arg9[%swap3A_173] {strides = array<i32>} : memref<128xf32, #tpu.memory_space<vmem>>, vector<16xf32>,
    tpu.vector_store %arg9[%swap3A_173], %gather3A_172 {strides = array<i32>} : memref<128xf32, #tpu.memory_space<vmem>>, vector<16xf32>,
    %add3A_175 = arith.constant 64 : i32
    %add3A_176 = vector.broadcast %add3A_175 : i32 to vector<16xi32>
    %add3A_177 = arith.addi %add3A_176, %iota3A : vector<16xi32>
    %gather3A_178 = tpu.vector_load_idx %arg7[%add3A_177, %and3A_69] : memref<128x128xf32, #tpu.memory_space<vmem>>[vector<16xi32>, vector<16xi32>], vector<16xf32>,
    %swap3A_179 = arith.constant 64 : index
    %swap3A_180 = tpu.vector_load %arg9[%swap3A_179] {strides = array<i32>} : memref<128xf32, #tpu.memory_space<vmem>>, vector<16xf32>,
    tpu.vector_store %arg9[%swap3A_179], %gather3A_178 {strides = array<i32>} : memref<128xf32, #tpu.memory_space<vmem>>, vector<16xf32>,
    %add3A_181 = arith.constant 80 : i32
    %add3A_182 = vector.broadcast %add3A_181 : i32 to vector<16xi32>
    %add3A_183 = arith.addi %add3A_182, %iota3A : vector<16xi32>
    %gather3A_184 = tpu.vector_load_idx %arg7[%add3A_183, %and3A_69] : memref<128x128xf32, #tpu.memory_space<vmem>>[vector<16xi32>, vector<16xi32>], vector<16xf32>,
    %swap3A_185 = arith.constant 80 : index
    %swap3A_186 = tpu.vector_load %arg9[%swap3A_185] {strides = array<i32>} : memref<128xf32, #tpu.memory_space<vmem>>, vector<16xf32>,
    tpu.vector_store %arg9[%swap3A_185], %gather3A_184 {strides = array<i32>} : memref<128xf32, #tpu.memory_space<vmem>>, vector<16xf32>,
    %add3A_187 = arith.constant 96 : i32
    %add3A_188 = vector.broadcast %add3A_187 : i32 to vector<16xi32>
    %add3A_189 = arith.addi %add3A_188, %iota3A : vector<16xi32>
    %gather3A_190 = tpu.vector_load_idx %arg7[%add3A_189, %and3A_69] : memref<128x128xf32, #tpu.memory_space<vmem>>[vector<16xi32>, vector<16xi32>], vector<16xf32>,
    %swap3A_191 = arith.constant 96 : index
    %swap3A_192 = tpu.vector_load %arg9[%swap3A_191] {strides = array<i32>} : memref<128xf32, #tpu.memory_space<vmem>>, vector<16xf32>,
    tpu.vector_store %arg9[%swap3A_191], %gather3A_190 {strides = array<i32>} : memref<128xf32, #tpu.memory_space<vmem>>, vector<16xf32>,
    %add3A_193 = arith.constant 112 : i32
    %add3A_194 = vector.broadcast %add3A_193 : i32 to vector<16xi32>
    %add3A_195 = arith.addi %add3A_194, %iota3A : vector<16xi32>
    %gather3A_196 = tpu.vector_load_idx %arg7[%add3A_195, %and3A_69] : memref<128x128xf32, #tpu.memory_space<vmem>>[vector<16xi32>, vector<16xi32>], vector<16xf32>,
    %swap3A_197 = arith.constant 112 : index
    %swap3A_198 = tpu.vector_load %arg9[%swap3A_197] {strides = array<i32>} : memref<128xf32, #tpu.memory_space<vmem>>, vector<16xf32>,
    tpu.vector_store %arg9[%swap3A_197], %gather3A_196 {strides = array<i32>} : memref<128xf32, #tpu.memory_space<vmem>>, vector<16xf32>,
    %mul3A_199 = arith.constant 128 : i32
    %mul3A_200 = arith.muli %add3A_148, %mul3A_199 : i32
    %multiple_of3A_201 = tpu.assume_multiple %mul3A_200, 128 : i32
    %dma_start3A_202 = tpu.memref_slice %arg4[%multiple_of3A_201] : memref<8192xf32, #tpu.memory_space<hbm>> -> memref<128xf32, #tpu.memory_space<hbm>>
    %dma_start3A_203 = tpu.memref_slice %arg4[%multiple_of3A_201] : memref<8192xf32, #tpu.memory_space<hbm>> -> memref<128xf32, #tpu.memory_space<hbm>>
    tpu.enqueue_dma source(%arg9 : memref<128xf32, #tpu.memory_space<vmem>>) target(%dma_start3A_203 : memref<128xf32, #tpu.memory_space<hbm>>) target_semaphore(%arg11 : memref<!tpu.dma_semaphore, #tpu.memory_space<semaphore_mem>>)
    %dma_wait3A_204 = tpu.memref_slice %arg4[%multiple_of3A_142] : memref<8192xf32, #tpu.memory_space<hbm>> -> memref<128xf32, #tpu.memory_space<hbm>>
    %dma_wait3A_205 = tpu.memref_slice %arg4[%multiple_of3A_142] : memref<8192xf32, #tpu.memory_space<hbm>> -> memref<128xf32, #tpu.memory_space<hbm>>
    tpu.wait_dma2 semaphore(%arg11 : memref<!tpu.dma_semaphore, #tpu.memory_space<semaphore_mem>>) src(%arg8 : memref<128xf32, #tpu.memory_space<vmem>>) dst(%dma_wait3A_205 : memref<128xf32, #tpu.memory_space<hbm>>)
    %dma_wait3A_206 = tpu.memref_slice %arg4[%multiple_of3A_201] : memref<8192xf32, #tpu.memory_space<hbm>> -> memref<128xf32, #tpu.memory_space<hbm>>
    %dma_wait3A_207 = tpu.memref_slice %arg4[%multiple_of3A_201] : memref<8192xf32, #tpu.memory_space<hbm>> -> memref<128xf32, #tpu.memory_space<hbm>>
    tpu.wait_dma2 semaphore(%arg11 : memref<!tpu.dma_semaphore, #tpu.memory_space<semaphore_mem>>) src(%arg9 : memref<128xf32, #tpu.memory_space<vmem>>) dst(%dma_wait3A_207 : memref<128xf32, #tpu.memory_space<hbm>>)
    return
  }
}

module attributes {stable_mosaic.version = 14 : i64} {
  func.func @_fps_body(%arg0: memref<4x3x512x128xf32, #tpu.memory_space<vmem>>, %arg1: memref<1x64xi32, #tpu.memory_space<vmem>>, %arg2: memref<4x16x3xf32, #tpu.memory_space<vmem>>) attributes {dimension_semantics = [], scalar_prefetch = 0 : i64, scratch_operands = 0 : i64, tpu.core_type = #tpu.core_type<tc>} {
    %get3A = arith.constant 0 : index
    %get3A_0 = arith.constant 0 : index
    %get3A_1 = arith.constant 0 : index
    %get3A_2 = arith.constant 0 : index
    %get3A_3 = vector.load %arg0[%get3A, %get3A_0, %get3A_1, %get3A_2] : memref<4x3x512x128xf32, #tpu.memory_space<vmem>>, vector<4x1x512x128xf32>
    %get3A_4 = vector.shape_cast %get3A_3 : vector<4x1x512x128xf32> to vector<4x512x128xf32>
    %get3A_5 = arith.constant 0 : index
    %get3A_6 = arith.constant 1 : index
    %get3A_7 = arith.constant 0 : index
    %get3A_8 = arith.constant 0 : index
    %get3A_9 = vector.load %arg0[%get3A_5, %get3A_6, %get3A_7, %get3A_8] : memref<4x3x512x128xf32, #tpu.memory_space<vmem>>, vector<4x1x512x128xf32>
    %get3A_10 = vector.shape_cast %get3A_9 : vector<4x1x512x128xf32> to vector<4x512x128xf32>
    %get3A_11 = arith.constant 0 : index
    %get3A_12 = arith.constant 2 : index
    %get3A_13 = arith.constant 0 : index
    %get3A_14 = arith.constant 0 : index
    %get3A_15 = vector.load %arg0[%get3A_11, %get3A_12, %get3A_13, %get3A_14] : memref<4x3x512x128xf32, #tpu.memory_space<vmem>>, vector<4x1x512x128xf32>
    %get3A_16 = vector.shape_cast %get3A_15 : vector<4x1x512x128xf32> to vector<4x512x128xf32>
    %iota3A = tpu.iota {dimensions = array<i32: 0>} : vector<512x128xi32>
    %iota3A_17 = tpu.iota {dimensions = array<i32: 1>} : vector<512x128xi32>
    %mul3A = arith.constant 128 : i32
    %mul3A_18 = vector.broadcast %mul3A : i32 to vector<512x128xi32>
    %mul3A_19 = arith.muli %iota3A, %mul3A_18 : vector<512x128xi32>
    %add3A = arith.addi %mul3A_19, %iota3A_17 : vector<512x128xi32>
    %iota3A_20 = tpu.iota {dimensions = array<i32: 2>} : vector<3x1x128xi32>
    %broadcast_in_dim3A = arith.constant 1.000000e+10 : f32
    %broadcast_in_dim3A_21 = vector.broadcast %broadcast_in_dim3A : f32 to vector<4x512x128xf32>
    %broadcast_in_dim3A_22 = arith.constant 0 : i32
    %broadcast_in_dim3A_23 = vector.broadcast %broadcast_in_dim3A_22 : i32 to vector<1x64xi32>
    %swap3A = arith.constant 0 : index
    %swap3A_24 = arith.constant 0 : index
    %swap3A_25 = vector.load %arg1[%swap3A, %swap3A_24] : memref<1x64xi32, #tpu.memory_space<vmem>>, vector<1x64xi32>
    tpu.vector_store %arg1[%swap3A, %swap3A_24], %broadcast_in_dim3A_23 {strides = array<i32>} : memref<1x64xi32, #tpu.memory_space<vmem>>, vector<1x64xi32>,
    %jit3A = arith.constant 0 : i32
    %jit3A_26 = arith.constant 128 : i32
    %div3A = arith.divsi %jit3A, %jit3A_26 : i32
    %sign3A = arith.constant 0 : i32
    %sign3A_27 = arith.cmpi sgt, %jit3A, %sign3A : i32
    %sign3A_28 = arith.extui %sign3A_27 : i1 to i32
    %sign3A_29 = arith.constant 0 : i32
    %sign3A_30 = arith.cmpi slt, %jit3A, %sign3A_29 : i32
    %sign3A_31 = arith.extui %sign3A_30 : i1 to i32
    %sign3A_32 = arith.subi %sign3A_28, %sign3A_31 : i32
    %sign3A_33 = arith.constant 0 : i32
    %sign3A_34 = arith.cmpi sgt, %jit3A_26, %sign3A_33 : i32
    %sign3A_35 = arith.extui %sign3A_34 : i1 to i32
    %sign3A_36 = arith.constant 0 : i32
    %sign3A_37 = arith.cmpi slt, %jit3A_26, %sign3A_36 : i32
    %sign3A_38 = arith.extui %sign3A_37 : i1 to i32
    %sign3A_39 = arith.subi %sign3A_35, %sign3A_38 : i32
    %ne3A = arith.cmpi ne, %sign3A_32, %sign3A_39 : i32
    %rem3A = arith.remsi %jit3A, %jit3A_26 : i32
    %ne3A_40 = arith.constant 0 : i32
    %ne3A_41 = arith.cmpi ne, %rem3A, %ne3A_40 : i32
    %and3A = arith.andi %ne3A, %ne3A_41 : i1
    %sub3A = arith.constant 1 : i32
    %sub3A_42 = arith.subi %div3A, %sub3A : i32
    %select_n3A = arith.select %and3A, %sub3A_42, %div3A : i32
    %jit3A_43 = arith.constant 0 : i32
    %jit3A_44 = arith.constant 128 : i32
    %eq3A = arith.constant 0 : i32
    %eq3A_45 = arith.cmpi eq, %jit3A_44, %eq3A : i32
    %jit3A_46 = arith.constant 1 : i32
    %select_n3A_47 = arith.select %eq3A_45, %jit3A_46, %jit3A_44 : i32
    %rem3A_48 = arith.remsi %jit3A_43, %select_n3A_47 : i32
    %ne3A_49 = arith.constant 0 : i32
    %ne3A_50 = arith.cmpi ne, %rem3A_48, %ne3A_49 : i32
    %lt3A = arith.constant 0 : i32
    %lt3A_51 = arith.cmpi slt, %rem3A_48, %lt3A : i32
    %lt3A_52 = arith.constant 0 : i32
    %lt3A_53 = arith.cmpi slt, %select_n3A_47, %lt3A_52 : i32
    %ne3A_54 = arith.xori %lt3A_51, %lt3A_53 : i1
    %and3A_55 = arith.andi %ne3A_54, %ne3A_50 : i1
    %add3A_56 = arith.addi %rem3A_48, %select_n3A_47 : i32
    %select_n3A_57 = arith.select %and3A_55, %add3A_56, %rem3A_48 : i32
    %get3A_58 = arith.constant 0 : index
    %get3A_59 = arith.constant 0 : index
    %get3A_60 = arith.index_cast %select_n3A : i32 to index
    %get3A_61 = arith.constant 0 : index
    %get3A_62 = vector.load %arg0[%get3A_58, %get3A_59, %get3A_60, %get3A_61] : memref<4x3x512x128xf32, #tpu.memory_space<vmem>>, vector<1x3x1x128xf32>
    %get3A_63 = vector.shape_cast %get3A_62 : vector<1x3x1x128xf32> to vector<3x1x128xf32>
    %eq3A_64 = vector.broadcast %select_n3A_57 : i32 to vector<3x1x128xi32>
    %eq3A_65 = arith.cmpi eq, %iota3A_20, %eq3A_64 : vector<3x1x128xi32>
    %jit3A_66 = arith.constant 0.000000e+00 : f32
    %broadcast_in_dim3A_67 = vector.broadcast %jit3A_66 : f32 to vector<3x1x128xf32>
    %select_n3A_68 = arith.select %eq3A_65, %get3A_63, %broadcast_in_dim3A_67 : vector<3x1x128xi1>, vector<3x1x128xf32>
    %reduce_sum3A = arith.constant dense<0.000000e+00> : vector<3x1xf32>
    %reduce_sum3A_69 = vector.multi_reduction <add>, %select_n3A_68, %reduce_sum3A [2] : vector<3x1x128xf32> to vector<3x1xf32>
    %broadcast_in_dim3A_70 = vector.shape_cast %reduce_sum3A_69 : vector<3x1xf32> to vector<3x1x1xf32>
    %jit3A_71 = arith.constant 0 : i32
    %jit3A_72 = arith.constant 128 : i32
    %div3A_73 = arith.divsi %jit3A_71, %jit3A_72 : i32
    %sign3A_74 = arith.constant 0 : i32
    %sign3A_75 = arith.cmpi sgt, %jit3A_71, %sign3A_74 : i32
    %sign3A_76 = arith.extui %sign3A_75 : i1 to i32
    %sign3A_77 = arith.constant 0 : i32
    %sign3A_78 = arith.cmpi slt, %jit3A_71, %sign3A_77 : i32
    %sign3A_79 = arith.extui %sign3A_78 : i1 to i32
    %sign3A_80 = arith.subi %sign3A_76, %sign3A_79 : i32
    %sign3A_81 = arith.constant 0 : i32
    %sign3A_82 = arith.cmpi sgt, %jit3A_72, %sign3A_81 : i32
    %sign3A_83 = arith.extui %sign3A_82 : i1 to i32
    %sign3A_84 = arith.constant 0 : i32
    %sign3A_85 = arith.cmpi slt, %jit3A_72, %sign3A_84 : i32
    %sign3A_86 = arith.extui %sign3A_85 : i1 to i32
    %sign3A_87 = arith.subi %sign3A_83, %sign3A_86 : i32
    %ne3A_88 = arith.cmpi ne, %sign3A_80, %sign3A_87 : i32
    %rem3A_89 = arith.remsi %jit3A_71, %jit3A_72 : i32
    %ne3A_90 = arith.constant 0 : i32
    %ne3A_91 = arith.cmpi ne, %rem3A_89, %ne3A_90 : i32
    %and3A_92 = arith.andi %ne3A_88, %ne3A_91 : i1
    %sub3A_93 = arith.constant 1 : i32
    %sub3A_94 = arith.subi %div3A_73, %sub3A_93 : i32
    %select_n3A_95 = arith.select %and3A_92, %sub3A_94, %div3A_73 : i32
    %jit3A_96 = arith.constant 0 : i32
    %jit3A_97 = arith.constant 128 : i32
    %eq3A_98 = arith.constant 0 : i32
    %eq3A_99 = arith.cmpi eq, %jit3A_97, %eq3A_98 : i32
    %jit3A_100 = arith.constant 1 : i32
    %select_n3A_101 = arith.select %eq3A_99, %jit3A_100, %jit3A_97 : i32
    %rem3A_102 = arith.remsi %jit3A_96, %select_n3A_101 : i32
    %ne3A_103 = arith.constant 0 : i32
    %ne3A_104 = arith.cmpi ne, %rem3A_102, %ne3A_103 : i32
    %lt3A_105 = arith.constant 0 : i32
    %lt3A_106 = arith.cmpi slt, %rem3A_102, %lt3A_105 : i32
    %lt3A_107 = arith.constant 0 : i32
    %lt3A_108 = arith.cmpi slt, %select_n3A_101, %lt3A_107 : i32
    %ne3A_109 = arith.xori %lt3A_106, %lt3A_108 : i1
    %and3A_110 = arith.andi %ne3A_109, %ne3A_104 : i1
    %add3A_111 = arith.addi %rem3A_102, %select_n3A_101 : i32
    %select_n3A_112 = arith.select %and3A_110, %add3A_111, %rem3A_102 : i32
    %get3A_113 = arith.constant 1 : index
    %get3A_114 = arith.constant 0 : index
    %get3A_115 = arith.index_cast %select_n3A_95 : i32 to index
    %get3A_116 = arith.constant 0 : index
    %get3A_117 = vector.load %arg0[%get3A_113, %get3A_114, %get3A_115, %get3A_116] : memref<4x3x512x128xf32, #tpu.memory_space<vmem>>, vector<1x3x1x128xf32>
    %get3A_118 = vector.shape_cast %get3A_117 : vector<1x3x1x128xf32> to vector<3x1x128xf32>
    %eq3A_119 = vector.broadcast %select_n3A_112 : i32 to vector<3x1x128xi32>
    %eq3A_120 = arith.cmpi eq, %iota3A_20, %eq3A_119 : vector<3x1x128xi32>
    %jit3A_121 = arith.constant 0.000000e+00 : f32
    %broadcast_in_dim3A_122 = vector.broadcast %jit3A_121 : f32 to vector<3x1x128xf32>
    %select_n3A_123 = arith.select %eq3A_120, %get3A_118, %broadcast_in_dim3A_122 : vector<3x1x128xi1>, vector<3x1x128xf32>
    %reduce_sum3A_124 = arith.constant dense<0.000000e+00> : vector<3x1xf32>
    %reduce_sum3A_125 = vector.multi_reduction <add>, %select_n3A_123, %reduce_sum3A_124 [2] : vector<3x1x128xf32> to vector<3x1xf32>
    %broadcast_in_dim3A_126 = vector.shape_cast %reduce_sum3A_125 : vector<3x1xf32> to vector<3x1x1xf32>
    %jit3A_127 = arith.constant 0 : i32
    %jit3A_128 = arith.constant 128 : i32
    %div3A_129 = arith.divsi %jit3A_127, %jit3A_128 : i32
    %sign3A_130 = arith.constant 0 : i32
    %sign3A_131 = arith.cmpi sgt, %jit3A_127, %sign3A_130 : i32
    %sign3A_132 = arith.extui %sign3A_131 : i1 to i32
    %sign3A_133 = arith.constant 0 : i32
    %sign3A_134 = arith.cmpi slt, %jit3A_127, %sign3A_133 : i32
    %sign3A_135 = arith.extui %sign3A_134 : i1 to i32
    %sign3A_136 = arith.subi %sign3A_132, %sign3A_135 : i32
    %sign3A_137 = arith.constant 0 : i32
    %sign3A_138 = arith.cmpi sgt, %jit3A_128, %sign3A_137 : i32
    %sign3A_139 = arith.extui %sign3A_138 : i1 to i32
    %sign3A_140 = arith.constant 0 : i32
    %sign3A_141 = arith.cmpi slt, %jit3A_128, %sign3A_140 : i32
    %sign3A_142 = arith.extui %sign3A_141 : i1 to i32
    %sign3A_143 = arith.subi %sign3A_139, %sign3A_142 : i32
    %ne3A_144 = arith.cmpi ne, %sign3A_136, %sign3A_143 : i32
    %rem3A_145 = arith.remsi %jit3A_127, %jit3A_128 : i32
    %ne3A_146 = arith.constant 0 : i32
    %ne3A_147 = arith.cmpi ne, %rem3A_145, %ne3A_146 : i32
    %and3A_148 = arith.andi %ne3A_144, %ne3A_147 : i1
    %sub3A_149 = arith.constant 1 : i32
    %sub3A_150 = arith.subi %div3A_129, %sub3A_149 : i32
    %select_n3A_151 = arith.select %and3A_148, %sub3A_150, %div3A_129 : i32
    %jit3A_152 = arith.constant 0 : i32
    %jit3A_153 = arith.constant 128 : i32
    %eq3A_154 = arith.constant 0 : i32
    %eq3A_155 = arith.cmpi eq, %jit3A_153, %eq3A_154 : i32
    %jit3A_156 = arith.constant 1 : i32
    %select_n3A_157 = arith.select %eq3A_155, %jit3A_156, %jit3A_153 : i32
    %rem3A_158 = arith.remsi %jit3A_152, %select_n3A_157 : i32
    %ne3A_159 = arith.constant 0 : i32
    %ne3A_160 = arith.cmpi ne, %rem3A_158, %ne3A_159 : i32
    %lt3A_161 = arith.constant 0 : i32
    %lt3A_162 = arith.cmpi slt, %rem3A_158, %lt3A_161 : i32
    %lt3A_163 = arith.constant 0 : i32
    %lt3A_164 = arith.cmpi slt, %select_n3A_157, %lt3A_163 : i32
    %ne3A_165 = arith.xori %lt3A_162, %lt3A_164 : i1
    %and3A_166 = arith.andi %ne3A_165, %ne3A_160 : i1
    %add3A_167 = arith.addi %rem3A_158, %select_n3A_157 : i32
    %select_n3A_168 = arith.select %and3A_166, %add3A_167, %rem3A_158 : i32
    %get3A_169 = arith.constant 2 : index
    %get3A_170 = arith.constant 0 : index
    %get3A_171 = arith.index_cast %select_n3A_151 : i32 to index
    %get3A_172 = arith.constant 0 : index
    %get3A_173 = vector.load %arg0[%get3A_169, %get3A_170, %get3A_171, %get3A_172] : memref<4x3x512x128xf32, #tpu.memory_space<vmem>>, vector<1x3x1x128xf32>
    %get3A_174 = vector.shape_cast %get3A_173 : vector<1x3x1x128xf32> to vector<3x1x128xf32>
    %eq3A_175 = vector.broadcast %select_n3A_168 : i32 to vector<3x1x128xi32>
    %eq3A_176 = arith.cmpi eq, %iota3A_20, %eq3A_175 : vector<3x1x128xi32>
    %jit3A_177 = arith.constant 0.000000e+00 : f32
    %broadcast_in_dim3A_178 = vector.broadcast %jit3A_177 : f32 to vector<3x1x128xf32>
    %select_n3A_179 = arith.select %eq3A_176, %get3A_174, %broadcast_in_dim3A_178 : vector<3x1x128xi1>, vector<3x1x128xf32>
    %reduce_sum3A_180 = arith.constant dense<0.000000e+00> : vector<3x1xf32>
    %reduce_sum3A_181 = vector.multi_reduction <add>, %select_n3A_179, %reduce_sum3A_180 [2] : vector<3x1x128xf32> to vector<3x1xf32>
    %broadcast_in_dim3A_182 = vector.shape_cast %reduce_sum3A_181 : vector<3x1xf32> to vector<3x1x1xf32>
    %jit3A_183 = arith.constant 0 : i32
    %jit3A_184 = arith.constant 128 : i32
    %div3A_185 = arith.divsi %jit3A_183, %jit3A_184 : i32
    %sign3A_186 = arith.constant 0 : i32
    %sign3A_187 = arith.cmpi sgt, %jit3A_183, %sign3A_186 : i32
    %sign3A_188 = arith.extui %sign3A_187 : i1 to i32
    %sign3A_189 = arith.constant 0 : i32
    %sign3A_190 = arith.cmpi slt, %jit3A_183, %sign3A_189 : i32
    %sign3A_191 = arith.extui %sign3A_190 : i1 to i32
    %sign3A_192 = arith.subi %sign3A_188, %sign3A_191 : i32
    %sign3A_193 = arith.constant 0 : i32
    %sign3A_194 = arith.cmpi sgt, %jit3A_184, %sign3A_193 : i32
    %sign3A_195 = arith.extui %sign3A_194 : i1 to i32
    %sign3A_196 = arith.constant 0 : i32
    %sign3A_197 = arith.cmpi slt, %jit3A_184, %sign3A_196 : i32
    %sign3A_198 = arith.extui %sign3A_197 : i1 to i32
    %sign3A_199 = arith.subi %sign3A_195, %sign3A_198 : i32
    %ne3A_200 = arith.cmpi ne, %sign3A_192, %sign3A_199 : i32
    %rem3A_201 = arith.remsi %jit3A_183, %jit3A_184 : i32
    %ne3A_202 = arith.constant 0 : i32
    %ne3A_203 = arith.cmpi ne, %rem3A_201, %ne3A_202 : i32
    %and3A_204 = arith.andi %ne3A_200, %ne3A_203 : i1
    %sub3A_205 = arith.constant 1 : i32
    %sub3A_206 = arith.subi %div3A_185, %sub3A_205 : i32
    %select_n3A_207 = arith.select %and3A_204, %sub3A_206, %div3A_185 : i32
    %jit3A_208 = arith.constant 0 : i32
    %jit3A_209 = arith.constant 128 : i32
    %eq3A_210 = arith.constant 0 : i32
    %eq3A_211 = arith.cmpi eq, %jit3A_209, %eq3A_210 : i32
    %jit3A_212 = arith.constant 1 : i32
    %select_n3A_213 = arith.select %eq3A_211, %jit3A_212, %jit3A_209 : i32
    %rem3A_214 = arith.remsi %jit3A_208, %select_n3A_213 : i32
    %ne3A_215 = arith.constant 0 : i32
    %ne3A_216 = arith.cmpi ne, %rem3A_214, %ne3A_215 : i32
    %lt3A_217 = arith.constant 0 : i32
    %lt3A_218 = arith.cmpi slt, %rem3A_214, %lt3A_217 : i32
    %lt3A_219 = arith.constant 0 : i32
    %lt3A_220 = arith.cmpi slt, %select_n3A_213, %lt3A_219 : i32
    %ne3A_221 = arith.xori %lt3A_218, %lt3A_220 : i1
    %and3A_222 = arith.andi %ne3A_221, %ne3A_216 : i1
    %add3A_223 = arith.addi %rem3A_214, %select_n3A_213 : i32
    %select_n3A_224 = arith.select %and3A_222, %add3A_223, %rem3A_214 : i32
    %get3A_225 = arith.constant 3 : index
    %get3A_226 = arith.constant 0 : index
    %get3A_227 = arith.index_cast %select_n3A_207 : i32 to index
    %get3A_228 = arith.constant 0 : index
    %get3A_229 = vector.load %arg0[%get3A_225, %get3A_226, %get3A_227, %get3A_228] : memref<4x3x512x128xf32, #tpu.memory_space<vmem>>, vector<1x3x1x128xf32>
    %get3A_230 = vector.shape_cast %get3A_229 : vector<1x3x1x128xf32> to vector<3x1x128xf32>
    %eq3A_231 = vector.broadcast %select_n3A_224 : i32 to vector<3x1x128xi32>
    %eq3A_232 = arith.cmpi eq, %iota3A_20, %eq3A_231 : vector<3x1x128xi32>
    %jit3A_233 = arith.constant 0.000000e+00 : f32
    %broadcast_in_dim3A_234 = vector.broadcast %jit3A_233 : f32 to vector<3x1x128xf32>
    %select_n3A_235 = arith.select %eq3A_232, %get3A_230, %broadcast_in_dim3A_234 : vector<3x1x128xi1>, vector<3x1x128xf32>
    %reduce_sum3A_236 = arith.constant dense<0.000000e+00> : vector<3x1xf32>
    %reduce_sum3A_237 = vector.multi_reduction <add>, %select_n3A_235, %reduce_sum3A_236 [2] : vector<3x1x128xf32> to vector<3x1xf32>
    %broadcast_in_dim3A_238 = vector.shape_cast %reduce_sum3A_237 : vector<3x1xf32> to vector<3x1x1xf32>
    %reshape3A = vector.shape_cast %broadcast_in_dim3A_70 : vector<3x1x1xf32> to vector<1x1x3xf32>
    %swap3A_239 = arith.constant 0 : index
    %swap3A_240 = arith.constant 0 : index
    %swap3A_241 = arith.constant 0 : index
    %swap3A_242 = vector.load %arg2[%swap3A_239, %swap3A_240, %swap3A_241] : memref<4x16x3xf32, #tpu.memory_space<vmem>>, vector<1x1x3xf32>
    tpu.vector_store %arg2[%swap3A_239, %swap3A_240, %swap3A_241], %reshape3A {strides = array<i32>} : memref<4x16x3xf32, #tpu.memory_space<vmem>>, vector<1x1x3xf32>,
    %reshape3A_243 = vector.shape_cast %broadcast_in_dim3A_126 : vector<3x1x1xf32> to vector<1x1x3xf32>
    %swap3A_244 = arith.constant 1 : index
    %swap3A_245 = arith.constant 0 : index
    %swap3A_246 = arith.constant 0 : index
    %swap3A_247 = vector.load %arg2[%swap3A_244, %swap3A_245, %swap3A_246] : memref<4x16x3xf32, #tpu.memory_space<vmem>>, vector<1x1x3xf32>
    tpu.vector_store %arg2[%swap3A_244, %swap3A_245, %swap3A_246], %reshape3A_243 {strides = array<i32>} : memref<4x16x3xf32, #tpu.memory_space<vmem>>, vector<1x1x3xf32>,
    %reshape3A_248 = vector.shape_cast %broadcast_in_dim3A_182 : vector<3x1x1xf32> to vector<1x1x3xf32>
    %swap3A_249 = arith.constant 2 : index
    %swap3A_250 = arith.constant 0 : index
    %swap3A_251 = arith.constant 0 : index
    %swap3A_252 = vector.load %arg2[%swap3A_249, %swap3A_250, %swap3A_251] : memref<4x16x3xf32, #tpu.memory_space<vmem>>, vector<1x1x3xf32>
    tpu.vector_store %arg2[%swap3A_249, %swap3A_250, %swap3A_251], %reshape3A_248 {strides = array<i32>} : memref<4x16x3xf32, #tpu.memory_space<vmem>>, vector<1x1x3xf32>,
    %reshape3A_253 = vector.shape_cast %broadcast_in_dim3A_238 : vector<3x1x1xf32> to vector<1x1x3xf32>
    %swap3A_254 = arith.constant 3 : index
    %swap3A_255 = arith.constant 0 : index
    %swap3A_256 = arith.constant 0 : index
    %swap3A_257 = vector.load %arg2[%swap3A_254, %swap3A_255, %swap3A_256] : memref<4x16x3xf32, #tpu.memory_space<vmem>>, vector<1x1x3xf32>
    tpu.vector_store %arg2[%swap3A_254, %swap3A_255, %swap3A_256], %reshape3A_253 {strides = array<i32>} : memref<4x16x3xf32, #tpu.memory_space<vmem>>, vector<1x1x3xf32>,
    %slice3A = vector.extract_strided_slice %broadcast_in_dim3A_70 {offsets = [0, 0, 0], sizes = [1, 1, 1], strides = [1, 1, 1]} : vector<3x1x1xf32> to vector<1x1x1xf32>
    %slice3A_258 = vector.extract_strided_slice %broadcast_in_dim3A_126 {offsets = [0, 0, 0], sizes = [1, 1, 1], strides = [1, 1, 1]} : vector<3x1x1xf32> to vector<1x1x1xf32>
    %slice3A_259 = vector.extract_strided_slice %broadcast_in_dim3A_182 {offsets = [0, 0, 0], sizes = [1, 1, 1], strides = [1, 1, 1]} : vector<3x1x1xf32> to vector<1x1x1xf32>
    %slice3A_260 = vector.extract_strided_slice %broadcast_in_dim3A_238 {offsets = [0, 0, 0], sizes = [1, 1, 1], strides = [1, 1, 1]} : vector<3x1x1xf32> to vector<1x1x1xf32>
    %concatenate3A = tpu.concatenate %slice3A, %slice3A_258, %slice3A_259, %slice3A_260 in 0 : vector<1x1x1xf32>, vector<1x1x1xf32>, vector<1x1x1xf32>, vector<1x1x1xf32> -> vector<4x1x1xf32>
    %slice3A_261 = vector.extract_strided_slice %broadcast_in_dim3A_70 {offsets = [1, 0, 0], sizes = [1, 1, 1], strides = [1, 1, 1]} : vector<3x1x1xf32> to vector<1x1x1xf32>
    %slice3A_262 = vector.extract_strided_slice %broadcast_in_dim3A_126 {offsets = [1, 0, 0], sizes = [1, 1, 1], strides = [1, 1, 1]} : vector<3x1x1xf32> to vector<1x1x1xf32>
    %slice3A_263 = vector.extract_strided_slice %broadcast_in_dim3A_182 {offsets = [1, 0, 0], sizes = [1, 1, 1], strides = [1, 1, 1]} : vector<3x1x1xf32> to vector<1x1x1xf32>
    %slice3A_264 = vector.extract_strided_slice %broadcast_in_dim3A_238 {offsets = [1, 0, 0], sizes = [1, 1, 1], strides = [1, 1, 1]} : vector<3x1x1xf32> to vector<1x1x1xf32>
    %concatenate3A_265 = tpu.concatenate %slice3A_261, %slice3A_262, %slice3A_263, %slice3A_264 in 0 : vector<1x1x1xf32>, vector<1x1x1xf32>, vector<1x1x1xf32>, vector<1x1x1xf32> -> vector<4x1x1xf32>
    %slice3A_266 = vector.extract_strided_slice %broadcast_in_dim3A_70 {offsets = [2, 0, 0], sizes = [1, 1, 1], strides = [1, 1, 1]} : vector<3x1x1xf32> to vector<1x1x1xf32>
    %slice3A_267 = vector.extract_strided_slice %broadcast_in_dim3A_126 {offsets = [2, 0, 0], sizes = [1, 1, 1], strides = [1, 1, 1]} : vector<3x1x1xf32> to vector<1x1x1xf32>
    %slice3A_268 = vector.extract_strided_slice %broadcast_in_dim3A_182 {offsets = [2, 0, 0], sizes = [1, 1, 1], strides = [1, 1, 1]} : vector<3x1x1xf32> to vector<1x1x1xf32>
    %slice3A_269 = vector.extract_strided_slice %broadcast_in_dim3A_238 {offsets = [2, 0, 0], sizes = [1, 1, 1], strides = [1, 1, 1]} : vector<3x1x1xf32> to vector<1x1x1xf32>
    %concatenate3A_270 = tpu.concatenate %slice3A_266, %slice3A_267, %slice3A_268, %slice3A_269 in 0 : vector<1x1x1xf32>, vector<1x1x1xf32>, vector<1x1x1xf32>, vector<1x1x1xf32> -> vector<4x1x1xf32>
    %sub3A_271 = vector.broadcast %concatenate3A : vector<4x1x1xf32> to vector<4x512x128xf32>
    %sub3A_272 = arith.subf %get3A_4, %sub3A_271 : vector<4x512x128xf32>
    %sub3A_273 = vector.broadcast %concatenate3A_265 : vector<4x1x1xf32> to vector<4x512x128xf32>
    %sub3A_274 = arith.subf %get3A_10, %sub3A_273 : vector<4x512x128xf32>
    %sub3A_275 = vector.broadcast %concatenate3A_270 : vector<4x1x1xf32> to vector<4x512x128xf32>
    %sub3A_276 = arith.subf %get3A_16, %sub3A_275 : vector<4x512x128xf32>
    %mul3A_277 = arith.mulf %sub3A_272, %sub3A_272 : vector<4x512x128xf32>
    %mul3A_278 = arith.mulf %sub3A_274, %sub3A_274 : vector<4x512x128xf32>
    %add3A_279 = arith.addf %mul3A_277, %mul3A_278 : vector<4x512x128xf32>
    %mul3A_280 = arith.mulf %sub3A_276, %sub3A_276 : vector<4x512x128xf32>
    %add3A_281 = arith.addf %add3A_279, %mul3A_280 : vector<4x512x128xf32>
    %min3A = arith.minimumf %broadcast_in_dim3A_21, %add3A_281 : vector<4x512x128xf32>
    %reduce_max3A = arith.constant dense<0xFF800000> : vector<4xf32>
    %reduce_max3A_282 = vector.multi_reduction <maximumf>, %min3A, %reduce_max3A [1, 2] : vector<4x512x128xf32> to vector<4xf32>
    %broadcast_in_dim3A_283 = vector.shape_cast %reduce_max3A_282 : vector<4xf32> to vector<4x1x1xf32>
    %eq3A_284 = vector.broadcast %broadcast_in_dim3A_283 : vector<4x1x1xf32> to vector<4x512x128xf32>
    %eq3A_285 = arith.cmpf oeq, %min3A, %eq3A_284 : vector<4x512x128xf32>
    %jit3A_286 = arith.constant 2147483647 : i32
    %broadcast_in_dim3A_287 = vector.shape_cast %add3A : vector<512x128xi32> to vector<1x512x128xi32>
    %broadcast_in_dim3A_288 = vector.broadcast %broadcast_in_dim3A_287 : vector<1x512x128xi32> to vector<4x512x128xi32>
    %broadcast_in_dim3A_289 = vector.broadcast %jit3A_286 : i32 to vector<4x512x128xi32>
    %select_n3A_290 = arith.select %eq3A_285, %broadcast_in_dim3A_288, %broadcast_in_dim3A_289 : vector<4x512x128xi1>, vector<4x512x128xi32>
    %reduce_min3A = arith.constant dense<2147483647> : vector<4xi32>
    %reduce_min3A_291 = vector.multi_reduction <minsi>, %select_n3A_290, %reduce_min3A [1, 2] : vector<4x512x128xi32> to vector<4xi32>
    %slice3A_292 = vector.extract_strided_slice %reduce_min3A_291 {offsets = [0], sizes = [1], strides = [1]} : vector<4xi32> to vector<1xi32>
    %reshape3A_293 = vector.shape_cast %slice3A_292 : vector<1xi32> to vector<1x1xi32>
    %swap3A_294 = arith.constant 0 : index
    %swap3A_295 = arith.constant 1 : index
    %swap3A_296 = vector.load %arg1[%swap3A_294, %swap3A_295] : memref<1x64xi32, #tpu.memory_space<vmem>>, vector<1x1xi32>
    tpu.vector_store %arg1[%swap3A_294, %swap3A_295], %reshape3A_293 {strides = array<i32>} : memref<1x64xi32, #tpu.memory_space<vmem>>, vector<1x1xi32>,
    %slice3A_297 = vector.extract_strided_slice %reduce_min3A_291 {offsets = [0], sizes = [1], strides = [1]} : vector<4xi32> to vector<1xi32>
    %reduce_max3A_298 = vector.shape_cast %slice3A_297 : vector<1xi32> to vector<1x1xi32>
    %reduce_max3A_299 = arith.constant dense<-2147483648> : vector<1xi32>
    %reduce_max3A_300 = vector.multi_reduction <maxsi>, %reduce_max3A_298, %reduce_max3A_299 [1] : vector<1x1xi32> to vector<1xi32>
    %reduce_max3A_301 = vector.shape_cast %reduce_max3A_300 : vector<1xi32> to vector<1x1xi32>
    %reduce_max3A_302 = vector.extract %reduce_max3A_301[0, 0] : i32 from vector<1x1xi32>
    %slice3A_303 = vector.extract_strided_slice %reduce_min3A_291 {offsets = [1], sizes = [1], strides = [1]} : vector<4xi32> to vector<1xi32>
    %reshape3A_304 = vector.shape_cast %slice3A_303 : vector<1xi32> to vector<1x1xi32>
    %swap3A_305 = arith.constant 0 : index
    %swap3A_306 = arith.constant 17 : index
    %swap3A_307 = vector.load %arg1[%swap3A_305, %swap3A_306] : memref<1x64xi32, #tpu.memory_space<vmem>>, vector<1x1xi32>
    tpu.vector_store %arg1[%swap3A_305, %swap3A_306], %reshape3A_304 {strides = array<i32>} : memref<1x64xi32, #tpu.memory_space<vmem>>, vector<1x1xi32>,
    %slice3A_308 = vector.extract_strided_slice %reduce_min3A_291 {offsets = [1], sizes = [1], strides = [1]} : vector<4xi32> to vector<1xi32>
    %reduce_max3A_309 = vector.shape_cast %slice3A_308 : vector<1xi32> to vector<1x1xi32>
    %reduce_max3A_310 = arith.constant dense<-2147483648> : vector<1xi32>
    %reduce_max3A_311 = vector.multi_reduction <maxsi>, %reduce_max3A_309, %reduce_max3A_310 [1] : vector<1x1xi32> to vector<1xi32>
    %reduce_max3A_312 = vector.shape_cast %reduce_max3A_311 : vector<1xi32> to vector<1x1xi32>
    %reduce_max3A_313 = vector.extract %reduce_max3A_312[0, 0] : i32 from vector<1x1xi32>
    %slice3A_314 = vector.extract_strided_slice %reduce_min3A_291 {offsets = [2], sizes = [1], strides = [1]} : vector<4xi32> to vector<1xi32>
    %reshape3A_315 = vector.shape_cast %slice3A_314 : vector<1xi32> to vector<1x1xi32>
    %swap3A_316 = arith.constant 0 : index
    %swap3A_317 = arith.constant 33 : index
    %swap3A_318 = vector.load %arg1[%swap3A_316, %swap3A_317] : memref<1x64xi32, #tpu.memory_space<vmem>>, vector<1x1xi32>
    tpu.vector_store %arg1[%swap3A_316, %swap3A_317], %reshape3A_315 {strides = array<i32>} : memref<1x64xi32, #tpu.memory_space<vmem>>, vector<1x1xi32>,
    %slice3A_319 = vector.extract_strided_slice %reduce_min3A_291 {offsets = [2], sizes = [1], strides = [1]} : vector<4xi32> to vector<1xi32>
    %reduce_max3A_320 = vector.shape_cast %slice3A_319 : vector<1xi32> to vector<1x1xi32>
    %reduce_max3A_321 = arith.constant dense<-2147483648> : vector<1xi32>
    %reduce_max3A_322 = vector.multi_reduction <maxsi>, %reduce_max3A_320, %reduce_max3A_321 [1] : vector<1x1xi32> to vector<1xi32>
    %reduce_max3A_323 = vector.shape_cast %reduce_max3A_322 : vector<1xi32> to vector<1x1xi32>
    %reduce_max3A_324 = vector.extract %reduce_max3A_323[0, 0] : i32 from vector<1x1xi32>
    %slice3A_325 = vector.extract_strided_slice %reduce_min3A_291 {offsets = [3], sizes = [1], strides = [1]} : vector<4xi32> to vector<1xi32>
    %reshape3A_326 = vector.shape_cast %slice3A_325 : vector<1xi32> to vector<1x1xi32>
    %swap3A_327 = arith.constant 0 : index
    %swap3A_328 = arith.constant 49 : index
    %swap3A_329 = vector.load %arg1[%swap3A_327, %swap3A_328] : memref<1x64xi32, #tpu.memory_space<vmem>>, vector<1x1xi32>
    tpu.vector_store %arg1[%swap3A_327, %swap3A_328], %reshape3A_326 {strides = array<i32>} : memref<1x64xi32, #tpu.memory_space<vmem>>, vector<1x1xi32>,
    %slice3A_330 = vector.extract_strided_slice %reduce_min3A_291 {offsets = [3], sizes = [1], strides = [1]} : vector<4xi32> to vector<1xi32>
    %reduce_max3A_331 = vector.shape_cast %slice3A_330 : vector<1xi32> to vector<1x1xi32>
    %reduce_max3A_332 = arith.constant dense<-2147483648> : vector<1xi32>
    %reduce_max3A_333 = vector.multi_reduction <maxsi>, %reduce_max3A_331, %reduce_max3A_332 [1] : vector<1x1xi32> to vector<1xi32>
    %reduce_max3A_334 = vector.shape_cast %reduce_max3A_333 : vector<1xi32> to vector<1x1xi32>
    %reduce_max3A_335 = vector.extract %reduce_max3A_334[0, 0] : i32 from vector<1x1xi32>
    %jit3A_336 = arith.constant 128 : i32
    %div3A_337 = arith.divsi %reduce_max3A_302, %jit3A_336 : i32
    %sign3A_338 = arith.constant 0 : i32
    %sign3A_339 = arith.cmpi sgt, %reduce_max3A_302, %sign3A_338 : i32
    %sign3A_340 = arith.extui %sign3A_339 : i1 to i32
    %sign3A_341 = arith.constant 0 : i32
    %sign3A_342 = arith.cmpi slt, %reduce_max3A_302, %sign3A_341 : i32
    %sign3A_343 = arith.extui %sign3A_342 : i1 to i32
    %sign3A_344 = arith.subi %sign3A_340, %sign3A_343 : i32
    %sign3A_345 = arith.constant 0 : i32
    %sign3A_346 = arith.cmpi sgt, %jit3A_336, %sign3A_345 : i32
    %sign3A_347 = arith.extui %sign3A_346 : i1 to i32
    %sign3A_348 = arith.constant 0 : i32
    %sign3A_349 = arith.cmpi slt, %jit3A_336, %sign3A_348 : i32
    %sign3A_350 = arith.extui %sign3A_349 : i1 to i32
    %sign3A_351 = arith.subi %sign3A_347, %sign3A_350 : i32
    %ne3A_352 = arith.cmpi ne, %sign3A_344, %sign3A_351 : i32
    %rem3A_353 = arith.remsi %reduce_max3A_302, %jit3A_336 : i32
    %ne3A_354 = arith.constant 0 : i32
    %ne3A_355 = arith.cmpi ne, %rem3A_353, %ne3A_354 : i32
    %and3A_356 = arith.andi %ne3A_352, %ne3A_355 : i1
    %sub3A_357 = arith.constant 1 : i32
    %sub3A_358 = arith.subi %div3A_337, %sub3A_357 : i32
    %select_n3A_359 = arith.select %and3A_356, %sub3A_358, %div3A_337 : i32
    %jit3A_360 = arith.constant 128 : i32
    %eq3A_361 = arith.constant 0 : i32
    %eq3A_362 = arith.cmpi eq, %jit3A_360, %eq3A_361 : i32
    %jit3A_363 = arith.constant 1 : i32
    %select_n3A_364 = arith.select %eq3A_362, %jit3A_363, %jit3A_360 : i32
    %rem3A_365 = arith.remsi %reduce_max3A_302, %select_n3A_364 : i32
    %ne3A_366 = arith.constant 0 : i32
    %ne3A_367 = arith.cmpi ne, %rem3A_365, %ne3A_366 : i32
    %lt3A_368 = arith.constant 0 : i32
    %lt3A_369 = arith.cmpi slt, %rem3A_365, %lt3A_368 : i32
    %lt3A_370 = arith.constant 0 : i32
    %lt3A_371 = arith.cmpi slt, %select_n3A_364, %lt3A_370 : i32
    %ne3A_372 = arith.xori %lt3A_369, %lt3A_371 : i1
    %and3A_373 = arith.andi %ne3A_372, %ne3A_367 : i1
    %add3A_374 = arith.addi %rem3A_365, %select_n3A_364 : i32
    %select_n3A_375 = arith.select %and3A_373, %add3A_374, %rem3A_365 : i32
    %get3A_376 = arith.constant 0 : index
    %get3A_377 = arith.constant 0 : index
    %get3A_378 = arith.index_cast %select_n3A_359 : i32 to index
    %get3A_379 = arith.constant 0 : index
    %get3A_380 = vector.load %arg0[%get3A_376, %get3A_377, %get3A_378, %get3A_379] : memref<4x3x512x128xf32, #tpu.memory_space<vmem>>, vector<1x3x1x128xf32>
    %get3A_381 = vector.shape_cast %get3A_380 : vector<1x3x1x128xf32> to vector<3x1x128xf32>
    %eq3A_382 = vector.broadcast %select_n3A_375 : i32 to vector<3x1x128xi32>
    %eq3A_383 = arith.cmpi eq, %iota3A_20, %eq3A_382 : vector<3x1x128xi32>
    %jit3A_384 = arith.constant 0.000000e+00 : f32
    %broadcast_in_dim3A_385 = vector.broadcast %jit3A_384 : f32 to vector<3x1x128xf32>
    %select_n3A_386 = arith.select %eq3A_383, %get3A_381, %broadcast_in_dim3A_385 : vector<3x1x128xi1>, vector<3x1x128xf32>
    %reduce_sum3A_387 = arith.constant dense<0.000000e+00> : vector<3x1xf32>
    %reduce_sum3A_388 = vector.multi_reduction <add>, %select_n3A_386, %reduce_sum3A_387 [2] : vector<3x1x128xf32> to vector<3x1xf32>
    %broadcast_in_dim3A_389 = vector.shape_cast %reduce_sum3A_388 : vector<3x1xf32> to vector<3x1x1xf32>
    %jit3A_390 = arith.constant 128 : i32
    %div3A_391 = arith.divsi %reduce_max3A_313, %jit3A_390 : i32
    %sign3A_392 = arith.constant 0 : i32
    %sign3A_393 = arith.cmpi sgt, %reduce_max3A_313, %sign3A_392 : i32
    %sign3A_394 = arith.extui %sign3A_393 : i1 to i32
    %sign3A_395 = arith.constant 0 : i32
    %sign3A_396 = arith.cmpi slt, %reduce_max3A_313, %sign3A_395 : i32
    %sign3A_397 = arith.extui %sign3A_396 : i1 to i32
    %sign3A_398 = arith.subi %sign3A_394, %sign3A_397 : i32
    %sign3A_399 = arith.constant 0 : i32
    %sign3A_400 = arith.cmpi sgt, %jit3A_390, %sign3A_399 : i32
    %sign3A_401 = arith.extui %sign3A_400 : i1 to i32
    %sign3A_402 = arith.constant 0 : i32
    %sign3A_403 = arith.cmpi slt, %jit3A_390, %sign3A_402 : i32
    %sign3A_404 = arith.extui %sign3A_403 : i1 to i32
    %sign3A_405 = arith.subi %sign3A_401, %sign3A_404 : i32
    %ne3A_406 = arith.cmpi ne, %sign3A_398, %sign3A_405 : i32
    %rem3A_407 = arith.remsi %reduce_max3A_313, %jit3A_390 : i32
    %ne3A_408 = arith.constant 0 : i32
    %ne3A_409 = arith.cmpi ne, %rem3A_407, %ne3A_408 : i32
    %and3A_410 = arith.andi %ne3A_406, %ne3A_409 : i1
    %sub3A_411 = arith.constant 1 : i32
    %sub3A_412 = arith.subi %div3A_391, %sub3A_411 : i32
    %select_n3A_413 = arith.select %and3A_410, %sub3A_412, %div3A_391 : i32
    %jit3A_414 = arith.constant 128 : i32
    %eq3A_415 = arith.constant 0 : i32
    %eq3A_416 = arith.cmpi eq, %jit3A_414, %eq3A_415 : i32
    %jit3A_417 = arith.constant 1 : i32
    %select_n3A_418 = arith.select %eq3A_416, %jit3A_417, %jit3A_414 : i32
    %rem3A_419 = arith.remsi %reduce_max3A_313, %select_n3A_418 : i32
    %ne3A_420 = arith.constant 0 : i32
    %ne3A_421 = arith.cmpi ne, %rem3A_419, %ne3A_420 : i32
    %lt3A_422 = arith.constant 0 : i32
    %lt3A_423 = arith.cmpi slt, %rem3A_419, %lt3A_422 : i32
    %lt3A_424 = arith.constant 0 : i32
    %lt3A_425 = arith.cmpi slt, %select_n3A_418, %lt3A_424 : i32
    %ne3A_426 = arith.xori %lt3A_423, %lt3A_425 : i1
    %and3A_427 = arith.andi %ne3A_426, %ne3A_421 : i1
    %add3A_428 = arith.addi %rem3A_419, %select_n3A_418 : i32
    %select_n3A_429 = arith.select %and3A_427, %add3A_428, %rem3A_419 : i32
    %get3A_430 = arith.constant 1 : index
    %get3A_431 = arith.constant 0 : index
    %get3A_432 = arith.index_cast %select_n3A_413 : i32 to index
    %get3A_433 = arith.constant 0 : index
    %get3A_434 = vector.load %arg0[%get3A_430, %get3A_431, %get3A_432, %get3A_433] : memref<4x3x512x128xf32, #tpu.memory_space<vmem>>, vector<1x3x1x128xf32>
    %get3A_435 = vector.shape_cast %get3A_434 : vector<1x3x1x128xf32> to vector<3x1x128xf32>
    %eq3A_436 = vector.broadcast %select_n3A_429 : i32 to vector<3x1x128xi32>
    %eq3A_437 = arith.cmpi eq, %iota3A_20, %eq3A_436 : vector<3x1x128xi32>
    %jit3A_438 = arith.constant 0.000000e+00 : f32
    %broadcast_in_dim3A_439 = vector.broadcast %jit3A_438 : f32 to vector<3x1x128xf32>
    %select_n3A_440 = arith.select %eq3A_437, %get3A_435, %broadcast_in_dim3A_439 : vector<3x1x128xi1>, vector<3x1x128xf32>
    %reduce_sum3A_441 = arith.constant dense<0.000000e+00> : vector<3x1xf32>
    %reduce_sum3A_442 = vector.multi_reduction <add>, %select_n3A_440, %reduce_sum3A_441 [2] : vector<3x1x128xf32> to vector<3x1xf32>
    %broadcast_in_dim3A_443 = vector.shape_cast %reduce_sum3A_442 : vector<3x1xf32> to vector<3x1x1xf32>
    %jit3A_444 = arith.constant 128 : i32
    %div3A_445 = arith.divsi %reduce_max3A_324, %jit3A_444 : i32
    %sign3A_446 = arith.constant 0 : i32
    %sign3A_447 = arith.cmpi sgt, %reduce_max3A_324, %sign3A_446 : i32
    %sign3A_448 = arith.extui %sign3A_447 : i1 to i32
    %sign3A_449 = arith.constant 0 : i32
    %sign3A_450 = arith.cmpi slt, %reduce_max3A_324, %sign3A_449 : i32
    %sign3A_451 = arith.extui %sign3A_450 : i1 to i32
    %sign3A_452 = arith.subi %sign3A_448, %sign3A_451 : i32
    %sign3A_453 = arith.constant 0 : i32
    %sign3A_454 = arith.cmpi sgt, %jit3A_444, %sign3A_453 : i32
    %sign3A_455 = arith.extui %sign3A_454 : i1 to i32
    %sign3A_456 = arith.constant 0 : i32
    %sign3A_457 = arith.cmpi slt, %jit3A_444, %sign3A_456 : i32
    %sign3A_458 = arith.extui %sign3A_457 : i1 to i32
    %sign3A_459 = arith.subi %sign3A_455, %sign3A_458 : i32
    %ne3A_460 = arith.cmpi ne, %sign3A_452, %sign3A_459 : i32
    %rem3A_461 = arith.remsi %reduce_max3A_324, %jit3A_444 : i32
    %ne3A_462 = arith.constant 0 : i32
    %ne3A_463 = arith.cmpi ne, %rem3A_461, %ne3A_462 : i32
    %and3A_464 = arith.andi %ne3A_460, %ne3A_463 : i1
    %sub3A_465 = arith.constant 1 : i32
    %sub3A_466 = arith.subi %div3A_445, %sub3A_465 : i32
    %select_n3A_467 = arith.select %and3A_464, %sub3A_466, %div3A_445 : i32
    %jit3A_468 = arith.constant 128 : i32
    %eq3A_469 = arith.constant 0 : i32
    %eq3A_470 = arith.cmpi eq, %jit3A_468, %eq3A_469 : i32
    %jit3A_471 = arith.constant 1 : i32
    %select_n3A_472 = arith.select %eq3A_470, %jit3A_471, %jit3A_468 : i32
    %rem3A_473 = arith.remsi %reduce_max3A_324, %select_n3A_472 : i32
    %ne3A_474 = arith.constant 0 : i32
    %ne3A_475 = arith.cmpi ne, %rem3A_473, %ne3A_474 : i32
    %lt3A_476 = arith.constant 0 : i32
    %lt3A_477 = arith.cmpi slt, %rem3A_473, %lt3A_476 : i32
    %lt3A_478 = arith.constant 0 : i32
    %lt3A_479 = arith.cmpi slt, %select_n3A_472, %lt3A_478 : i32
    %ne3A_480 = arith.xori %lt3A_477, %lt3A_479 : i1
    %and3A_481 = arith.andi %ne3A_480, %ne3A_475 : i1
    %add3A_482 = arith.addi %rem3A_473, %select_n3A_472 : i32
    %select_n3A_483 = arith.select %and3A_481, %add3A_482, %rem3A_473 : i32
    %get3A_484 = arith.constant 2 : index
    %get3A_485 = arith.constant 0 : index
    %get3A_486 = arith.index_cast %select_n3A_467 : i32 to index
    %get3A_487 = arith.constant 0 : index
    %get3A_488 = vector.load %arg0[%get3A_484, %get3A_485, %get3A_486, %get3A_487] : memref<4x3x512x128xf32, #tpu.memory_space<vmem>>, vector<1x3x1x128xf32>
    %get3A_489 = vector.shape_cast %get3A_488 : vector<1x3x1x128xf32> to vector<3x1x128xf32>
    %eq3A_490 = vector.broadcast %select_n3A_483 : i32 to vector<3x1x128xi32>
    %eq3A_491 = arith.cmpi eq, %iota3A_20, %eq3A_490 : vector<3x1x128xi32>
    %jit3A_492 = arith.constant 0.000000e+00 : f32
    %broadcast_in_dim3A_493 = vector.broadcast %jit3A_492 : f32 to vector<3x1x128xf32>
    %select_n3A_494 = arith.select %eq3A_491, %get3A_489, %broadcast_in_dim3A_493 : vector<3x1x128xi1>, vector<3x1x128xf32>
    %reduce_sum3A_495 = arith.constant dense<0.000000e+00> : vector<3x1xf32>
    %reduce_sum3A_496 = vector.multi_reduction <add>, %select_n3A_494, %reduce_sum3A_495 [2] : vector<3x1x128xf32> to vector<3x1xf32>
    %broadcast_in_dim3A_497 = vector.shape_cast %reduce_sum3A_496 : vector<3x1xf32> to vector<3x1x1xf32>
    %jit3A_498 = arith.constant 128 : i32
    %div3A_499 = arith.divsi %reduce_max3A_335, %jit3A_498 : i32
    %sign3A_500 = arith.constant 0 : i32
    %sign3A_501 = arith.cmpi sgt, %reduce_max3A_335, %sign3A_500 : i32
    %sign3A_502 = arith.extui %sign3A_501 : i1 to i32
    %sign3A_503 = arith.constant 0 : i32
    %sign3A_504 = arith.cmpi slt, %reduce_max3A_335, %sign3A_503 : i32
    %sign3A_505 = arith.extui %sign3A_504 : i1 to i32
    %sign3A_506 = arith.subi %sign3A_502, %sign3A_505 : i32
    %sign3A_507 = arith.constant 0 : i32
    %sign3A_508 = arith.cmpi sgt, %jit3A_498, %sign3A_507 : i32
    %sign3A_509 = arith.extui %sign3A_508 : i1 to i32
    %sign3A_510 = arith.constant 0 : i32
    %sign3A_511 = arith.cmpi slt, %jit3A_498, %sign3A_510 : i32
    %sign3A_512 = arith.extui %sign3A_511 : i1 to i32
    %sign3A_513 = arith.subi %sign3A_509, %sign3A_512 : i32
    %ne3A_514 = arith.cmpi ne, %sign3A_506, %sign3A_513 : i32
    %rem3A_515 = arith.remsi %reduce_max3A_335, %jit3A_498 : i32
    %ne3A_516 = arith.constant 0 : i32
    %ne3A_517 = arith.cmpi ne, %rem3A_515, %ne3A_516 : i32
    %and3A_518 = arith.andi %ne3A_514, %ne3A_517 : i1
    %sub3A_519 = arith.constant 1 : i32
    %sub3A_520 = arith.subi %div3A_499, %sub3A_519 : i32
    %select_n3A_521 = arith.select %and3A_518, %sub3A_520, %div3A_499 : i32
    %jit3A_522 = arith.constant 128 : i32
    %eq3A_523 = arith.constant 0 : i32
    %eq3A_524 = arith.cmpi eq, %jit3A_522, %eq3A_523 : i32
    %jit3A_525 = arith.constant 1 : i32
    %select_n3A_526 = arith.select %eq3A_524, %jit3A_525, %jit3A_522 : i32
    %rem3A_527 = arith.remsi %reduce_max3A_335, %select_n3A_526 : i32
    %ne3A_528 = arith.constant 0 : i32
    %ne3A_529 = arith.cmpi ne, %rem3A_527, %ne3A_528 : i32
    %lt3A_530 = arith.constant 0 : i32
    %lt3A_531 = arith.cmpi slt, %rem3A_527, %lt3A_530 : i32
    %lt3A_532 = arith.constant 0 : i32
    %lt3A_533 = arith.cmpi slt, %select_n3A_526, %lt3A_532 : i32
    %ne3A_534 = arith.xori %lt3A_531, %lt3A_533 : i1
    %and3A_535 = arith.andi %ne3A_534, %ne3A_529 : i1
    %add3A_536 = arith.addi %rem3A_527, %select_n3A_526 : i32
    %select_n3A_537 = arith.select %and3A_535, %add3A_536, %rem3A_527 : i32
    %get3A_538 = arith.constant 3 : index
    %get3A_539 = arith.constant 0 : index
    %get3A_540 = arith.index_cast %select_n3A_521 : i32 to index
    %get3A_541 = arith.constant 0 : index
    %get3A_542 = vector.load %arg0[%get3A_538, %get3A_539, %get3A_540, %get3A_541] : memref<4x3x512x128xf32, #tpu.memory_space<vmem>>, vector<1x3x1x128xf32>
    %get3A_543 = vector.shape_cast %get3A_542 : vector<1x3x1x128xf32> to vector<3x1x128xf32>
    %eq3A_544 = vector.broadcast %select_n3A_537 : i32 to vector<3x1x128xi32>
    %eq3A_545 = arith.cmpi eq, %iota3A_20, %eq3A_544 : vector<3x1x128xi32>
    %jit3A_546 = arith.constant 0.000000e+00 : f32
    %broadcast_in_dim3A_547 = vector.broadcast %jit3A_546 : f32 to vector<3x1x128xf32>
    %select_n3A_548 = arith.select %eq3A_545, %get3A_543, %broadcast_in_dim3A_547 : vector<3x1x128xi1>, vector<3x1x128xf32>
    %reduce_sum3A_549 = arith.constant dense<0.000000e+00> : vector<3x1xf32>
    %reduce_sum3A_550 = vector.multi_reduction <add>, %select_n3A_548, %reduce_sum3A_549 [2] : vector<3x1x128xf32> to vector<3x1xf32>
    %broadcast_in_dim3A_551 = vector.shape_cast %reduce_sum3A_550 : vector<3x1xf32> to vector<3x1x1xf32>
    %reshape3A_552 = vector.shape_cast %broadcast_in_dim3A_389 : vector<3x1x1xf32> to vector<1x1x3xf32>
    %swap3A_553 = arith.constant 0 : index
    %swap3A_554 = arith.constant 1 : index
    %swap3A_555 = arith.constant 0 : index
    %swap3A_556 = vector.load %arg2[%swap3A_553, %swap3A_554, %swap3A_555] : memref<4x16x3xf32, #tpu.memory_space<vmem>>, vector<1x1x3xf32>
    tpu.vector_store %arg2[%swap3A_553, %swap3A_554, %swap3A_555], %reshape3A_552 {strides = array<i32>} : memref<4x16x3xf32, #tpu.memory_space<vmem>>, vector<1x1x3xf32>,
    %reshape3A_557 = vector.shape_cast %broadcast_in_dim3A_443 : vector<3x1x1xf32> to vector<1x1x3xf32>
    %swap3A_558 = arith.constant 1 : index
    %swap3A_559 = arith.constant 1 : index
    %swap3A_560 = arith.constant 0 : index
    %swap3A_561 = vector.load %arg2[%swap3A_558, %swap3A_559, %swap3A_560] : memref<4x16x3xf32, #tpu.memory_space<vmem>>, vector<1x1x3xf32>
    tpu.vector_store %arg2[%swap3A_558, %swap3A_559, %swap3A_560], %reshape3A_557 {strides = array<i32>} : memref<4x16x3xf32, #tpu.memory_space<vmem>>, vector<1x1x3xf32>,
    %reshape3A_562 = vector.shape_cast %broadcast_in_dim3A_497 : vector<3x1x1xf32> to vector<1x1x3xf32>
    %swap3A_563 = arith.constant 2 : index
    %swap3A_564 = arith.constant 1 : index
    %swap3A_565 = arith.constant 0 : index
    %swap3A_566 = vector.load %arg2[%swap3A_563, %swap3A_564, %swap3A_565] : memref<4x16x3xf32, #tpu.memory_space<vmem>>, vector<1x1x3xf32>
    tpu.vector_store %arg2[%swap3A_563, %swap3A_564, %swap3A_565], %reshape3A_562 {strides = array<i32>} : memref<4x16x3xf32, #tpu.memory_space<vmem>>, vector<1x1x3xf32>,
    %reshape3A_567 = vector.shape_cast %broadcast_in_dim3A_551 : vector<3x1x1xf32> to vector<1x1x3xf32>
    %swap3A_568 = arith.constant 3 : index
    %swap3A_569 = arith.constant 1 : index
    %swap3A_570 = arith.constant 0 : index
    %swap3A_571 = vector.load %arg2[%swap3A_568, %swap3A_569, %swap3A_570] : memref<4x16x3xf32, #tpu.memory_space<vmem>>, vector<1x1x3xf32>
    tpu.vector_store %arg2[%swap3A_568, %swap3A_569, %swap3A_570], %reshape3A_567 {strides = array<i32>} : memref<4x16x3xf32, #tpu.memory_space<vmem>>, vector<1x1x3xf32>,
    %slice3A_572 = vector.extract_strided_slice %broadcast_in_dim3A_389 {offsets = [0, 0, 0], sizes = [1, 1, 1], strides = [1, 1, 1]} : vector<3x1x1xf32> to vector<1x1x1xf32>
    %slice3A_573 = vector.extract_strided_slice %broadcast_in_dim3A_443 {offsets = [0, 0, 0], sizes = [1, 1, 1], strides = [1, 1, 1]} : vector<3x1x1xf32> to vector<1x1x1xf32>
    %slice3A_574 = vector.extract_strided_slice %broadcast_in_dim3A_497 {offsets = [0, 0, 0], sizes = [1, 1, 1], strides = [1, 1, 1]} : vector<3x1x1xf32> to vector<1x1x1xf32>
    %slice3A_575 = vector.extract_strided_slice %broadcast_in_dim3A_551 {offsets = [0, 0, 0], sizes = [1, 1, 1], strides = [1, 1, 1]} : vector<3x1x1xf32> to vector<1x1x1xf32>
    %concatenate3A_576 = tpu.concatenate %slice3A_572, %slice3A_573, %slice3A_574, %slice3A_575 in 0 : vector<1x1x1xf32>, vector<1x1x1xf32>, vector<1x1x1xf32>, vector<1x1x1xf32> -> vector<4x1x1xf32>
    %slice3A_577 = vector.extract_strided_slice %broadcast_in_dim3A_389 {offsets = [1, 0, 0], sizes = [1, 1, 1], strides = [1, 1, 1]} : vector<3x1x1xf32> to vector<1x1x1xf32>
    %slice3A_578 = vector.extract_strided_slice %broadcast_in_dim3A_443 {offsets = [1, 0, 0], sizes = [1, 1, 1], strides = [1, 1, 1]} : vector<3x1x1xf32> to vector<1x1x1xf32>
    %slice3A_579 = vector.extract_strided_slice %broadcast_in_dim3A_497 {offsets = [1, 0, 0], sizes = [1, 1, 1], strides = [1, 1, 1]} : vector<3x1x1xf32> to vector<1x1x1xf32>
    %slice3A_580 = vector.extract_strided_slice %broadcast_in_dim3A_551 {offsets = [1, 0, 0], sizes = [1, 1, 1], strides = [1, 1, 1]} : vector<3x1x1xf32> to vector<1x1x1xf32>
    %concatenate3A_581 = tpu.concatenate %slice3A_577, %slice3A_578, %slice3A_579, %slice3A_580 in 0 : vector<1x1x1xf32>, vector<1x1x1xf32>, vector<1x1x1xf32>, vector<1x1x1xf32> -> vector<4x1x1xf32>
    %slice3A_582 = vector.extract_strided_slice %broadcast_in_dim3A_389 {offsets = [2, 0, 0], sizes = [1, 1, 1], strides = [1, 1, 1]} : vector<3x1x1xf32> to vector<1x1x1xf32>
    %slice3A_583 = vector.extract_strided_slice %broadcast_in_dim3A_443 {offsets = [2, 0, 0], sizes = [1, 1, 1], strides = [1, 1, 1]} : vector<3x1x1xf32> to vector<1x1x1xf32>
    %slice3A_584 = vector.extract_strided_slice %broadcast_in_dim3A_497 {offsets = [2, 0, 0], sizes = [1, 1, 1], strides = [1, 1, 1]} : vector<3x1x1xf32> to vector<1x1x1xf32>
    %slice3A_585 = vector.extract_strided_slice %broadcast_in_dim3A_551 {offsets = [2, 0, 0], sizes = [1, 1, 1], strides = [1, 1, 1]} : vector<3x1x1xf32> to vector<1x1x1xf32>
    %concatenate3A_586 = tpu.concatenate %slice3A_582, %slice3A_583, %slice3A_584, %slice3A_585 in 0 : vector<1x1x1xf32>, vector<1x1x1xf32>, vector<1x1x1xf32>, vector<1x1x1xf32> -> vector<4x1x1xf32>
    %sub3A_587 = vector.broadcast %concatenate3A_576 : vector<4x1x1xf32> to vector<4x512x128xf32>
    %sub3A_588 = arith.subf %get3A_4, %sub3A_587 : vector<4x512x128xf32>
    %sub3A_589 = vector.broadcast %concatenate3A_581 : vector<4x1x1xf32> to vector<4x512x128xf32>
    %sub3A_590 = arith.subf %get3A_10, %sub3A_589 : vector<4x512x128xf32>
    %sub3A_591 = vector.broadcast %concatenate3A_586 : vector<4x1x1xf32> to vector<4x512x128xf32>
    %sub3A_592 = arith.subf %get3A_16, %sub3A_591 : vector<4x512x128xf32>
    %mul3A_593 = arith.mulf %sub3A_588, %sub3A_588 : vector<4x512x128xf32>
    %mul3A_594 = arith.mulf %sub3A_590, %sub3A_590 : vector<4x512x128xf32>
    %add3A_595 = arith.addf %mul3A_593, %mul3A_594 : vector<4x512x128xf32>
    %mul3A_596 = arith.mulf %sub3A_592, %sub3A_592 : vector<4x512x128xf32>
    %add3A_597 = arith.addf %add3A_595, %mul3A_596 : vector<4x512x128xf32>
    %min3A_598 = arith.minimumf %min3A, %add3A_597 : vector<4x512x128xf32>
    %reduce_max3A_599 = arith.constant dense<0xFF800000> : vector<4xf32>
    %reduce_max3A_600 = vector.multi_reduction <maximumf>, %min3A_598, %reduce_max3A_599 [1, 2] : vector<4x512x128xf32> to vector<4xf32>
    %broadcast_in_dim3A_601 = vector.shape_cast %reduce_max3A_600 : vector<4xf32> to vector<4x1x1xf32>
    %eq3A_602 = vector.broadcast %broadcast_in_dim3A_601 : vector<4x1x1xf32> to vector<4x512x128xf32>
    %eq3A_603 = arith.cmpf oeq, %min3A_598, %eq3A_602 : vector<4x512x128xf32>
    %jit3A_604 = arith.constant 2147483647 : i32
    %broadcast_in_dim3A_605 = vector.shape_cast %add3A : vector<512x128xi32> to vector<1x512x128xi32>
    %broadcast_in_dim3A_606 = vector.broadcast %broadcast_in_dim3A_605 : vector<1x512x128xi32> to vector<4x512x128xi32>
    %broadcast_in_dim3A_607 = vector.broadcast %jit3A_604 : i32 to vector<4x512x128xi32>
    %select_n3A_608 = arith.select %eq3A_603, %broadcast_in_dim3A_606, %broadcast_in_dim3A_607 : vector<4x512x128xi1>, vector<4x512x128xi32>
    %reduce_min3A_609 = arith.constant dense<2147483647> : vector<4xi32>
    %reduce_min3A_610 = vector.multi_reduction <minsi>, %select_n3A_608, %reduce_min3A_609 [1, 2] : vector<4x512x128xi32> to vector<4xi32>
    %slice3A_611 = vector.extract_strided_slice %reduce_min3A_610 {offsets = [0], sizes = [1], strides = [1]} : vector<4xi32> to vector<1xi32>
    %reshape3A_612 = vector.shape_cast %slice3A_611 : vector<1xi32> to vector<1x1xi32>
    %swap3A_613 = arith.constant 0 : index
    %swap3A_614 = arith.constant 2 : index
    %swap3A_615 = vector.load %arg1[%swap3A_613, %swap3A_614] : memref<1x64xi32, #tpu.memory_space<vmem>>, vector<1x1xi32>
    tpu.vector_store %arg1[%swap3A_613, %swap3A_614], %reshape3A_612 {strides = array<i32>} : memref<1x64xi32, #tpu.memory_space<vmem>>, vector<1x1xi32>,
    %slice3A_616 = vector.extract_strided_slice %reduce_min3A_610 {offsets = [0], sizes = [1], strides = [1]} : vector<4xi32> to vector<1xi32>
    %reduce_max3A_617 = vector.shape_cast %slice3A_616 : vector<1xi32> to vector<1x1xi32>
    %reduce_max3A_618 = arith.constant dense<-2147483648> : vector<1xi32>
    %reduce_max3A_619 = vector.multi_reduction <maxsi>, %reduce_max3A_617, %reduce_max3A_618 [1] : vector<1x1xi32> to vector<1xi32>
    %reduce_max3A_620 = vector.shape_cast %reduce_max3A_619 : vector<1xi32> to vector<1x1xi32>
    %reduce_max3A_621 = vector.extract %reduce_max3A_620[0, 0] : i32 from vector<1x1xi32>
    %slice3A_622 = vector.extract_strided_slice %reduce_min3A_610 {offsets = [1], sizes = [1], strides = [1]} : vector<4xi32> to vector<1xi32>
    %reshape3A_623 = vector.shape_cast %slice3A_622 : vector<1xi32> to vector<1x1xi32>
    %swap3A_624 = arith.constant 0 : index
    %swap3A_625 = arith.constant 18 : index
    %swap3A_626 = vector.load %arg1[%swap3A_624, %swap3A_625] : memref<1x64xi32, #tpu.memory_space<vmem>>, vector<1x1xi32>
    tpu.vector_store %arg1[%swap3A_624, %swap3A_625], %reshape3A_623 {strides = array<i32>} : memref<1x64xi32, #tpu.memory_space<vmem>>, vector<1x1xi32>,
    %slice3A_627 = vector.extract_strided_slice %reduce_min3A_610 {offsets = [1], sizes = [1], strides = [1]} : vector<4xi32> to vector<1xi32>
    %reduce_max3A_628 = vector.shape_cast %slice3A_627 : vector<1xi32> to vector<1x1xi32>
    %reduce_max3A_629 = arith.constant dense<-2147483648> : vector<1xi32>
    %reduce_max3A_630 = vector.multi_reduction <maxsi>, %reduce_max3A_628, %reduce_max3A_629 [1] : vector<1x1xi32> to vector<1xi32>
    %reduce_max3A_631 = vector.shape_cast %reduce_max3A_630 : vector<1xi32> to vector<1x1xi32>
    %reduce_max3A_632 = vector.extract %reduce_max3A_631[0, 0] : i32 from vector<1x1xi32>
    %slice3A_633 = vector.extract_strided_slice %reduce_min3A_610 {offsets = [2], sizes = [1], strides = [1]} : vector<4xi32> to vector<1xi32>
    %reshape3A_634 = vector.shape_cast %slice3A_633 : vector<1xi32> to vector<1x1xi32>
    %swap3A_635 = arith.constant 0 : index
    %swap3A_636 = arith.constant 34 : index
    %swap3A_637 = vector.load %arg1[%swap3A_635, %swap3A_636] : memref<1x64xi32, #tpu.memory_space<vmem>>, vector<1x1xi32>
    tpu.vector_store %arg1[%swap3A_635, %swap3A_636], %reshape3A_634 {strides = array<i32>} : memref<1x64xi32, #tpu.memory_space<vmem>>, vector<1x1xi32>,
    %slice3A_638 = vector.extract_strided_slice %reduce_min3A_610 {offsets = [2], sizes = [1], strides = [1]} : vector<4xi32> to vector<1xi32>
    %reduce_max3A_639 = vector.shape_cast %slice3A_638 : vector<1xi32> to vector<1x1xi32>
    %reduce_max3A_640 = arith.constant dense<-2147483648> : vector<1xi32>
    %reduce_max3A_641 = vector.multi_reduction <maxsi>, %reduce_max3A_639, %reduce_max3A_640 [1] : vector<1x1xi32> to vector<1xi32>
    %reduce_max3A_642 = vector.shape_cast %reduce_max3A_641 : vector<1xi32> to vector<1x1xi32>
    %reduce_max3A_643 = vector.extract %reduce_max3A_642[0, 0] : i32 from vector<1x1xi32>
    %slice3A_644 = vector.extract_strided_slice %reduce_min3A_610 {offsets = [3], sizes = [1], strides = [1]} : vector<4xi32> to vector<1xi32>
    %reshape3A_645 = vector.shape_cast %slice3A_644 : vector<1xi32> to vector<1x1xi32>
    %swap3A_646 = arith.constant 0 : index
    %swap3A_647 = arith.constant 50 : index
    %swap3A_648 = vector.load %arg1[%swap3A_646, %swap3A_647] : memref<1x64xi32, #tpu.memory_space<vmem>>, vector<1x1xi32>
    tpu.vector_store %arg1[%swap3A_646, %swap3A_647], %reshape3A_645 {strides = array<i32>} : memref<1x64xi32, #tpu.memory_space<vmem>>, vector<1x1xi32>,
    %slice3A_649 = vector.extract_strided_slice %reduce_min3A_610 {offsets = [3], sizes = [1], strides = [1]} : vector<4xi32> to vector<1xi32>
    %reduce_max3A_650 = vector.shape_cast %slice3A_649 : vector<1xi32> to vector<1x1xi32>
    %reduce_max3A_651 = arith.constant dense<-2147483648> : vector<1xi32>
    %reduce_max3A_652 = vector.multi_reduction <maxsi>, %reduce_max3A_650, %reduce_max3A_651 [1] : vector<1x1xi32> to vector<1xi32>
    %reduce_max3A_653 = vector.shape_cast %reduce_max3A_652 : vector<1xi32> to vector<1x1xi32>
    %reduce_max3A_654 = vector.extract %reduce_max3A_653[0, 0] : i32 from vector<1x1xi32>
    %jit3A_655 = arith.constant 128 : i32
    %div3A_656 = arith.divsi %reduce_max3A_621, %jit3A_655 : i32
    %sign3A_657 = arith.constant 0 : i32
    %sign3A_658 = arith.cmpi sgt, %reduce_max3A_621, %sign3A_657 : i32
    %sign3A_659 = arith.extui %sign3A_658 : i1 to i32
    %sign3A_660 = arith.constant 0 : i32
    %sign3A_661 = arith.cmpi slt, %reduce_max3A_621, %sign3A_660 : i32
    %sign3A_662 = arith.extui %sign3A_661 : i1 to i32
    %sign3A_663 = arith.subi %sign3A_659, %sign3A_662 : i32
    %sign3A_664 = arith.constant 0 : i32
    %sign3A_665 = arith.cmpi sgt, %jit3A_655, %sign3A_664 : i32
    %sign3A_666 = arith.extui %sign3A_665 : i1 to i32
    %sign3A_667 = arith.constant 0 : i32
    %sign3A_668 = arith.cmpi slt, %jit3A_655, %sign3A_667 : i32
    %sign3A_669 = arith.extui %sign3A_668 : i1 to i32
    %sign3A_670 = arith.subi %sign3A_666, %sign3A_669 : i32
    %ne3A_671 = arith.cmpi ne, %sign3A_663, %sign3A_670 : i32
    %rem3A_672 = arith.remsi %reduce_max3A_621, %jit3A_655 : i32
    %ne3A_673 = arith.constant 0 : i32
    %ne3A_674 = arith.cmpi ne, %rem3A_672, %ne3A_673 : i32
    %and3A_675 = arith.andi %ne3A_671, %ne3A_674 : i1
    %sub3A_676 = arith.constant 1 : i32
    %sub3A_677 = arith.subi %div3A_656, %sub3A_676 : i32
    %select_n3A_678 = arith.select %and3A_675, %sub3A_677, %div3A_656 : i32
    %jit3A_679 = arith.constant 128 : i32
    %eq3A_680 = arith.constant 0 : i32
    %eq3A_681 = arith.cmpi eq, %jit3A_679, %eq3A_680 : i32
    %jit3A_682 = arith.constant 1 : i32
    %select_n3A_683 = arith.select %eq3A_681, %jit3A_682, %jit3A_679 : i32
    %rem3A_684 = arith.remsi %reduce_max3A_621, %select_n3A_683 : i32
    %ne3A_685 = arith.constant 0 : i32
    %ne3A_686 = arith.cmpi ne, %rem3A_684, %ne3A_685 : i32
    %lt3A_687 = arith.constant 0 : i32
    %lt3A_688 = arith.cmpi slt, %rem3A_684, %lt3A_687 : i32
    %lt3A_689 = arith.constant 0 : i32
    %lt3A_690 = arith.cmpi slt, %select_n3A_683, %lt3A_689 : i32
    %ne3A_691 = arith.xori %lt3A_688, %lt3A_690 : i1
    %and3A_692 = arith.andi %ne3A_691, %ne3A_686 : i1
    %add3A_693 = arith.addi %rem3A_684, %select_n3A_683 : i32
    %select_n3A_694 = arith.select %and3A_692, %add3A_693, %rem3A_684 : i32
    %get3A_695 = arith.constant 0 : index
    %get3A_696 = arith.constant 0 : index
    %get3A_697 = arith.index_cast %select_n3A_678 : i32 to index
    %get3A_698 = arith.constant 0 : index
    %get3A_699 = vector.load %arg0[%get3A_695, %get3A_696, %get3A_697, %get3A_698] : memref<4x3x512x128xf32, #tpu.memory_space<vmem>>, vector<1x3x1x128xf32>
    %get3A_700 = vector.shape_cast %get3A_699 : vector<1x3x1x128xf32> to vector<3x1x128xf32>
    %eq3A_701 = vector.broadcast %select_n3A_694 : i32 to vector<3x1x128xi32>
    %eq3A_702 = arith.cmpi eq, %iota3A_20, %eq3A_701 : vector<3x1x128xi32>
    %jit3A_703 = arith.constant 0.000000e+00 : f32
    %broadcast_in_dim3A_704 = vector.broadcast %jit3A_703 : f32 to vector<3x1x128xf32>
    %select_n3A_705 = arith.select %eq3A_702, %get3A_700, %broadcast_in_dim3A_704 : vector<3x1x128xi1>, vector<3x1x128xf32>
    %reduce_sum3A_706 = arith.constant dense<0.000000e+00> : vector<3x1xf32>
    %reduce_sum3A_707 = vector.multi_reduction <add>, %select_n3A_705, %reduce_sum3A_706 [2] : vector<3x1x128xf32> to vector<3x1xf32>
    %broadcast_in_dim3A_708 = vector.shape_cast %reduce_sum3A_707 : vector<3x1xf32> to vector<3x1x1xf32>
    %jit3A_709 = arith.constant 128 : i32
    %div3A_710 = arith.divsi %reduce_max3A_632, %jit3A_709 : i32
    %sign3A_711 = arith.constant 0 : i32
    %sign3A_712 = arith.cmpi sgt, %reduce_max3A_632, %sign3A_711 : i32
    %sign3A_713 = arith.extui %sign3A_712 : i1 to i32
    %sign3A_714 = arith.constant 0 : i32
    %sign3A_715 = arith.cmpi slt, %reduce_max3A_632, %sign3A_714 : i32
    %sign3A_716 = arith.extui %sign3A_715 : i1 to i32
    %sign3A_717 = arith.subi %sign3A_713, %sign3A_716 : i32
    %sign3A_718 = arith.constant 0 : i32
    %sign3A_719 = arith.cmpi sgt, %jit3A_709, %sign3A_718 : i32
    %sign3A_720 = arith.extui %sign3A_719 : i1 to i32
    %sign3A_721 = arith.constant 0 : i32
    %sign3A_722 = arith.cmpi slt, %jit3A_709, %sign3A_721 : i32
    %sign3A_723 = arith.extui %sign3A_722 : i1 to i32
    %sign3A_724 = arith.subi %sign3A_720, %sign3A_723 : i32
    %ne3A_725 = arith.cmpi ne, %sign3A_717, %sign3A_724 : i32
    %rem3A_726 = arith.remsi %reduce_max3A_632, %jit3A_709 : i32
    %ne3A_727 = arith.constant 0 : i32
    %ne3A_728 = arith.cmpi ne, %rem3A_726, %ne3A_727 : i32
    %and3A_729 = arith.andi %ne3A_725, %ne3A_728 : i1
    %sub3A_730 = arith.constant 1 : i32
    %sub3A_731 = arith.subi %div3A_710, %sub3A_730 : i32
    %select_n3A_732 = arith.select %and3A_729, %sub3A_731, %div3A_710 : i32
    %jit3A_733 = arith.constant 128 : i32
    %eq3A_734 = arith.constant 0 : i32
    %eq3A_735 = arith.cmpi eq, %jit3A_733, %eq3A_734 : i32
    %jit3A_736 = arith.constant 1 : i32
    %select_n3A_737 = arith.select %eq3A_735, %jit3A_736, %jit3A_733 : i32
    %rem3A_738 = arith.remsi %reduce_max3A_632, %select_n3A_737 : i32
    %ne3A_739 = arith.constant 0 : i32
    %ne3A_740 = arith.cmpi ne, %rem3A_738, %ne3A_739 : i32
    %lt3A_741 = arith.constant 0 : i32
    %lt3A_742 = arith.cmpi slt, %rem3A_738, %lt3A_741 : i32
    %lt3A_743 = arith.constant 0 : i32
    %lt3A_744 = arith.cmpi slt, %select_n3A_737, %lt3A_743 : i32
    %ne3A_745 = arith.xori %lt3A_742, %lt3A_744 : i1
    %and3A_746 = arith.andi %ne3A_745, %ne3A_740 : i1
    %add3A_747 = arith.addi %rem3A_738, %select_n3A_737 : i32
    %select_n3A_748 = arith.select %and3A_746, %add3A_747, %rem3A_738 : i32
    %get3A_749 = arith.constant 1 : index
    %get3A_750 = arith.constant 0 : index
    %get3A_751 = arith.index_cast %select_n3A_732 : i32 to index
    %get3A_752 = arith.constant 0 : index
    %get3A_753 = vector.load %arg0[%get3A_749, %get3A_750, %get3A_751, %get3A_752] : memref<4x3x512x128xf32, #tpu.memory_space<vmem>>, vector<1x3x1x128xf32>
    %get3A_754 = vector.shape_cast %get3A_753 : vector<1x3x1x128xf32> to vector<3x1x128xf32>
    %eq3A_755 = vector.broadcast %select_n3A_748 : i32 to vector<3x1x128xi32>
    %eq3A_756 = arith.cmpi eq, %iota3A_20, %eq3A_755 : vector<3x1x128xi32>
    %jit3A_757 = arith.constant 0.000000e+00 : f32
    %broadcast_in_dim3A_758 = vector.broadcast %jit3A_757 : f32 to vector<3x1x128xf32>
    %select_n3A_759 = arith.select %eq3A_756, %get3A_754, %broadcast_in_dim3A_758 : vector<3x1x128xi1>, vector<3x1x128xf32>
    %reduce_sum3A_760 = arith.constant dense<0.000000e+00> : vector<3x1xf32>
    %reduce_sum3A_761 = vector.multi_reduction <add>, %select_n3A_759, %reduce_sum3A_760 [2] : vector<3x1x128xf32> to vector<3x1xf32>
    %broadcast_in_dim3A_762 = vector.shape_cast %reduce_sum3A_761 : vector<3x1xf32> to vector<3x1x1xf32>
    %jit3A_763 = arith.constant 128 : i32
    %div3A_764 = arith.divsi %reduce_max3A_643, %jit3A_763 : i32
    %sign3A_765 = arith.constant 0 : i32
    %sign3A_766 = arith.cmpi sgt, %reduce_max3A_643, %sign3A_765 : i32
    %sign3A_767 = arith.extui %sign3A_766 : i1 to i32
    %sign3A_768 = arith.constant 0 : i32
    %sign3A_769 = arith.cmpi slt, %reduce_max3A_643, %sign3A_768 : i32
    %sign3A_770 = arith.extui %sign3A_769 : i1 to i32
    %sign3A_771 = arith.subi %sign3A_767, %sign3A_770 : i32
    %sign3A_772 = arith.constant 0 : i32
    %sign3A_773 = arith.cmpi sgt, %jit3A_763, %sign3A_772 : i32
    %sign3A_774 = arith.extui %sign3A_773 : i1 to i32
    %sign3A_775 = arith.constant 0 : i32
    %sign3A_776 = arith.cmpi slt, %jit3A_763, %sign3A_775 : i32
    %sign3A_777 = arith.extui %sign3A_776 : i1 to i32
    %sign3A_778 = arith.subi %sign3A_774, %sign3A_777 : i32
    %ne3A_779 = arith.cmpi ne, %sign3A_771, %sign3A_778 : i32
    %rem3A_780 = arith.remsi %reduce_max3A_643, %jit3A_763 : i32
    %ne3A_781 = arith.constant 0 : i32
    %ne3A_782 = arith.cmpi ne, %rem3A_780, %ne3A_781 : i32
    %and3A_783 = arith.andi %ne3A_779, %ne3A_782 : i1
    %sub3A_784 = arith.constant 1 : i32
    %sub3A_785 = arith.subi %div3A_764, %sub3A_784 : i32
    %select_n3A_786 = arith.select %and3A_783, %sub3A_785, %div3A_764 : i32
    %jit3A_787 = arith.constant 128 : i32
    %eq3A_788 = arith.constant 0 : i32
    %eq3A_789 = arith.cmpi eq, %jit3A_787, %eq3A_788 : i32
    %jit3A_790 = arith.constant 1 : i32
    %select_n3A_791 = arith.select %eq3A_789, %jit3A_790, %jit3A_787 : i32
    %rem3A_792 = arith.remsi %reduce_max3A_643, %select_n3A_791 : i32
    %ne3A_793 = arith.constant 0 : i32
    %ne3A_794 = arith.cmpi ne, %rem3A_792, %ne3A_793 : i32
    %lt3A_795 = arith.constant 0 : i32
    %lt3A_796 = arith.cmpi slt, %rem3A_792, %lt3A_795 : i32
    %lt3A_797 = arith.constant 0 : i32
    %lt3A_798 = arith.cmpi slt, %select_n3A_791, %lt3A_797 : i32
    %ne3A_799 = arith.xori %lt3A_796, %lt3A_798 : i1
    %and3A_800 = arith.andi %ne3A_799, %ne3A_794 : i1
    %add3A_801 = arith.addi %rem3A_792, %select_n3A_791 : i32
    %select_n3A_802 = arith.select %and3A_800, %add3A_801, %rem3A_792 : i32
    %get3A_803 = arith.constant 2 : index
    %get3A_804 = arith.constant 0 : index
    %get3A_805 = arith.index_cast %select_n3A_786 : i32 to index
    %get3A_806 = arith.constant 0 : index
    %get3A_807 = vector.load %arg0[%get3A_803, %get3A_804, %get3A_805, %get3A_806] : memref<4x3x512x128xf32, #tpu.memory_space<vmem>>, vector<1x3x1x128xf32>
    %get3A_808 = vector.shape_cast %get3A_807 : vector<1x3x1x128xf32> to vector<3x1x128xf32>
    %eq3A_809 = vector.broadcast %select_n3A_802 : i32 to vector<3x1x128xi32>
    %eq3A_810 = arith.cmpi eq, %iota3A_20, %eq3A_809 : vector<3x1x128xi32>
    %jit3A_811 = arith.constant 0.000000e+00 : f32
    %broadcast_in_dim3A_812 = vector.broadcast %jit3A_811 : f32 to vector<3x1x128xf32>
    %select_n3A_813 = arith.select %eq3A_810, %get3A_808, %broadcast_in_dim3A_812 : vector<3x1x128xi1>, vector<3x1x128xf32>
    %reduce_sum3A_814 = arith.constant dense<0.000000e+00> : vector<3x1xf32>
    %reduce_sum3A_815 = vector.multi_reduction <add>, %select_n3A_813, %reduce_sum3A_814 [2] : vector<3x1x128xf32> to vector<3x1xf32>
    %broadcast_in_dim3A_816 = vector.shape_cast %reduce_sum3A_815 : vector<3x1xf32> to vector<3x1x1xf32>
    %jit3A_817 = arith.constant 128 : i32
    %div3A_818 = arith.divsi %reduce_max3A_654, %jit3A_817 : i32
    %sign3A_819 = arith.constant 0 : i32
    %sign3A_820 = arith.cmpi sgt, %reduce_max3A_654, %sign3A_819 : i32
    %sign3A_821 = arith.extui %sign3A_820 : i1 to i32
    %sign3A_822 = arith.constant 0 : i32
    %sign3A_823 = arith.cmpi slt, %reduce_max3A_654, %sign3A_822 : i32
    %sign3A_824 = arith.extui %sign3A_823 : i1 to i32
    %sign3A_825 = arith.subi %sign3A_821, %sign3A_824 : i32
    %sign3A_826 = arith.constant 0 : i32
    %sign3A_827 = arith.cmpi sgt, %jit3A_817, %sign3A_826 : i32
    %sign3A_828 = arith.extui %sign3A_827 : i1 to i32
    %sign3A_829 = arith.constant 0 : i32
    %sign3A_830 = arith.cmpi slt, %jit3A_817, %sign3A_829 : i32
    %sign3A_831 = arith.extui %sign3A_830 : i1 to i32
    %sign3A_832 = arith.subi %sign3A_828, %sign3A_831 : i32
    %ne3A_833 = arith.cmpi ne, %sign3A_825, %sign3A_832 : i32
    %rem3A_834 = arith.remsi %reduce_max3A_654, %jit3A_817 : i32
    %ne3A_835 = arith.constant 0 : i32
    %ne3A_836 = arith.cmpi ne, %rem3A_834, %ne3A_835 : i32
    %and3A_837 = arith.andi %ne3A_833, %ne3A_836 : i1
    %sub3A_838 = arith.constant 1 : i32
    %sub3A_839 = arith.subi %div3A_818, %sub3A_838 : i32
    %select_n3A_840 = arith.select %and3A_837, %sub3A_839, %div3A_818 : i32
    %jit3A_841 = arith.constant 128 : i32
    %eq3A_842 = arith.constant 0 : i32
    %eq3A_843 = arith.cmpi eq, %jit3A_841, %eq3A_842 : i32
    %jit3A_844 = arith.constant 1 : i32
    %select_n3A_845 = arith.select %eq3A_843, %jit3A_844, %jit3A_841 : i32
    %rem3A_846 = arith.remsi %reduce_max3A_654, %select_n3A_845 : i32
    %ne3A_847 = arith.constant 0 : i32
    %ne3A_848 = arith.cmpi ne, %rem3A_846, %ne3A_847 : i32
    %lt3A_849 = arith.constant 0 : i32
    %lt3A_850 = arith.cmpi slt, %rem3A_846, %lt3A_849 : i32
    %lt3A_851 = arith.constant 0 : i32
    %lt3A_852 = arith.cmpi slt, %select_n3A_845, %lt3A_851 : i32
    %ne3A_853 = arith.xori %lt3A_850, %lt3A_852 : i1
    %and3A_854 = arith.andi %ne3A_853, %ne3A_848 : i1
    %add3A_855 = arith.addi %rem3A_846, %select_n3A_845 : i32
    %select_n3A_856 = arith.select %and3A_854, %add3A_855, %rem3A_846 : i32
    %get3A_857 = arith.constant 3 : index
    %get3A_858 = arith.constant 0 : index
    %get3A_859 = arith.index_cast %select_n3A_840 : i32 to index
    %get3A_860 = arith.constant 0 : index
    %get3A_861 = vector.load %arg0[%get3A_857, %get3A_858, %get3A_859, %get3A_860] : memref<4x3x512x128xf32, #tpu.memory_space<vmem>>, vector<1x3x1x128xf32>
    %get3A_862 = vector.shape_cast %get3A_861 : vector<1x3x1x128xf32> to vector<3x1x128xf32>
    %eq3A_863 = vector.broadcast %select_n3A_856 : i32 to vector<3x1x128xi32>
    %eq3A_864 = arith.cmpi eq, %iota3A_20, %eq3A_863 : vector<3x1x128xi32>
    %jit3A_865 = arith.constant 0.000000e+00 : f32
    %broadcast_in_dim3A_866 = vector.broadcast %jit3A_865 : f32 to vector<3x1x128xf32>
    %select_n3A_867 = arith.select %eq3A_864, %get3A_862, %broadcast_in_dim3A_866 : vector<3x1x128xi1>, vector<3x1x128xf32>
    %reduce_sum3A_868 = arith.constant dense<0.000000e+00> : vector<3x1xf32>
    %reduce_sum3A_869 = vector.multi_reduction <add>, %select_n3A_867, %reduce_sum3A_868 [2] : vector<3x1x128xf32> to vector<3x1xf32>
    %broadcast_in_dim3A_870 = vector.shape_cast %reduce_sum3A_869 : vector<3x1xf32> to vector<3x1x1xf32>
    %reshape3A_871 = vector.shape_cast %broadcast_in_dim3A_708 : vector<3x1x1xf32> to vector<1x1x3xf32>
    %swap3A_872 = arith.constant 0 : index
    %swap3A_873 = arith.constant 2 : index
    %swap3A_874 = arith.constant 0 : index
    %swap3A_875 = vector.load %arg2[%swap3A_872, %swap3A_873, %swap3A_874] : memref<4x16x3xf32, #tpu.memory_space<vmem>>, vector<1x1x3xf32>
    tpu.vector_store %arg2[%swap3A_872, %swap3A_873, %swap3A_874], %reshape3A_871 {strides = array<i32>} : memref<4x16x3xf32, #tpu.memory_space<vmem>>, vector<1x1x3xf32>,
    %reshape3A_876 = vector.shape_cast %broadcast_in_dim3A_762 : vector<3x1x1xf32> to vector<1x1x3xf32>
    %swap3A_877 = arith.constant 1 : index
    %swap3A_878 = arith.constant 2 : index
    %swap3A_879 = arith.constant 0 : index
    %swap3A_880 = vector.load %arg2[%swap3A_877, %swap3A_878, %swap3A_879] : memref<4x16x3xf32, #tpu.memory_space<vmem>>, vector<1x1x3xf32>
    tpu.vector_store %arg2[%swap3A_877, %swap3A_878, %swap3A_879], %reshape3A_876 {strides = array<i32>} : memref<4x16x3xf32, #tpu.memory_space<vmem>>, vector<1x1x3xf32>,
    %reshape3A_881 = vector.shape_cast %broadcast_in_dim3A_816 : vector<3x1x1xf32> to vector<1x1x3xf32>
    %swap3A_882 = arith.constant 2 : index
    %swap3A_883 = arith.constant 2 : index
    %swap3A_884 = arith.constant 0 : index
    %swap3A_885 = vector.load %arg2[%swap3A_882, %swap3A_883, %swap3A_884] : memref<4x16x3xf32, #tpu.memory_space<vmem>>, vector<1x1x3xf32>
    tpu.vector_store %arg2[%swap3A_882, %swap3A_883, %swap3A_884], %reshape3A_881 {strides = array<i32>} : memref<4x16x3xf32, #tpu.memory_space<vmem>>, vector<1x1x3xf32>,
    %reshape3A_886 = vector.shape_cast %broadcast_in_dim3A_870 : vector<3x1x1xf32> to vector<1x1x3xf32>
    %swap3A_887 = arith.constant 3 : index
    %swap3A_888 = arith.constant 2 : index
    %swap3A_889 = arith.constant 0 : index
    %swap3A_890 = vector.load %arg2[%swap3A_887, %swap3A_888, %swap3A_889] : memref<4x16x3xf32, #tpu.memory_space<vmem>>, vector<1x1x3xf32>
    tpu.vector_store %arg2[%swap3A_887, %swap3A_888, %swap3A_889], %reshape3A_886 {strides = array<i32>} : memref<4x16x3xf32, #tpu.memory_space<vmem>>, vector<1x1x3xf32>,
    %slice3A_891 = vector.extract_strided_slice %broadcast_in_dim3A_708 {offsets = [0, 0, 0], sizes = [1, 1, 1], strides = [1, 1, 1]} : vector<3x1x1xf32> to vector<1x1x1xf32>
    %slice3A_892 = vector.extract_strided_slice %broadcast_in_dim3A_762 {offsets = [0, 0, 0], sizes = [1, 1, 1], strides = [1, 1, 1]} : vector<3x1x1xf32> to vector<1x1x1xf32>
    %slice3A_893 = vector.extract_strided_slice %broadcast_in_dim3A_816 {offsets = [0, 0, 0], sizes = [1, 1, 1], strides = [1, 1, 1]} : vector<3x1x1xf32> to vector<1x1x1xf32>
    %slice3A_894 = vector.extract_strided_slice %broadcast_in_dim3A_870 {offsets = [0, 0, 0], sizes = [1, 1, 1], strides = [1, 1, 1]} : vector<3x1x1xf32> to vector<1x1x1xf32>
    %concatenate3A_895 = tpu.concatenate %slice3A_891, %slice3A_892, %slice3A_893, %slice3A_894 in 0 : vector<1x1x1xf32>, vector<1x1x1xf32>, vector<1x1x1xf32>, vector<1x1x1xf32> -> vector<4x1x1xf32>
    %slice3A_896 = vector.extract_strided_slice %broadcast_in_dim3A_708 {offsets = [1, 0, 0], sizes = [1, 1, 1], strides = [1, 1, 1]} : vector<3x1x1xf32> to vector<1x1x1xf32>
    %slice3A_897 = vector.extract_strided_slice %broadcast_in_dim3A_762 {offsets = [1, 0, 0], sizes = [1, 1, 1], strides = [1, 1, 1]} : vector<3x1x1xf32> to vector<1x1x1xf32>
    %slice3A_898 = vector.extract_strided_slice %broadcast_in_dim3A_816 {offsets = [1, 0, 0], sizes = [1, 1, 1], strides = [1, 1, 1]} : vector<3x1x1xf32> to vector<1x1x1xf32>
    %slice3A_899 = vector.extract_strided_slice %broadcast_in_dim3A_870 {offsets = [1, 0, 0], sizes = [1, 1, 1], strides = [1, 1, 1]} : vector<3x1x1xf32> to vector<1x1x1xf32>
    %concatenate3A_900 = tpu.concatenate %slice3A_896, %slice3A_897, %slice3A_898, %slice3A_899 in 0 : vector<1x1x1xf32>, vector<1x1x1xf32>, vector<1x1x1xf32>, vector<1x1x1xf32> -> vector<4x1x1xf32>
    %slice3A_901 = vector.extract_strided_slice %broadcast_in_dim3A_708 {offsets = [2, 0, 0], sizes = [1, 1, 1], strides = [1, 1, 1]} : vector<3x1x1xf32> to vector<1x1x1xf32>
    %slice3A_902 = vector.extract_strided_slice %broadcast_in_dim3A_762 {offsets = [2, 0, 0], sizes = [1, 1, 1], strides = [1, 1, 1]} : vector<3x1x1xf32> to vector<1x1x1xf32>
    %slice3A_903 = vector.extract_strided_slice %broadcast_in_dim3A_816 {offsets = [2, 0, 0], sizes = [1, 1, 1], strides = [1, 1, 1]} : vector<3x1x1xf32> to vector<1x1x1xf32>
    %slice3A_904 = vector.extract_strided_slice %broadcast_in_dim3A_870 {offsets = [2, 0, 0], sizes = [1, 1, 1], strides = [1, 1, 1]} : vector<3x1x1xf32> to vector<1x1x1xf32>
    %concatenate3A_905 = tpu.concatenate %slice3A_901, %slice3A_902, %slice3A_903, %slice3A_904 in 0 : vector<1x1x1xf32>, vector<1x1x1xf32>, vector<1x1x1xf32>, vector<1x1x1xf32> -> vector<4x1x1xf32>
    %sub3A_906 = vector.broadcast %concatenate3A_895 : vector<4x1x1xf32> to vector<4x512x128xf32>
    %sub3A_907 = arith.subf %get3A_4, %sub3A_906 : vector<4x512x128xf32>
    %sub3A_908 = vector.broadcast %concatenate3A_900 : vector<4x1x1xf32> to vector<4x512x128xf32>
    %sub3A_909 = arith.subf %get3A_10, %sub3A_908 : vector<4x512x128xf32>
    %sub3A_910 = vector.broadcast %concatenate3A_905 : vector<4x1x1xf32> to vector<4x512x128xf32>
    %sub3A_911 = arith.subf %get3A_16, %sub3A_910 : vector<4x512x128xf32>
    %mul3A_912 = arith.mulf %sub3A_907, %sub3A_907 : vector<4x512x128xf32>
    %mul3A_913 = arith.mulf %sub3A_909, %sub3A_909 : vector<4x512x128xf32>
    %add3A_914 = arith.addf %mul3A_912, %mul3A_913 : vector<4x512x128xf32>
    %mul3A_915 = arith.mulf %sub3A_911, %sub3A_911 : vector<4x512x128xf32>
    %add3A_916 = arith.addf %add3A_914, %mul3A_915 : vector<4x512x128xf32>
    %min3A_917 = arith.minimumf %min3A_598, %add3A_916 : vector<4x512x128xf32>
    %reduce_max3A_918 = arith.constant dense<0xFF800000> : vector<4xf32>
    %reduce_max3A_919 = vector.multi_reduction <maximumf>, %min3A_917, %reduce_max3A_918 [1, 2] : vector<4x512x128xf32> to vector<4xf32>
    %broadcast_in_dim3A_920 = vector.shape_cast %reduce_max3A_919 : vector<4xf32> to vector<4x1x1xf32>
    %eq3A_921 = vector.broadcast %broadcast_in_dim3A_920 : vector<4x1x1xf32> to vector<4x512x128xf32>
    %eq3A_922 = arith.cmpf oeq, %min3A_917, %eq3A_921 : vector<4x512x128xf32>
    %jit3A_923 = arith.constant 2147483647 : i32
    %broadcast_in_dim3A_924 = vector.shape_cast %add3A : vector<512x128xi32> to vector<1x512x128xi32>
    %broadcast_in_dim3A_925 = vector.broadcast %broadcast_in_dim3A_924 : vector<1x512x128xi32> to vector<4x512x128xi32>
    %broadcast_in_dim3A_926 = vector.broadcast %jit3A_923 : i32 to vector<4x512x128xi32>
    %select_n3A_927 = arith.select %eq3A_922, %broadcast_in_dim3A_925, %broadcast_in_dim3A_926 : vector<4x512x128xi1>, vector<4x512x128xi32>
    %reduce_min3A_928 = arith.constant dense<2147483647> : vector<4xi32>
    %reduce_min3A_929 = vector.multi_reduction <minsi>, %select_n3A_927, %reduce_min3A_928 [1, 2] : vector<4x512x128xi32> to vector<4xi32>
    %slice3A_930 = vector.extract_strided_slice %reduce_min3A_929 {offsets = [0], sizes = [1], strides = [1]} : vector<4xi32> to vector<1xi32>
    %reshape3A_931 = vector.shape_cast %slice3A_930 : vector<1xi32> to vector<1x1xi32>
    %swap3A_932 = arith.constant 0 : index
    %swap3A_933 = arith.constant 3 : index
    %swap3A_934 = vector.load %arg1[%swap3A_932, %swap3A_933] : memref<1x64xi32, #tpu.memory_space<vmem>>, vector<1x1xi32>
    tpu.vector_store %arg1[%swap3A_932, %swap3A_933], %reshape3A_931 {strides = array<i32>} : memref<1x64xi32, #tpu.memory_space<vmem>>, vector<1x1xi32>,
    %slice3A_935 = vector.extract_strided_slice %reduce_min3A_929 {offsets = [0], sizes = [1], strides = [1]} : vector<4xi32> to vector<1xi32>
    %reduce_max3A_936 = vector.shape_cast %slice3A_935 : vector<1xi32> to vector<1x1xi32>
    %reduce_max3A_937 = arith.constant dense<-2147483648> : vector<1xi32>
    %reduce_max3A_938 = vector.multi_reduction <maxsi>, %reduce_max3A_936, %reduce_max3A_937 [1] : vector<1x1xi32> to vector<1xi32>
    %reduce_max3A_939 = vector.shape_cast %reduce_max3A_938 : vector<1xi32> to vector<1x1xi32>
    %reduce_max3A_940 = vector.extract %reduce_max3A_939[0, 0] : i32 from vector<1x1xi32>
    %slice3A_941 = vector.extract_strided_slice %reduce_min3A_929 {offsets = [1], sizes = [1], strides = [1]} : vector<4xi32> to vector<1xi32>
    %reshape3A_942 = vector.shape_cast %slice3A_941 : vector<1xi32> to vector<1x1xi32>
    %swap3A_943 = arith.constant 0 : index
    %swap3A_944 = arith.constant 19 : index
    %swap3A_945 = vector.load %arg1[%swap3A_943, %swap3A_944] : memref<1x64xi32, #tpu.memory_space<vmem>>, vector<1x1xi32>
    tpu.vector_store %arg1[%swap3A_943, %swap3A_944], %reshape3A_942 {strides = array<i32>} : memref<1x64xi32, #tpu.memory_space<vmem>>, vector<1x1xi32>,
    %slice3A_946 = vector.extract_strided_slice %reduce_min3A_929 {offsets = [1], sizes = [1], strides = [1]} : vector<4xi32> to vector<1xi32>
    %reduce_max3A_947 = vector.shape_cast %slice3A_946 : vector<1xi32> to vector<1x1xi32>
    %reduce_max3A_948 = arith.constant dense<-2147483648> : vector<1xi32>
    %reduce_max3A_949 = vector.multi_reduction <maxsi>, %reduce_max3A_947, %reduce_max3A_948 [1] : vector<1x1xi32> to vector<1xi32>
    %reduce_max3A_950 = vector.shape_cast %reduce_max3A_949 : vector<1xi32> to vector<1x1xi32>
    %reduce_max3A_951 = vector.extract %reduce_max3A_950[0, 0] : i32 from vector<1x1xi32>
    %slice3A_952 = vector.extract_strided_slice %reduce_min3A_929 {offsets = [2], sizes = [1], strides = [1]} : vector<4xi32> to vector<1xi32>
    %reshape3A_953 = vector.shape_cast %slice3A_952 : vector<1xi32> to vector<1x1xi32>
    %swap3A_954 = arith.constant 0 : index
    %swap3A_955 = arith.constant 35 : index
    %swap3A_956 = vector.load %arg1[%swap3A_954, %swap3A_955] : memref<1x64xi32, #tpu.memory_space<vmem>>, vector<1x1xi32>
    tpu.vector_store %arg1[%swap3A_954, %swap3A_955], %reshape3A_953 {strides = array<i32>} : memref<1x64xi32, #tpu.memory_space<vmem>>, vector<1x1xi32>,
    %slice3A_957 = vector.extract_strided_slice %reduce_min3A_929 {offsets = [2], sizes = [1], strides = [1]} : vector<4xi32> to vector<1xi32>
    %reduce_max3A_958 = vector.shape_cast %slice3A_957 : vector<1xi32> to vector<1x1xi32>
    %reduce_max3A_959 = arith.constant dense<-2147483648> : vector<1xi32>
    %reduce_max3A_960 = vector.multi_reduction <maxsi>, %reduce_max3A_958, %reduce_max3A_959 [1] : vector<1x1xi32> to vector<1xi32>
    %reduce_max3A_961 = vector.shape_cast %reduce_max3A_960 : vector<1xi32> to vector<1x1xi32>
    %reduce_max3A_962 = vector.extract %reduce_max3A_961[0, 0] : i32 from vector<1x1xi32>
    %slice3A_963 = vector.extract_strided_slice %reduce_min3A_929 {offsets = [3], sizes = [1], strides = [1]} : vector<4xi32> to vector<1xi32>
    %reshape3A_964 = vector.shape_cast %slice3A_963 : vector<1xi32> to vector<1x1xi32>
    %swap3A_965 = arith.constant 0 : index
    %swap3A_966 = arith.constant 51 : index
    %swap3A_967 = vector.load %arg1[%swap3A_965, %swap3A_966] : memref<1x64xi32, #tpu.memory_space<vmem>>, vector<1x1xi32>
    tpu.vector_store %arg1[%swap3A_965, %swap3A_966], %reshape3A_964 {strides = array<i32>} : memref<1x64xi32, #tpu.memory_space<vmem>>, vector<1x1xi32>,
    %slice3A_968 = vector.extract_strided_slice %reduce_min3A_929 {offsets = [3], sizes = [1], strides = [1]} : vector<4xi32> to vector<1xi32>
    %reduce_max3A_969 = vector.shape_cast %slice3A_968 : vector<1xi32> to vector<1x1xi32>
    %reduce_max3A_970 = arith.constant dense<-2147483648> : vector<1xi32>
    %reduce_max3A_971 = vector.multi_reduction <maxsi>, %reduce_max3A_969, %reduce_max3A_970 [1] : vector<1x1xi32> to vector<1xi32>
    %reduce_max3A_972 = vector.shape_cast %reduce_max3A_971 : vector<1xi32> to vector<1x1xi32>
    %reduce_max3A_973 = vector.extract %reduce_max3A_972[0, 0] : i32 from vector<1x1xi32>
    %jit3A_974 = arith.constant 128 : i32
    %div3A_975 = arith.divsi %reduce_max3A_940, %jit3A_974 : i32
    %sign3A_976 = arith.constant 0 : i32
    %sign3A_977 = arith.cmpi sgt, %reduce_max3A_940, %sign3A_976 : i32
    %sign3A_978 = arith.extui %sign3A_977 : i1 to i32
    %sign3A_979 = arith.constant 0 : i32
    %sign3A_980 = arith.cmpi slt, %reduce_max3A_940, %sign3A_979 : i32
    %sign3A_981 = arith.extui %sign3A_980 : i1 to i32
    %sign3A_982 = arith.subi %sign3A_978, %sign3A_981 : i32
    %sign3A_983 = arith.constant 0 : i32
    %sign3A_984 = arith.cmpi sgt, %jit3A_974, %sign3A_983 : i32
    %sign3A_985 = arith.extui %sign3A_984 : i1 to i32
    %sign3A_986 = arith.constant 0 : i32
    %sign3A_987 = arith.cmpi slt, %jit3A_974, %sign3A_986 : i32
    %sign3A_988 = arith.extui %sign3A_987 : i1 to i32
    %sign3A_989 = arith.subi %sign3A_985, %sign3A_988 : i32
    %ne3A_990 = arith.cmpi ne, %sign3A_982, %sign3A_989 : i32
    %rem3A_991 = arith.remsi %reduce_max3A_940, %jit3A_974 : i32
    %ne3A_992 = arith.constant 0 : i32
    %ne3A_993 = arith.cmpi ne, %rem3A_991, %ne3A_992 : i32
    %and3A_994 = arith.andi %ne3A_990, %ne3A_993 : i1
    %sub3A_995 = arith.constant 1 : i32
    %sub3A_996 = arith.subi %div3A_975, %sub3A_995 : i32
    %select_n3A_997 = arith.select %and3A_994, %sub3A_996, %div3A_975 : i32
    %jit3A_998 = arith.constant 128 : i32
    %eq3A_999 = arith.constant 0 : i32
    %eq3A_1000 = arith.cmpi eq, %jit3A_998, %eq3A_999 : i32
    %jit3A_1001 = arith.constant 1 : i32
    %select_n3A_1002 = arith.select %eq3A_1000, %jit3A_1001, %jit3A_998 : i32
    %rem3A_1003 = arith.remsi %reduce_max3A_940, %select_n3A_1002 : i32
    %ne3A_1004 = arith.constant 0 : i32
    %ne3A_1005 = arith.cmpi ne, %rem3A_1003, %ne3A_1004 : i32
    %lt3A_1006 = arith.constant 0 : i32
    %lt3A_1007 = arith.cmpi slt, %rem3A_1003, %lt3A_1006 : i32
    %lt3A_1008 = arith.constant 0 : i32
    %lt3A_1009 = arith.cmpi slt, %select_n3A_1002, %lt3A_1008 : i32
    %ne3A_1010 = arith.xori %lt3A_1007, %lt3A_1009 : i1
    %and3A_1011 = arith.andi %ne3A_1010, %ne3A_1005 : i1
    %add3A_1012 = arith.addi %rem3A_1003, %select_n3A_1002 : i32
    %select_n3A_1013 = arith.select %and3A_1011, %add3A_1012, %rem3A_1003 : i32
    %get3A_1014 = arith.constant 0 : index
    %get3A_1015 = arith.constant 0 : index
    %get3A_1016 = arith.index_cast %select_n3A_997 : i32 to index
    %get3A_1017 = arith.constant 0 : index
    %get3A_1018 = vector.load %arg0[%get3A_1014, %get3A_1015, %get3A_1016, %get3A_1017] : memref<4x3x512x128xf32, #tpu.memory_space<vmem>>, vector<1x3x1x128xf32>
    %get3A_1019 = vector.shape_cast %get3A_1018 : vector<1x3x1x128xf32> to vector<3x1x128xf32>
    %eq3A_1020 = vector.broadcast %select_n3A_1013 : i32 to vector<3x1x128xi32>
    %eq3A_1021 = arith.cmpi eq, %iota3A_20, %eq3A_1020 : vector<3x1x128xi32>
    %jit3A_1022 = arith.constant 0.000000e+00 : f32
    %broadcast_in_dim3A_1023 = vector.broadcast %jit3A_1022 : f32 to vector<3x1x128xf32>
    %select_n3A_1024 = arith.select %eq3A_1021, %get3A_1019, %broadcast_in_dim3A_1023 : vector<3x1x128xi1>, vector<3x1x128xf32>
    %reduce_sum3A_1025 = arith.constant dense<0.000000e+00> : vector<3x1xf32>
    %reduce_sum3A_1026 = vector.multi_reduction <add>, %select_n3A_1024, %reduce_sum3A_1025 [2] : vector<3x1x128xf32> to vector<3x1xf32>
    %broadcast_in_dim3A_1027 = vector.shape_cast %reduce_sum3A_1026 : vector<3x1xf32> to vector<3x1x1xf32>
    %jit3A_1028 = arith.constant 128 : i32
    %div3A_1029 = arith.divsi %reduce_max3A_951, %jit3A_1028 : i32
    %sign3A_1030 = arith.constant 0 : i32
    %sign3A_1031 = arith.cmpi sgt, %reduce_max3A_951, %sign3A_1030 : i32
    %sign3A_1032 = arith.extui %sign3A_1031 : i1 to i32
    %sign3A_1033 = arith.constant 0 : i32
    %sign3A_1034 = arith.cmpi slt, %reduce_max3A_951, %sign3A_1033 : i32
    %sign3A_1035 = arith.extui %sign3A_1034 : i1 to i32
    %sign3A_1036 = arith.subi %sign3A_1032, %sign3A_1035 : i32
    %sign3A_1037 = arith.constant 0 : i32
    %sign3A_1038 = arith.cmpi sgt, %jit3A_1028, %sign3A_1037 : i32
    %sign3A_1039 = arith.extui %sign3A_1038 : i1 to i32
    %sign3A_1040 = arith.constant 0 : i32
    %sign3A_1041 = arith.cmpi slt, %jit3A_1028, %sign3A_1040 : i32
    %sign3A_1042 = arith.extui %sign3A_1041 : i1 to i32
    %sign3A_1043 = arith.subi %sign3A_1039, %sign3A_1042 : i32
    %ne3A_1044 = arith.cmpi ne, %sign3A_1036, %sign3A_1043 : i32
    %rem3A_1045 = arith.remsi %reduce_max3A_951, %jit3A_1028 : i32
    %ne3A_1046 = arith.constant 0 : i32
    %ne3A_1047 = arith.cmpi ne, %rem3A_1045, %ne3A_1046 : i32
    %and3A_1048 = arith.andi %ne3A_1044, %ne3A_1047 : i1
    %sub3A_1049 = arith.constant 1 : i32
    %sub3A_1050 = arith.subi %div3A_1029, %sub3A_1049 : i32
    %select_n3A_1051 = arith.select %and3A_1048, %sub3A_1050, %div3A_1029 : i32
    %jit3A_1052 = arith.constant 128 : i32
    %eq3A_1053 = arith.constant 0 : i32
    %eq3A_1054 = arith.cmpi eq, %jit3A_1052, %eq3A_1053 : i32
    %jit3A_1055 = arith.constant 1 : i32
    %select_n3A_1056 = arith.select %eq3A_1054, %jit3A_1055, %jit3A_1052 : i32
    %rem3A_1057 = arith.remsi %reduce_max3A_951, %select_n3A_1056 : i32
    %ne3A_1058 = arith.constant 0 : i32
    %ne3A_1059 = arith.cmpi ne, %rem3A_1057, %ne3A_1058 : i32
    %lt3A_1060 = arith.constant 0 : i32
    %lt3A_1061 = arith.cmpi slt, %rem3A_1057, %lt3A_1060 : i32
    %lt3A_1062 = arith.constant 0 : i32
    %lt3A_1063 = arith.cmpi slt, %select_n3A_1056, %lt3A_1062 : i32
    %ne3A_1064 = arith.xori %lt3A_1061, %lt3A_1063 : i1
    %and3A_1065 = arith.andi %ne3A_1064, %ne3A_1059 : i1
    %add3A_1066 = arith.addi %rem3A_1057, %select_n3A_1056 : i32
    %select_n3A_1067 = arith.select %and3A_1065, %add3A_1066, %rem3A_1057 : i32
    %get3A_1068 = arith.constant 1 : index
    %get3A_1069 = arith.constant 0 : index
    %get3A_1070 = arith.index_cast %select_n3A_1051 : i32 to index
    %get3A_1071 = arith.constant 0 : index
    %get3A_1072 = vector.load %arg0[%get3A_1068, %get3A_1069, %get3A_1070, %get3A_1071] : memref<4x3x512x128xf32, #tpu.memory_space<vmem>>, vector<1x3x1x128xf32>
    %get3A_1073 = vector.shape_cast %get3A_1072 : vector<1x3x1x128xf32> to vector<3x1x128xf32>
    %eq3A_1074 = vector.broadcast %select_n3A_1067 : i32 to vector<3x1x128xi32>
    %eq3A_1075 = arith.cmpi eq, %iota3A_20, %eq3A_1074 : vector<3x1x128xi32>
    %jit3A_1076 = arith.constant 0.000000e+00 : f32
    %broadcast_in_dim3A_1077 = vector.broadcast %jit3A_1076 : f32 to vector<3x1x128xf32>
    %select_n3A_1078 = arith.select %eq3A_1075, %get3A_1073, %broadcast_in_dim3A_1077 : vector<3x1x128xi1>, vector<3x1x128xf32>
    %reduce_sum3A_1079 = arith.constant dense<0.000000e+00> : vector<3x1xf32>
    %reduce_sum3A_1080 = vector.multi_reduction <add>, %select_n3A_1078, %reduce_sum3A_1079 [2] : vector<3x1x128xf32> to vector<3x1xf32>
    %broadcast_in_dim3A_1081 = vector.shape_cast %reduce_sum3A_1080 : vector<3x1xf32> to vector<3x1x1xf32>
    %jit3A_1082 = arith.constant 128 : i32
    %div3A_1083 = arith.divsi %reduce_max3A_962, %jit3A_1082 : i32
    %sign3A_1084 = arith.constant 0 : i32
    %sign3A_1085 = arith.cmpi sgt, %reduce_max3A_962, %sign3A_1084 : i32
    %sign3A_1086 = arith.extui %sign3A_1085 : i1 to i32
    %sign3A_1087 = arith.constant 0 : i32
    %sign3A_1088 = arith.cmpi slt, %reduce_max3A_962, %sign3A_1087 : i32
    %sign3A_1089 = arith.extui %sign3A_1088 : i1 to i32
    %sign3A_1090 = arith.subi %sign3A_1086, %sign3A_1089 : i32
    %sign3A_1091 = arith.constant 0 : i32
    %sign3A_1092 = arith.cmpi sgt, %jit3A_1082, %sign3A_1091 : i32
    %sign3A_1093 = arith.extui %sign3A_1092 : i1 to i32
    %sign3A_1094 = arith.constant 0 : i32
    %sign3A_1095 = arith.cmpi slt, %jit3A_1082, %sign3A_1094 : i32
    %sign3A_1096 = arith.extui %sign3A_1095 : i1 to i32
    %sign3A_1097 = arith.subi %sign3A_1093, %sign3A_1096 : i32
    %ne3A_1098 = arith.cmpi ne, %sign3A_1090, %sign3A_1097 : i32
    %rem3A_1099 = arith.remsi %reduce_max3A_962, %jit3A_1082 : i32
    %ne3A_1100 = arith.constant 0 : i32
    %ne3A_1101 = arith.cmpi ne, %rem3A_1099, %ne3A_1100 : i32
    %and3A_1102 = arith.andi %ne3A_1098, %ne3A_1101 : i1
    %sub3A_1103 = arith.constant 1 : i32
    %sub3A_1104 = arith.subi %div3A_1083, %sub3A_1103 : i32
    %select_n3A_1105 = arith.select %and3A_1102, %sub3A_1104, %div3A_1083 : i32
    %jit3A_1106 = arith.constant 128 : i32
    %eq3A_1107 = arith.constant 0 : i32
    %eq3A_1108 = arith.cmpi eq, %jit3A_1106, %eq3A_1107 : i32
    %jit3A_1109 = arith.constant 1 : i32
    %select_n3A_1110 = arith.select %eq3A_1108, %jit3A_1109, %jit3A_1106 : i32
    %rem3A_1111 = arith.remsi %reduce_max3A_962, %select_n3A_1110 : i32
    %ne3A_1112 = arith.constant 0 : i32
    %ne3A_1113 = arith.cmpi ne, %rem3A_1111, %ne3A_1112 : i32
    %lt3A_1114 = arith.constant 0 : i32
    %lt3A_1115 = arith.cmpi slt, %rem3A_1111, %lt3A_1114 : i32
    %lt3A_1116 = arith.constant 0 : i32
    %lt3A_1117 = arith.cmpi slt, %select_n3A_1110, %lt3A_1116 : i32
    %ne3A_1118 = arith.xori %lt3A_1115, %lt3A_1117 : i1
    %and3A_1119 = arith.andi %ne3A_1118, %ne3A_1113 : i1
    %add3A_1120 = arith.addi %rem3A_1111, %select_n3A_1110 : i32
    %select_n3A_1121 = arith.select %and3A_1119, %add3A_1120, %rem3A_1111 : i32
    %get3A_1122 = arith.constant 2 : index
    %get3A_1123 = arith.constant 0 : index
    %get3A_1124 = arith.index_cast %select_n3A_1105 : i32 to index
    %get3A_1125 = arith.constant 0 : index
    %get3A_1126 = vector.load %arg0[%get3A_1122, %get3A_1123, %get3A_1124, %get3A_1125] : memref<4x3x512x128xf32, #tpu.memory_space<vmem>>, vector<1x3x1x128xf32>
    %get3A_1127 = vector.shape_cast %get3A_1126 : vector<1x3x1x128xf32> to vector<3x1x128xf32>
    %eq3A_1128 = vector.broadcast %select_n3A_1121 : i32 to vector<3x1x128xi32>
    %eq3A_1129 = arith.cmpi eq, %iota3A_20, %eq3A_1128 : vector<3x1x128xi32>
    %jit3A_1130 = arith.constant 0.000000e+00 : f32
    %broadcast_in_dim3A_1131 = vector.broadcast %jit3A_1130 : f32 to vector<3x1x128xf32>
    %select_n3A_1132 = arith.select %eq3A_1129, %get3A_1127, %broadcast_in_dim3A_1131 : vector<3x1x128xi1>, vector<3x1x128xf32>
    %reduce_sum3A_1133 = arith.constant dense<0.000000e+00> : vector<3x1xf32>
    %reduce_sum3A_1134 = vector.multi_reduction <add>, %select_n3A_1132, %reduce_sum3A_1133 [2] : vector<3x1x128xf32> to vector<3x1xf32>
    %broadcast_in_dim3A_1135 = vector.shape_cast %reduce_sum3A_1134 : vector<3x1xf32> to vector<3x1x1xf32>
    %jit3A_1136 = arith.constant 128 : i32
    %div3A_1137 = arith.divsi %reduce_max3A_973, %jit3A_1136 : i32
    %sign3A_1138 = arith.constant 0 : i32
    %sign3A_1139 = arith.cmpi sgt, %reduce_max3A_973, %sign3A_1138 : i32
    %sign3A_1140 = arith.extui %sign3A_1139 : i1 to i32
    %sign3A_1141 = arith.constant 0 : i32
    %sign3A_1142 = arith.cmpi slt, %reduce_max3A_973, %sign3A_1141 : i32
    %sign3A_1143 = arith.extui %sign3A_1142 : i1 to i32
    %sign3A_1144 = arith.subi %sign3A_1140, %sign3A_1143 : i32
    %sign3A_1145 = arith.constant 0 : i32
    %sign3A_1146 = arith.cmpi sgt, %jit3A_1136, %sign3A_1145 : i32
    %sign3A_1147 = arith.extui %sign3A_1146 : i1 to i32
    %sign3A_1148 = arith.constant 0 : i32
    %sign3A_1149 = arith.cmpi slt, %jit3A_1136, %sign3A_1148 : i32
    %sign3A_1150 = arith.extui %sign3A_1149 : i1 to i32
    %sign3A_1151 = arith.subi %sign3A_1147, %sign3A_1150 : i32
    %ne3A_1152 = arith.cmpi ne, %sign3A_1144, %sign3A_1151 : i32
    %rem3A_1153 = arith.remsi %reduce_max3A_973, %jit3A_1136 : i32
    %ne3A_1154 = arith.constant 0 : i32
    %ne3A_1155 = arith.cmpi ne, %rem3A_1153, %ne3A_1154 : i32
    %and3A_1156 = arith.andi %ne3A_1152, %ne3A_1155 : i1
    %sub3A_1157 = arith.constant 1 : i32
    %sub3A_1158 = arith.subi %div3A_1137, %sub3A_1157 : i32
    %select_n3A_1159 = arith.select %and3A_1156, %sub3A_1158, %div3A_1137 : i32
    %jit3A_1160 = arith.constant 128 : i32
    %eq3A_1161 = arith.constant 0 : i32
    %eq3A_1162 = arith.cmpi eq, %jit3A_1160, %eq3A_1161 : i32
    %jit3A_1163 = arith.constant 1 : i32
    %select_n3A_1164 = arith.select %eq3A_1162, %jit3A_1163, %jit3A_1160 : i32
    %rem3A_1165 = arith.remsi %reduce_max3A_973, %select_n3A_1164 : i32
    %ne3A_1166 = arith.constant 0 : i32
    %ne3A_1167 = arith.cmpi ne, %rem3A_1165, %ne3A_1166 : i32
    %lt3A_1168 = arith.constant 0 : i32
    %lt3A_1169 = arith.cmpi slt, %rem3A_1165, %lt3A_1168 : i32
    %lt3A_1170 = arith.constant 0 : i32
    %lt3A_1171 = arith.cmpi slt, %select_n3A_1164, %lt3A_1170 : i32
    %ne3A_1172 = arith.xori %lt3A_1169, %lt3A_1171 : i1
    %and3A_1173 = arith.andi %ne3A_1172, %ne3A_1167 : i1
    %add3A_1174 = arith.addi %rem3A_1165, %select_n3A_1164 : i32
    %select_n3A_1175 = arith.select %and3A_1173, %add3A_1174, %rem3A_1165 : i32
    %get3A_1176 = arith.constant 3 : index
    %get3A_1177 = arith.constant 0 : index
    %get3A_1178 = arith.index_cast %select_n3A_1159 : i32 to index
    %get3A_1179 = arith.constant 0 : index
    %get3A_1180 = vector.load %arg0[%get3A_1176, %get3A_1177, %get3A_1178, %get3A_1179] : memref<4x3x512x128xf32, #tpu.memory_space<vmem>>, vector<1x3x1x128xf32>
    %get3A_1181 = vector.shape_cast %get3A_1180 : vector<1x3x1x128xf32> to vector<3x1x128xf32>
    %eq3A_1182 = vector.broadcast %select_n3A_1175 : i32 to vector<3x1x128xi32>
    %eq3A_1183 = arith.cmpi eq, %iota3A_20, %eq3A_1182 : vector<3x1x128xi32>
    %jit3A_1184 = arith.constant 0.000000e+00 : f32
    %broadcast_in_dim3A_1185 = vector.broadcast %jit3A_1184 : f32 to vector<3x1x128xf32>
    %select_n3A_1186 = arith.select %eq3A_1183, %get3A_1181, %broadcast_in_dim3A_1185 : vector<3x1x128xi1>, vector<3x1x128xf32>
    %reduce_sum3A_1187 = arith.constant dense<0.000000e+00> : vector<3x1xf32>
    %reduce_sum3A_1188 = vector.multi_reduction <add>, %select_n3A_1186, %reduce_sum3A_1187 [2] : vector<3x1x128xf32> to vector<3x1xf32>
    %broadcast_in_dim3A_1189 = vector.shape_cast %reduce_sum3A_1188 : vector<3x1xf32> to vector<3x1x1xf32>
    %reshape3A_1190 = vector.shape_cast %broadcast_in_dim3A_1027 : vector<3x1x1xf32> to vector<1x1x3xf32>
    %swap3A_1191 = arith.constant 0 : index
    %swap3A_1192 = arith.constant 3 : index
    %swap3A_1193 = arith.constant 0 : index
    %swap3A_1194 = vector.load %arg2[%swap3A_1191, %swap3A_1192, %swap3A_1193] : memref<4x16x3xf32, #tpu.memory_space<vmem>>, vector<1x1x3xf32>
    tpu.vector_store %arg2[%swap3A_1191, %swap3A_1192, %swap3A_1193], %reshape3A_1190 {strides = array<i32>} : memref<4x16x3xf32, #tpu.memory_space<vmem>>, vector<1x1x3xf32>,
    %reshape3A_1195 = vector.shape_cast %broadcast_in_dim3A_1081 : vector<3x1x1xf32> to vector<1x1x3xf32>
    %swap3A_1196 = arith.constant 1 : index
    %swap3A_1197 = arith.constant 3 : index
    %swap3A_1198 = arith.constant 0 : index
    %swap3A_1199 = vector.load %arg2[%swap3A_1196, %swap3A_1197, %swap3A_1198] : memref<4x16x3xf32, #tpu.memory_space<vmem>>, vector<1x1x3xf32>
    tpu.vector_store %arg2[%swap3A_1196, %swap3A_1197, %swap3A_1198], %reshape3A_1195 {strides = array<i32>} : memref<4x16x3xf32, #tpu.memory_space<vmem>>, vector<1x1x3xf32>,
    %reshape3A_1200 = vector.shape_cast %broadcast_in_dim3A_1135 : vector<3x1x1xf32> to vector<1x1x3xf32>
    %swap3A_1201 = arith.constant 2 : index
    %swap3A_1202 = arith.constant 3 : index
    %swap3A_1203 = arith.constant 0 : index
    %swap3A_1204 = vector.load %arg2[%swap3A_1201, %swap3A_1202, %swap3A_1203] : memref<4x16x3xf32, #tpu.memory_space<vmem>>, vector<1x1x3xf32>
    tpu.vector_store %arg2[%swap3A_1201, %swap3A_1202, %swap3A_1203], %reshape3A_1200 {strides = array<i32>} : memref<4x16x3xf32, #tpu.memory_space<vmem>>, vector<1x1x3xf32>,
    %reshape3A_1205 = vector.shape_cast %broadcast_in_dim3A_1189 : vector<3x1x1xf32> to vector<1x1x3xf32>
    %swap3A_1206 = arith.constant 3 : index
    %swap3A_1207 = arith.constant 3 : index
    %swap3A_1208 = arith.constant 0 : index
    %swap3A_1209 = vector.load %arg2[%swap3A_1206, %swap3A_1207, %swap3A_1208] : memref<4x16x3xf32, #tpu.memory_space<vmem>>, vector<1x1x3xf32>
    tpu.vector_store %arg2[%swap3A_1206, %swap3A_1207, %swap3A_1208], %reshape3A_1205 {strides = array<i32>} : memref<4x16x3xf32, #tpu.memory_space<vmem>>, vector<1x1x3xf32>,
    %slice3A_1210 = vector.extract_strided_slice %broadcast_in_dim3A_1027 {offsets = [0, 0, 0], sizes = [1, 1, 1], strides = [1, 1, 1]} : vector<3x1x1xf32> to vector<1x1x1xf32>
    %slice3A_1211 = vector.extract_strided_slice %broadcast_in_dim3A_1081 {offsets = [0, 0, 0], sizes = [1, 1, 1], strides = [1, 1, 1]} : vector<3x1x1xf32> to vector<1x1x1xf32>
    %slice3A_1212 = vector.extract_strided_slice %broadcast_in_dim3A_1135 {offsets = [0, 0, 0], sizes = [1, 1, 1], strides = [1, 1, 1]} : vector<3x1x1xf32> to vector<1x1x1xf32>
    %slice3A_1213 = vector.extract_strided_slice %broadcast_in_dim3A_1189 {offsets = [0, 0, 0], sizes = [1, 1, 1], strides = [1, 1, 1]} : vector<3x1x1xf32> to vector<1x1x1xf32>
    %concatenate3A_1214 = tpu.concatenate %slice3A_1210, %slice3A_1211, %slice3A_1212, %slice3A_1213 in 0 : vector<1x1x1xf32>, vector<1x1x1xf32>, vector<1x1x1xf32>, vector<1x1x1xf32> -> vector<4x1x1xf32>
    %slice3A_1215 = vector.extract_strided_slice %broadcast_in_dim3A_1027 {offsets = [1, 0, 0], sizes = [1, 1, 1], strides = [1, 1, 1]} : vector<3x1x1xf32> to vector<1x1x1xf32>
    %slice3A_1216 = vector.extract_strided_slice %broadcast_in_dim3A_1081 {offsets = [1, 0, 0], sizes = [1, 1, 1], strides = [1, 1, 1]} : vector<3x1x1xf32> to vector<1x1x1xf32>
    %slice3A_1217 = vector.extract_strided_slice %broadcast_in_dim3A_1135 {offsets = [1, 0, 0], sizes = [1, 1, 1], strides = [1, 1, 1]} : vector<3x1x1xf32> to vector<1x1x1xf32>
    %slice3A_1218 = vector.extract_strided_slice %broadcast_in_dim3A_1189 {offsets = [1, 0, 0], sizes = [1, 1, 1], strides = [1, 1, 1]} : vector<3x1x1xf32> to vector<1x1x1xf32>
    %concatenate3A_1219 = tpu.concatenate %slice3A_1215, %slice3A_1216, %slice3A_1217, %slice3A_1218 in 0 : vector<1x1x1xf32>, vector<1x1x1xf32>, vector<1x1x1xf32>, vector<1x1x1xf32> -> vector<4x1x1xf32>
    %slice3A_1220 = vector.extract_strided_slice %broadcast_in_dim3A_1027 {offsets = [2, 0, 0], sizes = [1, 1, 1], strides = [1, 1, 1]} : vector<3x1x1xf32> to vector<1x1x1xf32>
    %slice3A_1221 = vector.extract_strided_slice %broadcast_in_dim3A_1081 {offsets = [2, 0, 0], sizes = [1, 1, 1], strides = [1, 1, 1]} : vector<3x1x1xf32> to vector<1x1x1xf32>
    %slice3A_1222 = vector.extract_strided_slice %broadcast_in_dim3A_1135 {offsets = [2, 0, 0], sizes = [1, 1, 1], strides = [1, 1, 1]} : vector<3x1x1xf32> to vector<1x1x1xf32>
    %slice3A_1223 = vector.extract_strided_slice %broadcast_in_dim3A_1189 {offsets = [2, 0, 0], sizes = [1, 1, 1], strides = [1, 1, 1]} : vector<3x1x1xf32> to vector<1x1x1xf32>
    %concatenate3A_1224 = tpu.concatenate %slice3A_1220, %slice3A_1221, %slice3A_1222, %slice3A_1223 in 0 : vector<1x1x1xf32>, vector<1x1x1xf32>, vector<1x1x1xf32>, vector<1x1x1xf32> -> vector<4x1x1xf32>
    %sub3A_1225 = vector.broadcast %concatenate3A_1214 : vector<4x1x1xf32> to vector<4x512x128xf32>
    %sub3A_1226 = arith.subf %get3A_4, %sub3A_1225 : vector<4x512x128xf32>
    %sub3A_1227 = vector.broadcast %concatenate3A_1219 : vector<4x1x1xf32> to vector<4x512x128xf32>
    %sub3A_1228 = arith.subf %get3A_10, %sub3A_1227 : vector<4x512x128xf32>
    %sub3A_1229 = vector.broadcast %concatenate3A_1224 : vector<4x1x1xf32> to vector<4x512x128xf32>
    %sub3A_1230 = arith.subf %get3A_16, %sub3A_1229 : vector<4x512x128xf32>
    %mul3A_1231 = arith.mulf %sub3A_1226, %sub3A_1226 : vector<4x512x128xf32>
    %mul3A_1232 = arith.mulf %sub3A_1228, %sub3A_1228 : vector<4x512x128xf32>
    %add3A_1233 = arith.addf %mul3A_1231, %mul3A_1232 : vector<4x512x128xf32>
    %mul3A_1234 = arith.mulf %sub3A_1230, %sub3A_1230 : vector<4x512x128xf32>
    %add3A_1235 = arith.addf %add3A_1233, %mul3A_1234 : vector<4x512x128xf32>
    %min3A_1236 = arith.minimumf %min3A_917, %add3A_1235 : vector<4x512x128xf32>
    %reduce_max3A_1237 = arith.constant dense<0xFF800000> : vector<4xf32>
    %reduce_max3A_1238 = vector.multi_reduction <maximumf>, %min3A_1236, %reduce_max3A_1237 [1, 2] : vector<4x512x128xf32> to vector<4xf32>
    %broadcast_in_dim3A_1239 = vector.shape_cast %reduce_max3A_1238 : vector<4xf32> to vector<4x1x1xf32>
    %eq3A_1240 = vector.broadcast %broadcast_in_dim3A_1239 : vector<4x1x1xf32> to vector<4x512x128xf32>
    %eq3A_1241 = arith.cmpf oeq, %min3A_1236, %eq3A_1240 : vector<4x512x128xf32>
    %jit3A_1242 = arith.constant 2147483647 : i32
    %broadcast_in_dim3A_1243 = vector.shape_cast %add3A : vector<512x128xi32> to vector<1x512x128xi32>
    %broadcast_in_dim3A_1244 = vector.broadcast %broadcast_in_dim3A_1243 : vector<1x512x128xi32> to vector<4x512x128xi32>
    %broadcast_in_dim3A_1245 = vector.broadcast %jit3A_1242 : i32 to vector<4x512x128xi32>
    %select_n3A_1246 = arith.select %eq3A_1241, %broadcast_in_dim3A_1244, %broadcast_in_dim3A_1245 : vector<4x512x128xi1>, vector<4x512x128xi32>
    %reduce_min3A_1247 = arith.constant dense<2147483647> : vector<4xi32>
    %reduce_min3A_1248 = vector.multi_reduction <minsi>, %select_n3A_1246, %reduce_min3A_1247 [1, 2] : vector<4x512x128xi32> to vector<4xi32>
    %slice3A_1249 = vector.extract_strided_slice %reduce_min3A_1248 {offsets = [0], sizes = [1], strides = [1]} : vector<4xi32> to vector<1xi32>
    %reshape3A_1250 = vector.shape_cast %slice3A_1249 : vector<1xi32> to vector<1x1xi32>
    %swap3A_1251 = arith.constant 0 : index
    %swap3A_1252 = arith.constant 4 : index
    %swap3A_1253 = vector.load %arg1[%swap3A_1251, %swap3A_1252] : memref<1x64xi32, #tpu.memory_space<vmem>>, vector<1x1xi32>
    tpu.vector_store %arg1[%swap3A_1251, %swap3A_1252], %reshape3A_1250 {strides = array<i32>} : memref<1x64xi32, #tpu.memory_space<vmem>>, vector<1x1xi32>,
    %slice3A_1254 = vector.extract_strided_slice %reduce_min3A_1248 {offsets = [0], sizes = [1], strides = [1]} : vector<4xi32> to vector<1xi32>
    %reduce_max3A_1255 = vector.shape_cast %slice3A_1254 : vector<1xi32> to vector<1x1xi32>
    %reduce_max3A_1256 = arith.constant dense<-2147483648> : vector<1xi32>
    %reduce_max3A_1257 = vector.multi_reduction <maxsi>, %reduce_max3A_1255, %reduce_max3A_1256 [1] : vector<1x1xi32> to vector<1xi32>
    %reduce_max3A_1258 = vector.shape_cast %reduce_max3A_1257 : vector<1xi32> to vector<1x1xi32>
    %reduce_max3A_1259 = vector.extract %reduce_max3A_1258[0, 0] : i32 from vector<1x1xi32>
    %slice3A_1260 = vector.extract_strided_slice %reduce_min3A_1248 {offsets = [1], sizes = [1], strides = [1]} : vector<4xi32> to vector<1xi32>
    %reshape3A_1261 = vector.shape_cast %slice3A_1260 : vector<1xi32> to vector<1x1xi32>
    %swap3A_1262 = arith.constant 0 : index
    %swap3A_1263 = arith.constant 20 : index
    %swap3A_1264 = vector.load %arg1[%swap3A_1262, %swap3A_1263] : memref<1x64xi32, #tpu.memory_space<vmem>>, vector<1x1xi32>
    tpu.vector_store %arg1[%swap3A_1262, %swap3A_1263], %reshape3A_1261 {strides = array<i32>} : memref<1x64xi32, #tpu.memory_space<vmem>>, vector<1x1xi32>,
    %slice3A_1265 = vector.extract_strided_slice %reduce_min3A_1248 {offsets = [1], sizes = [1], strides = [1]} : vector<4xi32> to vector<1xi32>
    %reduce_max3A_1266 = vector.shape_cast %slice3A_1265 : vector<1xi32> to vector<1x1xi32>
    %reduce_max3A_1267 = arith.constant dense<-2147483648> : vector<1xi32>
    %reduce_max3A_1268 = vector.multi_reduction <maxsi>, %reduce_max3A_1266, %reduce_max3A_1267 [1] : vector<1x1xi32> to vector<1xi32>
    %reduce_max3A_1269 = vector.shape_cast %reduce_max3A_1268 : vector<1xi32> to vector<1x1xi32>
    %reduce_max3A_1270 = vector.extract %reduce_max3A_1269[0, 0] : i32 from vector<1x1xi32>
    %slice3A_1271 = vector.extract_strided_slice %reduce_min3A_1248 {offsets = [2], sizes = [1], strides = [1]} : vector<4xi32> to vector<1xi32>
    %reshape3A_1272 = vector.shape_cast %slice3A_1271 : vector<1xi32> to vector<1x1xi32>
    %swap3A_1273 = arith.constant 0 : index
    %swap3A_1274 = arith.constant 36 : index
    %swap3A_1275 = vector.load %arg1[%swap3A_1273, %swap3A_1274] : memref<1x64xi32, #tpu.memory_space<vmem>>, vector<1x1xi32>
    tpu.vector_store %arg1[%swap3A_1273, %swap3A_1274], %reshape3A_1272 {strides = array<i32>} : memref<1x64xi32, #tpu.memory_space<vmem>>, vector<1x1xi32>,
    %slice3A_1276 = vector.extract_strided_slice %reduce_min3A_1248 {offsets = [2], sizes = [1], strides = [1]} : vector<4xi32> to vector<1xi32>
    %reduce_max3A_1277 = vector.shape_cast %slice3A_1276 : vector<1xi32> to vector<1x1xi32>
    %reduce_max3A_1278 = arith.constant dense<-2147483648> : vector<1xi32>
    %reduce_max3A_1279 = vector.multi_reduction <maxsi>, %reduce_max3A_1277, %reduce_max3A_1278 [1] : vector<1x1xi32> to vector<1xi32>
    %reduce_max3A_1280 = vector.shape_cast %reduce_max3A_1279 : vector<1xi32> to vector<1x1xi32>
    %reduce_max3A_1281 = vector.extract %reduce_max3A_1280[0, 0] : i32 from vector<1x1xi32>
    %slice3A_1282 = vector.extract_strided_slice %reduce_min3A_1248 {offsets = [3], sizes = [1], strides = [1]} : vector<4xi32> to vector<1xi32>
    %reshape3A_1283 = vector.shape_cast %slice3A_1282 : vector<1xi32> to vector<1x1xi32>
    %swap3A_1284 = arith.constant 0 : index
    %swap3A_1285 = arith.constant 52 : index
    %swap3A_1286 = vector.load %arg1[%swap3A_1284, %swap3A_1285] : memref<1x64xi32, #tpu.memory_space<vmem>>, vector<1x1xi32>
    tpu.vector_store %arg1[%swap3A_1284, %swap3A_1285], %reshape3A_1283 {strides = array<i32>} : memref<1x64xi32, #tpu.memory_space<vmem>>, vector<1x1xi32>,
    %slice3A_1287 = vector.extract_strided_slice %reduce_min3A_1248 {offsets = [3], sizes = [1], strides = [1]} : vector<4xi32> to vector<1xi32>
    %reduce_max3A_1288 = vector.shape_cast %slice3A_1287 : vector<1xi32> to vector<1x1xi32>
    %reduce_max3A_1289 = arith.constant dense<-2147483648> : vector<1xi32>
    %reduce_max3A_1290 = vector.multi_reduction <maxsi>, %reduce_max3A_1288, %reduce_max3A_1289 [1] : vector<1x1xi32> to vector<1xi32>
    %reduce_max3A_1291 = vector.shape_cast %reduce_max3A_1290 : vector<1xi32> to vector<1x1xi32>
    %reduce_max3A_1292 = vector.extract %reduce_max3A_1291[0, 0] : i32 from vector<1x1xi32>
    %jit3A_1293 = arith.constant 128 : i32
    %div3A_1294 = arith.divsi %reduce_max3A_1259, %jit3A_1293 : i32
    %sign3A_1295 = arith.constant 0 : i32
    %sign3A_1296 = arith.cmpi sgt, %reduce_max3A_1259, %sign3A_1295 : i32
    %sign3A_1297 = arith.extui %sign3A_1296 : i1 to i32
    %sign3A_1298 = arith.constant 0 : i32
    %sign3A_1299 = arith.cmpi slt, %reduce_max3A_1259, %sign3A_1298 : i32
    %sign3A_1300 = arith.extui %sign3A_1299 : i1 to i32
    %sign3A_1301 = arith.subi %sign3A_1297, %sign3A_1300 : i32
    %sign3A_1302 = arith.constant 0 : i32
    %sign3A_1303 = arith.cmpi sgt, %jit3A_1293, %sign3A_1302 : i32
    %sign3A_1304 = arith.extui %sign3A_1303 : i1 to i32
    %sign3A_1305 = arith.constant 0 : i32
    %sign3A_1306 = arith.cmpi slt, %jit3A_1293, %sign3A_1305 : i32
    %sign3A_1307 = arith.extui %sign3A_1306 : i1 to i32
    %sign3A_1308 = arith.subi %sign3A_1304, %sign3A_1307 : i32
    %ne3A_1309 = arith.cmpi ne, %sign3A_1301, %sign3A_1308 : i32
    %rem3A_1310 = arith.remsi %reduce_max3A_1259, %jit3A_1293 : i32
    %ne3A_1311 = arith.constant 0 : i32
    %ne3A_1312 = arith.cmpi ne, %rem3A_1310, %ne3A_1311 : i32
    %and3A_1313 = arith.andi %ne3A_1309, %ne3A_1312 : i1
    %sub3A_1314 = arith.constant 1 : i32
    %sub3A_1315 = arith.subi %div3A_1294, %sub3A_1314 : i32
    %select_n3A_1316 = arith.select %and3A_1313, %sub3A_1315, %div3A_1294 : i32
    %jit3A_1317 = arith.constant 128 : i32
    %eq3A_1318 = arith.constant 0 : i32
    %eq3A_1319 = arith.cmpi eq, %jit3A_1317, %eq3A_1318 : i32
    %jit3A_1320 = arith.constant 1 : i32
    %select_n3A_1321 = arith.select %eq3A_1319, %jit3A_1320, %jit3A_1317 : i32
    %rem3A_1322 = arith.remsi %reduce_max3A_1259, %select_n3A_1321 : i32
    %ne3A_1323 = arith.constant 0 : i32
    %ne3A_1324 = arith.cmpi ne, %rem3A_1322, %ne3A_1323 : i32
    %lt3A_1325 = arith.constant 0 : i32
    %lt3A_1326 = arith.cmpi slt, %rem3A_1322, %lt3A_1325 : i32
    %lt3A_1327 = arith.constant 0 : i32
    %lt3A_1328 = arith.cmpi slt, %select_n3A_1321, %lt3A_1327 : i32
    %ne3A_1329 = arith.xori %lt3A_1326, %lt3A_1328 : i1
    %and3A_1330 = arith.andi %ne3A_1329, %ne3A_1324 : i1
    %add3A_1331 = arith.addi %rem3A_1322, %select_n3A_1321 : i32
    %select_n3A_1332 = arith.select %and3A_1330, %add3A_1331, %rem3A_1322 : i32
    %get3A_1333 = arith.constant 0 : index
    %get3A_1334 = arith.constant 0 : index
    %get3A_1335 = arith.index_cast %select_n3A_1316 : i32 to index
    %get3A_1336 = arith.constant 0 : index
    %get3A_1337 = vector.load %arg0[%get3A_1333, %get3A_1334, %get3A_1335, %get3A_1336] : memref<4x3x512x128xf32, #tpu.memory_space<vmem>>, vector<1x3x1x128xf32>
    %get3A_1338 = vector.shape_cast %get3A_1337 : vector<1x3x1x128xf32> to vector<3x1x128xf32>
    %eq3A_1339 = vector.broadcast %select_n3A_1332 : i32 to vector<3x1x128xi32>
    %eq3A_1340 = arith.cmpi eq, %iota3A_20, %eq3A_1339 : vector<3x1x128xi32>
    %jit3A_1341 = arith.constant 0.000000e+00 : f32
    %broadcast_in_dim3A_1342 = vector.broadcast %jit3A_1341 : f32 to vector<3x1x128xf32>
    %select_n3A_1343 = arith.select %eq3A_1340, %get3A_1338, %broadcast_in_dim3A_1342 : vector<3x1x128xi1>, vector<3x1x128xf32>
    %reduce_sum3A_1344 = arith.constant dense<0.000000e+00> : vector<3x1xf32>
    %reduce_sum3A_1345 = vector.multi_reduction <add>, %select_n3A_1343, %reduce_sum3A_1344 [2] : vector<3x1x128xf32> to vector<3x1xf32>
    %broadcast_in_dim3A_1346 = vector.shape_cast %reduce_sum3A_1345 : vector<3x1xf32> to vector<3x1x1xf32>
    %jit3A_1347 = arith.constant 128 : i32
    %div3A_1348 = arith.divsi %reduce_max3A_1270, %jit3A_1347 : i32
    %sign3A_1349 = arith.constant 0 : i32
    %sign3A_1350 = arith.cmpi sgt, %reduce_max3A_1270, %sign3A_1349 : i32
    %sign3A_1351 = arith.extui %sign3A_1350 : i1 to i32
    %sign3A_1352 = arith.constant 0 : i32
    %sign3A_1353 = arith.cmpi slt, %reduce_max3A_1270, %sign3A_1352 : i32
    %sign3A_1354 = arith.extui %sign3A_1353 : i1 to i32
    %sign3A_1355 = arith.subi %sign3A_1351, %sign3A_1354 : i32
    %sign3A_1356 = arith.constant 0 : i32
    %sign3A_1357 = arith.cmpi sgt, %jit3A_1347, %sign3A_1356 : i32
    %sign3A_1358 = arith.extui %sign3A_1357 : i1 to i32
    %sign3A_1359 = arith.constant 0 : i32
    %sign3A_1360 = arith.cmpi slt, %jit3A_1347, %sign3A_1359 : i32
    %sign3A_1361 = arith.extui %sign3A_1360 : i1 to i32
    %sign3A_1362 = arith.subi %sign3A_1358, %sign3A_1361 : i32
    %ne3A_1363 = arith.cmpi ne, %sign3A_1355, %sign3A_1362 : i32
    %rem3A_1364 = arith.remsi %reduce_max3A_1270, %jit3A_1347 : i32
    %ne3A_1365 = arith.constant 0 : i32
    %ne3A_1366 = arith.cmpi ne, %rem3A_1364, %ne3A_1365 : i32
    %and3A_1367 = arith.andi %ne3A_1363, %ne3A_1366 : i1
    %sub3A_1368 = arith.constant 1 : i32
    %sub3A_1369 = arith.subi %div3A_1348, %sub3A_1368 : i32
    %select_n3A_1370 = arith.select %and3A_1367, %sub3A_1369, %div3A_1348 : i32
    %jit3A_1371 = arith.constant 128 : i32
    %eq3A_1372 = arith.constant 0 : i32
    %eq3A_1373 = arith.cmpi eq, %jit3A_1371, %eq3A_1372 : i32
    %jit3A_1374 = arith.constant 1 : i32
    %select_n3A_1375 = arith.select %eq3A_1373, %jit3A_1374, %jit3A_1371 : i32
    %rem3A_1376 = arith.remsi %reduce_max3A_1270, %select_n3A_1375 : i32
    %ne3A_1377 = arith.constant 0 : i32
    %ne3A_1378 = arith.cmpi ne, %rem3A_1376, %ne3A_1377 : i32
    %lt3A_1379 = arith.constant 0 : i32
    %lt3A_1380 = arith.cmpi slt, %rem3A_1376, %lt3A_1379 : i32
    %lt3A_1381 = arith.constant 0 : i32
    %lt3A_1382 = arith.cmpi slt, %select_n3A_1375, %lt3A_1381 : i32
    %ne3A_1383 = arith.xori %lt3A_1380, %lt3A_1382 : i1
    %and3A_1384 = arith.andi %ne3A_1383, %ne3A_1378 : i1
    %add3A_1385 = arith.addi %rem3A_1376, %select_n3A_1375 : i32
    %select_n3A_1386 = arith.select %and3A_1384, %add3A_1385, %rem3A_1376 : i32
    %get3A_1387 = arith.constant 1 : index
    %get3A_1388 = arith.constant 0 : index
    %get3A_1389 = arith.index_cast %select_n3A_1370 : i32 to index
    %get3A_1390 = arith.constant 0 : index
    %get3A_1391 = vector.load %arg0[%get3A_1387, %get3A_1388, %get3A_1389, %get3A_1390] : memref<4x3x512x128xf32, #tpu.memory_space<vmem>>, vector<1x3x1x128xf32>
    %get3A_1392 = vector.shape_cast %get3A_1391 : vector<1x3x1x128xf32> to vector<3x1x128xf32>
    %eq3A_1393 = vector.broadcast %select_n3A_1386 : i32 to vector<3x1x128xi32>
    %eq3A_1394 = arith.cmpi eq, %iota3A_20, %eq3A_1393 : vector<3x1x128xi32>
    %jit3A_1395 = arith.constant 0.000000e+00 : f32
    %broadcast_in_dim3A_1396 = vector.broadcast %jit3A_1395 : f32 to vector<3x1x128xf32>
    %select_n3A_1397 = arith.select %eq3A_1394, %get3A_1392, %broadcast_in_dim3A_1396 : vector<3x1x128xi1>, vector<3x1x128xf32>
    %reduce_sum3A_1398 = arith.constant dense<0.000000e+00> : vector<3x1xf32>
    %reduce_sum3A_1399 = vector.multi_reduction <add>, %select_n3A_1397, %reduce_sum3A_1398 [2] : vector<3x1x128xf32> to vector<3x1xf32>
    %broadcast_in_dim3A_1400 = vector.shape_cast %reduce_sum3A_1399 : vector<3x1xf32> to vector<3x1x1xf32>
    %jit3A_1401 = arith.constant 128 : i32
    %div3A_1402 = arith.divsi %reduce_max3A_1281, %jit3A_1401 : i32
    %sign3A_1403 = arith.constant 0 : i32
    %sign3A_1404 = arith.cmpi sgt, %reduce_max3A_1281, %sign3A_1403 : i32
    %sign3A_1405 = arith.extui %sign3A_1404 : i1 to i32
    %sign3A_1406 = arith.constant 0 : i32
    %sign3A_1407 = arith.cmpi slt, %reduce_max3A_1281, %sign3A_1406 : i32
    %sign3A_1408 = arith.extui %sign3A_1407 : i1 to i32
    %sign3A_1409 = arith.subi %sign3A_1405, %sign3A_1408 : i32
    %sign3A_1410 = arith.constant 0 : i32
    %sign3A_1411 = arith.cmpi sgt, %jit3A_1401, %sign3A_1410 : i32
    %sign3A_1412 = arith.extui %sign3A_1411 : i1 to i32
    %sign3A_1413 = arith.constant 0 : i32
    %sign3A_1414 = arith.cmpi slt, %jit3A_1401, %sign3A_1413 : i32
    %sign3A_1415 = arith.extui %sign3A_1414 : i1 to i32
    %sign3A_1416 = arith.subi %sign3A_1412, %sign3A_1415 : i32
    %ne3A_1417 = arith.cmpi ne, %sign3A_1409, %sign3A_1416 : i32
    %rem3A_1418 = arith.remsi %reduce_max3A_1281, %jit3A_1401 : i32
    %ne3A_1419 = arith.constant 0 : i32
    %ne3A_1420 = arith.cmpi ne, %rem3A_1418, %ne3A_1419 : i32
    %and3A_1421 = arith.andi %ne3A_1417, %ne3A_1420 : i1
    %sub3A_1422 = arith.constant 1 : i32
    %sub3A_1423 = arith.subi %div3A_1402, %sub3A_1422 : i32
    %select_n3A_1424 = arith.select %and3A_1421, %sub3A_1423, %div3A_1402 : i32
    %jit3A_1425 = arith.constant 128 : i32
    %eq3A_1426 = arith.constant 0 : i32
    %eq3A_1427 = arith.cmpi eq, %jit3A_1425, %eq3A_1426 : i32
    %jit3A_1428 = arith.constant 1 : i32
    %select_n3A_1429 = arith.select %eq3A_1427, %jit3A_1428, %jit3A_1425 : i32
    %rem3A_1430 = arith.remsi %reduce_max3A_1281, %select_n3A_1429 : i32
    %ne3A_1431 = arith.constant 0 : i32
    %ne3A_1432 = arith.cmpi ne, %rem3A_1430, %ne3A_1431 : i32
    %lt3A_1433 = arith.constant 0 : i32
    %lt3A_1434 = arith.cmpi slt, %rem3A_1430, %lt3A_1433 : i32
    %lt3A_1435 = arith.constant 0 : i32
    %lt3A_1436 = arith.cmpi slt, %select_n3A_1429, %lt3A_1435 : i32
    %ne3A_1437 = arith.xori %lt3A_1434, %lt3A_1436 : i1
    %and3A_1438 = arith.andi %ne3A_1437, %ne3A_1432 : i1
    %add3A_1439 = arith.addi %rem3A_1430, %select_n3A_1429 : i32
    %select_n3A_1440 = arith.select %and3A_1438, %add3A_1439, %rem3A_1430 : i32
    %get3A_1441 = arith.constant 2 : index
    %get3A_1442 = arith.constant 0 : index
    %get3A_1443 = arith.index_cast %select_n3A_1424 : i32 to index
    %get3A_1444 = arith.constant 0 : index
    %get3A_1445 = vector.load %arg0[%get3A_1441, %get3A_1442, %get3A_1443, %get3A_1444] : memref<4x3x512x128xf32, #tpu.memory_space<vmem>>, vector<1x3x1x128xf32>
    %get3A_1446 = vector.shape_cast %get3A_1445 : vector<1x3x1x128xf32> to vector<3x1x128xf32>
    %eq3A_1447 = vector.broadcast %select_n3A_1440 : i32 to vector<3x1x128xi32>
    %eq3A_1448 = arith.cmpi eq, %iota3A_20, %eq3A_1447 : vector<3x1x128xi32>
    %jit3A_1449 = arith.constant 0.000000e+00 : f32
    %broadcast_in_dim3A_1450 = vector.broadcast %jit3A_1449 : f32 to vector<3x1x128xf32>
    %select_n3A_1451 = arith.select %eq3A_1448, %get3A_1446, %broadcast_in_dim3A_1450 : vector<3x1x128xi1>, vector<3x1x128xf32>
    %reduce_sum3A_1452 = arith.constant dense<0.000000e+00> : vector<3x1xf32>
    %reduce_sum3A_1453 = vector.multi_reduction <add>, %select_n3A_1451, %reduce_sum3A_1452 [2] : vector<3x1x128xf32> to vector<3x1xf32>
    %broadcast_in_dim3A_1454 = vector.shape_cast %reduce_sum3A_1453 : vector<3x1xf32> to vector<3x1x1xf32>
    %jit3A_1455 = arith.constant 128 : i32
    %div3A_1456 = arith.divsi %reduce_max3A_1292, %jit3A_1455 : i32
    %sign3A_1457 = arith.constant 0 : i32
    %sign3A_1458 = arith.cmpi sgt, %reduce_max3A_1292, %sign3A_1457 : i32
    %sign3A_1459 = arith.extui %sign3A_1458 : i1 to i32
    %sign3A_1460 = arith.constant 0 : i32
    %sign3A_1461 = arith.cmpi slt, %reduce_max3A_1292, %sign3A_1460 : i32
    %sign3A_1462 = arith.extui %sign3A_1461 : i1 to i32
    %sign3A_1463 = arith.subi %sign3A_1459, %sign3A_1462 : i32
    %sign3A_1464 = arith.constant 0 : i32
    %sign3A_1465 = arith.cmpi sgt, %jit3A_1455, %sign3A_1464 : i32
    %sign3A_1466 = arith.extui %sign3A_1465 : i1 to i32
    %sign3A_1467 = arith.constant 0 : i32
    %sign3A_1468 = arith.cmpi slt, %jit3A_1455, %sign3A_1467 : i32
    %sign3A_1469 = arith.extui %sign3A_1468 : i1 to i32
    %sign3A_1470 = arith.subi %sign3A_1466, %sign3A_1469 : i32
    %ne3A_1471 = arith.cmpi ne, %sign3A_1463, %sign3A_1470 : i32
    %rem3A_1472 = arith.remsi %reduce_max3A_1292, %jit3A_1455 : i32
    %ne3A_1473 = arith.constant 0 : i32
    %ne3A_1474 = arith.cmpi ne, %rem3A_1472, %ne3A_1473 : i32
    %and3A_1475 = arith.andi %ne3A_1471, %ne3A_1474 : i1
    %sub3A_1476 = arith.constant 1 : i32
    %sub3A_1477 = arith.subi %div3A_1456, %sub3A_1476 : i32
    %select_n3A_1478 = arith.select %and3A_1475, %sub3A_1477, %div3A_1456 : i32
    %jit3A_1479 = arith.constant 128 : i32
    %eq3A_1480 = arith.constant 0 : i32
    %eq3A_1481 = arith.cmpi eq, %jit3A_1479, %eq3A_1480 : i32
    %jit3A_1482 = arith.constant 1 : i32
    %select_n3A_1483 = arith.select %eq3A_1481, %jit3A_1482, %jit3A_1479 : i32
    %rem3A_1484 = arith.remsi %reduce_max3A_1292, %select_n3A_1483 : i32
    %ne3A_1485 = arith.constant 0 : i32
    %ne3A_1486 = arith.cmpi ne, %rem3A_1484, %ne3A_1485 : i32
    %lt3A_1487 = arith.constant 0 : i32
    %lt3A_1488 = arith.cmpi slt, %rem3A_1484, %lt3A_1487 : i32
    %lt3A_1489 = arith.constant 0 : i32
    %lt3A_1490 = arith.cmpi slt, %select_n3A_1483, %lt3A_1489 : i32
    %ne3A_1491 = arith.xori %lt3A_1488, %lt3A_1490 : i1
    %and3A_1492 = arith.andi %ne3A_1491, %ne3A_1486 : i1
    %add3A_1493 = arith.addi %rem3A_1484, %select_n3A_1483 : i32
    %select_n3A_1494 = arith.select %and3A_1492, %add3A_1493, %rem3A_1484 : i32
    %get3A_1495 = arith.constant 3 : index
    %get3A_1496 = arith.constant 0 : index
    %get3A_1497 = arith.index_cast %select_n3A_1478 : i32 to index
    %get3A_1498 = arith.constant 0 : index
    %get3A_1499 = vector.load %arg0[%get3A_1495, %get3A_1496, %get3A_1497, %get3A_1498] : memref<4x3x512x128xf32, #tpu.memory_space<vmem>>, vector<1x3x1x128xf32>
    %get3A_1500 = vector.shape_cast %get3A_1499 : vector<1x3x1x128xf32> to vector<3x1x128xf32>
    %eq3A_1501 = vector.broadcast %select_n3A_1494 : i32 to vector<3x1x128xi32>
    %eq3A_1502 = arith.cmpi eq, %iota3A_20, %eq3A_1501 : vector<3x1x128xi32>
    %jit3A_1503 = arith.constant 0.000000e+00 : f32
    %broadcast_in_dim3A_1504 = vector.broadcast %jit3A_1503 : f32 to vector<3x1x128xf32>
    %select_n3A_1505 = arith.select %eq3A_1502, %get3A_1500, %broadcast_in_dim3A_1504 : vector<3x1x128xi1>, vector<3x1x128xf32>
    %reduce_sum3A_1506 = arith.constant dense<0.000000e+00> : vector<3x1xf32>
    %reduce_sum3A_1507 = vector.multi_reduction <add>, %select_n3A_1505, %reduce_sum3A_1506 [2] : vector<3x1x128xf32> to vector<3x1xf32>
    %broadcast_in_dim3A_1508 = vector.shape_cast %reduce_sum3A_1507 : vector<3x1xf32> to vector<3x1x1xf32>
    %reshape3A_1509 = vector.shape_cast %broadcast_in_dim3A_1346 : vector<3x1x1xf32> to vector<1x1x3xf32>
    %swap3A_1510 = arith.constant 0 : index
    %swap3A_1511 = arith.constant 4 : index
    %swap3A_1512 = arith.constant 0 : index
    %swap3A_1513 = vector.load %arg2[%swap3A_1510, %swap3A_1511, %swap3A_1512] : memref<4x16x3xf32, #tpu.memory_space<vmem>>, vector<1x1x3xf32>
    tpu.vector_store %arg2[%swap3A_1510, %swap3A_1511, %swap3A_1512], %reshape3A_1509 {strides = array<i32>} : memref<4x16x3xf32, #tpu.memory_space<vmem>>, vector<1x1x3xf32>,
    %reshape3A_1514 = vector.shape_cast %broadcast_in_dim3A_1400 : vector<3x1x1xf32> to vector<1x1x3xf32>
    %swap3A_1515 = arith.constant 1 : index
    %swap3A_1516 = arith.constant 4 : index
    %swap3A_1517 = arith.constant 0 : index
    %swap3A_1518 = vector.load %arg2[%swap3A_1515, %swap3A_1516, %swap3A_1517] : memref<4x16x3xf32, #tpu.memory_space<vmem>>, vector<1x1x3xf32>
    tpu.vector_store %arg2[%swap3A_1515, %swap3A_1516, %swap3A_1517], %reshape3A_1514 {strides = array<i32>} : memref<4x16x3xf32, #tpu.memory_space<vmem>>, vector<1x1x3xf32>,
    %reshape3A_1519 = vector.shape_cast %broadcast_in_dim3A_1454 : vector<3x1x1xf32> to vector<1x1x3xf32>
    %swap3A_1520 = arith.constant 2 : index
    %swap3A_1521 = arith.constant 4 : index
    %swap3A_1522 = arith.constant 0 : index
    %swap3A_1523 = vector.load %arg2[%swap3A_1520, %swap3A_1521, %swap3A_1522] : memref<4x16x3xf32, #tpu.memory_space<vmem>>, vector<1x1x3xf32>
    tpu.vector_store %arg2[%swap3A_1520, %swap3A_1521, %swap3A_1522], %reshape3A_1519 {strides = array<i32>} : memref<4x16x3xf32, #tpu.memory_space<vmem>>, vector<1x1x3xf32>,
    %reshape3A_1524 = vector.shape_cast %broadcast_in_dim3A_1508 : vector<3x1x1xf32> to vector<1x1x3xf32>
    %swap3A_1525 = arith.constant 3 : index
    %swap3A_1526 = arith.constant 4 : index
    %swap3A_1527 = arith.constant 0 : index
    %swap3A_1528 = vector.load %arg2[%swap3A_1525, %swap3A_1526, %swap3A_1527] : memref<4x16x3xf32, #tpu.memory_space<vmem>>, vector<1x1x3xf32>
    tpu.vector_store %arg2[%swap3A_1525, %swap3A_1526, %swap3A_1527], %reshape3A_1524 {strides = array<i32>} : memref<4x16x3xf32, #tpu.memory_space<vmem>>, vector<1x1x3xf32>,
    %slice3A_1529 = vector.extract_strided_slice %broadcast_in_dim3A_1346 {offsets = [0, 0, 0], sizes = [1, 1, 1], strides = [1, 1, 1]} : vector<3x1x1xf32> to vector<1x1x1xf32>
    %slice3A_1530 = vector.extract_strided_slice %broadcast_in_dim3A_1400 {offsets = [0, 0, 0], sizes = [1, 1, 1], strides = [1, 1, 1]} : vector<3x1x1xf32> to vector<1x1x1xf32>
    %slice3A_1531 = vector.extract_strided_slice %broadcast_in_dim3A_1454 {offsets = [0, 0, 0], sizes = [1, 1, 1], strides = [1, 1, 1]} : vector<3x1x1xf32> to vector<1x1x1xf32>
    %slice3A_1532 = vector.extract_strided_slice %broadcast_in_dim3A_1508 {offsets = [0, 0, 0], sizes = [1, 1, 1], strides = [1, 1, 1]} : vector<3x1x1xf32> to vector<1x1x1xf32>
    %concatenate3A_1533 = tpu.concatenate %slice3A_1529, %slice3A_1530, %slice3A_1531, %slice3A_1532 in 0 : vector<1x1x1xf32>, vector<1x1x1xf32>, vector<1x1x1xf32>, vector<1x1x1xf32> -> vector<4x1x1xf32>
    %slice3A_1534 = vector.extract_strided_slice %broadcast_in_dim3A_1346 {offsets = [1, 0, 0], sizes = [1, 1, 1], strides = [1, 1, 1]} : vector<3x1x1xf32> to vector<1x1x1xf32>
    %slice3A_1535 = vector.extract_strided_slice %broadcast_in_dim3A_1400 {offsets = [1, 0, 0], sizes = [1, 1, 1], strides = [1, 1, 1]} : vector<3x1x1xf32> to vector<1x1x1xf32>
    %slice3A_1536 = vector.extract_strided_slice %broadcast_in_dim3A_1454 {offsets = [1, 0, 0], sizes = [1, 1, 1], strides = [1, 1, 1]} : vector<3x1x1xf32> to vector<1x1x1xf32>
    %slice3A_1537 = vector.extract_strided_slice %broadcast_in_dim3A_1508 {offsets = [1, 0, 0], sizes = [1, 1, 1], strides = [1, 1, 1]} : vector<3x1x1xf32> to vector<1x1x1xf32>
    %concatenate3A_1538 = tpu.concatenate %slice3A_1534, %slice3A_1535, %slice3A_1536, %slice3A_1537 in 0 : vector<1x1x1xf32>, vector<1x1x1xf32>, vector<1x1x1xf32>, vector<1x1x1xf32> -> vector<4x1x1xf32>
    %slice3A_1539 = vector.extract_strided_slice %broadcast_in_dim3A_1346 {offsets = [2, 0, 0], sizes = [1, 1, 1], strides = [1, 1, 1]} : vector<3x1x1xf32> to vector<1x1x1xf32>
    %slice3A_1540 = vector.extract_strided_slice %broadcast_in_dim3A_1400 {offsets = [2, 0, 0], sizes = [1, 1, 1], strides = [1, 1, 1]} : vector<3x1x1xf32> to vector<1x1x1xf32>
    %slice3A_1541 = vector.extract_strided_slice %broadcast_in_dim3A_1454 {offsets = [2, 0, 0], sizes = [1, 1, 1], strides = [1, 1, 1]} : vector<3x1x1xf32> to vector<1x1x1xf32>
    %slice3A_1542 = vector.extract_strided_slice %broadcast_in_dim3A_1508 {offsets = [2, 0, 0], sizes = [1, 1, 1], strides = [1, 1, 1]} : vector<3x1x1xf32> to vector<1x1x1xf32>
    %concatenate3A_1543 = tpu.concatenate %slice3A_1539, %slice3A_1540, %slice3A_1541, %slice3A_1542 in 0 : vector<1x1x1xf32>, vector<1x1x1xf32>, vector<1x1x1xf32>, vector<1x1x1xf32> -> vector<4x1x1xf32>
    %sub3A_1544 = vector.broadcast %concatenate3A_1533 : vector<4x1x1xf32> to vector<4x512x128xf32>
    %sub3A_1545 = arith.subf %get3A_4, %sub3A_1544 : vector<4x512x128xf32>
    %sub3A_1546 = vector.broadcast %concatenate3A_1538 : vector<4x1x1xf32> to vector<4x512x128xf32>
    %sub3A_1547 = arith.subf %get3A_10, %sub3A_1546 : vector<4x512x128xf32>
    %sub3A_1548 = vector.broadcast %concatenate3A_1543 : vector<4x1x1xf32> to vector<4x512x128xf32>
    %sub3A_1549 = arith.subf %get3A_16, %sub3A_1548 : vector<4x512x128xf32>
    %mul3A_1550 = arith.mulf %sub3A_1545, %sub3A_1545 : vector<4x512x128xf32>
    %mul3A_1551 = arith.mulf %sub3A_1547, %sub3A_1547 : vector<4x512x128xf32>
    %add3A_1552 = arith.addf %mul3A_1550, %mul3A_1551 : vector<4x512x128xf32>
    %mul3A_1553 = arith.mulf %sub3A_1549, %sub3A_1549 : vector<4x512x128xf32>
    %add3A_1554 = arith.addf %add3A_1552, %mul3A_1553 : vector<4x512x128xf32>
    %min3A_1555 = arith.minimumf %min3A_1236, %add3A_1554 : vector<4x512x128xf32>
    %reduce_max3A_1556 = arith.constant dense<0xFF800000> : vector<4xf32>
    %reduce_max3A_1557 = vector.multi_reduction <maximumf>, %min3A_1555, %reduce_max3A_1556 [1, 2] : vector<4x512x128xf32> to vector<4xf32>
    %broadcast_in_dim3A_1558 = vector.shape_cast %reduce_max3A_1557 : vector<4xf32> to vector<4x1x1xf32>
    %eq3A_1559 = vector.broadcast %broadcast_in_dim3A_1558 : vector<4x1x1xf32> to vector<4x512x128xf32>
    %eq3A_1560 = arith.cmpf oeq, %min3A_1555, %eq3A_1559 : vector<4x512x128xf32>
    %jit3A_1561 = arith.constant 2147483647 : i32
    %broadcast_in_dim3A_1562 = vector.shape_cast %add3A : vector<512x128xi32> to vector<1x512x128xi32>
    %broadcast_in_dim3A_1563 = vector.broadcast %broadcast_in_dim3A_1562 : vector<1x512x128xi32> to vector<4x512x128xi32>
    %broadcast_in_dim3A_1564 = vector.broadcast %jit3A_1561 : i32 to vector<4x512x128xi32>
    %select_n3A_1565 = arith.select %eq3A_1560, %broadcast_in_dim3A_1563, %broadcast_in_dim3A_1564 : vector<4x512x128xi1>, vector<4x512x128xi32>
    %reduce_min3A_1566 = arith.constant dense<2147483647> : vector<4xi32>
    %reduce_min3A_1567 = vector.multi_reduction <minsi>, %select_n3A_1565, %reduce_min3A_1566 [1, 2] : vector<4x512x128xi32> to vector<4xi32>
    %slice3A_1568 = vector.extract_strided_slice %reduce_min3A_1567 {offsets = [0], sizes = [1], strides = [1]} : vector<4xi32> to vector<1xi32>
    %reshape3A_1569 = vector.shape_cast %slice3A_1568 : vector<1xi32> to vector<1x1xi32>
    %swap3A_1570 = arith.constant 0 : index
    %swap3A_1571 = arith.constant 5 : index
    %swap3A_1572 = vector.load %arg1[%swap3A_1570, %swap3A_1571] : memref<1x64xi32, #tpu.memory_space<vmem>>, vector<1x1xi32>
    tpu.vector_store %arg1[%swap3A_1570, %swap3A_1571], %reshape3A_1569 {strides = array<i32>} : memref<1x64xi32, #tpu.memory_space<vmem>>, vector<1x1xi32>,
    %slice3A_1573 = vector.extract_strided_slice %reduce_min3A_1567 {offsets = [0], sizes = [1], strides = [1]} : vector<4xi32> to vector<1xi32>
    %reduce_max3A_1574 = vector.shape_cast %slice3A_1573 : vector<1xi32> to vector<1x1xi32>
    %reduce_max3A_1575 = arith.constant dense<-2147483648> : vector<1xi32>
    %reduce_max3A_1576 = vector.multi_reduction <maxsi>, %reduce_max3A_1574, %reduce_max3A_1575 [1] : vector<1x1xi32> to vector<1xi32>
    %reduce_max3A_1577 = vector.shape_cast %reduce_max3A_1576 : vector<1xi32> to vector<1x1xi32>
    %reduce_max3A_1578 = vector.extract %reduce_max3A_1577[0, 0] : i32 from vector<1x1xi32>
    %slice3A_1579 = vector.extract_strided_slice %reduce_min3A_1567 {offsets = [1], sizes = [1], strides = [1]} : vector<4xi32> to vector<1xi32>
    %reshape3A_1580 = vector.shape_cast %slice3A_1579 : vector<1xi32> to vector<1x1xi32>
    %swap3A_1581 = arith.constant 0 : index
    %swap3A_1582 = arith.constant 21 : index
    %swap3A_1583 = vector.load %arg1[%swap3A_1581, %swap3A_1582] : memref<1x64xi32, #tpu.memory_space<vmem>>, vector<1x1xi32>
    tpu.vector_store %arg1[%swap3A_1581, %swap3A_1582], %reshape3A_1580 {strides = array<i32>} : memref<1x64xi32, #tpu.memory_space<vmem>>, vector<1x1xi32>,
    %slice3A_1584 = vector.extract_strided_slice %reduce_min3A_1567 {offsets = [1], sizes = [1], strides = [1]} : vector<4xi32> to vector<1xi32>
    %reduce_max3A_1585 = vector.shape_cast %slice3A_1584 : vector<1xi32> to vector<1x1xi32>
    %reduce_max3A_1586 = arith.constant dense<-2147483648> : vector<1xi32>
    %reduce_max3A_1587 = vector.multi_reduction <maxsi>, %reduce_max3A_1585, %reduce_max3A_1586 [1] : vector<1x1xi32> to vector<1xi32>
    %reduce_max3A_1588 = vector.shape_cast %reduce_max3A_1587 : vector<1xi32> to vector<1x1xi32>
    %reduce_max3A_1589 = vector.extract %reduce_max3A_1588[0, 0] : i32 from vector<1x1xi32>
    %slice3A_1590 = vector.extract_strided_slice %reduce_min3A_1567 {offsets = [2], sizes = [1], strides = [1]} : vector<4xi32> to vector<1xi32>
    %reshape3A_1591 = vector.shape_cast %slice3A_1590 : vector<1xi32> to vector<1x1xi32>
    %swap3A_1592 = arith.constant 0 : index
    %swap3A_1593 = arith.constant 37 : index
    %swap3A_1594 = vector.load %arg1[%swap3A_1592, %swap3A_1593] : memref<1x64xi32, #tpu.memory_space<vmem>>, vector<1x1xi32>
    tpu.vector_store %arg1[%swap3A_1592, %swap3A_1593], %reshape3A_1591 {strides = array<i32>} : memref<1x64xi32, #tpu.memory_space<vmem>>, vector<1x1xi32>,
    %slice3A_1595 = vector.extract_strided_slice %reduce_min3A_1567 {offsets = [2], sizes = [1], strides = [1]} : vector<4xi32> to vector<1xi32>
    %reduce_max3A_1596 = vector.shape_cast %slice3A_1595 : vector<1xi32> to vector<1x1xi32>
    %reduce_max3A_1597 = arith.constant dense<-2147483648> : vector<1xi32>
    %reduce_max3A_1598 = vector.multi_reduction <maxsi>, %reduce_max3A_1596, %reduce_max3A_1597 [1] : vector<1x1xi32> to vector<1xi32>
    %reduce_max3A_1599 = vector.shape_cast %reduce_max3A_1598 : vector<1xi32> to vector<1x1xi32>
    %reduce_max3A_1600 = vector.extract %reduce_max3A_1599[0, 0] : i32 from vector<1x1xi32>
    %slice3A_1601 = vector.extract_strided_slice %reduce_min3A_1567 {offsets = [3], sizes = [1], strides = [1]} : vector<4xi32> to vector<1xi32>
    %reshape3A_1602 = vector.shape_cast %slice3A_1601 : vector<1xi32> to vector<1x1xi32>
    %swap3A_1603 = arith.constant 0 : index
    %swap3A_1604 = arith.constant 53 : index
    %swap3A_1605 = vector.load %arg1[%swap3A_1603, %swap3A_1604] : memref<1x64xi32, #tpu.memory_space<vmem>>, vector<1x1xi32>
    tpu.vector_store %arg1[%swap3A_1603, %swap3A_1604], %reshape3A_1602 {strides = array<i32>} : memref<1x64xi32, #tpu.memory_space<vmem>>, vector<1x1xi32>,
    %slice3A_1606 = vector.extract_strided_slice %reduce_min3A_1567 {offsets = [3], sizes = [1], strides = [1]} : vector<4xi32> to vector<1xi32>
    %reduce_max3A_1607 = vector.shape_cast %slice3A_1606 : vector<1xi32> to vector<1x1xi32>
    %reduce_max3A_1608 = arith.constant dense<-2147483648> : vector<1xi32>
    %reduce_max3A_1609 = vector.multi_reduction <maxsi>, %reduce_max3A_1607, %reduce_max3A_1608 [1] : vector<1x1xi32> to vector<1xi32>
    %reduce_max3A_1610 = vector.shape_cast %reduce_max3A_1609 : vector<1xi32> to vector<1x1xi32>
    %reduce_max3A_1611 = vector.extract %reduce_max3A_1610[0, 0] : i32 from vector<1x1xi32>
    %jit3A_1612 = arith.constant 128 : i32
    %div3A_1613 = arith.divsi %reduce_max3A_1578, %jit3A_1612 : i32
    %sign3A_1614 = arith.constant 0 : i32
    %sign3A_1615 = arith.cmpi sgt, %reduce_max3A_1578, %sign3A_1614 : i32
    %sign3A_1616 = arith.extui %sign3A_1615 : i1 to i32
    %sign3A_1617 = arith.constant 0 : i32
    %sign3A_1618 = arith.cmpi slt, %reduce_max3A_1578, %sign3A_1617 : i32
    %sign3A_1619 = arith.extui %sign3A_1618 : i1 to i32
    %sign3A_1620 = arith.subi %sign3A_1616, %sign3A_1619 : i32
    %sign3A_1621 = arith.constant 0 : i32
    %sign3A_1622 = arith.cmpi sgt, %jit3A_1612, %sign3A_1621 : i32
    %sign3A_1623 = arith.extui %sign3A_1622 : i1 to i32
    %sign3A_1624 = arith.constant 0 : i32
    %sign3A_1625 = arith.cmpi slt, %jit3A_1612, %sign3A_1624 : i32
    %sign3A_1626 = arith.extui %sign3A_1625 : i1 to i32
    %sign3A_1627 = arith.subi %sign3A_1623, %sign3A_1626 : i32
    %ne3A_1628 = arith.cmpi ne, %sign3A_1620, %sign3A_1627 : i32
    %rem3A_1629 = arith.remsi %reduce_max3A_1578, %jit3A_1612 : i32
    %ne3A_1630 = arith.constant 0 : i32
    %ne3A_1631 = arith.cmpi ne, %rem3A_1629, %ne3A_1630 : i32
    %and3A_1632 = arith.andi %ne3A_1628, %ne3A_1631 : i1
    %sub3A_1633 = arith.constant 1 : i32
    %sub3A_1634 = arith.subi %div3A_1613, %sub3A_1633 : i32
    %select_n3A_1635 = arith.select %and3A_1632, %sub3A_1634, %div3A_1613 : i32
    %jit3A_1636 = arith.constant 128 : i32
    %eq3A_1637 = arith.constant 0 : i32
    %eq3A_1638 = arith.cmpi eq, %jit3A_1636, %eq3A_1637 : i32
    %jit3A_1639 = arith.constant 1 : i32
    %select_n3A_1640 = arith.select %eq3A_1638, %jit3A_1639, %jit3A_1636 : i32
    %rem3A_1641 = arith.remsi %reduce_max3A_1578, %select_n3A_1640 : i32
    %ne3A_1642 = arith.constant 0 : i32
    %ne3A_1643 = arith.cmpi ne, %rem3A_1641, %ne3A_1642 : i32
    %lt3A_1644 = arith.constant 0 : i32
    %lt3A_1645 = arith.cmpi slt, %rem3A_1641, %lt3A_1644 : i32
    %lt3A_1646 = arith.constant 0 : i32
    %lt3A_1647 = arith.cmpi slt, %select_n3A_1640, %lt3A_1646 : i32
    %ne3A_1648 = arith.xori %lt3A_1645, %lt3A_1647 : i1
    %and3A_1649 = arith.andi %ne3A_1648, %ne3A_1643 : i1
    %add3A_1650 = arith.addi %rem3A_1641, %select_n3A_1640 : i32
    %select_n3A_1651 = arith.select %and3A_1649, %add3A_1650, %rem3A_1641 : i32
    %get3A_1652 = arith.constant 0 : index
    %get3A_1653 = arith.constant 0 : index
    %get3A_1654 = arith.index_cast %select_n3A_1635 : i32 to index
    %get3A_1655 = arith.constant 0 : index
    %get3A_1656 = vector.load %arg0[%get3A_1652, %get3A_1653, %get3A_1654, %get3A_1655] : memref<4x3x512x128xf32, #tpu.memory_space<vmem>>, vector<1x3x1x128xf32>
    %get3A_1657 = vector.shape_cast %get3A_1656 : vector<1x3x1x128xf32> to vector<3x1x128xf32>
    %eq3A_1658 = vector.broadcast %select_n3A_1651 : i32 to vector<3x1x128xi32>
    %eq3A_1659 = arith.cmpi eq, %iota3A_20, %eq3A_1658 : vector<3x1x128xi32>
    %jit3A_1660 = arith.constant 0.000000e+00 : f32
    %broadcast_in_dim3A_1661 = vector.broadcast %jit3A_1660 : f32 to vector<3x1x128xf32>
    %select_n3A_1662 = arith.select %eq3A_1659, %get3A_1657, %broadcast_in_dim3A_1661 : vector<3x1x128xi1>, vector<3x1x128xf32>
    %reduce_sum3A_1663 = arith.constant dense<0.000000e+00> : vector<3x1xf32>
    %reduce_sum3A_1664 = vector.multi_reduction <add>, %select_n3A_1662, %reduce_sum3A_1663 [2] : vector<3x1x128xf32> to vector<3x1xf32>
    %broadcast_in_dim3A_1665 = vector.shape_cast %reduce_sum3A_1664 : vector<3x1xf32> to vector<3x1x1xf32>
    %jit3A_1666 = arith.constant 128 : i32
    %div3A_1667 = arith.divsi %reduce_max3A_1589, %jit3A_1666 : i32
    %sign3A_1668 = arith.constant 0 : i32
    %sign3A_1669 = arith.cmpi sgt, %reduce_max3A_1589, %sign3A_1668 : i32
    %sign3A_1670 = arith.extui %sign3A_1669 : i1 to i32
    %sign3A_1671 = arith.constant 0 : i32
    %sign3A_1672 = arith.cmpi slt, %reduce_max3A_1589, %sign3A_1671 : i32
    %sign3A_1673 = arith.extui %sign3A_1672 : i1 to i32
    %sign3A_1674 = arith.subi %sign3A_1670, %sign3A_1673 : i32
    %sign3A_1675 = arith.constant 0 : i32
    %sign3A_1676 = arith.cmpi sgt, %jit3A_1666, %sign3A_1675 : i32
    %sign3A_1677 = arith.extui %sign3A_1676 : i1 to i32
    %sign3A_1678 = arith.constant 0 : i32
    %sign3A_1679 = arith.cmpi slt, %jit3A_1666, %sign3A_1678 : i32
    %sign3A_1680 = arith.extui %sign3A_1679 : i1 to i32
    %sign3A_1681 = arith.subi %sign3A_1677, %sign3A_1680 : i32
    %ne3A_1682 = arith.cmpi ne, %sign3A_1674, %sign3A_1681 : i32
    %rem3A_1683 = arith.remsi %reduce_max3A_1589, %jit3A_1666 : i32
    %ne3A_1684 = arith.constant 0 : i32
    %ne3A_1685 = arith.cmpi ne, %rem3A_1683, %ne3A_1684 : i32
    %and3A_1686 = arith.andi %ne3A_1682, %ne3A_1685 : i1
    %sub3A_1687 = arith.constant 1 : i32
    %sub3A_1688 = arith.subi %div3A_1667, %sub3A_1687 : i32
    %select_n3A_1689 = arith.select %and3A_1686, %sub3A_1688, %div3A_1667 : i32
    %jit3A_1690 = arith.constant 128 : i32
    %eq3A_1691 = arith.constant 0 : i32
    %eq3A_1692 = arith.cmpi eq, %jit3A_1690, %eq3A_1691 : i32
    %jit3A_1693 = arith.constant 1 : i32
    %select_n3A_1694 = arith.select %eq3A_1692, %jit3A_1693, %jit3A_1690 : i32
    %rem3A_1695 = arith.remsi %reduce_max3A_1589, %select_n3A_1694 : i32
    %ne3A_1696 = arith.constant 0 : i32
    %ne3A_1697 = arith.cmpi ne, %rem3A_1695, %ne3A_1696 : i32
    %lt3A_1698 = arith.constant 0 : i32
    %lt3A_1699 = arith.cmpi slt, %rem3A_1695, %lt3A_1698 : i32
    %lt3A_1700 = arith.constant 0 : i32
    %lt3A_1701 = arith.cmpi slt, %select_n3A_1694, %lt3A_1700 : i32
    %ne3A_1702 = arith.xori %lt3A_1699, %lt3A_1701 : i1
    %and3A_1703 = arith.andi %ne3A_1702, %ne3A_1697 : i1
    %add3A_1704 = arith.addi %rem3A_1695, %select_n3A_1694 : i32
    %select_n3A_1705 = arith.select %and3A_1703, %add3A_1704, %rem3A_1695 : i32
    %get3A_1706 = arith.constant 1 : index
    %get3A_1707 = arith.constant 0 : index
    %get3A_1708 = arith.index_cast %select_n3A_1689 : i32 to index
    %get3A_1709 = arith.constant 0 : index
    %get3A_1710 = vector.load %arg0[%get3A_1706, %get3A_1707, %get3A_1708, %get3A_1709] : memref<4x3x512x128xf32, #tpu.memory_space<vmem>>, vector<1x3x1x128xf32>
    %get3A_1711 = vector.shape_cast %get3A_1710 : vector<1x3x1x128xf32> to vector<3x1x128xf32>
    %eq3A_1712 = vector.broadcast %select_n3A_1705 : i32 to vector<3x1x128xi32>
    %eq3A_1713 = arith.cmpi eq, %iota3A_20, %eq3A_1712 : vector<3x1x128xi32>
    %jit3A_1714 = arith.constant 0.000000e+00 : f32
    %broadcast_in_dim3A_1715 = vector.broadcast %jit3A_1714 : f32 to vector<3x1x128xf32>
    %select_n3A_1716 = arith.select %eq3A_1713, %get3A_1711, %broadcast_in_dim3A_1715 : vector<3x1x128xi1>, vector<3x1x128xf32>
    %reduce_sum3A_1717 = arith.constant dense<0.000000e+00> : vector<3x1xf32>
    %reduce_sum3A_1718 = vector.multi_reduction <add>, %select_n3A_1716, %reduce_sum3A_1717 [2] : vector<3x1x128xf32> to vector<3x1xf32>
    %broadcast_in_dim3A_1719 = vector.shape_cast %reduce_sum3A_1718 : vector<3x1xf32> to vector<3x1x1xf32>
    %jit3A_1720 = arith.constant 128 : i32
    %div3A_1721 = arith.divsi %reduce_max3A_1600, %jit3A_1720 : i32
    %sign3A_1722 = arith.constant 0 : i32
    %sign3A_1723 = arith.cmpi sgt, %reduce_max3A_1600, %sign3A_1722 : i32
    %sign3A_1724 = arith.extui %sign3A_1723 : i1 to i32
    %sign3A_1725 = arith.constant 0 : i32
    %sign3A_1726 = arith.cmpi slt, %reduce_max3A_1600, %sign3A_1725 : i32
    %sign3A_1727 = arith.extui %sign3A_1726 : i1 to i32
    %sign3A_1728 = arith.subi %sign3A_1724, %sign3A_1727 : i32
    %sign3A_1729 = arith.constant 0 : i32
    %sign3A_1730 = arith.cmpi sgt, %jit3A_1720, %sign3A_1729 : i32
    %sign3A_1731 = arith.extui %sign3A_1730 : i1 to i32
    %sign3A_1732 = arith.constant 0 : i32
    %sign3A_1733 = arith.cmpi slt, %jit3A_1720, %sign3A_1732 : i32
    %sign3A_1734 = arith.extui %sign3A_1733 : i1 to i32
    %sign3A_1735 = arith.subi %sign3A_1731, %sign3A_1734 : i32
    %ne3A_1736 = arith.cmpi ne, %sign3A_1728, %sign3A_1735 : i32
    %rem3A_1737 = arith.remsi %reduce_max3A_1600, %jit3A_1720 : i32
    %ne3A_1738 = arith.constant 0 : i32
    %ne3A_1739 = arith.cmpi ne, %rem3A_1737, %ne3A_1738 : i32
    %and3A_1740 = arith.andi %ne3A_1736, %ne3A_1739 : i1
    %sub3A_1741 = arith.constant 1 : i32
    %sub3A_1742 = arith.subi %div3A_1721, %sub3A_1741 : i32
    %select_n3A_1743 = arith.select %and3A_1740, %sub3A_1742, %div3A_1721 : i32
    %jit3A_1744 = arith.constant 128 : i32
    %eq3A_1745 = arith.constant 0 : i32
    %eq3A_1746 = arith.cmpi eq, %jit3A_1744, %eq3A_1745 : i32
    %jit3A_1747 = arith.constant 1 : i32
    %select_n3A_1748 = arith.select %eq3A_1746, %jit3A_1747, %jit3A_1744 : i32
    %rem3A_1749 = arith.remsi %reduce_max3A_1600, %select_n3A_1748 : i32
    %ne3A_1750 = arith.constant 0 : i32
    %ne3A_1751 = arith.cmpi ne, %rem3A_1749, %ne3A_1750 : i32
    %lt3A_1752 = arith.constant 0 : i32
    %lt3A_1753 = arith.cmpi slt, %rem3A_1749, %lt3A_1752 : i32
    %lt3A_1754 = arith.constant 0 : i32
    %lt3A_1755 = arith.cmpi slt, %select_n3A_1748, %lt3A_1754 : i32
    %ne3A_1756 = arith.xori %lt3A_1753, %lt3A_1755 : i1
    %and3A_1757 = arith.andi %ne3A_1756, %ne3A_1751 : i1
    %add3A_1758 = arith.addi %rem3A_1749, %select_n3A_1748 : i32
    %select_n3A_1759 = arith.select %and3A_1757, %add3A_1758, %rem3A_1749 : i32
    %get3A_1760 = arith.constant 2 : index
    %get3A_1761 = arith.constant 0 : index
    %get3A_1762 = arith.index_cast %select_n3A_1743 : i32 to index
    %get3A_1763 = arith.constant 0 : index
    %get3A_1764 = vector.load %arg0[%get3A_1760, %get3A_1761, %get3A_1762, %get3A_1763] : memref<4x3x512x128xf32, #tpu.memory_space<vmem>>, vector<1x3x1x128xf32>
    %get3A_1765 = vector.shape_cast %get3A_1764 : vector<1x3x1x128xf32> to vector<3x1x128xf32>
    %eq3A_1766 = vector.broadcast %select_n3A_1759 : i32 to vector<3x1x128xi32>
    %eq3A_1767 = arith.cmpi eq, %iota3A_20, %eq3A_1766 : vector<3x1x128xi32>
    %jit3A_1768 = arith.constant 0.000000e+00 : f32
    %broadcast_in_dim3A_1769 = vector.broadcast %jit3A_1768 : f32 to vector<3x1x128xf32>
    %select_n3A_1770 = arith.select %eq3A_1767, %get3A_1765, %broadcast_in_dim3A_1769 : vector<3x1x128xi1>, vector<3x1x128xf32>
    %reduce_sum3A_1771 = arith.constant dense<0.000000e+00> : vector<3x1xf32>
    %reduce_sum3A_1772 = vector.multi_reduction <add>, %select_n3A_1770, %reduce_sum3A_1771 [2] : vector<3x1x128xf32> to vector<3x1xf32>
    %broadcast_in_dim3A_1773 = vector.shape_cast %reduce_sum3A_1772 : vector<3x1xf32> to vector<3x1x1xf32>
    %jit3A_1774 = arith.constant 128 : i32
    %div3A_1775 = arith.divsi %reduce_max3A_1611, %jit3A_1774 : i32
    %sign3A_1776 = arith.constant 0 : i32
    %sign3A_1777 = arith.cmpi sgt, %reduce_max3A_1611, %sign3A_1776 : i32
    %sign3A_1778 = arith.extui %sign3A_1777 : i1 to i32
    %sign3A_1779 = arith.constant 0 : i32
    %sign3A_1780 = arith.cmpi slt, %reduce_max3A_1611, %sign3A_1779 : i32
    %sign3A_1781 = arith.extui %sign3A_1780 : i1 to i32
    %sign3A_1782 = arith.subi %sign3A_1778, %sign3A_1781 : i32
    %sign3A_1783 = arith.constant 0 : i32
    %sign3A_1784 = arith.cmpi sgt, %jit3A_1774, %sign3A_1783 : i32
    %sign3A_1785 = arith.extui %sign3A_1784 : i1 to i32
    %sign3A_1786 = arith.constant 0 : i32
    %sign3A_1787 = arith.cmpi slt, %jit3A_1774, %sign3A_1786 : i32
    %sign3A_1788 = arith.extui %sign3A_1787 : i1 to i32
    %sign3A_1789 = arith.subi %sign3A_1785, %sign3A_1788 : i32
    %ne3A_1790 = arith.cmpi ne, %sign3A_1782, %sign3A_1789 : i32
    %rem3A_1791 = arith.remsi %reduce_max3A_1611, %jit3A_1774 : i32
    %ne3A_1792 = arith.constant 0 : i32
    %ne3A_1793 = arith.cmpi ne, %rem3A_1791, %ne3A_1792 : i32
    %and3A_1794 = arith.andi %ne3A_1790, %ne3A_1793 : i1
    %sub3A_1795 = arith.constant 1 : i32
    %sub3A_1796 = arith.subi %div3A_1775, %sub3A_1795 : i32
    %select_n3A_1797 = arith.select %and3A_1794, %sub3A_1796, %div3A_1775 : i32
    %jit3A_1798 = arith.constant 128 : i32
    %eq3A_1799 = arith.constant 0 : i32
    %eq3A_1800 = arith.cmpi eq, %jit3A_1798, %eq3A_1799 : i32
    %jit3A_1801 = arith.constant 1 : i32
    %select_n3A_1802 = arith.select %eq3A_1800, %jit3A_1801, %jit3A_1798 : i32
    %rem3A_1803 = arith.remsi %reduce_max3A_1611, %select_n3A_1802 : i32
    %ne3A_1804 = arith.constant 0 : i32
    %ne3A_1805 = arith.cmpi ne, %rem3A_1803, %ne3A_1804 : i32
    %lt3A_1806 = arith.constant 0 : i32
    %lt3A_1807 = arith.cmpi slt, %rem3A_1803, %lt3A_1806 : i32
    %lt3A_1808 = arith.constant 0 : i32
    %lt3A_1809 = arith.cmpi slt, %select_n3A_1802, %lt3A_1808 : i32
    %ne3A_1810 = arith.xori %lt3A_1807, %lt3A_1809 : i1
    %and3A_1811 = arith.andi %ne3A_1810, %ne3A_1805 : i1
    %add3A_1812 = arith.addi %rem3A_1803, %select_n3A_1802 : i32
    %select_n3A_1813 = arith.select %and3A_1811, %add3A_1812, %rem3A_1803 : i32
    %get3A_1814 = arith.constant 3 : index
    %get3A_1815 = arith.constant 0 : index
    %get3A_1816 = arith.index_cast %select_n3A_1797 : i32 to index
    %get3A_1817 = arith.constant 0 : index
    %get3A_1818 = vector.load %arg0[%get3A_1814, %get3A_1815, %get3A_1816, %get3A_1817] : memref<4x3x512x128xf32, #tpu.memory_space<vmem>>, vector<1x3x1x128xf32>
    %get3A_1819 = vector.shape_cast %get3A_1818 : vector<1x3x1x128xf32> to vector<3x1x128xf32>
    %eq3A_1820 = vector.broadcast %select_n3A_1813 : i32 to vector<3x1x128xi32>
    %eq3A_1821 = arith.cmpi eq, %iota3A_20, %eq3A_1820 : vector<3x1x128xi32>
    %jit3A_1822 = arith.constant 0.000000e+00 : f32
    %broadcast_in_dim3A_1823 = vector.broadcast %jit3A_1822 : f32 to vector<3x1x128xf32>
    %select_n3A_1824 = arith.select %eq3A_1821, %get3A_1819, %broadcast_in_dim3A_1823 : vector<3x1x128xi1>, vector<3x1x128xf32>
    %reduce_sum3A_1825 = arith.constant dense<0.000000e+00> : vector<3x1xf32>
    %reduce_sum3A_1826 = vector.multi_reduction <add>, %select_n3A_1824, %reduce_sum3A_1825 [2] : vector<3x1x128xf32> to vector<3x1xf32>
    %broadcast_in_dim3A_1827 = vector.shape_cast %reduce_sum3A_1826 : vector<3x1xf32> to vector<3x1x1xf32>
    %reshape3A_1828 = vector.shape_cast %broadcast_in_dim3A_1665 : vector<3x1x1xf32> to vector<1x1x3xf32>
    %swap3A_1829 = arith.constant 0 : index
    %swap3A_1830 = arith.constant 5 : index
    %swap3A_1831 = arith.constant 0 : index
    %swap3A_1832 = vector.load %arg2[%swap3A_1829, %swap3A_1830, %swap3A_1831] : memref<4x16x3xf32, #tpu.memory_space<vmem>>, vector<1x1x3xf32>
    tpu.vector_store %arg2[%swap3A_1829, %swap3A_1830, %swap3A_1831], %reshape3A_1828 {strides = array<i32>} : memref<4x16x3xf32, #tpu.memory_space<vmem>>, vector<1x1x3xf32>,
    %reshape3A_1833 = vector.shape_cast %broadcast_in_dim3A_1719 : vector<3x1x1xf32> to vector<1x1x3xf32>
    %swap3A_1834 = arith.constant 1 : index
    %swap3A_1835 = arith.constant 5 : index
    %swap3A_1836 = arith.constant 0 : index
    %swap3A_1837 = vector.load %arg2[%swap3A_1834, %swap3A_1835, %swap3A_1836] : memref<4x16x3xf32, #tpu.memory_space<vmem>>, vector<1x1x3xf32>
    tpu.vector_store %arg2[%swap3A_1834, %swap3A_1835, %swap3A_1836], %reshape3A_1833 {strides = array<i32>} : memref<4x16x3xf32, #tpu.memory_space<vmem>>, vector<1x1x3xf32>,
    %reshape3A_1838 = vector.shape_cast %broadcast_in_dim3A_1773 : vector<3x1x1xf32> to vector<1x1x3xf32>
    %swap3A_1839 = arith.constant 2 : index
    %swap3A_1840 = arith.constant 5 : index
    %swap3A_1841 = arith.constant 0 : index
    %swap3A_1842 = vector.load %arg2[%swap3A_1839, %swap3A_1840, %swap3A_1841] : memref<4x16x3xf32, #tpu.memory_space<vmem>>, vector<1x1x3xf32>
    tpu.vector_store %arg2[%swap3A_1839, %swap3A_1840, %swap3A_1841], %reshape3A_1838 {strides = array<i32>} : memref<4x16x3xf32, #tpu.memory_space<vmem>>, vector<1x1x3xf32>,
    %reshape3A_1843 = vector.shape_cast %broadcast_in_dim3A_1827 : vector<3x1x1xf32> to vector<1x1x3xf32>
    %swap3A_1844 = arith.constant 3 : index
    %swap3A_1845 = arith.constant 5 : index
    %swap3A_1846 = arith.constant 0 : index
    %swap3A_1847 = vector.load %arg2[%swap3A_1844, %swap3A_1845, %swap3A_1846] : memref<4x16x3xf32, #tpu.memory_space<vmem>>, vector<1x1x3xf32>
    tpu.vector_store %arg2[%swap3A_1844, %swap3A_1845, %swap3A_1846], %reshape3A_1843 {strides = array<i32>} : memref<4x16x3xf32, #tpu.memory_space<vmem>>, vector<1x1x3xf32>,
    %slice3A_1848 = vector.extract_strided_slice %broadcast_in_dim3A_1665 {offsets = [0, 0, 0], sizes = [1, 1, 1], strides = [1, 1, 1]} : vector<3x1x1xf32> to vector<1x1x1xf32>
    %slice3A_1849 = vector.extract_strided_slice %broadcast_in_dim3A_1719 {offsets = [0, 0, 0], sizes = [1, 1, 1], strides = [1, 1, 1]} : vector<3x1x1xf32> to vector<1x1x1xf32>
    %slice3A_1850 = vector.extract_strided_slice %broadcast_in_dim3A_1773 {offsets = [0, 0, 0], sizes = [1, 1, 1], strides = [1, 1, 1]} : vector<3x1x1xf32> to vector<1x1x1xf32>
    %slice3A_1851 = vector.extract_strided_slice %broadcast_in_dim3A_1827 {offsets = [0, 0, 0], sizes = [1, 1, 1], strides = [1, 1, 1]} : vector<3x1x1xf32> to vector<1x1x1xf32>
    %concatenate3A_1852 = tpu.concatenate %slice3A_1848, %slice3A_1849, %slice3A_1850, %slice3A_1851 in 0 : vector<1x1x1xf32>, vector<1x1x1xf32>, vector<1x1x1xf32>, vector<1x1x1xf32> -> vector<4x1x1xf32>
    %slice3A_1853 = vector.extract_strided_slice %broadcast_in_dim3A_1665 {offsets = [1, 0, 0], sizes = [1, 1, 1], strides = [1, 1, 1]} : vector<3x1x1xf32> to vector<1x1x1xf32>
    %slice3A_1854 = vector.extract_strided_slice %broadcast_in_dim3A_1719 {offsets = [1, 0, 0], sizes = [1, 1, 1], strides = [1, 1, 1]} : vector<3x1x1xf32> to vector<1x1x1xf32>
    %slice3A_1855 = vector.extract_strided_slice %broadcast_in_dim3A_1773 {offsets = [1, 0, 0], sizes = [1, 1, 1], strides = [1, 1, 1]} : vector<3x1x1xf32> to vector<1x1x1xf32>
    %slice3A_1856 = vector.extract_strided_slice %broadcast_in_dim3A_1827 {offsets = [1, 0, 0], sizes = [1, 1, 1], strides = [1, 1, 1]} : vector<3x1x1xf32> to vector<1x1x1xf32>
    %concatenate3A_1857 = tpu.concatenate %slice3A_1853, %slice3A_1854, %slice3A_1855, %slice3A_1856 in 0 : vector<1x1x1xf32>, vector<1x1x1xf32>, vector<1x1x1xf32>, vector<1x1x1xf32> -> vector<4x1x1xf32>
    %slice3A_1858 = vector.extract_strided_slice %broadcast_in_dim3A_1665 {offsets = [2, 0, 0], sizes = [1, 1, 1], strides = [1, 1, 1]} : vector<3x1x1xf32> to vector<1x1x1xf32>
    %slice3A_1859 = vector.extract_strided_slice %broadcast_in_dim3A_1719 {offsets = [2, 0, 0], sizes = [1, 1, 1], strides = [1, 1, 1]} : vector<3x1x1xf32> to vector<1x1x1xf32>
    %slice3A_1860 = vector.extract_strided_slice %broadcast_in_dim3A_1773 {offsets = [2, 0, 0], sizes = [1, 1, 1], strides = [1, 1, 1]} : vector<3x1x1xf32> to vector<1x1x1xf32>
    %slice3A_1861 = vector.extract_strided_slice %broadcast_in_dim3A_1827 {offsets = [2, 0, 0], sizes = [1, 1, 1], strides = [1, 1, 1]} : vector<3x1x1xf32> to vector<1x1x1xf32>
    %concatenate3A_1862 = tpu.concatenate %slice3A_1858, %slice3A_1859, %slice3A_1860, %slice3A_1861 in 0 : vector<1x1x1xf32>, vector<1x1x1xf32>, vector<1x1x1xf32>, vector<1x1x1xf32> -> vector<4x1x1xf32>
    %sub3A_1863 = vector.broadcast %concatenate3A_1852 : vector<4x1x1xf32> to vector<4x512x128xf32>
    %sub3A_1864 = arith.subf %get3A_4, %sub3A_1863 : vector<4x512x128xf32>
    %sub3A_1865 = vector.broadcast %concatenate3A_1857 : vector<4x1x1xf32> to vector<4x512x128xf32>
    %sub3A_1866 = arith.subf %get3A_10, %sub3A_1865 : vector<4x512x128xf32>
    %sub3A_1867 = vector.broadcast %concatenate3A_1862 : vector<4x1x1xf32> to vector<4x512x128xf32>
    %sub3A_1868 = arith.subf %get3A_16, %sub3A_1867 : vector<4x512x128xf32>
    %mul3A_1869 = arith.mulf %sub3A_1864, %sub3A_1864 : vector<4x512x128xf32>
    %mul3A_1870 = arith.mulf %sub3A_1866, %sub3A_1866 : vector<4x512x128xf32>
    %add3A_1871 = arith.addf %mul3A_1869, %mul3A_1870 : vector<4x512x128xf32>
    %mul3A_1872 = arith.mulf %sub3A_1868, %sub3A_1868 : vector<4x512x128xf32>
    %add3A_1873 = arith.addf %add3A_1871, %mul3A_1872 : vector<4x512x128xf32>
    %min3A_1874 = arith.minimumf %min3A_1555, %add3A_1873 : vector<4x512x128xf32>
    %reduce_max3A_1875 = arith.constant dense<0xFF800000> : vector<4xf32>
    %reduce_max3A_1876 = vector.multi_reduction <maximumf>, %min3A_1874, %reduce_max3A_1875 [1, 2] : vector<4x512x128xf32> to vector<4xf32>
    %broadcast_in_dim3A_1877 = vector.shape_cast %reduce_max3A_1876 : vector<4xf32> to vector<4x1x1xf32>
    %eq3A_1878 = vector.broadcast %broadcast_in_dim3A_1877 : vector<4x1x1xf32> to vector<4x512x128xf32>
    %eq3A_1879 = arith.cmpf oeq, %min3A_1874, %eq3A_1878 : vector<4x512x128xf32>
    %jit3A_1880 = arith.constant 2147483647 : i32
    %broadcast_in_dim3A_1881 = vector.shape_cast %add3A : vector<512x128xi32> to vector<1x512x128xi32>
    %broadcast_in_dim3A_1882 = vector.broadcast %broadcast_in_dim3A_1881 : vector<1x512x128xi32> to vector<4x512x128xi32>
    %broadcast_in_dim3A_1883 = vector.broadcast %jit3A_1880 : i32 to vector<4x512x128xi32>
    %select_n3A_1884 = arith.select %eq3A_1879, %broadcast_in_dim3A_1882, %broadcast_in_dim3A_1883 : vector<4x512x128xi1>, vector<4x512x128xi32>
    %reduce_min3A_1885 = arith.constant dense<2147483647> : vector<4xi32>
    %reduce_min3A_1886 = vector.multi_reduction <minsi>, %select_n3A_1884, %reduce_min3A_1885 [1, 2] : vector<4x512x128xi32> to vector<4xi32>
    %slice3A_1887 = vector.extract_strided_slice %reduce_min3A_1886 {offsets = [0], sizes = [1], strides = [1]} : vector<4xi32> to vector<1xi32>
    %reshape3A_1888 = vector.shape_cast %slice3A_1887 : vector<1xi32> to vector<1x1xi32>
    %swap3A_1889 = arith.constant 0 : index
    %swap3A_1890 = arith.constant 6 : index
    %swap3A_1891 = vector.load %arg1[%swap3A_1889, %swap3A_1890] : memref<1x64xi32, #tpu.memory_space<vmem>>, vector<1x1xi32>
    tpu.vector_store %arg1[%swap3A_1889, %swap3A_1890], %reshape3A_1888 {strides = array<i32>} : memref<1x64xi32, #tpu.memory_space<vmem>>, vector<1x1xi32>,
    %slice3A_1892 = vector.extract_strided_slice %reduce_min3A_1886 {offsets = [0], sizes = [1], strides = [1]} : vector<4xi32> to vector<1xi32>
    %reduce_max3A_1893 = vector.shape_cast %slice3A_1892 : vector<1xi32> to vector<1x1xi32>
    %reduce_max3A_1894 = arith.constant dense<-2147483648> : vector<1xi32>
    %reduce_max3A_1895 = vector.multi_reduction <maxsi>, %reduce_max3A_1893, %reduce_max3A_1894 [1] : vector<1x1xi32> to vector<1xi32>
    %reduce_max3A_1896 = vector.shape_cast %reduce_max3A_1895 : vector<1xi32> to vector<1x1xi32>
    %reduce_max3A_1897 = vector.extract %reduce_max3A_1896[0, 0] : i32 from vector<1x1xi32>
    %slice3A_1898 = vector.extract_strided_slice %reduce_min3A_1886 {offsets = [1], sizes = [1], strides = [1]} : vector<4xi32> to vector<1xi32>
    %reshape3A_1899 = vector.shape_cast %slice3A_1898 : vector<1xi32> to vector<1x1xi32>
    %swap3A_1900 = arith.constant 0 : index
    %swap3A_1901 = arith.constant 22 : index
    %swap3A_1902 = vector.load %arg1[%swap3A_1900, %swap3A_1901] : memref<1x64xi32, #tpu.memory_space<vmem>>, vector<1x1xi32>
    tpu.vector_store %arg1[%swap3A_1900, %swap3A_1901], %reshape3A_1899 {strides = array<i32>} : memref<1x64xi32, #tpu.memory_space<vmem>>, vector<1x1xi32>,
    %slice3A_1903 = vector.extract_strided_slice %reduce_min3A_1886 {offsets = [1], sizes = [1], strides = [1]} : vector<4xi32> to vector<1xi32>
    %reduce_max3A_1904 = vector.shape_cast %slice3A_1903 : vector<1xi32> to vector<1x1xi32>
    %reduce_max3A_1905 = arith.constant dense<-2147483648> : vector<1xi32>
    %reduce_max3A_1906 = vector.multi_reduction <maxsi>, %reduce_max3A_1904, %reduce_max3A_1905 [1] : vector<1x1xi32> to vector<1xi32>
    %reduce_max3A_1907 = vector.shape_cast %reduce_max3A_1906 : vector<1xi32> to vector<1x1xi32>
    %reduce_max3A_1908 = vector.extract %reduce_max3A_1907[0, 0] : i32 from vector<1x1xi32>
    %slice3A_1909 = vector.extract_strided_slice %reduce_min3A_1886 {offsets = [2], sizes = [1], strides = [1]} : vector<4xi32> to vector<1xi32>
    %reshape3A_1910 = vector.shape_cast %slice3A_1909 : vector<1xi32> to vector<1x1xi32>
    %swap3A_1911 = arith.constant 0 : index
    %swap3A_1912 = arith.constant 38 : index
    %swap3A_1913 = vector.load %arg1[%swap3A_1911, %swap3A_1912] : memref<1x64xi32, #tpu.memory_space<vmem>>, vector<1x1xi32>
    tpu.vector_store %arg1[%swap3A_1911, %swap3A_1912], %reshape3A_1910 {strides = array<i32>} : memref<1x64xi32, #tpu.memory_space<vmem>>, vector<1x1xi32>,
    %slice3A_1914 = vector.extract_strided_slice %reduce_min3A_1886 {offsets = [2], sizes = [1], strides = [1]} : vector<4xi32> to vector<1xi32>
    %reduce_max3A_1915 = vector.shape_cast %slice3A_1914 : vector<1xi32> to vector<1x1xi32>
    %reduce_max3A_1916 = arith.constant dense<-2147483648> : vector<1xi32>
    %reduce_max3A_1917 = vector.multi_reduction <maxsi>, %reduce_max3A_1915, %reduce_max3A_1916 [1] : vector<1x1xi32> to vector<1xi32>
    %reduce_max3A_1918 = vector.shape_cast %reduce_max3A_1917 : vector<1xi32> to vector<1x1xi32>
    %reduce_max3A_1919 = vector.extract %reduce_max3A_1918[0, 0] : i32 from vector<1x1xi32>
    %slice3A_1920 = vector.extract_strided_slice %reduce_min3A_1886 {offsets = [3], sizes = [1], strides = [1]} : vector<4xi32> to vector<1xi32>
    %reshape3A_1921 = vector.shape_cast %slice3A_1920 : vector<1xi32> to vector<1x1xi32>
    %swap3A_1922 = arith.constant 0 : index
    %swap3A_1923 = arith.constant 54 : index
    %swap3A_1924 = vector.load %arg1[%swap3A_1922, %swap3A_1923] : memref<1x64xi32, #tpu.memory_space<vmem>>, vector<1x1xi32>
    tpu.vector_store %arg1[%swap3A_1922, %swap3A_1923], %reshape3A_1921 {strides = array<i32>} : memref<1x64xi32, #tpu.memory_space<vmem>>, vector<1x1xi32>,
    %slice3A_1925 = vector.extract_strided_slice %reduce_min3A_1886 {offsets = [3], sizes = [1], strides = [1]} : vector<4xi32> to vector<1xi32>
    %reduce_max3A_1926 = vector.shape_cast %slice3A_1925 : vector<1xi32> to vector<1x1xi32>
    %reduce_max3A_1927 = arith.constant dense<-2147483648> : vector<1xi32>
    %reduce_max3A_1928 = vector.multi_reduction <maxsi>, %reduce_max3A_1926, %reduce_max3A_1927 [1] : vector<1x1xi32> to vector<1xi32>
    %reduce_max3A_1929 = vector.shape_cast %reduce_max3A_1928 : vector<1xi32> to vector<1x1xi32>
    %reduce_max3A_1930 = vector.extract %reduce_max3A_1929[0, 0] : i32 from vector<1x1xi32>
    %jit3A_1931 = arith.constant 128 : i32
    %div3A_1932 = arith.divsi %reduce_max3A_1897, %jit3A_1931 : i32
    %sign3A_1933 = arith.constant 0 : i32
    %sign3A_1934 = arith.cmpi sgt, %reduce_max3A_1897, %sign3A_1933 : i32
    %sign3A_1935 = arith.extui %sign3A_1934 : i1 to i32
    %sign3A_1936 = arith.constant 0 : i32
    %sign3A_1937 = arith.cmpi slt, %reduce_max3A_1897, %sign3A_1936 : i32
    %sign3A_1938 = arith.extui %sign3A_1937 : i1 to i32
    %sign3A_1939 = arith.subi %sign3A_1935, %sign3A_1938 : i32
    %sign3A_1940 = arith.constant 0 : i32
    %sign3A_1941 = arith.cmpi sgt, %jit3A_1931, %sign3A_1940 : i32
    %sign3A_1942 = arith.extui %sign3A_1941 : i1 to i32
    %sign3A_1943 = arith.constant 0 : i32
    %sign3A_1944 = arith.cmpi slt, %jit3A_1931, %sign3A_1943 : i32
    %sign3A_1945 = arith.extui %sign3A_1944 : i1 to i32
    %sign3A_1946 = arith.subi %sign3A_1942, %sign3A_1945 : i32
    %ne3A_1947 = arith.cmpi ne, %sign3A_1939, %sign3A_1946 : i32
    %rem3A_1948 = arith.remsi %reduce_max3A_1897, %jit3A_1931 : i32
    %ne3A_1949 = arith.constant 0 : i32
    %ne3A_1950 = arith.cmpi ne, %rem3A_1948, %ne3A_1949 : i32
    %and3A_1951 = arith.andi %ne3A_1947, %ne3A_1950 : i1
    %sub3A_1952 = arith.constant 1 : i32
    %sub3A_1953 = arith.subi %div3A_1932, %sub3A_1952 : i32
    %select_n3A_1954 = arith.select %and3A_1951, %sub3A_1953, %div3A_1932 : i32
    %jit3A_1955 = arith.constant 128 : i32
    %eq3A_1956 = arith.constant 0 : i32
    %eq3A_1957 = arith.cmpi eq, %jit3A_1955, %eq3A_1956 : i32
    %jit3A_1958 = arith.constant 1 : i32
    %select_n3A_1959 = arith.select %eq3A_1957, %jit3A_1958, %jit3A_1955 : i32
    %rem3A_1960 = arith.remsi %reduce_max3A_1897, %select_n3A_1959 : i32
    %ne3A_1961 = arith.constant 0 : i32
    %ne3A_1962 = arith.cmpi ne, %rem3A_1960, %ne3A_1961 : i32
    %lt3A_1963 = arith.constant 0 : i32
    %lt3A_1964 = arith.cmpi slt, %rem3A_1960, %lt3A_1963 : i32
    %lt3A_1965 = arith.constant 0 : i32
    %lt3A_1966 = arith.cmpi slt, %select_n3A_1959, %lt3A_1965 : i32
    %ne3A_1967 = arith.xori %lt3A_1964, %lt3A_1966 : i1
    %and3A_1968 = arith.andi %ne3A_1967, %ne3A_1962 : i1
    %add3A_1969 = arith.addi %rem3A_1960, %select_n3A_1959 : i32
    %select_n3A_1970 = arith.select %and3A_1968, %add3A_1969, %rem3A_1960 : i32
    %get3A_1971 = arith.constant 0 : index
    %get3A_1972 = arith.constant 0 : index
    %get3A_1973 = arith.index_cast %select_n3A_1954 : i32 to index
    %get3A_1974 = arith.constant 0 : index
    %get3A_1975 = vector.load %arg0[%get3A_1971, %get3A_1972, %get3A_1973, %get3A_1974] : memref<4x3x512x128xf32, #tpu.memory_space<vmem>>, vector<1x3x1x128xf32>
    %get3A_1976 = vector.shape_cast %get3A_1975 : vector<1x3x1x128xf32> to vector<3x1x128xf32>
    %eq3A_1977 = vector.broadcast %select_n3A_1970 : i32 to vector<3x1x128xi32>
    %eq3A_1978 = arith.cmpi eq, %iota3A_20, %eq3A_1977 : vector<3x1x128xi32>
    %jit3A_1979 = arith.constant 0.000000e+00 : f32
    %broadcast_in_dim3A_1980 = vector.broadcast %jit3A_1979 : f32 to vector<3x1x128xf32>
    %select_n3A_1981 = arith.select %eq3A_1978, %get3A_1976, %broadcast_in_dim3A_1980 : vector<3x1x128xi1>, vector<3x1x128xf32>
    %reduce_sum3A_1982 = arith.constant dense<0.000000e+00> : vector<3x1xf32>
    %reduce_sum3A_1983 = vector.multi_reduction <add>, %select_n3A_1981, %reduce_sum3A_1982 [2] : vector<3x1x128xf32> to vector<3x1xf32>
    %broadcast_in_dim3A_1984 = vector.shape_cast %reduce_sum3A_1983 : vector<3x1xf32> to vector<3x1x1xf32>
    %jit3A_1985 = arith.constant 128 : i32
    %div3A_1986 = arith.divsi %reduce_max3A_1908, %jit3A_1985 : i32
    %sign3A_1987 = arith.constant 0 : i32
    %sign3A_1988 = arith.cmpi sgt, %reduce_max3A_1908, %sign3A_1987 : i32
    %sign3A_1989 = arith.extui %sign3A_1988 : i1 to i32
    %sign3A_1990 = arith.constant 0 : i32
    %sign3A_1991 = arith.cmpi slt, %reduce_max3A_1908, %sign3A_1990 : i32
    %sign3A_1992 = arith.extui %sign3A_1991 : i1 to i32
    %sign3A_1993 = arith.subi %sign3A_1989, %sign3A_1992 : i32
    %sign3A_1994 = arith.constant 0 : i32
    %sign3A_1995 = arith.cmpi sgt, %jit3A_1985, %sign3A_1994 : i32
    %sign3A_1996 = arith.extui %sign3A_1995 : i1 to i32
    %sign3A_1997 = arith.constant 0 : i32
    %sign3A_1998 = arith.cmpi slt, %jit3A_1985, %sign3A_1997 : i32
    %sign3A_1999 = arith.extui %sign3A_1998 : i1 to i32
    %sign3A_2000 = arith.subi %sign3A_1996, %sign3A_1999 : i32
    %ne3A_2001 = arith.cmpi ne, %sign3A_1993, %sign3A_2000 : i32
    %rem3A_2002 = arith.remsi %reduce_max3A_1908, %jit3A_1985 : i32
    %ne3A_2003 = arith.constant 0 : i32
    %ne3A_2004 = arith.cmpi ne, %rem3A_2002, %ne3A_2003 : i32
    %and3A_2005 = arith.andi %ne3A_2001, %ne3A_2004 : i1
    %sub3A_2006 = arith.constant 1 : i32
    %sub3A_2007 = arith.subi %div3A_1986, %sub3A_2006 : i32
    %select_n3A_2008 = arith.select %and3A_2005, %sub3A_2007, %div3A_1986 : i32
    %jit3A_2009 = arith.constant 128 : i32
    %eq3A_2010 = arith.constant 0 : i32
    %eq3A_2011 = arith.cmpi eq, %jit3A_2009, %eq3A_2010 : i32
    %jit3A_2012 = arith.constant 1 : i32
    %select_n3A_2013 = arith.select %eq3A_2011, %jit3A_2012, %jit3A_2009 : i32
    %rem3A_2014 = arith.remsi %reduce_max3A_1908, %select_n3A_2013 : i32
    %ne3A_2015 = arith.constant 0 : i32
    %ne3A_2016 = arith.cmpi ne, %rem3A_2014, %ne3A_2015 : i32
    %lt3A_2017 = arith.constant 0 : i32
    %lt3A_2018 = arith.cmpi slt, %rem3A_2014, %lt3A_2017 : i32
    %lt3A_2019 = arith.constant 0 : i32
    %lt3A_2020 = arith.cmpi slt, %select_n3A_2013, %lt3A_2019 : i32
    %ne3A_2021 = arith.xori %lt3A_2018, %lt3A_2020 : i1
    %and3A_2022 = arith.andi %ne3A_2021, %ne3A_2016 : i1
    %add3A_2023 = arith.addi %rem3A_2014, %select_n3A_2013 : i32
    %select_n3A_2024 = arith.select %and3A_2022, %add3A_2023, %rem3A_2014 : i32
    %get3A_2025 = arith.constant 1 : index
    %get3A_2026 = arith.constant 0 : index
    %get3A_2027 = arith.index_cast %select_n3A_2008 : i32 to index
    %get3A_2028 = arith.constant 0 : index
    %get3A_2029 = vector.load %arg0[%get3A_2025, %get3A_2026, %get3A_2027, %get3A_2028] : memref<4x3x512x128xf32, #tpu.memory_space<vmem>>, vector<1x3x1x128xf32>
    %get3A_2030 = vector.shape_cast %get3A_2029 : vector<1x3x1x128xf32> to vector<3x1x128xf32>
    %eq3A_2031 = vector.broadcast %select_n3A_2024 : i32 to vector<3x1x128xi32>
    %eq3A_2032 = arith.cmpi eq, %iota3A_20, %eq3A_2031 : vector<3x1x128xi32>
    %jit3A_2033 = arith.constant 0.000000e+00 : f32
    %broadcast_in_dim3A_2034 = vector.broadcast %jit3A_2033 : f32 to vector<3x1x128xf32>
    %select_n3A_2035 = arith.select %eq3A_2032, %get3A_2030, %broadcast_in_dim3A_2034 : vector<3x1x128xi1>, vector<3x1x128xf32>
    %reduce_sum3A_2036 = arith.constant dense<0.000000e+00> : vector<3x1xf32>
    %reduce_sum3A_2037 = vector.multi_reduction <add>, %select_n3A_2035, %reduce_sum3A_2036 [2] : vector<3x1x128xf32> to vector<3x1xf32>
    %broadcast_in_dim3A_2038 = vector.shape_cast %reduce_sum3A_2037 : vector<3x1xf32> to vector<3x1x1xf32>
    %jit3A_2039 = arith.constant 128 : i32
    %div3A_2040 = arith.divsi %reduce_max3A_1919, %jit3A_2039 : i32
    %sign3A_2041 = arith.constant 0 : i32
    %sign3A_2042 = arith.cmpi sgt, %reduce_max3A_1919, %sign3A_2041 : i32
    %sign3A_2043 = arith.extui %sign3A_2042 : i1 to i32
    %sign3A_2044 = arith.constant 0 : i32
    %sign3A_2045 = arith.cmpi slt, %reduce_max3A_1919, %sign3A_2044 : i32
    %sign3A_2046 = arith.extui %sign3A_2045 : i1 to i32
    %sign3A_2047 = arith.subi %sign3A_2043, %sign3A_2046 : i32
    %sign3A_2048 = arith.constant 0 : i32
    %sign3A_2049 = arith.cmpi sgt, %jit3A_2039, %sign3A_2048 : i32
    %sign3A_2050 = arith.extui %sign3A_2049 : i1 to i32
    %sign3A_2051 = arith.constant 0 : i32
    %sign3A_2052 = arith.cmpi slt, %jit3A_2039, %sign3A_2051 : i32
    %sign3A_2053 = arith.extui %sign3A_2052 : i1 to i32
    %sign3A_2054 = arith.subi %sign3A_2050, %sign3A_2053 : i32
    %ne3A_2055 = arith.cmpi ne, %sign3A_2047, %sign3A_2054 : i32
    %rem3A_2056 = arith.remsi %reduce_max3A_1919, %jit3A_2039 : i32
    %ne3A_2057 = arith.constant 0 : i32
    %ne3A_2058 = arith.cmpi ne, %rem3A_2056, %ne3A_2057 : i32
    %and3A_2059 = arith.andi %ne3A_2055, %ne3A_2058 : i1
    %sub3A_2060 = arith.constant 1 : i32
    %sub3A_2061 = arith.subi %div3A_2040, %sub3A_2060 : i32
    %select_n3A_2062 = arith.select %and3A_2059, %sub3A_2061, %div3A_2040 : i32
    %jit3A_2063 = arith.constant 128 : i32
    %eq3A_2064 = arith.constant 0 : i32
    %eq3A_2065 = arith.cmpi eq, %jit3A_2063, %eq3A_2064 : i32
    %jit3A_2066 = arith.constant 1 : i32
    %select_n3A_2067 = arith.select %eq3A_2065, %jit3A_2066, %jit3A_2063 : i32
    %rem3A_2068 = arith.remsi %reduce_max3A_1919, %select_n3A_2067 : i32
    %ne3A_2069 = arith.constant 0 : i32
    %ne3A_2070 = arith.cmpi ne, %rem3A_2068, %ne3A_2069 : i32
    %lt3A_2071 = arith.constant 0 : i32
    %lt3A_2072 = arith.cmpi slt, %rem3A_2068, %lt3A_2071 : i32
    %lt3A_2073 = arith.constant 0 : i32
    %lt3A_2074 = arith.cmpi slt, %select_n3A_2067, %lt3A_2073 : i32
    %ne3A_2075 = arith.xori %lt3A_2072, %lt3A_2074 : i1
    %and3A_2076 = arith.andi %ne3A_2075, %ne3A_2070 : i1
    %add3A_2077 = arith.addi %rem3A_2068, %select_n3A_2067 : i32
    %select_n3A_2078 = arith.select %and3A_2076, %add3A_2077, %rem3A_2068 : i32
    %get3A_2079 = arith.constant 2 : index
    %get3A_2080 = arith.constant 0 : index
    %get3A_2081 = arith.index_cast %select_n3A_2062 : i32 to index
    %get3A_2082 = arith.constant 0 : index
    %get3A_2083 = vector.load %arg0[%get3A_2079, %get3A_2080, %get3A_2081, %get3A_2082] : memref<4x3x512x128xf32, #tpu.memory_space<vmem>>, vector<1x3x1x128xf32>
    %get3A_2084 = vector.shape_cast %get3A_2083 : vector<1x3x1x128xf32> to vector<3x1x128xf32>
    %eq3A_2085 = vector.broadcast %select_n3A_2078 : i32 to vector<3x1x128xi32>
    %eq3A_2086 = arith.cmpi eq, %iota3A_20, %eq3A_2085 : vector<3x1x128xi32>
    %jit3A_2087 = arith.constant 0.000000e+00 : f32
    %broadcast_in_dim3A_2088 = vector.broadcast %jit3A_2087 : f32 to vector<3x1x128xf32>
    %select_n3A_2089 = arith.select %eq3A_2086, %get3A_2084, %broadcast_in_dim3A_2088 : vector<3x1x128xi1>, vector<3x1x128xf32>
    %reduce_sum3A_2090 = arith.constant dense<0.000000e+00> : vector<3x1xf32>
    %reduce_sum3A_2091 = vector.multi_reduction <add>, %select_n3A_2089, %reduce_sum3A_2090 [2] : vector<3x1x128xf32> to vector<3x1xf32>
    %broadcast_in_dim3A_2092 = vector.shape_cast %reduce_sum3A_2091 : vector<3x1xf32> to vector<3x1x1xf32>
    %jit3A_2093 = arith.constant 128 : i32
    %div3A_2094 = arith.divsi %reduce_max3A_1930, %jit3A_2093 : i32
    %sign3A_2095 = arith.constant 0 : i32
    %sign3A_2096 = arith.cmpi sgt, %reduce_max3A_1930, %sign3A_2095 : i32
    %sign3A_2097 = arith.extui %sign3A_2096 : i1 to i32
    %sign3A_2098 = arith.constant 0 : i32
    %sign3A_2099 = arith.cmpi slt, %reduce_max3A_1930, %sign3A_2098 : i32
    %sign3A_2100 = arith.extui %sign3A_2099 : i1 to i32
    %sign3A_2101 = arith.subi %sign3A_2097, %sign3A_2100 : i32
    %sign3A_2102 = arith.constant 0 : i32
    %sign3A_2103 = arith.cmpi sgt, %jit3A_2093, %sign3A_2102 : i32
    %sign3A_2104 = arith.extui %sign3A_2103 : i1 to i32
    %sign3A_2105 = arith.constant 0 : i32
    %sign3A_2106 = arith.cmpi slt, %jit3A_2093, %sign3A_2105 : i32
    %sign3A_2107 = arith.extui %sign3A_2106 : i1 to i32
    %sign3A_2108 = arith.subi %sign3A_2104, %sign3A_2107 : i32
    %ne3A_2109 = arith.cmpi ne, %sign3A_2101, %sign3A_2108 : i32
    %rem3A_2110 = arith.remsi %reduce_max3A_1930, %jit3A_2093 : i32
    %ne3A_2111 = arith.constant 0 : i32
    %ne3A_2112 = arith.cmpi ne, %rem3A_2110, %ne3A_2111 : i32
    %and3A_2113 = arith.andi %ne3A_2109, %ne3A_2112 : i1
    %sub3A_2114 = arith.constant 1 : i32
    %sub3A_2115 = arith.subi %div3A_2094, %sub3A_2114 : i32
    %select_n3A_2116 = arith.select %and3A_2113, %sub3A_2115, %div3A_2094 : i32
    %jit3A_2117 = arith.constant 128 : i32
    %eq3A_2118 = arith.constant 0 : i32
    %eq3A_2119 = arith.cmpi eq, %jit3A_2117, %eq3A_2118 : i32
    %jit3A_2120 = arith.constant 1 : i32
    %select_n3A_2121 = arith.select %eq3A_2119, %jit3A_2120, %jit3A_2117 : i32
    %rem3A_2122 = arith.remsi %reduce_max3A_1930, %select_n3A_2121 : i32
    %ne3A_2123 = arith.constant 0 : i32
    %ne3A_2124 = arith.cmpi ne, %rem3A_2122, %ne3A_2123 : i32
    %lt3A_2125 = arith.constant 0 : i32
    %lt3A_2126 = arith.cmpi slt, %rem3A_2122, %lt3A_2125 : i32
    %lt3A_2127 = arith.constant 0 : i32
    %lt3A_2128 = arith.cmpi slt, %select_n3A_2121, %lt3A_2127 : i32
    %ne3A_2129 = arith.xori %lt3A_2126, %lt3A_2128 : i1
    %and3A_2130 = arith.andi %ne3A_2129, %ne3A_2124 : i1
    %add3A_2131 = arith.addi %rem3A_2122, %select_n3A_2121 : i32
    %select_n3A_2132 = arith.select %and3A_2130, %add3A_2131, %rem3A_2122 : i32
    %get3A_2133 = arith.constant 3 : index
    %get3A_2134 = arith.constant 0 : index
    %get3A_2135 = arith.index_cast %select_n3A_2116 : i32 to index
    %get3A_2136 = arith.constant 0 : index
    %get3A_2137 = vector.load %arg0[%get3A_2133, %get3A_2134, %get3A_2135, %get3A_2136] : memref<4x3x512x128xf32, #tpu.memory_space<vmem>>, vector<1x3x1x128xf32>
    %get3A_2138 = vector.shape_cast %get3A_2137 : vector<1x3x1x128xf32> to vector<3x1x128xf32>
    %eq3A_2139 = vector.broadcast %select_n3A_2132 : i32 to vector<3x1x128xi32>
    %eq3A_2140 = arith.cmpi eq, %iota3A_20, %eq3A_2139 : vector<3x1x128xi32>
    %jit3A_2141 = arith.constant 0.000000e+00 : f32
    %broadcast_in_dim3A_2142 = vector.broadcast %jit3A_2141 : f32 to vector<3x1x128xf32>
    %select_n3A_2143 = arith.select %eq3A_2140, %get3A_2138, %broadcast_in_dim3A_2142 : vector<3x1x128xi1>, vector<3x1x128xf32>
    %reduce_sum3A_2144 = arith.constant dense<0.000000e+00> : vector<3x1xf32>
    %reduce_sum3A_2145 = vector.multi_reduction <add>, %select_n3A_2143, %reduce_sum3A_2144 [2] : vector<3x1x128xf32> to vector<3x1xf32>
    %broadcast_in_dim3A_2146 = vector.shape_cast %reduce_sum3A_2145 : vector<3x1xf32> to vector<3x1x1xf32>
    %reshape3A_2147 = vector.shape_cast %broadcast_in_dim3A_1984 : vector<3x1x1xf32> to vector<1x1x3xf32>
    %swap3A_2148 = arith.constant 0 : index
    %swap3A_2149 = arith.constant 6 : index
    %swap3A_2150 = arith.constant 0 : index
    %swap3A_2151 = vector.load %arg2[%swap3A_2148, %swap3A_2149, %swap3A_2150] : memref<4x16x3xf32, #tpu.memory_space<vmem>>, vector<1x1x3xf32>
    tpu.vector_store %arg2[%swap3A_2148, %swap3A_2149, %swap3A_2150], %reshape3A_2147 {strides = array<i32>} : memref<4x16x3xf32, #tpu.memory_space<vmem>>, vector<1x1x3xf32>,
    %reshape3A_2152 = vector.shape_cast %broadcast_in_dim3A_2038 : vector<3x1x1xf32> to vector<1x1x3xf32>
    %swap3A_2153 = arith.constant 1 : index
    %swap3A_2154 = arith.constant 6 : index
    %swap3A_2155 = arith.constant 0 : index
    %swap3A_2156 = vector.load %arg2[%swap3A_2153, %swap3A_2154, %swap3A_2155] : memref<4x16x3xf32, #tpu.memory_space<vmem>>, vector<1x1x3xf32>
    tpu.vector_store %arg2[%swap3A_2153, %swap3A_2154, %swap3A_2155], %reshape3A_2152 {strides = array<i32>} : memref<4x16x3xf32, #tpu.memory_space<vmem>>, vector<1x1x3xf32>,
    %reshape3A_2157 = vector.shape_cast %broadcast_in_dim3A_2092 : vector<3x1x1xf32> to vector<1x1x3xf32>
    %swap3A_2158 = arith.constant 2 : index
    %swap3A_2159 = arith.constant 6 : index
    %swap3A_2160 = arith.constant 0 : index
    %swap3A_2161 = vector.load %arg2[%swap3A_2158, %swap3A_2159, %swap3A_2160] : memref<4x16x3xf32, #tpu.memory_space<vmem>>, vector<1x1x3xf32>
    tpu.vector_store %arg2[%swap3A_2158, %swap3A_2159, %swap3A_2160], %reshape3A_2157 {strides = array<i32>} : memref<4x16x3xf32, #tpu.memory_space<vmem>>, vector<1x1x3xf32>,
    %reshape3A_2162 = vector.shape_cast %broadcast_in_dim3A_2146 : vector<3x1x1xf32> to vector<1x1x3xf32>
    %swap3A_2163 = arith.constant 3 : index
    %swap3A_2164 = arith.constant 6 : index
    %swap3A_2165 = arith.constant 0 : index
    %swap3A_2166 = vector.load %arg2[%swap3A_2163, %swap3A_2164, %swap3A_2165] : memref<4x16x3xf32, #tpu.memory_space<vmem>>, vector<1x1x3xf32>
    tpu.vector_store %arg2[%swap3A_2163, %swap3A_2164, %swap3A_2165], %reshape3A_2162 {strides = array<i32>} : memref<4x16x3xf32, #tpu.memory_space<vmem>>, vector<1x1x3xf32>,
    %slice3A_2167 = vector.extract_strided_slice %broadcast_in_dim3A_1984 {offsets = [0, 0, 0], sizes = [1, 1, 1], strides = [1, 1, 1]} : vector<3x1x1xf32> to vector<1x1x1xf32>
    %slice3A_2168 = vector.extract_strided_slice %broadcast_in_dim3A_2038 {offsets = [0, 0, 0], sizes = [1, 1, 1], strides = [1, 1, 1]} : vector<3x1x1xf32> to vector<1x1x1xf32>
    %slice3A_2169 = vector.extract_strided_slice %broadcast_in_dim3A_2092 {offsets = [0, 0, 0], sizes = [1, 1, 1], strides = [1, 1, 1]} : vector<3x1x1xf32> to vector<1x1x1xf32>
    %slice3A_2170 = vector.extract_strided_slice %broadcast_in_dim3A_2146 {offsets = [0, 0, 0], sizes = [1, 1, 1], strides = [1, 1, 1]} : vector<3x1x1xf32> to vector<1x1x1xf32>
    %concatenate3A_2171 = tpu.concatenate %slice3A_2167, %slice3A_2168, %slice3A_2169, %slice3A_2170 in 0 : vector<1x1x1xf32>, vector<1x1x1xf32>, vector<1x1x1xf32>, vector<1x1x1xf32> -> vector<4x1x1xf32>
    %slice3A_2172 = vector.extract_strided_slice %broadcast_in_dim3A_1984 {offsets = [1, 0, 0], sizes = [1, 1, 1], strides = [1, 1, 1]} : vector<3x1x1xf32> to vector<1x1x1xf32>
    %slice3A_2173 = vector.extract_strided_slice %broadcast_in_dim3A_2038 {offsets = [1, 0, 0], sizes = [1, 1, 1], strides = [1, 1, 1]} : vector<3x1x1xf32> to vector<1x1x1xf32>
    %slice3A_2174 = vector.extract_strided_slice %broadcast_in_dim3A_2092 {offsets = [1, 0, 0], sizes = [1, 1, 1], strides = [1, 1, 1]} : vector<3x1x1xf32> to vector<1x1x1xf32>
    %slice3A_2175 = vector.extract_strided_slice %broadcast_in_dim3A_2146 {offsets = [1, 0, 0], sizes = [1, 1, 1], strides = [1, 1, 1]} : vector<3x1x1xf32> to vector<1x1x1xf32>
    %concatenate3A_2176 = tpu.concatenate %slice3A_2172, %slice3A_2173, %slice3A_2174, %slice3A_2175 in 0 : vector<1x1x1xf32>, vector<1x1x1xf32>, vector<1x1x1xf32>, vector<1x1x1xf32> -> vector<4x1x1xf32>
    %slice3A_2177 = vector.extract_strided_slice %broadcast_in_dim3A_1984 {offsets = [2, 0, 0], sizes = [1, 1, 1], strides = [1, 1, 1]} : vector<3x1x1xf32> to vector<1x1x1xf32>
    %slice3A_2178 = vector.extract_strided_slice %broadcast_in_dim3A_2038 {offsets = [2, 0, 0], sizes = [1, 1, 1], strides = [1, 1, 1]} : vector<3x1x1xf32> to vector<1x1x1xf32>
    %slice3A_2179 = vector.extract_strided_slice %broadcast_in_dim3A_2092 {offsets = [2, 0, 0], sizes = [1, 1, 1], strides = [1, 1, 1]} : vector<3x1x1xf32> to vector<1x1x1xf32>
    %slice3A_2180 = vector.extract_strided_slice %broadcast_in_dim3A_2146 {offsets = [2, 0, 0], sizes = [1, 1, 1], strides = [1, 1, 1]} : vector<3x1x1xf32> to vector<1x1x1xf32>
    %concatenate3A_2181 = tpu.concatenate %slice3A_2177, %slice3A_2178, %slice3A_2179, %slice3A_2180 in 0 : vector<1x1x1xf32>, vector<1x1x1xf32>, vector<1x1x1xf32>, vector<1x1x1xf32> -> vector<4x1x1xf32>
    %sub3A_2182 = vector.broadcast %concatenate3A_2171 : vector<4x1x1xf32> to vector<4x512x128xf32>
    %sub3A_2183 = arith.subf %get3A_4, %sub3A_2182 : vector<4x512x128xf32>
    %sub3A_2184 = vector.broadcast %concatenate3A_2176 : vector<4x1x1xf32> to vector<4x512x128xf32>
    %sub3A_2185 = arith.subf %get3A_10, %sub3A_2184 : vector<4x512x128xf32>
    %sub3A_2186 = vector.broadcast %concatenate3A_2181 : vector<4x1x1xf32> to vector<4x512x128xf32>
    %sub3A_2187 = arith.subf %get3A_16, %sub3A_2186 : vector<4x512x128xf32>
    %mul3A_2188 = arith.mulf %sub3A_2183, %sub3A_2183 : vector<4x512x128xf32>
    %mul3A_2189 = arith.mulf %sub3A_2185, %sub3A_2185 : vector<4x512x128xf32>
    %add3A_2190 = arith.addf %mul3A_2188, %mul3A_2189 : vector<4x512x128xf32>
    %mul3A_2191 = arith.mulf %sub3A_2187, %sub3A_2187 : vector<4x512x128xf32>
    %add3A_2192 = arith.addf %add3A_2190, %mul3A_2191 : vector<4x512x128xf32>
    %min3A_2193 = arith.minimumf %min3A_1874, %add3A_2192 : vector<4x512x128xf32>
    %reduce_max3A_2194 = arith.constant dense<0xFF800000> : vector<4xf32>
    %reduce_max3A_2195 = vector.multi_reduction <maximumf>, %min3A_2193, %reduce_max3A_2194 [1, 2] : vector<4x512x128xf32> to vector<4xf32>
    %broadcast_in_dim3A_2196 = vector.shape_cast %reduce_max3A_2195 : vector<4xf32> to vector<4x1x1xf32>
    %eq3A_2197 = vector.broadcast %broadcast_in_dim3A_2196 : vector<4x1x1xf32> to vector<4x512x128xf32>
    %eq3A_2198 = arith.cmpf oeq, %min3A_2193, %eq3A_2197 : vector<4x512x128xf32>
    %jit3A_2199 = arith.constant 2147483647 : i32
    %broadcast_in_dim3A_2200 = vector.shape_cast %add3A : vector<512x128xi32> to vector<1x512x128xi32>
    %broadcast_in_dim3A_2201 = vector.broadcast %broadcast_in_dim3A_2200 : vector<1x512x128xi32> to vector<4x512x128xi32>
    %broadcast_in_dim3A_2202 = vector.broadcast %jit3A_2199 : i32 to vector<4x512x128xi32>
    %select_n3A_2203 = arith.select %eq3A_2198, %broadcast_in_dim3A_2201, %broadcast_in_dim3A_2202 : vector<4x512x128xi1>, vector<4x512x128xi32>
    %reduce_min3A_2204 = arith.constant dense<2147483647> : vector<4xi32>
    %reduce_min3A_2205 = vector.multi_reduction <minsi>, %select_n3A_2203, %reduce_min3A_2204 [1, 2] : vector<4x512x128xi32> to vector<4xi32>
    %slice3A_2206 = vector.extract_strided_slice %reduce_min3A_2205 {offsets = [0], sizes = [1], strides = [1]} : vector<4xi32> to vector<1xi32>
    %reshape3A_2207 = vector.shape_cast %slice3A_2206 : vector<1xi32> to vector<1x1xi32>
    %swap3A_2208 = arith.constant 0 : index
    %swap3A_2209 = arith.constant 7 : index
    %swap3A_2210 = vector.load %arg1[%swap3A_2208, %swap3A_2209] : memref<1x64xi32, #tpu.memory_space<vmem>>, vector<1x1xi32>
    tpu.vector_store %arg1[%swap3A_2208, %swap3A_2209], %reshape3A_2207 {strides = array<i32>} : memref<1x64xi32, #tpu.memory_space<vmem>>, vector<1x1xi32>,
    %slice3A_2211 = vector.extract_strided_slice %reduce_min3A_2205 {offsets = [0], sizes = [1], strides = [1]} : vector<4xi32> to vector<1xi32>
    %reduce_max3A_2212 = vector.shape_cast %slice3A_2211 : vector<1xi32> to vector<1x1xi32>
    %reduce_max3A_2213 = arith.constant dense<-2147483648> : vector<1xi32>
    %reduce_max3A_2214 = vector.multi_reduction <maxsi>, %reduce_max3A_2212, %reduce_max3A_2213 [1] : vector<1x1xi32> to vector<1xi32>
    %reduce_max3A_2215 = vector.shape_cast %reduce_max3A_2214 : vector<1xi32> to vector<1x1xi32>
    %reduce_max3A_2216 = vector.extract %reduce_max3A_2215[0, 0] : i32 from vector<1x1xi32>
    %slice3A_2217 = vector.extract_strided_slice %reduce_min3A_2205 {offsets = [1], sizes = [1], strides = [1]} : vector<4xi32> to vector<1xi32>
    %reshape3A_2218 = vector.shape_cast %slice3A_2217 : vector<1xi32> to vector<1x1xi32>
    %swap3A_2219 = arith.constant 0 : index
    %swap3A_2220 = arith.constant 23 : index
    %swap3A_2221 = vector.load %arg1[%swap3A_2219, %swap3A_2220] : memref<1x64xi32, #tpu.memory_space<vmem>>, vector<1x1xi32>
    tpu.vector_store %arg1[%swap3A_2219, %swap3A_2220], %reshape3A_2218 {strides = array<i32>} : memref<1x64xi32, #tpu.memory_space<vmem>>, vector<1x1xi32>,
    %slice3A_2222 = vector.extract_strided_slice %reduce_min3A_2205 {offsets = [1], sizes = [1], strides = [1]} : vector<4xi32> to vector<1xi32>
    %reduce_max3A_2223 = vector.shape_cast %slice3A_2222 : vector<1xi32> to vector<1x1xi32>
    %reduce_max3A_2224 = arith.constant dense<-2147483648> : vector<1xi32>
    %reduce_max3A_2225 = vector.multi_reduction <maxsi>, %reduce_max3A_2223, %reduce_max3A_2224 [1] : vector<1x1xi32> to vector<1xi32>
    %reduce_max3A_2226 = vector.shape_cast %reduce_max3A_2225 : vector<1xi32> to vector<1x1xi32>
    %reduce_max3A_2227 = vector.extract %reduce_max3A_2226[0, 0] : i32 from vector<1x1xi32>
    %slice3A_2228 = vector.extract_strided_slice %reduce_min3A_2205 {offsets = [2], sizes = [1], strides = [1]} : vector<4xi32> to vector<1xi32>
    %reshape3A_2229 = vector.shape_cast %slice3A_2228 : vector<1xi32> to vector<1x1xi32>
    %swap3A_2230 = arith.constant 0 : index
    %swap3A_2231 = arith.constant 39 : index
    %swap3A_2232 = vector.load %arg1[%swap3A_2230, %swap3A_2231] : memref<1x64xi32, #tpu.memory_space<vmem>>, vector<1x1xi32>
    tpu.vector_store %arg1[%swap3A_2230, %swap3A_2231], %reshape3A_2229 {strides = array<i32>} : memref<1x64xi32, #tpu.memory_space<vmem>>, vector<1x1xi32>,
    %slice3A_2233 = vector.extract_strided_slice %reduce_min3A_2205 {offsets = [2], sizes = [1], strides = [1]} : vector<4xi32> to vector<1xi32>
    %reduce_max3A_2234 = vector.shape_cast %slice3A_2233 : vector<1xi32> to vector<1x1xi32>
    %reduce_max3A_2235 = arith.constant dense<-2147483648> : vector<1xi32>
    %reduce_max3A_2236 = vector.multi_reduction <maxsi>, %reduce_max3A_2234, %reduce_max3A_2235 [1] : vector<1x1xi32> to vector<1xi32>
    %reduce_max3A_2237 = vector.shape_cast %reduce_max3A_2236 : vector<1xi32> to vector<1x1xi32>
    %reduce_max3A_2238 = vector.extract %reduce_max3A_2237[0, 0] : i32 from vector<1x1xi32>
    %slice3A_2239 = vector.extract_strided_slice %reduce_min3A_2205 {offsets = [3], sizes = [1], strides = [1]} : vector<4xi32> to vector<1xi32>
    %reshape3A_2240 = vector.shape_cast %slice3A_2239 : vector<1xi32> to vector<1x1xi32>
    %swap3A_2241 = arith.constant 0 : index
    %swap3A_2242 = arith.constant 55 : index
    %swap3A_2243 = vector.load %arg1[%swap3A_2241, %swap3A_2242] : memref<1x64xi32, #tpu.memory_space<vmem>>, vector<1x1xi32>
    tpu.vector_store %arg1[%swap3A_2241, %swap3A_2242], %reshape3A_2240 {strides = array<i32>} : memref<1x64xi32, #tpu.memory_space<vmem>>, vector<1x1xi32>,
    %slice3A_2244 = vector.extract_strided_slice %reduce_min3A_2205 {offsets = [3], sizes = [1], strides = [1]} : vector<4xi32> to vector<1xi32>
    %reduce_max3A_2245 = vector.shape_cast %slice3A_2244 : vector<1xi32> to vector<1x1xi32>
    %reduce_max3A_2246 = arith.constant dense<-2147483648> : vector<1xi32>
    %reduce_max3A_2247 = vector.multi_reduction <maxsi>, %reduce_max3A_2245, %reduce_max3A_2246 [1] : vector<1x1xi32> to vector<1xi32>
    %reduce_max3A_2248 = vector.shape_cast %reduce_max3A_2247 : vector<1xi32> to vector<1x1xi32>
    %reduce_max3A_2249 = vector.extract %reduce_max3A_2248[0, 0] : i32 from vector<1x1xi32>
    %jit3A_2250 = arith.constant 128 : i32
    %div3A_2251 = arith.divsi %reduce_max3A_2216, %jit3A_2250 : i32
    %sign3A_2252 = arith.constant 0 : i32
    %sign3A_2253 = arith.cmpi sgt, %reduce_max3A_2216, %sign3A_2252 : i32
    %sign3A_2254 = arith.extui %sign3A_2253 : i1 to i32
    %sign3A_2255 = arith.constant 0 : i32
    %sign3A_2256 = arith.cmpi slt, %reduce_max3A_2216, %sign3A_2255 : i32
    %sign3A_2257 = arith.extui %sign3A_2256 : i1 to i32
    %sign3A_2258 = arith.subi %sign3A_2254, %sign3A_2257 : i32
    %sign3A_2259 = arith.constant 0 : i32
    %sign3A_2260 = arith.cmpi sgt, %jit3A_2250, %sign3A_2259 : i32
    %sign3A_2261 = arith.extui %sign3A_2260 : i1 to i32
    %sign3A_2262 = arith.constant 0 : i32
    %sign3A_2263 = arith.cmpi slt, %jit3A_2250, %sign3A_2262 : i32
    %sign3A_2264 = arith.extui %sign3A_2263 : i1 to i32
    %sign3A_2265 = arith.subi %sign3A_2261, %sign3A_2264 : i32
    %ne3A_2266 = arith.cmpi ne, %sign3A_2258, %sign3A_2265 : i32
    %rem3A_2267 = arith.remsi %reduce_max3A_2216, %jit3A_2250 : i32
    %ne3A_2268 = arith.constant 0 : i32
    %ne3A_2269 = arith.cmpi ne, %rem3A_2267, %ne3A_2268 : i32
    %and3A_2270 = arith.andi %ne3A_2266, %ne3A_2269 : i1
    %sub3A_2271 = arith.constant 1 : i32
    %sub3A_2272 = arith.subi %div3A_2251, %sub3A_2271 : i32
    %select_n3A_2273 = arith.select %and3A_2270, %sub3A_2272, %div3A_2251 : i32
    %jit3A_2274 = arith.constant 128 : i32
    %eq3A_2275 = arith.constant 0 : i32
    %eq3A_2276 = arith.cmpi eq, %jit3A_2274, %eq3A_2275 : i32
    %jit3A_2277 = arith.constant 1 : i32
    %select_n3A_2278 = arith.select %eq3A_2276, %jit3A_2277, %jit3A_2274 : i32
    %rem3A_2279 = arith.remsi %reduce_max3A_2216, %select_n3A_2278 : i32
    %ne3A_2280 = arith.constant 0 : i32
    %ne3A_2281 = arith.cmpi ne, %rem3A_2279, %ne3A_2280 : i32
    %lt3A_2282 = arith.constant 0 : i32
    %lt3A_2283 = arith.cmpi slt, %rem3A_2279, %lt3A_2282 : i32
    %lt3A_2284 = arith.constant 0 : i32
    %lt3A_2285 = arith.cmpi slt, %select_n3A_2278, %lt3A_2284 : i32
    %ne3A_2286 = arith.xori %lt3A_2283, %lt3A_2285 : i1
    %and3A_2287 = arith.andi %ne3A_2286, %ne3A_2281 : i1
    %add3A_2288 = arith.addi %rem3A_2279, %select_n3A_2278 : i32
    %select_n3A_2289 = arith.select %and3A_2287, %add3A_2288, %rem3A_2279 : i32
    %get3A_2290 = arith.constant 0 : index
    %get3A_2291 = arith.constant 0 : index
    %get3A_2292 = arith.index_cast %select_n3A_2273 : i32 to index
    %get3A_2293 = arith.constant 0 : index
    %get3A_2294 = vector.load %arg0[%get3A_2290, %get3A_2291, %get3A_2292, %get3A_2293] : memref<4x3x512x128xf32, #tpu.memory_space<vmem>>, vector<1x3x1x128xf32>
    %get3A_2295 = vector.shape_cast %get3A_2294 : vector<1x3x1x128xf32> to vector<3x1x128xf32>
    %eq3A_2296 = vector.broadcast %select_n3A_2289 : i32 to vector<3x1x128xi32>
    %eq3A_2297 = arith.cmpi eq, %iota3A_20, %eq3A_2296 : vector<3x1x128xi32>
    %jit3A_2298 = arith.constant 0.000000e+00 : f32
    %broadcast_in_dim3A_2299 = vector.broadcast %jit3A_2298 : f32 to vector<3x1x128xf32>
    %select_n3A_2300 = arith.select %eq3A_2297, %get3A_2295, %broadcast_in_dim3A_2299 : vector<3x1x128xi1>, vector<3x1x128xf32>
    %reduce_sum3A_2301 = arith.constant dense<0.000000e+00> : vector<3x1xf32>
    %reduce_sum3A_2302 = vector.multi_reduction <add>, %select_n3A_2300, %reduce_sum3A_2301 [2] : vector<3x1x128xf32> to vector<3x1xf32>
    %broadcast_in_dim3A_2303 = vector.shape_cast %reduce_sum3A_2302 : vector<3x1xf32> to vector<3x1x1xf32>
    %jit3A_2304 = arith.constant 128 : i32
    %div3A_2305 = arith.divsi %reduce_max3A_2227, %jit3A_2304 : i32
    %sign3A_2306 = arith.constant 0 : i32
    %sign3A_2307 = arith.cmpi sgt, %reduce_max3A_2227, %sign3A_2306 : i32
    %sign3A_2308 = arith.extui %sign3A_2307 : i1 to i32
    %sign3A_2309 = arith.constant 0 : i32
    %sign3A_2310 = arith.cmpi slt, %reduce_max3A_2227, %sign3A_2309 : i32
    %sign3A_2311 = arith.extui %sign3A_2310 : i1 to i32
    %sign3A_2312 = arith.subi %sign3A_2308, %sign3A_2311 : i32
    %sign3A_2313 = arith.constant 0 : i32
    %sign3A_2314 = arith.cmpi sgt, %jit3A_2304, %sign3A_2313 : i32
    %sign3A_2315 = arith.extui %sign3A_2314 : i1 to i32
    %sign3A_2316 = arith.constant 0 : i32
    %sign3A_2317 = arith.cmpi slt, %jit3A_2304, %sign3A_2316 : i32
    %sign3A_2318 = arith.extui %sign3A_2317 : i1 to i32
    %sign3A_2319 = arith.subi %sign3A_2315, %sign3A_2318 : i32
    %ne3A_2320 = arith.cmpi ne, %sign3A_2312, %sign3A_2319 : i32
    %rem3A_2321 = arith.remsi %reduce_max3A_2227, %jit3A_2304 : i32
    %ne3A_2322 = arith.constant 0 : i32
    %ne3A_2323 = arith.cmpi ne, %rem3A_2321, %ne3A_2322 : i32
    %and3A_2324 = arith.andi %ne3A_2320, %ne3A_2323 : i1
    %sub3A_2325 = arith.constant 1 : i32
    %sub3A_2326 = arith.subi %div3A_2305, %sub3A_2325 : i32
    %select_n3A_2327 = arith.select %and3A_2324, %sub3A_2326, %div3A_2305 : i32
    %jit3A_2328 = arith.constant 128 : i32
    %eq3A_2329 = arith.constant 0 : i32
    %eq3A_2330 = arith.cmpi eq, %jit3A_2328, %eq3A_2329 : i32
    %jit3A_2331 = arith.constant 1 : i32
    %select_n3A_2332 = arith.select %eq3A_2330, %jit3A_2331, %jit3A_2328 : i32
    %rem3A_2333 = arith.remsi %reduce_max3A_2227, %select_n3A_2332 : i32
    %ne3A_2334 = arith.constant 0 : i32
    %ne3A_2335 = arith.cmpi ne, %rem3A_2333, %ne3A_2334 : i32
    %lt3A_2336 = arith.constant 0 : i32
    %lt3A_2337 = arith.cmpi slt, %rem3A_2333, %lt3A_2336 : i32
    %lt3A_2338 = arith.constant 0 : i32
    %lt3A_2339 = arith.cmpi slt, %select_n3A_2332, %lt3A_2338 : i32
    %ne3A_2340 = arith.xori %lt3A_2337, %lt3A_2339 : i1
    %and3A_2341 = arith.andi %ne3A_2340, %ne3A_2335 : i1
    %add3A_2342 = arith.addi %rem3A_2333, %select_n3A_2332 : i32
    %select_n3A_2343 = arith.select %and3A_2341, %add3A_2342, %rem3A_2333 : i32
    %get3A_2344 = arith.constant 1 : index
    %get3A_2345 = arith.constant 0 : index
    %get3A_2346 = arith.index_cast %select_n3A_2327 : i32 to index
    %get3A_2347 = arith.constant 0 : index
    %get3A_2348 = vector.load %arg0[%get3A_2344, %get3A_2345, %get3A_2346, %get3A_2347] : memref<4x3x512x128xf32, #tpu.memory_space<vmem>>, vector<1x3x1x128xf32>
    %get3A_2349 = vector.shape_cast %get3A_2348 : vector<1x3x1x128xf32> to vector<3x1x128xf32>
    %eq3A_2350 = vector.broadcast %select_n3A_2343 : i32 to vector<3x1x128xi32>
    %eq3A_2351 = arith.cmpi eq, %iota3A_20, %eq3A_2350 : vector<3x1x128xi32>
    %jit3A_2352 = arith.constant 0.000000e+00 : f32
    %broadcast_in_dim3A_2353 = vector.broadcast %jit3A_2352 : f32 to vector<3x1x128xf32>
    %select_n3A_2354 = arith.select %eq3A_2351, %get3A_2349, %broadcast_in_dim3A_2353 : vector<3x1x128xi1>, vector<3x1x128xf32>
    %reduce_sum3A_2355 = arith.constant dense<0.000000e+00> : vector<3x1xf32>
    %reduce_sum3A_2356 = vector.multi_reduction <add>, %select_n3A_2354, %reduce_sum3A_2355 [2] : vector<3x1x128xf32> to vector<3x1xf32>
    %broadcast_in_dim3A_2357 = vector.shape_cast %reduce_sum3A_2356 : vector<3x1xf32> to vector<3x1x1xf32>
    %jit3A_2358 = arith.constant 128 : i32
    %div3A_2359 = arith.divsi %reduce_max3A_2238, %jit3A_2358 : i32
    %sign3A_2360 = arith.constant 0 : i32
    %sign3A_2361 = arith.cmpi sgt, %reduce_max3A_2238, %sign3A_2360 : i32
    %sign3A_2362 = arith.extui %sign3A_2361 : i1 to i32
    %sign3A_2363 = arith.constant 0 : i32
    %sign3A_2364 = arith.cmpi slt, %reduce_max3A_2238, %sign3A_2363 : i32
    %sign3A_2365 = arith.extui %sign3A_2364 : i1 to i32
    %sign3A_2366 = arith.subi %sign3A_2362, %sign3A_2365 : i32
    %sign3A_2367 = arith.constant 0 : i32
    %sign3A_2368 = arith.cmpi sgt, %jit3A_2358, %sign3A_2367 : i32
    %sign3A_2369 = arith.extui %sign3A_2368 : i1 to i32
    %sign3A_2370 = arith.constant 0 : i32
    %sign3A_2371 = arith.cmpi slt, %jit3A_2358, %sign3A_2370 : i32
    %sign3A_2372 = arith.extui %sign3A_2371 : i1 to i32
    %sign3A_2373 = arith.subi %sign3A_2369, %sign3A_2372 : i32
    %ne3A_2374 = arith.cmpi ne, %sign3A_2366, %sign3A_2373 : i32
    %rem3A_2375 = arith.remsi %reduce_max3A_2238, %jit3A_2358 : i32
    %ne3A_2376 = arith.constant 0 : i32
    %ne3A_2377 = arith.cmpi ne, %rem3A_2375, %ne3A_2376 : i32
    %and3A_2378 = arith.andi %ne3A_2374, %ne3A_2377 : i1
    %sub3A_2379 = arith.constant 1 : i32
    %sub3A_2380 = arith.subi %div3A_2359, %sub3A_2379 : i32
    %select_n3A_2381 = arith.select %and3A_2378, %sub3A_2380, %div3A_2359 : i32
    %jit3A_2382 = arith.constant 128 : i32
    %eq3A_2383 = arith.constant 0 : i32
    %eq3A_2384 = arith.cmpi eq, %jit3A_2382, %eq3A_2383 : i32
    %jit3A_2385 = arith.constant 1 : i32
    %select_n3A_2386 = arith.select %eq3A_2384, %jit3A_2385, %jit3A_2382 : i32
    %rem3A_2387 = arith.remsi %reduce_max3A_2238, %select_n3A_2386 : i32
    %ne3A_2388 = arith.constant 0 : i32
    %ne3A_2389 = arith.cmpi ne, %rem3A_2387, %ne3A_2388 : i32
    %lt3A_2390 = arith.constant 0 : i32
    %lt3A_2391 = arith.cmpi slt, %rem3A_2387, %lt3A_2390 : i32
    %lt3A_2392 = arith.constant 0 : i32
    %lt3A_2393 = arith.cmpi slt, %select_n3A_2386, %lt3A_2392 : i32
    %ne3A_2394 = arith.xori %lt3A_2391, %lt3A_2393 : i1
    %and3A_2395 = arith.andi %ne3A_2394, %ne3A_2389 : i1
    %add3A_2396 = arith.addi %rem3A_2387, %select_n3A_2386 : i32
    %select_n3A_2397 = arith.select %and3A_2395, %add3A_2396, %rem3A_2387 : i32
    %get3A_2398 = arith.constant 2 : index
    %get3A_2399 = arith.constant 0 : index
    %get3A_2400 = arith.index_cast %select_n3A_2381 : i32 to index
    %get3A_2401 = arith.constant 0 : index
    %get3A_2402 = vector.load %arg0[%get3A_2398, %get3A_2399, %get3A_2400, %get3A_2401] : memref<4x3x512x128xf32, #tpu.memory_space<vmem>>, vector<1x3x1x128xf32>
    %get3A_2403 = vector.shape_cast %get3A_2402 : vector<1x3x1x128xf32> to vector<3x1x128xf32>
    %eq3A_2404 = vector.broadcast %select_n3A_2397 : i32 to vector<3x1x128xi32>
    %eq3A_2405 = arith.cmpi eq, %iota3A_20, %eq3A_2404 : vector<3x1x128xi32>
    %jit3A_2406 = arith.constant 0.000000e+00 : f32
    %broadcast_in_dim3A_2407 = vector.broadcast %jit3A_2406 : f32 to vector<3x1x128xf32>
    %select_n3A_2408 = arith.select %eq3A_2405, %get3A_2403, %broadcast_in_dim3A_2407 : vector<3x1x128xi1>, vector<3x1x128xf32>
    %reduce_sum3A_2409 = arith.constant dense<0.000000e+00> : vector<3x1xf32>
    %reduce_sum3A_2410 = vector.multi_reduction <add>, %select_n3A_2408, %reduce_sum3A_2409 [2] : vector<3x1x128xf32> to vector<3x1xf32>
    %broadcast_in_dim3A_2411 = vector.shape_cast %reduce_sum3A_2410 : vector<3x1xf32> to vector<3x1x1xf32>
    %jit3A_2412 = arith.constant 128 : i32
    %div3A_2413 = arith.divsi %reduce_max3A_2249, %jit3A_2412 : i32
    %sign3A_2414 = arith.constant 0 : i32
    %sign3A_2415 = arith.cmpi sgt, %reduce_max3A_2249, %sign3A_2414 : i32
    %sign3A_2416 = arith.extui %sign3A_2415 : i1 to i32
    %sign3A_2417 = arith.constant 0 : i32
    %sign3A_2418 = arith.cmpi slt, %reduce_max3A_2249, %sign3A_2417 : i32
    %sign3A_2419 = arith.extui %sign3A_2418 : i1 to i32
    %sign3A_2420 = arith.subi %sign3A_2416, %sign3A_2419 : i32
    %sign3A_2421 = arith.constant 0 : i32
    %sign3A_2422 = arith.cmpi sgt, %jit3A_2412, %sign3A_2421 : i32
    %sign3A_2423 = arith.extui %sign3A_2422 : i1 to i32
    %sign3A_2424 = arith.constant 0 : i32
    %sign3A_2425 = arith.cmpi slt, %jit3A_2412, %sign3A_2424 : i32
    %sign3A_2426 = arith.extui %sign3A_2425 : i1 to i32
    %sign3A_2427 = arith.subi %sign3A_2423, %sign3A_2426 : i32
    %ne3A_2428 = arith.cmpi ne, %sign3A_2420, %sign3A_2427 : i32
    %rem3A_2429 = arith.remsi %reduce_max3A_2249, %jit3A_2412 : i32
    %ne3A_2430 = arith.constant 0 : i32
    %ne3A_2431 = arith.cmpi ne, %rem3A_2429, %ne3A_2430 : i32
    %and3A_2432 = arith.andi %ne3A_2428, %ne3A_2431 : i1
    %sub3A_2433 = arith.constant 1 : i32
    %sub3A_2434 = arith.subi %div3A_2413, %sub3A_2433 : i32
    %select_n3A_2435 = arith.select %and3A_2432, %sub3A_2434, %div3A_2413 : i32
    %jit3A_2436 = arith.constant 128 : i32
    %eq3A_2437 = arith.constant 0 : i32
    %eq3A_2438 = arith.cmpi eq, %jit3A_2436, %eq3A_2437 : i32
    %jit3A_2439 = arith.constant 1 : i32
    %select_n3A_2440 = arith.select %eq3A_2438, %jit3A_2439, %jit3A_2436 : i32
    %rem3A_2441 = arith.remsi %reduce_max3A_2249, %select_n3A_2440 : i32
    %ne3A_2442 = arith.constant 0 : i32
    %ne3A_2443 = arith.cmpi ne, %rem3A_2441, %ne3A_2442 : i32
    %lt3A_2444 = arith.constant 0 : i32
    %lt3A_2445 = arith.cmpi slt, %rem3A_2441, %lt3A_2444 : i32
    %lt3A_2446 = arith.constant 0 : i32
    %lt3A_2447 = arith.cmpi slt, %select_n3A_2440, %lt3A_2446 : i32
    %ne3A_2448 = arith.xori %lt3A_2445, %lt3A_2447 : i1
    %and3A_2449 = arith.andi %ne3A_2448, %ne3A_2443 : i1
    %add3A_2450 = arith.addi %rem3A_2441, %select_n3A_2440 : i32
    %select_n3A_2451 = arith.select %and3A_2449, %add3A_2450, %rem3A_2441 : i32
    %get3A_2452 = arith.constant 3 : index
    %get3A_2453 = arith.constant 0 : index
    %get3A_2454 = arith.index_cast %select_n3A_2435 : i32 to index
    %get3A_2455 = arith.constant 0 : index
    %get3A_2456 = vector.load %arg0[%get3A_2452, %get3A_2453, %get3A_2454, %get3A_2455] : memref<4x3x512x128xf32, #tpu.memory_space<vmem>>, vector<1x3x1x128xf32>
    %get3A_2457 = vector.shape_cast %get3A_2456 : vector<1x3x1x128xf32> to vector<3x1x128xf32>
    %eq3A_2458 = vector.broadcast %select_n3A_2451 : i32 to vector<3x1x128xi32>
    %eq3A_2459 = arith.cmpi eq, %iota3A_20, %eq3A_2458 : vector<3x1x128xi32>
    %jit3A_2460 = arith.constant 0.000000e+00 : f32
    %broadcast_in_dim3A_2461 = vector.broadcast %jit3A_2460 : f32 to vector<3x1x128xf32>
    %select_n3A_2462 = arith.select %eq3A_2459, %get3A_2457, %broadcast_in_dim3A_2461 : vector<3x1x128xi1>, vector<3x1x128xf32>
    %reduce_sum3A_2463 = arith.constant dense<0.000000e+00> : vector<3x1xf32>
    %reduce_sum3A_2464 = vector.multi_reduction <add>, %select_n3A_2462, %reduce_sum3A_2463 [2] : vector<3x1x128xf32> to vector<3x1xf32>
    %broadcast_in_dim3A_2465 = vector.shape_cast %reduce_sum3A_2464 : vector<3x1xf32> to vector<3x1x1xf32>
    %reshape3A_2466 = vector.shape_cast %broadcast_in_dim3A_2303 : vector<3x1x1xf32> to vector<1x1x3xf32>
    %swap3A_2467 = arith.constant 0 : index
    %swap3A_2468 = arith.constant 7 : index
    %swap3A_2469 = arith.constant 0 : index
    %swap3A_2470 = vector.load %arg2[%swap3A_2467, %swap3A_2468, %swap3A_2469] : memref<4x16x3xf32, #tpu.memory_space<vmem>>, vector<1x1x3xf32>
    tpu.vector_store %arg2[%swap3A_2467, %swap3A_2468, %swap3A_2469], %reshape3A_2466 {strides = array<i32>} : memref<4x16x3xf32, #tpu.memory_space<vmem>>, vector<1x1x3xf32>,
    %reshape3A_2471 = vector.shape_cast %broadcast_in_dim3A_2357 : vector<3x1x1xf32> to vector<1x1x3xf32>
    %swap3A_2472 = arith.constant 1 : index
    %swap3A_2473 = arith.constant 7 : index
    %swap3A_2474 = arith.constant 0 : index
    %swap3A_2475 = vector.load %arg2[%swap3A_2472, %swap3A_2473, %swap3A_2474] : memref<4x16x3xf32, #tpu.memory_space<vmem>>, vector<1x1x3xf32>
    tpu.vector_store %arg2[%swap3A_2472, %swap3A_2473, %swap3A_2474], %reshape3A_2471 {strides = array<i32>} : memref<4x16x3xf32, #tpu.memory_space<vmem>>, vector<1x1x3xf32>,
    %reshape3A_2476 = vector.shape_cast %broadcast_in_dim3A_2411 : vector<3x1x1xf32> to vector<1x1x3xf32>
    %swap3A_2477 = arith.constant 2 : index
    %swap3A_2478 = arith.constant 7 : index
    %swap3A_2479 = arith.constant 0 : index
    %swap3A_2480 = vector.load %arg2[%swap3A_2477, %swap3A_2478, %swap3A_2479] : memref<4x16x3xf32, #tpu.memory_space<vmem>>, vector<1x1x3xf32>
    tpu.vector_store %arg2[%swap3A_2477, %swap3A_2478, %swap3A_2479], %reshape3A_2476 {strides = array<i32>} : memref<4x16x3xf32, #tpu.memory_space<vmem>>, vector<1x1x3xf32>,
    %reshape3A_2481 = vector.shape_cast %broadcast_in_dim3A_2465 : vector<3x1x1xf32> to vector<1x1x3xf32>
    %swap3A_2482 = arith.constant 3 : index
    %swap3A_2483 = arith.constant 7 : index
    %swap3A_2484 = arith.constant 0 : index
    %swap3A_2485 = vector.load %arg2[%swap3A_2482, %swap3A_2483, %swap3A_2484] : memref<4x16x3xf32, #tpu.memory_space<vmem>>, vector<1x1x3xf32>
    tpu.vector_store %arg2[%swap3A_2482, %swap3A_2483, %swap3A_2484], %reshape3A_2481 {strides = array<i32>} : memref<4x16x3xf32, #tpu.memory_space<vmem>>, vector<1x1x3xf32>,
    %slice3A_2486 = vector.extract_strided_slice %broadcast_in_dim3A_2303 {offsets = [0, 0, 0], sizes = [1, 1, 1], strides = [1, 1, 1]} : vector<3x1x1xf32> to vector<1x1x1xf32>
    %slice3A_2487 = vector.extract_strided_slice %broadcast_in_dim3A_2357 {offsets = [0, 0, 0], sizes = [1, 1, 1], strides = [1, 1, 1]} : vector<3x1x1xf32> to vector<1x1x1xf32>
    %slice3A_2488 = vector.extract_strided_slice %broadcast_in_dim3A_2411 {offsets = [0, 0, 0], sizes = [1, 1, 1], strides = [1, 1, 1]} : vector<3x1x1xf32> to vector<1x1x1xf32>
    %slice3A_2489 = vector.extract_strided_slice %broadcast_in_dim3A_2465 {offsets = [0, 0, 0], sizes = [1, 1, 1], strides = [1, 1, 1]} : vector<3x1x1xf32> to vector<1x1x1xf32>
    %concatenate3A_2490 = tpu.concatenate %slice3A_2486, %slice3A_2487, %slice3A_2488, %slice3A_2489 in 0 : vector<1x1x1xf32>, vector<1x1x1xf32>, vector<1x1x1xf32>, vector<1x1x1xf32> -> vector<4x1x1xf32>
    %slice3A_2491 = vector.extract_strided_slice %broadcast_in_dim3A_2303 {offsets = [1, 0, 0], sizes = [1, 1, 1], strides = [1, 1, 1]} : vector<3x1x1xf32> to vector<1x1x1xf32>
    %slice3A_2492 = vector.extract_strided_slice %broadcast_in_dim3A_2357 {offsets = [1, 0, 0], sizes = [1, 1, 1], strides = [1, 1, 1]} : vector<3x1x1xf32> to vector<1x1x1xf32>
    %slice3A_2493 = vector.extract_strided_slice %broadcast_in_dim3A_2411 {offsets = [1, 0, 0], sizes = [1, 1, 1], strides = [1, 1, 1]} : vector<3x1x1xf32> to vector<1x1x1xf32>
    %slice3A_2494 = vector.extract_strided_slice %broadcast_in_dim3A_2465 {offsets = [1, 0, 0], sizes = [1, 1, 1], strides = [1, 1, 1]} : vector<3x1x1xf32> to vector<1x1x1xf32>
    %concatenate3A_2495 = tpu.concatenate %slice3A_2491, %slice3A_2492, %slice3A_2493, %slice3A_2494 in 0 : vector<1x1x1xf32>, vector<1x1x1xf32>, vector<1x1x1xf32>, vector<1x1x1xf32> -> vector<4x1x1xf32>
    %slice3A_2496 = vector.extract_strided_slice %broadcast_in_dim3A_2303 {offsets = [2, 0, 0], sizes = [1, 1, 1], strides = [1, 1, 1]} : vector<3x1x1xf32> to vector<1x1x1xf32>
    %slice3A_2497 = vector.extract_strided_slice %broadcast_in_dim3A_2357 {offsets = [2, 0, 0], sizes = [1, 1, 1], strides = [1, 1, 1]} : vector<3x1x1xf32> to vector<1x1x1xf32>
    %slice3A_2498 = vector.extract_strided_slice %broadcast_in_dim3A_2411 {offsets = [2, 0, 0], sizes = [1, 1, 1], strides = [1, 1, 1]} : vector<3x1x1xf32> to vector<1x1x1xf32>
    %slice3A_2499 = vector.extract_strided_slice %broadcast_in_dim3A_2465 {offsets = [2, 0, 0], sizes = [1, 1, 1], strides = [1, 1, 1]} : vector<3x1x1xf32> to vector<1x1x1xf32>
    %concatenate3A_2500 = tpu.concatenate %slice3A_2496, %slice3A_2497, %slice3A_2498, %slice3A_2499 in 0 : vector<1x1x1xf32>, vector<1x1x1xf32>, vector<1x1x1xf32>, vector<1x1x1xf32> -> vector<4x1x1xf32>
    %sub3A_2501 = vector.broadcast %concatenate3A_2490 : vector<4x1x1xf32> to vector<4x512x128xf32>
    %sub3A_2502 = arith.subf %get3A_4, %sub3A_2501 : vector<4x512x128xf32>
    %sub3A_2503 = vector.broadcast %concatenate3A_2495 : vector<4x1x1xf32> to vector<4x512x128xf32>
    %sub3A_2504 = arith.subf %get3A_10, %sub3A_2503 : vector<4x512x128xf32>
    %sub3A_2505 = vector.broadcast %concatenate3A_2500 : vector<4x1x1xf32> to vector<4x512x128xf32>
    %sub3A_2506 = arith.subf %get3A_16, %sub3A_2505 : vector<4x512x128xf32>
    %mul3A_2507 = arith.mulf %sub3A_2502, %sub3A_2502 : vector<4x512x128xf32>
    %mul3A_2508 = arith.mulf %sub3A_2504, %sub3A_2504 : vector<4x512x128xf32>
    %add3A_2509 = arith.addf %mul3A_2507, %mul3A_2508 : vector<4x512x128xf32>
    %mul3A_2510 = arith.mulf %sub3A_2506, %sub3A_2506 : vector<4x512x128xf32>
    %add3A_2511 = arith.addf %add3A_2509, %mul3A_2510 : vector<4x512x128xf32>
    %min3A_2512 = arith.minimumf %min3A_2193, %add3A_2511 : vector<4x512x128xf32>
    %reduce_max3A_2513 = arith.constant dense<0xFF800000> : vector<4xf32>
    %reduce_max3A_2514 = vector.multi_reduction <maximumf>, %min3A_2512, %reduce_max3A_2513 [1, 2] : vector<4x512x128xf32> to vector<4xf32>
    %broadcast_in_dim3A_2515 = vector.shape_cast %reduce_max3A_2514 : vector<4xf32> to vector<4x1x1xf32>
    %eq3A_2516 = vector.broadcast %broadcast_in_dim3A_2515 : vector<4x1x1xf32> to vector<4x512x128xf32>
    %eq3A_2517 = arith.cmpf oeq, %min3A_2512, %eq3A_2516 : vector<4x512x128xf32>
    %jit3A_2518 = arith.constant 2147483647 : i32
    %broadcast_in_dim3A_2519 = vector.shape_cast %add3A : vector<512x128xi32> to vector<1x512x128xi32>
    %broadcast_in_dim3A_2520 = vector.broadcast %broadcast_in_dim3A_2519 : vector<1x512x128xi32> to vector<4x512x128xi32>
    %broadcast_in_dim3A_2521 = vector.broadcast %jit3A_2518 : i32 to vector<4x512x128xi32>
    %select_n3A_2522 = arith.select %eq3A_2517, %broadcast_in_dim3A_2520, %broadcast_in_dim3A_2521 : vector<4x512x128xi1>, vector<4x512x128xi32>
    %reduce_min3A_2523 = arith.constant dense<2147483647> : vector<4xi32>
    %reduce_min3A_2524 = vector.multi_reduction <minsi>, %select_n3A_2522, %reduce_min3A_2523 [1, 2] : vector<4x512x128xi32> to vector<4xi32>
    %slice3A_2525 = vector.extract_strided_slice %reduce_min3A_2524 {offsets = [0], sizes = [1], strides = [1]} : vector<4xi32> to vector<1xi32>
    %reshape3A_2526 = vector.shape_cast %slice3A_2525 : vector<1xi32> to vector<1x1xi32>
    %swap3A_2527 = arith.constant 0 : index
    %swap3A_2528 = arith.constant 8 : index
    %swap3A_2529 = vector.load %arg1[%swap3A_2527, %swap3A_2528] : memref<1x64xi32, #tpu.memory_space<vmem>>, vector<1x1xi32>
    tpu.vector_store %arg1[%swap3A_2527, %swap3A_2528], %reshape3A_2526 {strides = array<i32>} : memref<1x64xi32, #tpu.memory_space<vmem>>, vector<1x1xi32>,
    %slice3A_2530 = vector.extract_strided_slice %reduce_min3A_2524 {offsets = [0], sizes = [1], strides = [1]} : vector<4xi32> to vector<1xi32>
    %reduce_max3A_2531 = vector.shape_cast %slice3A_2530 : vector<1xi32> to vector<1x1xi32>
    %reduce_max3A_2532 = arith.constant dense<-2147483648> : vector<1xi32>
    %reduce_max3A_2533 = vector.multi_reduction <maxsi>, %reduce_max3A_2531, %reduce_max3A_2532 [1] : vector<1x1xi32> to vector<1xi32>
    %reduce_max3A_2534 = vector.shape_cast %reduce_max3A_2533 : vector<1xi32> to vector<1x1xi32>
    %reduce_max3A_2535 = vector.extract %reduce_max3A_2534[0, 0] : i32 from vector<1x1xi32>
    %slice3A_2536 = vector.extract_strided_slice %reduce_min3A_2524 {offsets = [1], sizes = [1], strides = [1]} : vector<4xi32> to vector<1xi32>
    %reshape3A_2537 = vector.shape_cast %slice3A_2536 : vector<1xi32> to vector<1x1xi32>
    %swap3A_2538 = arith.constant 0 : index
    %swap3A_2539 = arith.constant 24 : index
    %swap3A_2540 = vector.load %arg1[%swap3A_2538, %swap3A_2539] : memref<1x64xi32, #tpu.memory_space<vmem>>, vector<1x1xi32>
    tpu.vector_store %arg1[%swap3A_2538, %swap3A_2539], %reshape3A_2537 {strides = array<i32>} : memref<1x64xi32, #tpu.memory_space<vmem>>, vector<1x1xi32>,
    %slice3A_2541 = vector.extract_strided_slice %reduce_min3A_2524 {offsets = [1], sizes = [1], strides = [1]} : vector<4xi32> to vector<1xi32>
    %reduce_max3A_2542 = vector.shape_cast %slice3A_2541 : vector<1xi32> to vector<1x1xi32>
    %reduce_max3A_2543 = arith.constant dense<-2147483648> : vector<1xi32>
    %reduce_max3A_2544 = vector.multi_reduction <maxsi>, %reduce_max3A_2542, %reduce_max3A_2543 [1] : vector<1x1xi32> to vector<1xi32>
    %reduce_max3A_2545 = vector.shape_cast %reduce_max3A_2544 : vector<1xi32> to vector<1x1xi32>
    %reduce_max3A_2546 = vector.extract %reduce_max3A_2545[0, 0] : i32 from vector<1x1xi32>
    %slice3A_2547 = vector.extract_strided_slice %reduce_min3A_2524 {offsets = [2], sizes = [1], strides = [1]} : vector<4xi32> to vector<1xi32>
    %reshape3A_2548 = vector.shape_cast %slice3A_2547 : vector<1xi32> to vector<1x1xi32>
    %swap3A_2549 = arith.constant 0 : index
    %swap3A_2550 = arith.constant 40 : index
    %swap3A_2551 = vector.load %arg1[%swap3A_2549, %swap3A_2550] : memref<1x64xi32, #tpu.memory_space<vmem>>, vector<1x1xi32>
    tpu.vector_store %arg1[%swap3A_2549, %swap3A_2550], %reshape3A_2548 {strides = array<i32>} : memref<1x64xi32, #tpu.memory_space<vmem>>, vector<1x1xi32>,
    %slice3A_2552 = vector.extract_strided_slice %reduce_min3A_2524 {offsets = [2], sizes = [1], strides = [1]} : vector<4xi32> to vector<1xi32>
    %reduce_max3A_2553 = vector.shape_cast %slice3A_2552 : vector<1xi32> to vector<1x1xi32>
    %reduce_max3A_2554 = arith.constant dense<-2147483648> : vector<1xi32>
    %reduce_max3A_2555 = vector.multi_reduction <maxsi>, %reduce_max3A_2553, %reduce_max3A_2554 [1] : vector<1x1xi32> to vector<1xi32>
    %reduce_max3A_2556 = vector.shape_cast %reduce_max3A_2555 : vector<1xi32> to vector<1x1xi32>
    %reduce_max3A_2557 = vector.extract %reduce_max3A_2556[0, 0] : i32 from vector<1x1xi32>
    %slice3A_2558 = vector.extract_strided_slice %reduce_min3A_2524 {offsets = [3], sizes = [1], strides = [1]} : vector<4xi32> to vector<1xi32>
    %reshape3A_2559 = vector.shape_cast %slice3A_2558 : vector<1xi32> to vector<1x1xi32>
    %swap3A_2560 = arith.constant 0 : index
    %swap3A_2561 = arith.constant 56 : index
    %swap3A_2562 = vector.load %arg1[%swap3A_2560, %swap3A_2561] : memref<1x64xi32, #tpu.memory_space<vmem>>, vector<1x1xi32>
    tpu.vector_store %arg1[%swap3A_2560, %swap3A_2561], %reshape3A_2559 {strides = array<i32>} : memref<1x64xi32, #tpu.memory_space<vmem>>, vector<1x1xi32>,
    %slice3A_2563 = vector.extract_strided_slice %reduce_min3A_2524 {offsets = [3], sizes = [1], strides = [1]} : vector<4xi32> to vector<1xi32>
    %reduce_max3A_2564 = vector.shape_cast %slice3A_2563 : vector<1xi32> to vector<1x1xi32>
    %reduce_max3A_2565 = arith.constant dense<-2147483648> : vector<1xi32>
    %reduce_max3A_2566 = vector.multi_reduction <maxsi>, %reduce_max3A_2564, %reduce_max3A_2565 [1] : vector<1x1xi32> to vector<1xi32>
    %reduce_max3A_2567 = vector.shape_cast %reduce_max3A_2566 : vector<1xi32> to vector<1x1xi32>
    %reduce_max3A_2568 = vector.extract %reduce_max3A_2567[0, 0] : i32 from vector<1x1xi32>
    %jit3A_2569 = arith.constant 128 : i32
    %div3A_2570 = arith.divsi %reduce_max3A_2535, %jit3A_2569 : i32
    %sign3A_2571 = arith.constant 0 : i32
    %sign3A_2572 = arith.cmpi sgt, %reduce_max3A_2535, %sign3A_2571 : i32
    %sign3A_2573 = arith.extui %sign3A_2572 : i1 to i32
    %sign3A_2574 = arith.constant 0 : i32
    %sign3A_2575 = arith.cmpi slt, %reduce_max3A_2535, %sign3A_2574 : i32
    %sign3A_2576 = arith.extui %sign3A_2575 : i1 to i32
    %sign3A_2577 = arith.subi %sign3A_2573, %sign3A_2576 : i32
    %sign3A_2578 = arith.constant 0 : i32
    %sign3A_2579 = arith.cmpi sgt, %jit3A_2569, %sign3A_2578 : i32
    %sign3A_2580 = arith.extui %sign3A_2579 : i1 to i32
    %sign3A_2581 = arith.constant 0 : i32
    %sign3A_2582 = arith.cmpi slt, %jit3A_2569, %sign3A_2581 : i32
    %sign3A_2583 = arith.extui %sign3A_2582 : i1 to i32
    %sign3A_2584 = arith.subi %sign3A_2580, %sign3A_2583 : i32
    %ne3A_2585 = arith.cmpi ne, %sign3A_2577, %sign3A_2584 : i32
    %rem3A_2586 = arith.remsi %reduce_max3A_2535, %jit3A_2569 : i32
    %ne3A_2587 = arith.constant 0 : i32
    %ne3A_2588 = arith.cmpi ne, %rem3A_2586, %ne3A_2587 : i32
    %and3A_2589 = arith.andi %ne3A_2585, %ne3A_2588 : i1
    %sub3A_2590 = arith.constant 1 : i32
    %sub3A_2591 = arith.subi %div3A_2570, %sub3A_2590 : i32
    %select_n3A_2592 = arith.select %and3A_2589, %sub3A_2591, %div3A_2570 : i32
    %jit3A_2593 = arith.constant 128 : i32
    %eq3A_2594 = arith.constant 0 : i32
    %eq3A_2595 = arith.cmpi eq, %jit3A_2593, %eq3A_2594 : i32
    %jit3A_2596 = arith.constant 1 : i32
    %select_n3A_2597 = arith.select %eq3A_2595, %jit3A_2596, %jit3A_2593 : i32
    %rem3A_2598 = arith.remsi %reduce_max3A_2535, %select_n3A_2597 : i32
    %ne3A_2599 = arith.constant 0 : i32
    %ne3A_2600 = arith.cmpi ne, %rem3A_2598, %ne3A_2599 : i32
    %lt3A_2601 = arith.constant 0 : i32
    %lt3A_2602 = arith.cmpi slt, %rem3A_2598, %lt3A_2601 : i32
    %lt3A_2603 = arith.constant 0 : i32
    %lt3A_2604 = arith.cmpi slt, %select_n3A_2597, %lt3A_2603 : i32
    %ne3A_2605 = arith.xori %lt3A_2602, %lt3A_2604 : i1
    %and3A_2606 = arith.andi %ne3A_2605, %ne3A_2600 : i1
    %add3A_2607 = arith.addi %rem3A_2598, %select_n3A_2597 : i32
    %select_n3A_2608 = arith.select %and3A_2606, %add3A_2607, %rem3A_2598 : i32
    %get3A_2609 = arith.constant 0 : index
    %get3A_2610 = arith.constant 0 : index
    %get3A_2611 = arith.index_cast %select_n3A_2592 : i32 to index
    %get3A_2612 = arith.constant 0 : index
    %get3A_2613 = vector.load %arg0[%get3A_2609, %get3A_2610, %get3A_2611, %get3A_2612] : memref<4x3x512x128xf32, #tpu.memory_space<vmem>>, vector<1x3x1x128xf32>
    %get3A_2614 = vector.shape_cast %get3A_2613 : vector<1x3x1x128xf32> to vector<3x1x128xf32>
    %eq3A_2615 = vector.broadcast %select_n3A_2608 : i32 to vector<3x1x128xi32>
    %eq3A_2616 = arith.cmpi eq, %iota3A_20, %eq3A_2615 : vector<3x1x128xi32>
    %jit3A_2617 = arith.constant 0.000000e+00 : f32
    %broadcast_in_dim3A_2618 = vector.broadcast %jit3A_2617 : f32 to vector<3x1x128xf32>
    %select_n3A_2619 = arith.select %eq3A_2616, %get3A_2614, %broadcast_in_dim3A_2618 : vector<3x1x128xi1>, vector<3x1x128xf32>
    %reduce_sum3A_2620 = arith.constant dense<0.000000e+00> : vector<3x1xf32>
    %reduce_sum3A_2621 = vector.multi_reduction <add>, %select_n3A_2619, %reduce_sum3A_2620 [2] : vector<3x1x128xf32> to vector<3x1xf32>
    %broadcast_in_dim3A_2622 = vector.shape_cast %reduce_sum3A_2621 : vector<3x1xf32> to vector<3x1x1xf32>
    %jit3A_2623 = arith.constant 128 : i32
    %div3A_2624 = arith.divsi %reduce_max3A_2546, %jit3A_2623 : i32
    %sign3A_2625 = arith.constant 0 : i32
    %sign3A_2626 = arith.cmpi sgt, %reduce_max3A_2546, %sign3A_2625 : i32
    %sign3A_2627 = arith.extui %sign3A_2626 : i1 to i32
    %sign3A_2628 = arith.constant 0 : i32
    %sign3A_2629 = arith.cmpi slt, %reduce_max3A_2546, %sign3A_2628 : i32
    %sign3A_2630 = arith.extui %sign3A_2629 : i1 to i32
    %sign3A_2631 = arith.subi %sign3A_2627, %sign3A_2630 : i32
    %sign3A_2632 = arith.constant 0 : i32
    %sign3A_2633 = arith.cmpi sgt, %jit3A_2623, %sign3A_2632 : i32
    %sign3A_2634 = arith.extui %sign3A_2633 : i1 to i32
    %sign3A_2635 = arith.constant 0 : i32
    %sign3A_2636 = arith.cmpi slt, %jit3A_2623, %sign3A_2635 : i32
    %sign3A_2637 = arith.extui %sign3A_2636 : i1 to i32
    %sign3A_2638 = arith.subi %sign3A_2634, %sign3A_2637 : i32
    %ne3A_2639 = arith.cmpi ne, %sign3A_2631, %sign3A_2638 : i32
    %rem3A_2640 = arith.remsi %reduce_max3A_2546, %jit3A_2623 : i32
    %ne3A_2641 = arith.constant 0 : i32
    %ne3A_2642 = arith.cmpi ne, %rem3A_2640, %ne3A_2641 : i32
    %and3A_2643 = arith.andi %ne3A_2639, %ne3A_2642 : i1
    %sub3A_2644 = arith.constant 1 : i32
    %sub3A_2645 = arith.subi %div3A_2624, %sub3A_2644 : i32
    %select_n3A_2646 = arith.select %and3A_2643, %sub3A_2645, %div3A_2624 : i32
    %jit3A_2647 = arith.constant 128 : i32
    %eq3A_2648 = arith.constant 0 : i32
    %eq3A_2649 = arith.cmpi eq, %jit3A_2647, %eq3A_2648 : i32
    %jit3A_2650 = arith.constant 1 : i32
    %select_n3A_2651 = arith.select %eq3A_2649, %jit3A_2650, %jit3A_2647 : i32
    %rem3A_2652 = arith.remsi %reduce_max3A_2546, %select_n3A_2651 : i32
    %ne3A_2653 = arith.constant 0 : i32
    %ne3A_2654 = arith.cmpi ne, %rem3A_2652, %ne3A_2653 : i32
    %lt3A_2655 = arith.constant 0 : i32
    %lt3A_2656 = arith.cmpi slt, %rem3A_2652, %lt3A_2655 : i32
    %lt3A_2657 = arith.constant 0 : i32
    %lt3A_2658 = arith.cmpi slt, %select_n3A_2651, %lt3A_2657 : i32
    %ne3A_2659 = arith.xori %lt3A_2656, %lt3A_2658 : i1
    %and3A_2660 = arith.andi %ne3A_2659, %ne3A_2654 : i1
    %add3A_2661 = arith.addi %rem3A_2652, %select_n3A_2651 : i32
    %select_n3A_2662 = arith.select %and3A_2660, %add3A_2661, %rem3A_2652 : i32
    %get3A_2663 = arith.constant 1 : index
    %get3A_2664 = arith.constant 0 : index
    %get3A_2665 = arith.index_cast %select_n3A_2646 : i32 to index
    %get3A_2666 = arith.constant 0 : index
    %get3A_2667 = vector.load %arg0[%get3A_2663, %get3A_2664, %get3A_2665, %get3A_2666] : memref<4x3x512x128xf32, #tpu.memory_space<vmem>>, vector<1x3x1x128xf32>
    %get3A_2668 = vector.shape_cast %get3A_2667 : vector<1x3x1x128xf32> to vector<3x1x128xf32>
    %eq3A_2669 = vector.broadcast %select_n3A_2662 : i32 to vector<3x1x128xi32>
    %eq3A_2670 = arith.cmpi eq, %iota3A_20, %eq3A_2669 : vector<3x1x128xi32>
    %jit3A_2671 = arith.constant 0.000000e+00 : f32
    %broadcast_in_dim3A_2672 = vector.broadcast %jit3A_2671 : f32 to vector<3x1x128xf32>
    %select_n3A_2673 = arith.select %eq3A_2670, %get3A_2668, %broadcast_in_dim3A_2672 : vector<3x1x128xi1>, vector<3x1x128xf32>
    %reduce_sum3A_2674 = arith.constant dense<0.000000e+00> : vector<3x1xf32>
    %reduce_sum3A_2675 = vector.multi_reduction <add>, %select_n3A_2673, %reduce_sum3A_2674 [2] : vector<3x1x128xf32> to vector<3x1xf32>
    %broadcast_in_dim3A_2676 = vector.shape_cast %reduce_sum3A_2675 : vector<3x1xf32> to vector<3x1x1xf32>
    %jit3A_2677 = arith.constant 128 : i32
    %div3A_2678 = arith.divsi %reduce_max3A_2557, %jit3A_2677 : i32
    %sign3A_2679 = arith.constant 0 : i32
    %sign3A_2680 = arith.cmpi sgt, %reduce_max3A_2557, %sign3A_2679 : i32
    %sign3A_2681 = arith.extui %sign3A_2680 : i1 to i32
    %sign3A_2682 = arith.constant 0 : i32
    %sign3A_2683 = arith.cmpi slt, %reduce_max3A_2557, %sign3A_2682 : i32
    %sign3A_2684 = arith.extui %sign3A_2683 : i1 to i32
    %sign3A_2685 = arith.subi %sign3A_2681, %sign3A_2684 : i32
    %sign3A_2686 = arith.constant 0 : i32
    %sign3A_2687 = arith.cmpi sgt, %jit3A_2677, %sign3A_2686 : i32
    %sign3A_2688 = arith.extui %sign3A_2687 : i1 to i32
    %sign3A_2689 = arith.constant 0 : i32
    %sign3A_2690 = arith.cmpi slt, %jit3A_2677, %sign3A_2689 : i32
    %sign3A_2691 = arith.extui %sign3A_2690 : i1 to i32
    %sign3A_2692 = arith.subi %sign3A_2688, %sign3A_2691 : i32
    %ne3A_2693 = arith.cmpi ne, %sign3A_2685, %sign3A_2692 : i32
    %rem3A_2694 = arith.remsi %reduce_max3A_2557, %jit3A_2677 : i32
    %ne3A_2695 = arith.constant 0 : i32
    %ne3A_2696 = arith.cmpi ne, %rem3A_2694, %ne3A_2695 : i32
    %and3A_2697 = arith.andi %ne3A_2693, %ne3A_2696 : i1
    %sub3A_2698 = arith.constant 1 : i32
    %sub3A_2699 = arith.subi %div3A_2678, %sub3A_2698 : i32
    %select_n3A_2700 = arith.select %and3A_2697, %sub3A_2699, %div3A_2678 : i32
    %jit3A_2701 = arith.constant 128 : i32
    %eq3A_2702 = arith.constant 0 : i32
    %eq3A_2703 = arith.cmpi eq, %jit3A_2701, %eq3A_2702 : i32
    %jit3A_2704 = arith.constant 1 : i32
    %select_n3A_2705 = arith.select %eq3A_2703, %jit3A_2704, %jit3A_2701 : i32
    %rem3A_2706 = arith.remsi %reduce_max3A_2557, %select_n3A_2705 : i32
    %ne3A_2707 = arith.constant 0 : i32
    %ne3A_2708 = arith.cmpi ne, %rem3A_2706, %ne3A_2707 : i32
    %lt3A_2709 = arith.constant 0 : i32
    %lt3A_2710 = arith.cmpi slt, %rem3A_2706, %lt3A_2709 : i32
    %lt3A_2711 = arith.constant 0 : i32
    %lt3A_2712 = arith.cmpi slt, %select_n3A_2705, %lt3A_2711 : i32
    %ne3A_2713 = arith.xori %lt3A_2710, %lt3A_2712 : i1
    %and3A_2714 = arith.andi %ne3A_2713, %ne3A_2708 : i1
    %add3A_2715 = arith.addi %rem3A_2706, %select_n3A_2705 : i32
    %select_n3A_2716 = arith.select %and3A_2714, %add3A_2715, %rem3A_2706 : i32
    %get3A_2717 = arith.constant 2 : index
    %get3A_2718 = arith.constant 0 : index
    %get3A_2719 = arith.index_cast %select_n3A_2700 : i32 to index
    %get3A_2720 = arith.constant 0 : index
    %get3A_2721 = vector.load %arg0[%get3A_2717, %get3A_2718, %get3A_2719, %get3A_2720] : memref<4x3x512x128xf32, #tpu.memory_space<vmem>>, vector<1x3x1x128xf32>
    %get3A_2722 = vector.shape_cast %get3A_2721 : vector<1x3x1x128xf32> to vector<3x1x128xf32>
    %eq3A_2723 = vector.broadcast %select_n3A_2716 : i32 to vector<3x1x128xi32>
    %eq3A_2724 = arith.cmpi eq, %iota3A_20, %eq3A_2723 : vector<3x1x128xi32>
    %jit3A_2725 = arith.constant 0.000000e+00 : f32
    %broadcast_in_dim3A_2726 = vector.broadcast %jit3A_2725 : f32 to vector<3x1x128xf32>
    %select_n3A_2727 = arith.select %eq3A_2724, %get3A_2722, %broadcast_in_dim3A_2726 : vector<3x1x128xi1>, vector<3x1x128xf32>
    %reduce_sum3A_2728 = arith.constant dense<0.000000e+00> : vector<3x1xf32>
    %reduce_sum3A_2729 = vector.multi_reduction <add>, %select_n3A_2727, %reduce_sum3A_2728 [2] : vector<3x1x128xf32> to vector<3x1xf32>
    %broadcast_in_dim3A_2730 = vector.shape_cast %reduce_sum3A_2729 : vector<3x1xf32> to vector<3x1x1xf32>
    %jit3A_2731 = arith.constant 128 : i32
    %div3A_2732 = arith.divsi %reduce_max3A_2568, %jit3A_2731 : i32
    %sign3A_2733 = arith.constant 0 : i32
    %sign3A_2734 = arith.cmpi sgt, %reduce_max3A_2568, %sign3A_2733 : i32
    %sign3A_2735 = arith.extui %sign3A_2734 : i1 to i32
    %sign3A_2736 = arith.constant 0 : i32
    %sign3A_2737 = arith.cmpi slt, %reduce_max3A_2568, %sign3A_2736 : i32
    %sign3A_2738 = arith.extui %sign3A_2737 : i1 to i32
    %sign3A_2739 = arith.subi %sign3A_2735, %sign3A_2738 : i32
    %sign3A_2740 = arith.constant 0 : i32
    %sign3A_2741 = arith.cmpi sgt, %jit3A_2731, %sign3A_2740 : i32
    %sign3A_2742 = arith.extui %sign3A_2741 : i1 to i32
    %sign3A_2743 = arith.constant 0 : i32
    %sign3A_2744 = arith.cmpi slt, %jit3A_2731, %sign3A_2743 : i32
    %sign3A_2745 = arith.extui %sign3A_2744 : i1 to i32
    %sign3A_2746 = arith.subi %sign3A_2742, %sign3A_2745 : i32
    %ne3A_2747 = arith.cmpi ne, %sign3A_2739, %sign3A_2746 : i32
    %rem3A_2748 = arith.remsi %reduce_max3A_2568, %jit3A_2731 : i32
    %ne3A_2749 = arith.constant 0 : i32
    %ne3A_2750 = arith.cmpi ne, %rem3A_2748, %ne3A_2749 : i32
    %and3A_2751 = arith.andi %ne3A_2747, %ne3A_2750 : i1
    %sub3A_2752 = arith.constant 1 : i32
    %sub3A_2753 = arith.subi %div3A_2732, %sub3A_2752 : i32
    %select_n3A_2754 = arith.select %and3A_2751, %sub3A_2753, %div3A_2732 : i32
    %jit3A_2755 = arith.constant 128 : i32
    %eq3A_2756 = arith.constant 0 : i32
    %eq3A_2757 = arith.cmpi eq, %jit3A_2755, %eq3A_2756 : i32
    %jit3A_2758 = arith.constant 1 : i32
    %select_n3A_2759 = arith.select %eq3A_2757, %jit3A_2758, %jit3A_2755 : i32
    %rem3A_2760 = arith.remsi %reduce_max3A_2568, %select_n3A_2759 : i32
    %ne3A_2761 = arith.constant 0 : i32
    %ne3A_2762 = arith.cmpi ne, %rem3A_2760, %ne3A_2761 : i32
    %lt3A_2763 = arith.constant 0 : i32
    %lt3A_2764 = arith.cmpi slt, %rem3A_2760, %lt3A_2763 : i32
    %lt3A_2765 = arith.constant 0 : i32
    %lt3A_2766 = arith.cmpi slt, %select_n3A_2759, %lt3A_2765 : i32
    %ne3A_2767 = arith.xori %lt3A_2764, %lt3A_2766 : i1
    %and3A_2768 = arith.andi %ne3A_2767, %ne3A_2762 : i1
    %add3A_2769 = arith.addi %rem3A_2760, %select_n3A_2759 : i32
    %select_n3A_2770 = arith.select %and3A_2768, %add3A_2769, %rem3A_2760 : i32
    %get3A_2771 = arith.constant 3 : index
    %get3A_2772 = arith.constant 0 : index
    %get3A_2773 = arith.index_cast %select_n3A_2754 : i32 to index
    %get3A_2774 = arith.constant 0 : index
    %get3A_2775 = vector.load %arg0[%get3A_2771, %get3A_2772, %get3A_2773, %get3A_2774] : memref<4x3x512x128xf32, #tpu.memory_space<vmem>>, vector<1x3x1x128xf32>
    %get3A_2776 = vector.shape_cast %get3A_2775 : vector<1x3x1x128xf32> to vector<3x1x128xf32>
    %eq3A_2777 = vector.broadcast %select_n3A_2770 : i32 to vector<3x1x128xi32>
    %eq3A_2778 = arith.cmpi eq, %iota3A_20, %eq3A_2777 : vector<3x1x128xi32>
    %jit3A_2779 = arith.constant 0.000000e+00 : f32
    %broadcast_in_dim3A_2780 = vector.broadcast %jit3A_2779 : f32 to vector<3x1x128xf32>
    %select_n3A_2781 = arith.select %eq3A_2778, %get3A_2776, %broadcast_in_dim3A_2780 : vector<3x1x128xi1>, vector<3x1x128xf32>
    %reduce_sum3A_2782 = arith.constant dense<0.000000e+00> : vector<3x1xf32>
    %reduce_sum3A_2783 = vector.multi_reduction <add>, %select_n3A_2781, %reduce_sum3A_2782 [2] : vector<3x1x128xf32> to vector<3x1xf32>
    %broadcast_in_dim3A_2784 = vector.shape_cast %reduce_sum3A_2783 : vector<3x1xf32> to vector<3x1x1xf32>
    %reshape3A_2785 = vector.shape_cast %broadcast_in_dim3A_2622 : vector<3x1x1xf32> to vector<1x1x3xf32>
    %swap3A_2786 = arith.constant 0 : index
    %swap3A_2787 = arith.constant 8 : index
    %swap3A_2788 = arith.constant 0 : index
    %swap3A_2789 = vector.load %arg2[%swap3A_2786, %swap3A_2787, %swap3A_2788] : memref<4x16x3xf32, #tpu.memory_space<vmem>>, vector<1x1x3xf32>
    tpu.vector_store %arg2[%swap3A_2786, %swap3A_2787, %swap3A_2788], %reshape3A_2785 {strides = array<i32>} : memref<4x16x3xf32, #tpu.memory_space<vmem>>, vector<1x1x3xf32>,
    %reshape3A_2790 = vector.shape_cast %broadcast_in_dim3A_2676 : vector<3x1x1xf32> to vector<1x1x3xf32>
    %swap3A_2791 = arith.constant 1 : index
    %swap3A_2792 = arith.constant 8 : index
    %swap3A_2793 = arith.constant 0 : index
    %swap3A_2794 = vector.load %arg2[%swap3A_2791, %swap3A_2792, %swap3A_2793] : memref<4x16x3xf32, #tpu.memory_space<vmem>>, vector<1x1x3xf32>
    tpu.vector_store %arg2[%swap3A_2791, %swap3A_2792, %swap3A_2793], %reshape3A_2790 {strides = array<i32>} : memref<4x16x3xf32, #tpu.memory_space<vmem>>, vector<1x1x3xf32>,
    %reshape3A_2795 = vector.shape_cast %broadcast_in_dim3A_2730 : vector<3x1x1xf32> to vector<1x1x3xf32>
    %swap3A_2796 = arith.constant 2 : index
    %swap3A_2797 = arith.constant 8 : index
    %swap3A_2798 = arith.constant 0 : index
    %swap3A_2799 = vector.load %arg2[%swap3A_2796, %swap3A_2797, %swap3A_2798] : memref<4x16x3xf32, #tpu.memory_space<vmem>>, vector<1x1x3xf32>
    tpu.vector_store %arg2[%swap3A_2796, %swap3A_2797, %swap3A_2798], %reshape3A_2795 {strides = array<i32>} : memref<4x16x3xf32, #tpu.memory_space<vmem>>, vector<1x1x3xf32>,
    %reshape3A_2800 = vector.shape_cast %broadcast_in_dim3A_2784 : vector<3x1x1xf32> to vector<1x1x3xf32>
    %swap3A_2801 = arith.constant 3 : index
    %swap3A_2802 = arith.constant 8 : index
    %swap3A_2803 = arith.constant 0 : index
    %swap3A_2804 = vector.load %arg2[%swap3A_2801, %swap3A_2802, %swap3A_2803] : memref<4x16x3xf32, #tpu.memory_space<vmem>>, vector<1x1x3xf32>
    tpu.vector_store %arg2[%swap3A_2801, %swap3A_2802, %swap3A_2803], %reshape3A_2800 {strides = array<i32>} : memref<4x16x3xf32, #tpu.memory_space<vmem>>, vector<1x1x3xf32>,
    %slice3A_2805 = vector.extract_strided_slice %broadcast_in_dim3A_2622 {offsets = [0, 0, 0], sizes = [1, 1, 1], strides = [1, 1, 1]} : vector<3x1x1xf32> to vector<1x1x1xf32>
    %slice3A_2806 = vector.extract_strided_slice %broadcast_in_dim3A_2676 {offsets = [0, 0, 0], sizes = [1, 1, 1], strides = [1, 1, 1]} : vector<3x1x1xf32> to vector<1x1x1xf32>
    %slice3A_2807 = vector.extract_strided_slice %broadcast_in_dim3A_2730 {offsets = [0, 0, 0], sizes = [1, 1, 1], strides = [1, 1, 1]} : vector<3x1x1xf32> to vector<1x1x1xf32>
    %slice3A_2808 = vector.extract_strided_slice %broadcast_in_dim3A_2784 {offsets = [0, 0, 0], sizes = [1, 1, 1], strides = [1, 1, 1]} : vector<3x1x1xf32> to vector<1x1x1xf32>
    %concatenate3A_2809 = tpu.concatenate %slice3A_2805, %slice3A_2806, %slice3A_2807, %slice3A_2808 in 0 : vector<1x1x1xf32>, vector<1x1x1xf32>, vector<1x1x1xf32>, vector<1x1x1xf32> -> vector<4x1x1xf32>
    %slice3A_2810 = vector.extract_strided_slice %broadcast_in_dim3A_2622 {offsets = [1, 0, 0], sizes = [1, 1, 1], strides = [1, 1, 1]} : vector<3x1x1xf32> to vector<1x1x1xf32>
    %slice3A_2811 = vector.extract_strided_slice %broadcast_in_dim3A_2676 {offsets = [1, 0, 0], sizes = [1, 1, 1], strides = [1, 1, 1]} : vector<3x1x1xf32> to vector<1x1x1xf32>
    %slice3A_2812 = vector.extract_strided_slice %broadcast_in_dim3A_2730 {offsets = [1, 0, 0], sizes = [1, 1, 1], strides = [1, 1, 1]} : vector<3x1x1xf32> to vector<1x1x1xf32>
    %slice3A_2813 = vector.extract_strided_slice %broadcast_in_dim3A_2784 {offsets = [1, 0, 0], sizes = [1, 1, 1], strides = [1, 1, 1]} : vector<3x1x1xf32> to vector<1x1x1xf32>
    %concatenate3A_2814 = tpu.concatenate %slice3A_2810, %slice3A_2811, %slice3A_2812, %slice3A_2813 in 0 : vector<1x1x1xf32>, vector<1x1x1xf32>, vector<1x1x1xf32>, vector<1x1x1xf32> -> vector<4x1x1xf32>
    %slice3A_2815 = vector.extract_strided_slice %broadcast_in_dim3A_2622 {offsets = [2, 0, 0], sizes = [1, 1, 1], strides = [1, 1, 1]} : vector<3x1x1xf32> to vector<1x1x1xf32>
    %slice3A_2816 = vector.extract_strided_slice %broadcast_in_dim3A_2676 {offsets = [2, 0, 0], sizes = [1, 1, 1], strides = [1, 1, 1]} : vector<3x1x1xf32> to vector<1x1x1xf32>
    %slice3A_2817 = vector.extract_strided_slice %broadcast_in_dim3A_2730 {offsets = [2, 0, 0], sizes = [1, 1, 1], strides = [1, 1, 1]} : vector<3x1x1xf32> to vector<1x1x1xf32>
    %slice3A_2818 = vector.extract_strided_slice %broadcast_in_dim3A_2784 {offsets = [2, 0, 0], sizes = [1, 1, 1], strides = [1, 1, 1]} : vector<3x1x1xf32> to vector<1x1x1xf32>
    %concatenate3A_2819 = tpu.concatenate %slice3A_2815, %slice3A_2816, %slice3A_2817, %slice3A_2818 in 0 : vector<1x1x1xf32>, vector<1x1x1xf32>, vector<1x1x1xf32>, vector<1x1x1xf32> -> vector<4x1x1xf32>
    %sub3A_2820 = vector.broadcast %concatenate3A_2809 : vector<4x1x1xf32> to vector<4x512x128xf32>
    %sub3A_2821 = arith.subf %get3A_4, %sub3A_2820 : vector<4x512x128xf32>
    %sub3A_2822 = vector.broadcast %concatenate3A_2814 : vector<4x1x1xf32> to vector<4x512x128xf32>
    %sub3A_2823 = arith.subf %get3A_10, %sub3A_2822 : vector<4x512x128xf32>
    %sub3A_2824 = vector.broadcast %concatenate3A_2819 : vector<4x1x1xf32> to vector<4x512x128xf32>
    %sub3A_2825 = arith.subf %get3A_16, %sub3A_2824 : vector<4x512x128xf32>
    %mul3A_2826 = arith.mulf %sub3A_2821, %sub3A_2821 : vector<4x512x128xf32>
    %mul3A_2827 = arith.mulf %sub3A_2823, %sub3A_2823 : vector<4x512x128xf32>
    %add3A_2828 = arith.addf %mul3A_2826, %mul3A_2827 : vector<4x512x128xf32>
    %mul3A_2829 = arith.mulf %sub3A_2825, %sub3A_2825 : vector<4x512x128xf32>
    %add3A_2830 = arith.addf %add3A_2828, %mul3A_2829 : vector<4x512x128xf32>
    %min3A_2831 = arith.minimumf %min3A_2512, %add3A_2830 : vector<4x512x128xf32>
    %reduce_max3A_2832 = arith.constant dense<0xFF800000> : vector<4xf32>
    %reduce_max3A_2833 = vector.multi_reduction <maximumf>, %min3A_2831, %reduce_max3A_2832 [1, 2] : vector<4x512x128xf32> to vector<4xf32>
    %broadcast_in_dim3A_2834 = vector.shape_cast %reduce_max3A_2833 : vector<4xf32> to vector<4x1x1xf32>
    %eq3A_2835 = vector.broadcast %broadcast_in_dim3A_2834 : vector<4x1x1xf32> to vector<4x512x128xf32>
    %eq3A_2836 = arith.cmpf oeq, %min3A_2831, %eq3A_2835 : vector<4x512x128xf32>
    %jit3A_2837 = arith.constant 2147483647 : i32
    %broadcast_in_dim3A_2838 = vector.shape_cast %add3A : vector<512x128xi32> to vector<1x512x128xi32>
    %broadcast_in_dim3A_2839 = vector.broadcast %broadcast_in_dim3A_2838 : vector<1x512x128xi32> to vector<4x512x128xi32>
    %broadcast_in_dim3A_2840 = vector.broadcast %jit3A_2837 : i32 to vector<4x512x128xi32>
    %select_n3A_2841 = arith.select %eq3A_2836, %broadcast_in_dim3A_2839, %broadcast_in_dim3A_2840 : vector<4x512x128xi1>, vector<4x512x128xi32>
    %reduce_min3A_2842 = arith.constant dense<2147483647> : vector<4xi32>
    %reduce_min3A_2843 = vector.multi_reduction <minsi>, %select_n3A_2841, %reduce_min3A_2842 [1, 2] : vector<4x512x128xi32> to vector<4xi32>
    %slice3A_2844 = vector.extract_strided_slice %reduce_min3A_2843 {offsets = [0], sizes = [1], strides = [1]} : vector<4xi32> to vector<1xi32>
    %reshape3A_2845 = vector.shape_cast %slice3A_2844 : vector<1xi32> to vector<1x1xi32>
    %swap3A_2846 = arith.constant 0 : index
    %swap3A_2847 = arith.constant 9 : index
    %swap3A_2848 = vector.load %arg1[%swap3A_2846, %swap3A_2847] : memref<1x64xi32, #tpu.memory_space<vmem>>, vector<1x1xi32>
    tpu.vector_store %arg1[%swap3A_2846, %swap3A_2847], %reshape3A_2845 {strides = array<i32>} : memref<1x64xi32, #tpu.memory_space<vmem>>, vector<1x1xi32>,
    %slice3A_2849 = vector.extract_strided_slice %reduce_min3A_2843 {offsets = [0], sizes = [1], strides = [1]} : vector<4xi32> to vector<1xi32>
    %reduce_max3A_2850 = vector.shape_cast %slice3A_2849 : vector<1xi32> to vector<1x1xi32>
    %reduce_max3A_2851 = arith.constant dense<-2147483648> : vector<1xi32>
    %reduce_max3A_2852 = vector.multi_reduction <maxsi>, %reduce_max3A_2850, %reduce_max3A_2851 [1] : vector<1x1xi32> to vector<1xi32>
    %reduce_max3A_2853 = vector.shape_cast %reduce_max3A_2852 : vector<1xi32> to vector<1x1xi32>
    %reduce_max3A_2854 = vector.extract %reduce_max3A_2853[0, 0] : i32 from vector<1x1xi32>
    %slice3A_2855 = vector.extract_strided_slice %reduce_min3A_2843 {offsets = [1], sizes = [1], strides = [1]} : vector<4xi32> to vector<1xi32>
    %reshape3A_2856 = vector.shape_cast %slice3A_2855 : vector<1xi32> to vector<1x1xi32>
    %swap3A_2857 = arith.constant 0 : index
    %swap3A_2858 = arith.constant 25 : index
    %swap3A_2859 = vector.load %arg1[%swap3A_2857, %swap3A_2858] : memref<1x64xi32, #tpu.memory_space<vmem>>, vector<1x1xi32>
    tpu.vector_store %arg1[%swap3A_2857, %swap3A_2858], %reshape3A_2856 {strides = array<i32>} : memref<1x64xi32, #tpu.memory_space<vmem>>, vector<1x1xi32>,
    %slice3A_2860 = vector.extract_strided_slice %reduce_min3A_2843 {offsets = [1], sizes = [1], strides = [1]} : vector<4xi32> to vector<1xi32>
    %reduce_max3A_2861 = vector.shape_cast %slice3A_2860 : vector<1xi32> to vector<1x1xi32>
    %reduce_max3A_2862 = arith.constant dense<-2147483648> : vector<1xi32>
    %reduce_max3A_2863 = vector.multi_reduction <maxsi>, %reduce_max3A_2861, %reduce_max3A_2862 [1] : vector<1x1xi32> to vector<1xi32>
    %reduce_max3A_2864 = vector.shape_cast %reduce_max3A_2863 : vector<1xi32> to vector<1x1xi32>
    %reduce_max3A_2865 = vector.extract %reduce_max3A_2864[0, 0] : i32 from vector<1x1xi32>
    %slice3A_2866 = vector.extract_strided_slice %reduce_min3A_2843 {offsets = [2], sizes = [1], strides = [1]} : vector<4xi32> to vector<1xi32>
    %reshape3A_2867 = vector.shape_cast %slice3A_2866 : vector<1xi32> to vector<1x1xi32>
    %swap3A_2868 = arith.constant 0 : index
    %swap3A_2869 = arith.constant 41 : index
    %swap3A_2870 = vector.load %arg1[%swap3A_2868, %swap3A_2869] : memref<1x64xi32, #tpu.memory_space<vmem>>, vector<1x1xi32>
    tpu.vector_store %arg1[%swap3A_2868, %swap3A_2869], %reshape3A_2867 {strides = array<i32>} : memref<1x64xi32, #tpu.memory_space<vmem>>, vector<1x1xi32>,
    %slice3A_2871 = vector.extract_strided_slice %reduce_min3A_2843 {offsets = [2], sizes = [1], strides = [1]} : vector<4xi32> to vector<1xi32>
    %reduce_max3A_2872 = vector.shape_cast %slice3A_2871 : vector<1xi32> to vector<1x1xi32>
    %reduce_max3A_2873 = arith.constant dense<-2147483648> : vector<1xi32>
    %reduce_max3A_2874 = vector.multi_reduction <maxsi>, %reduce_max3A_2872, %reduce_max3A_2873 [1] : vector<1x1xi32> to vector<1xi32>
    %reduce_max3A_2875 = vector.shape_cast %reduce_max3A_2874 : vector<1xi32> to vector<1x1xi32>
    %reduce_max3A_2876 = vector.extract %reduce_max3A_2875[0, 0] : i32 from vector<1x1xi32>
    %slice3A_2877 = vector.extract_strided_slice %reduce_min3A_2843 {offsets = [3], sizes = [1], strides = [1]} : vector<4xi32> to vector<1xi32>
    %reshape3A_2878 = vector.shape_cast %slice3A_2877 : vector<1xi32> to vector<1x1xi32>
    %swap3A_2879 = arith.constant 0 : index
    %swap3A_2880 = arith.constant 57 : index
    %swap3A_2881 = vector.load %arg1[%swap3A_2879, %swap3A_2880] : memref<1x64xi32, #tpu.memory_space<vmem>>, vector<1x1xi32>
    tpu.vector_store %arg1[%swap3A_2879, %swap3A_2880], %reshape3A_2878 {strides = array<i32>} : memref<1x64xi32, #tpu.memory_space<vmem>>, vector<1x1xi32>,
    %slice3A_2882 = vector.extract_strided_slice %reduce_min3A_2843 {offsets = [3], sizes = [1], strides = [1]} : vector<4xi32> to vector<1xi32>
    %reduce_max3A_2883 = vector.shape_cast %slice3A_2882 : vector<1xi32> to vector<1x1xi32>
    %reduce_max3A_2884 = arith.constant dense<-2147483648> : vector<1xi32>
    %reduce_max3A_2885 = vector.multi_reduction <maxsi>, %reduce_max3A_2883, %reduce_max3A_2884 [1] : vector<1x1xi32> to vector<1xi32>
    %reduce_max3A_2886 = vector.shape_cast %reduce_max3A_2885 : vector<1xi32> to vector<1x1xi32>
    %reduce_max3A_2887 = vector.extract %reduce_max3A_2886[0, 0] : i32 from vector<1x1xi32>
    %jit3A_2888 = arith.constant 128 : i32
    %div3A_2889 = arith.divsi %reduce_max3A_2854, %jit3A_2888 : i32
    %sign3A_2890 = arith.constant 0 : i32
    %sign3A_2891 = arith.cmpi sgt, %reduce_max3A_2854, %sign3A_2890 : i32
    %sign3A_2892 = arith.extui %sign3A_2891 : i1 to i32
    %sign3A_2893 = arith.constant 0 : i32
    %sign3A_2894 = arith.cmpi slt, %reduce_max3A_2854, %sign3A_2893 : i32
    %sign3A_2895 = arith.extui %sign3A_2894 : i1 to i32
    %sign3A_2896 = arith.subi %sign3A_2892, %sign3A_2895 : i32
    %sign3A_2897 = arith.constant 0 : i32
    %sign3A_2898 = arith.cmpi sgt, %jit3A_2888, %sign3A_2897 : i32
    %sign3A_2899 = arith.extui %sign3A_2898 : i1 to i32
    %sign3A_2900 = arith.constant 0 : i32
    %sign3A_2901 = arith.cmpi slt, %jit3A_2888, %sign3A_2900 : i32
    %sign3A_2902 = arith.extui %sign3A_2901 : i1 to i32
    %sign3A_2903 = arith.subi %sign3A_2899, %sign3A_2902 : i32
    %ne3A_2904 = arith.cmpi ne, %sign3A_2896, %sign3A_2903 : i32
    %rem3A_2905 = arith.remsi %reduce_max3A_2854, %jit3A_2888 : i32
    %ne3A_2906 = arith.constant 0 : i32
    %ne3A_2907 = arith.cmpi ne, %rem3A_2905, %ne3A_2906 : i32
    %and3A_2908 = arith.andi %ne3A_2904, %ne3A_2907 : i1
    %sub3A_2909 = arith.constant 1 : i32
    %sub3A_2910 = arith.subi %div3A_2889, %sub3A_2909 : i32
    %select_n3A_2911 = arith.select %and3A_2908, %sub3A_2910, %div3A_2889 : i32
    %jit3A_2912 = arith.constant 128 : i32
    %eq3A_2913 = arith.constant 0 : i32
    %eq3A_2914 = arith.cmpi eq, %jit3A_2912, %eq3A_2913 : i32
    %jit3A_2915 = arith.constant 1 : i32
    %select_n3A_2916 = arith.select %eq3A_2914, %jit3A_2915, %jit3A_2912 : i32
    %rem3A_2917 = arith.remsi %reduce_max3A_2854, %select_n3A_2916 : i32
    %ne3A_2918 = arith.constant 0 : i32
    %ne3A_2919 = arith.cmpi ne, %rem3A_2917, %ne3A_2918 : i32
    %lt3A_2920 = arith.constant 0 : i32
    %lt3A_2921 = arith.cmpi slt, %rem3A_2917, %lt3A_2920 : i32
    %lt3A_2922 = arith.constant 0 : i32
    %lt3A_2923 = arith.cmpi slt, %select_n3A_2916, %lt3A_2922 : i32
    %ne3A_2924 = arith.xori %lt3A_2921, %lt3A_2923 : i1
    %and3A_2925 = arith.andi %ne3A_2924, %ne3A_2919 : i1
    %add3A_2926 = arith.addi %rem3A_2917, %select_n3A_2916 : i32
    %select_n3A_2927 = arith.select %and3A_2925, %add3A_2926, %rem3A_2917 : i32
    %get3A_2928 = arith.constant 0 : index
    %get3A_2929 = arith.constant 0 : index
    %get3A_2930 = arith.index_cast %select_n3A_2911 : i32 to index
    %get3A_2931 = arith.constant 0 : index
    %get3A_2932 = vector.load %arg0[%get3A_2928, %get3A_2929, %get3A_2930, %get3A_2931] : memref<4x3x512x128xf32, #tpu.memory_space<vmem>>, vector<1x3x1x128xf32>
    %get3A_2933 = vector.shape_cast %get3A_2932 : vector<1x3x1x128xf32> to vector<3x1x128xf32>
    %eq3A_2934 = vector.broadcast %select_n3A_2927 : i32 to vector<3x1x128xi32>
    %eq3A_2935 = arith.cmpi eq, %iota3A_20, %eq3A_2934 : vector<3x1x128xi32>
    %jit3A_2936 = arith.constant 0.000000e+00 : f32
    %broadcast_in_dim3A_2937 = vector.broadcast %jit3A_2936 : f32 to vector<3x1x128xf32>
    %select_n3A_2938 = arith.select %eq3A_2935, %get3A_2933, %broadcast_in_dim3A_2937 : vector<3x1x128xi1>, vector<3x1x128xf32>
    %reduce_sum3A_2939 = arith.constant dense<0.000000e+00> : vector<3x1xf32>
    %reduce_sum3A_2940 = vector.multi_reduction <add>, %select_n3A_2938, %reduce_sum3A_2939 [2] : vector<3x1x128xf32> to vector<3x1xf32>
    %broadcast_in_dim3A_2941 = vector.shape_cast %reduce_sum3A_2940 : vector<3x1xf32> to vector<3x1x1xf32>
    %jit3A_2942 = arith.constant 128 : i32
    %div3A_2943 = arith.divsi %reduce_max3A_2865, %jit3A_2942 : i32
    %sign3A_2944 = arith.constant 0 : i32
    %sign3A_2945 = arith.cmpi sgt, %reduce_max3A_2865, %sign3A_2944 : i32
    %sign3A_2946 = arith.extui %sign3A_2945 : i1 to i32
    %sign3A_2947 = arith.constant 0 : i32
    %sign3A_2948 = arith.cmpi slt, %reduce_max3A_2865, %sign3A_2947 : i32
    %sign3A_2949 = arith.extui %sign3A_2948 : i1 to i32
    %sign3A_2950 = arith.subi %sign3A_2946, %sign3A_2949 : i32
    %sign3A_2951 = arith.constant 0 : i32
    %sign3A_2952 = arith.cmpi sgt, %jit3A_2942, %sign3A_2951 : i32
    %sign3A_2953 = arith.extui %sign3A_2952 : i1 to i32
    %sign3A_2954 = arith.constant 0 : i32
    %sign3A_2955 = arith.cmpi slt, %jit3A_2942, %sign3A_2954 : i32
    %sign3A_2956 = arith.extui %sign3A_2955 : i1 to i32
    %sign3A_2957 = arith.subi %sign3A_2953, %sign3A_2956 : i32
    %ne3A_2958 = arith.cmpi ne, %sign3A_2950, %sign3A_2957 : i32
    %rem3A_2959 = arith.remsi %reduce_max3A_2865, %jit3A_2942 : i32
    %ne3A_2960 = arith.constant 0 : i32
    %ne3A_2961 = arith.cmpi ne, %rem3A_2959, %ne3A_2960 : i32
    %and3A_2962 = arith.andi %ne3A_2958, %ne3A_2961 : i1
    %sub3A_2963 = arith.constant 1 : i32
    %sub3A_2964 = arith.subi %div3A_2943, %sub3A_2963 : i32
    %select_n3A_2965 = arith.select %and3A_2962, %sub3A_2964, %div3A_2943 : i32
    %jit3A_2966 = arith.constant 128 : i32
    %eq3A_2967 = arith.constant 0 : i32
    %eq3A_2968 = arith.cmpi eq, %jit3A_2966, %eq3A_2967 : i32
    %jit3A_2969 = arith.constant 1 : i32
    %select_n3A_2970 = arith.select %eq3A_2968, %jit3A_2969, %jit3A_2966 : i32
    %rem3A_2971 = arith.remsi %reduce_max3A_2865, %select_n3A_2970 : i32
    %ne3A_2972 = arith.constant 0 : i32
    %ne3A_2973 = arith.cmpi ne, %rem3A_2971, %ne3A_2972 : i32
    %lt3A_2974 = arith.constant 0 : i32
    %lt3A_2975 = arith.cmpi slt, %rem3A_2971, %lt3A_2974 : i32
    %lt3A_2976 = arith.constant 0 : i32
    %lt3A_2977 = arith.cmpi slt, %select_n3A_2970, %lt3A_2976 : i32
    %ne3A_2978 = arith.xori %lt3A_2975, %lt3A_2977 : i1
    %and3A_2979 = arith.andi %ne3A_2978, %ne3A_2973 : i1
    %add3A_2980 = arith.addi %rem3A_2971, %select_n3A_2970 : i32
    %select_n3A_2981 = arith.select %and3A_2979, %add3A_2980, %rem3A_2971 : i32
    %get3A_2982 = arith.constant 1 : index
    %get3A_2983 = arith.constant 0 : index
    %get3A_2984 = arith.index_cast %select_n3A_2965 : i32 to index
    %get3A_2985 = arith.constant 0 : index
    %get3A_2986 = vector.load %arg0[%get3A_2982, %get3A_2983, %get3A_2984, %get3A_2985] : memref<4x3x512x128xf32, #tpu.memory_space<vmem>>, vector<1x3x1x128xf32>
    %get3A_2987 = vector.shape_cast %get3A_2986 : vector<1x3x1x128xf32> to vector<3x1x128xf32>
    %eq3A_2988 = vector.broadcast %select_n3A_2981 : i32 to vector<3x1x128xi32>
    %eq3A_2989 = arith.cmpi eq, %iota3A_20, %eq3A_2988 : vector<3x1x128xi32>
    %jit3A_2990 = arith.constant 0.000000e+00 : f32
    %broadcast_in_dim3A_2991 = vector.broadcast %jit3A_2990 : f32 to vector<3x1x128xf32>
    %select_n3A_2992 = arith.select %eq3A_2989, %get3A_2987, %broadcast_in_dim3A_2991 : vector<3x1x128xi1>, vector<3x1x128xf32>
    %reduce_sum3A_2993 = arith.constant dense<0.000000e+00> : vector<3x1xf32>
    %reduce_sum3A_2994 = vector.multi_reduction <add>, %select_n3A_2992, %reduce_sum3A_2993 [2] : vector<3x1x128xf32> to vector<3x1xf32>
    %broadcast_in_dim3A_2995 = vector.shape_cast %reduce_sum3A_2994 : vector<3x1xf32> to vector<3x1x1xf32>
    %jit3A_2996 = arith.constant 128 : i32
    %div3A_2997 = arith.divsi %reduce_max3A_2876, %jit3A_2996 : i32
    %sign3A_2998 = arith.constant 0 : i32
    %sign3A_2999 = arith.cmpi sgt, %reduce_max3A_2876, %sign3A_2998 : i32
    %sign3A_3000 = arith.extui %sign3A_2999 : i1 to i32
    %sign3A_3001 = arith.constant 0 : i32
    %sign3A_3002 = arith.cmpi slt, %reduce_max3A_2876, %sign3A_3001 : i32
    %sign3A_3003 = arith.extui %sign3A_3002 : i1 to i32
    %sign3A_3004 = arith.subi %sign3A_3000, %sign3A_3003 : i32
    %sign3A_3005 = arith.constant 0 : i32
    %sign3A_3006 = arith.cmpi sgt, %jit3A_2996, %sign3A_3005 : i32
    %sign3A_3007 = arith.extui %sign3A_3006 : i1 to i32
    %sign3A_3008 = arith.constant 0 : i32
    %sign3A_3009 = arith.cmpi slt, %jit3A_2996, %sign3A_3008 : i32
    %sign3A_3010 = arith.extui %sign3A_3009 : i1 to i32
    %sign3A_3011 = arith.subi %sign3A_3007, %sign3A_3010 : i32
    %ne3A_3012 = arith.cmpi ne, %sign3A_3004, %sign3A_3011 : i32
    %rem3A_3013 = arith.remsi %reduce_max3A_2876, %jit3A_2996 : i32
    %ne3A_3014 = arith.constant 0 : i32
    %ne3A_3015 = arith.cmpi ne, %rem3A_3013, %ne3A_3014 : i32
    %and3A_3016 = arith.andi %ne3A_3012, %ne3A_3015 : i1
    %sub3A_3017 = arith.constant 1 : i32
    %sub3A_3018 = arith.subi %div3A_2997, %sub3A_3017 : i32
    %select_n3A_3019 = arith.select %and3A_3016, %sub3A_3018, %div3A_2997 : i32
    %jit3A_3020 = arith.constant 128 : i32
    %eq3A_3021 = arith.constant 0 : i32
    %eq3A_3022 = arith.cmpi eq, %jit3A_3020, %eq3A_3021 : i32
    %jit3A_3023 = arith.constant 1 : i32
    %select_n3A_3024 = arith.select %eq3A_3022, %jit3A_3023, %jit3A_3020 : i32
    %rem3A_3025 = arith.remsi %reduce_max3A_2876, %select_n3A_3024 : i32
    %ne3A_3026 = arith.constant 0 : i32
    %ne3A_3027 = arith.cmpi ne, %rem3A_3025, %ne3A_3026 : i32
    %lt3A_3028 = arith.constant 0 : i32
    %lt3A_3029 = arith.cmpi slt, %rem3A_3025, %lt3A_3028 : i32
    %lt3A_3030 = arith.constant 0 : i32
    %lt3A_3031 = arith.cmpi slt, %select_n3A_3024, %lt3A_3030 : i32
    %ne3A_3032 = arith.xori %lt3A_3029, %lt3A_3031 : i1
    %and3A_3033 = arith.andi %ne3A_3032, %ne3A_3027 : i1
    %add3A_3034 = arith.addi %rem3A_3025, %select_n3A_3024 : i32
    %select_n3A_3035 = arith.select %and3A_3033, %add3A_3034, %rem3A_3025 : i32
    %get3A_3036 = arith.constant 2 : index
    %get3A_3037 = arith.constant 0 : index
    %get3A_3038 = arith.index_cast %select_n3A_3019 : i32 to index
    %get3A_3039 = arith.constant 0 : index
    %get3A_3040 = vector.load %arg0[%get3A_3036, %get3A_3037, %get3A_3038, %get3A_3039] : memref<4x3x512x128xf32, #tpu.memory_space<vmem>>, vector<1x3x1x128xf32>
    %get3A_3041 = vector.shape_cast %get3A_3040 : vector<1x3x1x128xf32> to vector<3x1x128xf32>
    %eq3A_3042 = vector.broadcast %select_n3A_3035 : i32 to vector<3x1x128xi32>
    %eq3A_3043 = arith.cmpi eq, %iota3A_20, %eq3A_3042 : vector<3x1x128xi32>
    %jit3A_3044 = arith.constant 0.000000e+00 : f32
    %broadcast_in_dim3A_3045 = vector.broadcast %jit3A_3044 : f32 to vector<3x1x128xf32>
    %select_n3A_3046 = arith.select %eq3A_3043, %get3A_3041, %broadcast_in_dim3A_3045 : vector<3x1x128xi1>, vector<3x1x128xf32>
    %reduce_sum3A_3047 = arith.constant dense<0.000000e+00> : vector<3x1xf32>
    %reduce_sum3A_3048 = vector.multi_reduction <add>, %select_n3A_3046, %reduce_sum3A_3047 [2] : vector<3x1x128xf32> to vector<3x1xf32>
    %broadcast_in_dim3A_3049 = vector.shape_cast %reduce_sum3A_3048 : vector<3x1xf32> to vector<3x1x1xf32>
    %jit3A_3050 = arith.constant 128 : i32
    %div3A_3051 = arith.divsi %reduce_max3A_2887, %jit3A_3050 : i32
    %sign3A_3052 = arith.constant 0 : i32
    %sign3A_3053 = arith.cmpi sgt, %reduce_max3A_2887, %sign3A_3052 : i32
    %sign3A_3054 = arith.extui %sign3A_3053 : i1 to i32
    %sign3A_3055 = arith.constant 0 : i32
    %sign3A_3056 = arith.cmpi slt, %reduce_max3A_2887, %sign3A_3055 : i32
    %sign3A_3057 = arith.extui %sign3A_3056 : i1 to i32
    %sign3A_3058 = arith.subi %sign3A_3054, %sign3A_3057 : i32
    %sign3A_3059 = arith.constant 0 : i32
    %sign3A_3060 = arith.cmpi sgt, %jit3A_3050, %sign3A_3059 : i32
    %sign3A_3061 = arith.extui %sign3A_3060 : i1 to i32
    %sign3A_3062 = arith.constant 0 : i32
    %sign3A_3063 = arith.cmpi slt, %jit3A_3050, %sign3A_3062 : i32
    %sign3A_3064 = arith.extui %sign3A_3063 : i1 to i32
    %sign3A_3065 = arith.subi %sign3A_3061, %sign3A_3064 : i32
    %ne3A_3066 = arith.cmpi ne, %sign3A_3058, %sign3A_3065 : i32
    %rem3A_3067 = arith.remsi %reduce_max3A_2887, %jit3A_3050 : i32
    %ne3A_3068 = arith.constant 0 : i32
    %ne3A_3069 = arith.cmpi ne, %rem3A_3067, %ne3A_3068 : i32
    %and3A_3070 = arith.andi %ne3A_3066, %ne3A_3069 : i1
    %sub3A_3071 = arith.constant 1 : i32
    %sub3A_3072 = arith.subi %div3A_3051, %sub3A_3071 : i32
    %select_n3A_3073 = arith.select %and3A_3070, %sub3A_3072, %div3A_3051 : i32
    %jit3A_3074 = arith.constant 128 : i32
    %eq3A_3075 = arith.constant 0 : i32
    %eq3A_3076 = arith.cmpi eq, %jit3A_3074, %eq3A_3075 : i32
    %jit3A_3077 = arith.constant 1 : i32
    %select_n3A_3078 = arith.select %eq3A_3076, %jit3A_3077, %jit3A_3074 : i32
    %rem3A_3079 = arith.remsi %reduce_max3A_2887, %select_n3A_3078 : i32
    %ne3A_3080 = arith.constant 0 : i32
    %ne3A_3081 = arith.cmpi ne, %rem3A_3079, %ne3A_3080 : i32
    %lt3A_3082 = arith.constant 0 : i32
    %lt3A_3083 = arith.cmpi slt, %rem3A_3079, %lt3A_3082 : i32
    %lt3A_3084 = arith.constant 0 : i32
    %lt3A_3085 = arith.cmpi slt, %select_n3A_3078, %lt3A_3084 : i32
    %ne3A_3086 = arith.xori %lt3A_3083, %lt3A_3085 : i1
    %and3A_3087 = arith.andi %ne3A_3086, %ne3A_3081 : i1
    %add3A_3088 = arith.addi %rem3A_3079, %select_n3A_3078 : i32
    %select_n3A_3089 = arith.select %and3A_3087, %add3A_3088, %rem3A_3079 : i32
    %get3A_3090 = arith.constant 3 : index
    %get3A_3091 = arith.constant 0 : index
    %get3A_3092 = arith.index_cast %select_n3A_3073 : i32 to index
    %get3A_3093 = arith.constant 0 : index
    %get3A_3094 = vector.load %arg0[%get3A_3090, %get3A_3091, %get3A_3092, %get3A_3093] : memref<4x3x512x128xf32, #tpu.memory_space<vmem>>, vector<1x3x1x128xf32>
    %get3A_3095 = vector.shape_cast %get3A_3094 : vector<1x3x1x128xf32> to vector<3x1x128xf32>
    %eq3A_3096 = vector.broadcast %select_n3A_3089 : i32 to vector<3x1x128xi32>
    %eq3A_3097 = arith.cmpi eq, %iota3A_20, %eq3A_3096 : vector<3x1x128xi32>
    %jit3A_3098 = arith.constant 0.000000e+00 : f32
    %broadcast_in_dim3A_3099 = vector.broadcast %jit3A_3098 : f32 to vector<3x1x128xf32>
    %select_n3A_3100 = arith.select %eq3A_3097, %get3A_3095, %broadcast_in_dim3A_3099 : vector<3x1x128xi1>, vector<3x1x128xf32>
    %reduce_sum3A_3101 = arith.constant dense<0.000000e+00> : vector<3x1xf32>
    %reduce_sum3A_3102 = vector.multi_reduction <add>, %select_n3A_3100, %reduce_sum3A_3101 [2] : vector<3x1x128xf32> to vector<3x1xf32>
    %broadcast_in_dim3A_3103 = vector.shape_cast %reduce_sum3A_3102 : vector<3x1xf32> to vector<3x1x1xf32>
    %reshape3A_3104 = vector.shape_cast %broadcast_in_dim3A_2941 : vector<3x1x1xf32> to vector<1x1x3xf32>
    %swap3A_3105 = arith.constant 0 : index
    %swap3A_3106 = arith.constant 9 : index
    %swap3A_3107 = arith.constant 0 : index
    %swap3A_3108 = vector.load %arg2[%swap3A_3105, %swap3A_3106, %swap3A_3107] : memref<4x16x3xf32, #tpu.memory_space<vmem>>, vector<1x1x3xf32>
    tpu.vector_store %arg2[%swap3A_3105, %swap3A_3106, %swap3A_3107], %reshape3A_3104 {strides = array<i32>} : memref<4x16x3xf32, #tpu.memory_space<vmem>>, vector<1x1x3xf32>,
    %reshape3A_3109 = vector.shape_cast %broadcast_in_dim3A_2995 : vector<3x1x1xf32> to vector<1x1x3xf32>
    %swap3A_3110 = arith.constant 1 : index
    %swap3A_3111 = arith.constant 9 : index
    %swap3A_3112 = arith.constant 0 : index
    %swap3A_3113 = vector.load %arg2[%swap3A_3110, %swap3A_3111, %swap3A_3112] : memref<4x16x3xf32, #tpu.memory_space<vmem>>, vector<1x1x3xf32>
    tpu.vector_store %arg2[%swap3A_3110, %swap3A_3111, %swap3A_3112], %reshape3A_3109 {strides = array<i32>} : memref<4x16x3xf32, #tpu.memory_space<vmem>>, vector<1x1x3xf32>,
    %reshape3A_3114 = vector.shape_cast %broadcast_in_dim3A_3049 : vector<3x1x1xf32> to vector<1x1x3xf32>
    %swap3A_3115 = arith.constant 2 : index
    %swap3A_3116 = arith.constant 9 : index
    %swap3A_3117 = arith.constant 0 : index
    %swap3A_3118 = vector.load %arg2[%swap3A_3115, %swap3A_3116, %swap3A_3117] : memref<4x16x3xf32, #tpu.memory_space<vmem>>, vector<1x1x3xf32>
    tpu.vector_store %arg2[%swap3A_3115, %swap3A_3116, %swap3A_3117], %reshape3A_3114 {strides = array<i32>} : memref<4x16x3xf32, #tpu.memory_space<vmem>>, vector<1x1x3xf32>,
    %reshape3A_3119 = vector.shape_cast %broadcast_in_dim3A_3103 : vector<3x1x1xf32> to vector<1x1x3xf32>
    %swap3A_3120 = arith.constant 3 : index
    %swap3A_3121 = arith.constant 9 : index
    %swap3A_3122 = arith.constant 0 : index
    %swap3A_3123 = vector.load %arg2[%swap3A_3120, %swap3A_3121, %swap3A_3122] : memref<4x16x3xf32, #tpu.memory_space<vmem>>, vector<1x1x3xf32>
    tpu.vector_store %arg2[%swap3A_3120, %swap3A_3121, %swap3A_3122], %reshape3A_3119 {strides = array<i32>} : memref<4x16x3xf32, #tpu.memory_space<vmem>>, vector<1x1x3xf32>,
    %slice3A_3124 = vector.extract_strided_slice %broadcast_in_dim3A_2941 {offsets = [0, 0, 0], sizes = [1, 1, 1], strides = [1, 1, 1]} : vector<3x1x1xf32> to vector<1x1x1xf32>
    %slice3A_3125 = vector.extract_strided_slice %broadcast_in_dim3A_2995 {offsets = [0, 0, 0], sizes = [1, 1, 1], strides = [1, 1, 1]} : vector<3x1x1xf32> to vector<1x1x1xf32>
    %slice3A_3126 = vector.extract_strided_slice %broadcast_in_dim3A_3049 {offsets = [0, 0, 0], sizes = [1, 1, 1], strides = [1, 1, 1]} : vector<3x1x1xf32> to vector<1x1x1xf32>
    %slice3A_3127 = vector.extract_strided_slice %broadcast_in_dim3A_3103 {offsets = [0, 0, 0], sizes = [1, 1, 1], strides = [1, 1, 1]} : vector<3x1x1xf32> to vector<1x1x1xf32>
    %concatenate3A_3128 = tpu.concatenate %slice3A_3124, %slice3A_3125, %slice3A_3126, %slice3A_3127 in 0 : vector<1x1x1xf32>, vector<1x1x1xf32>, vector<1x1x1xf32>, vector<1x1x1xf32> -> vector<4x1x1xf32>
    %slice3A_3129 = vector.extract_strided_slice %broadcast_in_dim3A_2941 {offsets = [1, 0, 0], sizes = [1, 1, 1], strides = [1, 1, 1]} : vector<3x1x1xf32> to vector<1x1x1xf32>
    %slice3A_3130 = vector.extract_strided_slice %broadcast_in_dim3A_2995 {offsets = [1, 0, 0], sizes = [1, 1, 1], strides = [1, 1, 1]} : vector<3x1x1xf32> to vector<1x1x1xf32>
    %slice3A_3131 = vector.extract_strided_slice %broadcast_in_dim3A_3049 {offsets = [1, 0, 0], sizes = [1, 1, 1], strides = [1, 1, 1]} : vector<3x1x1xf32> to vector<1x1x1xf32>
    %slice3A_3132 = vector.extract_strided_slice %broadcast_in_dim3A_3103 {offsets = [1, 0, 0], sizes = [1, 1, 1], strides = [1, 1, 1]} : vector<3x1x1xf32> to vector<1x1x1xf32>
    %concatenate3A_3133 = tpu.concatenate %slice3A_3129, %slice3A_3130, %slice3A_3131, %slice3A_3132 in 0 : vector<1x1x1xf32>, vector<1x1x1xf32>, vector<1x1x1xf32>, vector<1x1x1xf32> -> vector<4x1x1xf32>
    %slice3A_3134 = vector.extract_strided_slice %broadcast_in_dim3A_2941 {offsets = [2, 0, 0], sizes = [1, 1, 1], strides = [1, 1, 1]} : vector<3x1x1xf32> to vector<1x1x1xf32>
    %slice3A_3135 = vector.extract_strided_slice %broadcast_in_dim3A_2995 {offsets = [2, 0, 0], sizes = [1, 1, 1], strides = [1, 1, 1]} : vector<3x1x1xf32> to vector<1x1x1xf32>
    %slice3A_3136 = vector.extract_strided_slice %broadcast_in_dim3A_3049 {offsets = [2, 0, 0], sizes = [1, 1, 1], strides = [1, 1, 1]} : vector<3x1x1xf32> to vector<1x1x1xf32>
    %slice3A_3137 = vector.extract_strided_slice %broadcast_in_dim3A_3103 {offsets = [2, 0, 0], sizes = [1, 1, 1], strides = [1, 1, 1]} : vector<3x1x1xf32> to vector<1x1x1xf32>
    %concatenate3A_3138 = tpu.concatenate %slice3A_3134, %slice3A_3135, %slice3A_3136, %slice3A_3137 in 0 : vector<1x1x1xf32>, vector<1x1x1xf32>, vector<1x1x1xf32>, vector<1x1x1xf32> -> vector<4x1x1xf32>
    %sub3A_3139 = vector.broadcast %concatenate3A_3128 : vector<4x1x1xf32> to vector<4x512x128xf32>
    %sub3A_3140 = arith.subf %get3A_4, %sub3A_3139 : vector<4x512x128xf32>
    %sub3A_3141 = vector.broadcast %concatenate3A_3133 : vector<4x1x1xf32> to vector<4x512x128xf32>
    %sub3A_3142 = arith.subf %get3A_10, %sub3A_3141 : vector<4x512x128xf32>
    %sub3A_3143 = vector.broadcast %concatenate3A_3138 : vector<4x1x1xf32> to vector<4x512x128xf32>
    %sub3A_3144 = arith.subf %get3A_16, %sub3A_3143 : vector<4x512x128xf32>
    %mul3A_3145 = arith.mulf %sub3A_3140, %sub3A_3140 : vector<4x512x128xf32>
    %mul3A_3146 = arith.mulf %sub3A_3142, %sub3A_3142 : vector<4x512x128xf32>
    %add3A_3147 = arith.addf %mul3A_3145, %mul3A_3146 : vector<4x512x128xf32>
    %mul3A_3148 = arith.mulf %sub3A_3144, %sub3A_3144 : vector<4x512x128xf32>
    %add3A_3149 = arith.addf %add3A_3147, %mul3A_3148 : vector<4x512x128xf32>
    %min3A_3150 = arith.minimumf %min3A_2831, %add3A_3149 : vector<4x512x128xf32>
    %reduce_max3A_3151 = arith.constant dense<0xFF800000> : vector<4xf32>
    %reduce_max3A_3152 = vector.multi_reduction <maximumf>, %min3A_3150, %reduce_max3A_3151 [1, 2] : vector<4x512x128xf32> to vector<4xf32>
    %broadcast_in_dim3A_3153 = vector.shape_cast %reduce_max3A_3152 : vector<4xf32> to vector<4x1x1xf32>
    %eq3A_3154 = vector.broadcast %broadcast_in_dim3A_3153 : vector<4x1x1xf32> to vector<4x512x128xf32>
    %eq3A_3155 = arith.cmpf oeq, %min3A_3150, %eq3A_3154 : vector<4x512x128xf32>
    %jit3A_3156 = arith.constant 2147483647 : i32
    %broadcast_in_dim3A_3157 = vector.shape_cast %add3A : vector<512x128xi32> to vector<1x512x128xi32>
    %broadcast_in_dim3A_3158 = vector.broadcast %broadcast_in_dim3A_3157 : vector<1x512x128xi32> to vector<4x512x128xi32>
    %broadcast_in_dim3A_3159 = vector.broadcast %jit3A_3156 : i32 to vector<4x512x128xi32>
    %select_n3A_3160 = arith.select %eq3A_3155, %broadcast_in_dim3A_3158, %broadcast_in_dim3A_3159 : vector<4x512x128xi1>, vector<4x512x128xi32>
    %reduce_min3A_3161 = arith.constant dense<2147483647> : vector<4xi32>
    %reduce_min3A_3162 = vector.multi_reduction <minsi>, %select_n3A_3160, %reduce_min3A_3161 [1, 2] : vector<4x512x128xi32> to vector<4xi32>
    %slice3A_3163 = vector.extract_strided_slice %reduce_min3A_3162 {offsets = [0], sizes = [1], strides = [1]} : vector<4xi32> to vector<1xi32>
    %reshape3A_3164 = vector.shape_cast %slice3A_3163 : vector<1xi32> to vector<1x1xi32>
    %swap3A_3165 = arith.constant 0 : index
    %swap3A_3166 = arith.constant 10 : index
    %swap3A_3167 = vector.load %arg1[%swap3A_3165, %swap3A_3166] : memref<1x64xi32, #tpu.memory_space<vmem>>, vector<1x1xi32>
    tpu.vector_store %arg1[%swap3A_3165, %swap3A_3166], %reshape3A_3164 {strides = array<i32>} : memref<1x64xi32, #tpu.memory_space<vmem>>, vector<1x1xi32>,
    %slice3A_3168 = vector.extract_strided_slice %reduce_min3A_3162 {offsets = [0], sizes = [1], strides = [1]} : vector<4xi32> to vector<1xi32>
    %reduce_max3A_3169 = vector.shape_cast %slice3A_3168 : vector<1xi32> to vector<1x1xi32>
    %reduce_max3A_3170 = arith.constant dense<-2147483648> : vector<1xi32>
    %reduce_max3A_3171 = vector.multi_reduction <maxsi>, %reduce_max3A_3169, %reduce_max3A_3170 [1] : vector<1x1xi32> to vector<1xi32>
    %reduce_max3A_3172 = vector.shape_cast %reduce_max3A_3171 : vector<1xi32> to vector<1x1xi32>
    %reduce_max3A_3173 = vector.extract %reduce_max3A_3172[0, 0] : i32 from vector<1x1xi32>
    %slice3A_3174 = vector.extract_strided_slice %reduce_min3A_3162 {offsets = [1], sizes = [1], strides = [1]} : vector<4xi32> to vector<1xi32>
    %reshape3A_3175 = vector.shape_cast %slice3A_3174 : vector<1xi32> to vector<1x1xi32>
    %swap3A_3176 = arith.constant 0 : index
    %swap3A_3177 = arith.constant 26 : index
    %swap3A_3178 = vector.load %arg1[%swap3A_3176, %swap3A_3177] : memref<1x64xi32, #tpu.memory_space<vmem>>, vector<1x1xi32>
    tpu.vector_store %arg1[%swap3A_3176, %swap3A_3177], %reshape3A_3175 {strides = array<i32>} : memref<1x64xi32, #tpu.memory_space<vmem>>, vector<1x1xi32>,
    %slice3A_3179 = vector.extract_strided_slice %reduce_min3A_3162 {offsets = [1], sizes = [1], strides = [1]} : vector<4xi32> to vector<1xi32>
    %reduce_max3A_3180 = vector.shape_cast %slice3A_3179 : vector<1xi32> to vector<1x1xi32>
    %reduce_max3A_3181 = arith.constant dense<-2147483648> : vector<1xi32>
    %reduce_max3A_3182 = vector.multi_reduction <maxsi>, %reduce_max3A_3180, %reduce_max3A_3181 [1] : vector<1x1xi32> to vector<1xi32>
    %reduce_max3A_3183 = vector.shape_cast %reduce_max3A_3182 : vector<1xi32> to vector<1x1xi32>
    %reduce_max3A_3184 = vector.extract %reduce_max3A_3183[0, 0] : i32 from vector<1x1xi32>
    %slice3A_3185 = vector.extract_strided_slice %reduce_min3A_3162 {offsets = [2], sizes = [1], strides = [1]} : vector<4xi32> to vector<1xi32>
    %reshape3A_3186 = vector.shape_cast %slice3A_3185 : vector<1xi32> to vector<1x1xi32>
    %swap3A_3187 = arith.constant 0 : index
    %swap3A_3188 = arith.constant 42 : index
    %swap3A_3189 = vector.load %arg1[%swap3A_3187, %swap3A_3188] : memref<1x64xi32, #tpu.memory_space<vmem>>, vector<1x1xi32>
    tpu.vector_store %arg1[%swap3A_3187, %swap3A_3188], %reshape3A_3186 {strides = array<i32>} : memref<1x64xi32, #tpu.memory_space<vmem>>, vector<1x1xi32>,
    %slice3A_3190 = vector.extract_strided_slice %reduce_min3A_3162 {offsets = [2], sizes = [1], strides = [1]} : vector<4xi32> to vector<1xi32>
    %reduce_max3A_3191 = vector.shape_cast %slice3A_3190 : vector<1xi32> to vector<1x1xi32>
    %reduce_max3A_3192 = arith.constant dense<-2147483648> : vector<1xi32>
    %reduce_max3A_3193 = vector.multi_reduction <maxsi>, %reduce_max3A_3191, %reduce_max3A_3192 [1] : vector<1x1xi32> to vector<1xi32>
    %reduce_max3A_3194 = vector.shape_cast %reduce_max3A_3193 : vector<1xi32> to vector<1x1xi32>
    %reduce_max3A_3195 = vector.extract %reduce_max3A_3194[0, 0] : i32 from vector<1x1xi32>
    %slice3A_3196 = vector.extract_strided_slice %reduce_min3A_3162 {offsets = [3], sizes = [1], strides = [1]} : vector<4xi32> to vector<1xi32>
    %reshape3A_3197 = vector.shape_cast %slice3A_3196 : vector<1xi32> to vector<1x1xi32>
    %swap3A_3198 = arith.constant 0 : index
    %swap3A_3199 = arith.constant 58 : index
    %swap3A_3200 = vector.load %arg1[%swap3A_3198, %swap3A_3199] : memref<1x64xi32, #tpu.memory_space<vmem>>, vector<1x1xi32>
    tpu.vector_store %arg1[%swap3A_3198, %swap3A_3199], %reshape3A_3197 {strides = array<i32>} : memref<1x64xi32, #tpu.memory_space<vmem>>, vector<1x1xi32>,
    %slice3A_3201 = vector.extract_strided_slice %reduce_min3A_3162 {offsets = [3], sizes = [1], strides = [1]} : vector<4xi32> to vector<1xi32>
    %reduce_max3A_3202 = vector.shape_cast %slice3A_3201 : vector<1xi32> to vector<1x1xi32>
    %reduce_max3A_3203 = arith.constant dense<-2147483648> : vector<1xi32>
    %reduce_max3A_3204 = vector.multi_reduction <maxsi>, %reduce_max3A_3202, %reduce_max3A_3203 [1] : vector<1x1xi32> to vector<1xi32>
    %reduce_max3A_3205 = vector.shape_cast %reduce_max3A_3204 : vector<1xi32> to vector<1x1xi32>
    %reduce_max3A_3206 = vector.extract %reduce_max3A_3205[0, 0] : i32 from vector<1x1xi32>
    %jit3A_3207 = arith.constant 128 : i32
    %div3A_3208 = arith.divsi %reduce_max3A_3173, %jit3A_3207 : i32
    %sign3A_3209 = arith.constant 0 : i32
    %sign3A_3210 = arith.cmpi sgt, %reduce_max3A_3173, %sign3A_3209 : i32
    %sign3A_3211 = arith.extui %sign3A_3210 : i1 to i32
    %sign3A_3212 = arith.constant 0 : i32
    %sign3A_3213 = arith.cmpi slt, %reduce_max3A_3173, %sign3A_3212 : i32
    %sign3A_3214 = arith.extui %sign3A_3213 : i1 to i32
    %sign3A_3215 = arith.subi %sign3A_3211, %sign3A_3214 : i32
    %sign3A_3216 = arith.constant 0 : i32
    %sign3A_3217 = arith.cmpi sgt, %jit3A_3207, %sign3A_3216 : i32
    %sign3A_3218 = arith.extui %sign3A_3217 : i1 to i32
    %sign3A_3219 = arith.constant 0 : i32
    %sign3A_3220 = arith.cmpi slt, %jit3A_3207, %sign3A_3219 : i32
    %sign3A_3221 = arith.extui %sign3A_3220 : i1 to i32
    %sign3A_3222 = arith.subi %sign3A_3218, %sign3A_3221 : i32
    %ne3A_3223 = arith.cmpi ne, %sign3A_3215, %sign3A_3222 : i32
    %rem3A_3224 = arith.remsi %reduce_max3A_3173, %jit3A_3207 : i32
    %ne3A_3225 = arith.constant 0 : i32
    %ne3A_3226 = arith.cmpi ne, %rem3A_3224, %ne3A_3225 : i32
    %and3A_3227 = arith.andi %ne3A_3223, %ne3A_3226 : i1
    %sub3A_3228 = arith.constant 1 : i32
    %sub3A_3229 = arith.subi %div3A_3208, %sub3A_3228 : i32
    %select_n3A_3230 = arith.select %and3A_3227, %sub3A_3229, %div3A_3208 : i32
    %jit3A_3231 = arith.constant 128 : i32
    %eq3A_3232 = arith.constant 0 : i32
    %eq3A_3233 = arith.cmpi eq, %jit3A_3231, %eq3A_3232 : i32
    %jit3A_3234 = arith.constant 1 : i32
    %select_n3A_3235 = arith.select %eq3A_3233, %jit3A_3234, %jit3A_3231 : i32
    %rem3A_3236 = arith.remsi %reduce_max3A_3173, %select_n3A_3235 : i32
    %ne3A_3237 = arith.constant 0 : i32
    %ne3A_3238 = arith.cmpi ne, %rem3A_3236, %ne3A_3237 : i32
    %lt3A_3239 = arith.constant 0 : i32
    %lt3A_3240 = arith.cmpi slt, %rem3A_3236, %lt3A_3239 : i32
    %lt3A_3241 = arith.constant 0 : i32
    %lt3A_3242 = arith.cmpi slt, %select_n3A_3235, %lt3A_3241 : i32
    %ne3A_3243 = arith.xori %lt3A_3240, %lt3A_3242 : i1
    %and3A_3244 = arith.andi %ne3A_3243, %ne3A_3238 : i1
    %add3A_3245 = arith.addi %rem3A_3236, %select_n3A_3235 : i32
    %select_n3A_3246 = arith.select %and3A_3244, %add3A_3245, %rem3A_3236 : i32
    %get3A_3247 = arith.constant 0 : index
    %get3A_3248 = arith.constant 0 : index
    %get3A_3249 = arith.index_cast %select_n3A_3230 : i32 to index
    %get3A_3250 = arith.constant 0 : index
    %get3A_3251 = vector.load %arg0[%get3A_3247, %get3A_3248, %get3A_3249, %get3A_3250] : memref<4x3x512x128xf32, #tpu.memory_space<vmem>>, vector<1x3x1x128xf32>
    %get3A_3252 = vector.shape_cast %get3A_3251 : vector<1x3x1x128xf32> to vector<3x1x128xf32>
    %eq3A_3253 = vector.broadcast %select_n3A_3246 : i32 to vector<3x1x128xi32>
    %eq3A_3254 = arith.cmpi eq, %iota3A_20, %eq3A_3253 : vector<3x1x128xi32>
    %jit3A_3255 = arith.constant 0.000000e+00 : f32
    %broadcast_in_dim3A_3256 = vector.broadcast %jit3A_3255 : f32 to vector<3x1x128xf32>
    %select_n3A_3257 = arith.select %eq3A_3254, %get3A_3252, %broadcast_in_dim3A_3256 : vector<3x1x128xi1>, vector<3x1x128xf32>
    %reduce_sum3A_3258 = arith.constant dense<0.000000e+00> : vector<3x1xf32>
    %reduce_sum3A_3259 = vector.multi_reduction <add>, %select_n3A_3257, %reduce_sum3A_3258 [2] : vector<3x1x128xf32> to vector<3x1xf32>
    %broadcast_in_dim3A_3260 = vector.shape_cast %reduce_sum3A_3259 : vector<3x1xf32> to vector<3x1x1xf32>
    %jit3A_3261 = arith.constant 128 : i32
    %div3A_3262 = arith.divsi %reduce_max3A_3184, %jit3A_3261 : i32
    %sign3A_3263 = arith.constant 0 : i32
    %sign3A_3264 = arith.cmpi sgt, %reduce_max3A_3184, %sign3A_3263 : i32
    %sign3A_3265 = arith.extui %sign3A_3264 : i1 to i32
    %sign3A_3266 = arith.constant 0 : i32
    %sign3A_3267 = arith.cmpi slt, %reduce_max3A_3184, %sign3A_3266 : i32
    %sign3A_3268 = arith.extui %sign3A_3267 : i1 to i32
    %sign3A_3269 = arith.subi %sign3A_3265, %sign3A_3268 : i32
    %sign3A_3270 = arith.constant 0 : i32
    %sign3A_3271 = arith.cmpi sgt, %jit3A_3261, %sign3A_3270 : i32
    %sign3A_3272 = arith.extui %sign3A_3271 : i1 to i32
    %sign3A_3273 = arith.constant 0 : i32
    %sign3A_3274 = arith.cmpi slt, %jit3A_3261, %sign3A_3273 : i32
    %sign3A_3275 = arith.extui %sign3A_3274 : i1 to i32
    %sign3A_3276 = arith.subi %sign3A_3272, %sign3A_3275 : i32
    %ne3A_3277 = arith.cmpi ne, %sign3A_3269, %sign3A_3276 : i32
    %rem3A_3278 = arith.remsi %reduce_max3A_3184, %jit3A_3261 : i32
    %ne3A_3279 = arith.constant 0 : i32
    %ne3A_3280 = arith.cmpi ne, %rem3A_3278, %ne3A_3279 : i32
    %and3A_3281 = arith.andi %ne3A_3277, %ne3A_3280 : i1
    %sub3A_3282 = arith.constant 1 : i32
    %sub3A_3283 = arith.subi %div3A_3262, %sub3A_3282 : i32
    %select_n3A_3284 = arith.select %and3A_3281, %sub3A_3283, %div3A_3262 : i32
    %jit3A_3285 = arith.constant 128 : i32
    %eq3A_3286 = arith.constant 0 : i32
    %eq3A_3287 = arith.cmpi eq, %jit3A_3285, %eq3A_3286 : i32
    %jit3A_3288 = arith.constant 1 : i32
    %select_n3A_3289 = arith.select %eq3A_3287, %jit3A_3288, %jit3A_3285 : i32
    %rem3A_3290 = arith.remsi %reduce_max3A_3184, %select_n3A_3289 : i32
    %ne3A_3291 = arith.constant 0 : i32
    %ne3A_3292 = arith.cmpi ne, %rem3A_3290, %ne3A_3291 : i32
    %lt3A_3293 = arith.constant 0 : i32
    %lt3A_3294 = arith.cmpi slt, %rem3A_3290, %lt3A_3293 : i32
    %lt3A_3295 = arith.constant 0 : i32
    %lt3A_3296 = arith.cmpi slt, %select_n3A_3289, %lt3A_3295 : i32
    %ne3A_3297 = arith.xori %lt3A_3294, %lt3A_3296 : i1
    %and3A_3298 = arith.andi %ne3A_3297, %ne3A_3292 : i1
    %add3A_3299 = arith.addi %rem3A_3290, %select_n3A_3289 : i32
    %select_n3A_3300 = arith.select %and3A_3298, %add3A_3299, %rem3A_3290 : i32
    %get3A_3301 = arith.constant 1 : index
    %get3A_3302 = arith.constant 0 : index
    %get3A_3303 = arith.index_cast %select_n3A_3284 : i32 to index
    %get3A_3304 = arith.constant 0 : index
    %get3A_3305 = vector.load %arg0[%get3A_3301, %get3A_3302, %get3A_3303, %get3A_3304] : memref<4x3x512x128xf32, #tpu.memory_space<vmem>>, vector<1x3x1x128xf32>
    %get3A_3306 = vector.shape_cast %get3A_3305 : vector<1x3x1x128xf32> to vector<3x1x128xf32>
    %eq3A_3307 = vector.broadcast %select_n3A_3300 : i32 to vector<3x1x128xi32>
    %eq3A_3308 = arith.cmpi eq, %iota3A_20, %eq3A_3307 : vector<3x1x128xi32>
    %jit3A_3309 = arith.constant 0.000000e+00 : f32
    %broadcast_in_dim3A_3310 = vector.broadcast %jit3A_3309 : f32 to vector<3x1x128xf32>
    %select_n3A_3311 = arith.select %eq3A_3308, %get3A_3306, %broadcast_in_dim3A_3310 : vector<3x1x128xi1>, vector<3x1x128xf32>
    %reduce_sum3A_3312 = arith.constant dense<0.000000e+00> : vector<3x1xf32>
    %reduce_sum3A_3313 = vector.multi_reduction <add>, %select_n3A_3311, %reduce_sum3A_3312 [2] : vector<3x1x128xf32> to vector<3x1xf32>
    %broadcast_in_dim3A_3314 = vector.shape_cast %reduce_sum3A_3313 : vector<3x1xf32> to vector<3x1x1xf32>
    %jit3A_3315 = arith.constant 128 : i32
    %div3A_3316 = arith.divsi %reduce_max3A_3195, %jit3A_3315 : i32
    %sign3A_3317 = arith.constant 0 : i32
    %sign3A_3318 = arith.cmpi sgt, %reduce_max3A_3195, %sign3A_3317 : i32
    %sign3A_3319 = arith.extui %sign3A_3318 : i1 to i32
    %sign3A_3320 = arith.constant 0 : i32
    %sign3A_3321 = arith.cmpi slt, %reduce_max3A_3195, %sign3A_3320 : i32
    %sign3A_3322 = arith.extui %sign3A_3321 : i1 to i32
    %sign3A_3323 = arith.subi %sign3A_3319, %sign3A_3322 : i32
    %sign3A_3324 = arith.constant 0 : i32
    %sign3A_3325 = arith.cmpi sgt, %jit3A_3315, %sign3A_3324 : i32
    %sign3A_3326 = arith.extui %sign3A_3325 : i1 to i32
    %sign3A_3327 = arith.constant 0 : i32
    %sign3A_3328 = arith.cmpi slt, %jit3A_3315, %sign3A_3327 : i32
    %sign3A_3329 = arith.extui %sign3A_3328 : i1 to i32
    %sign3A_3330 = arith.subi %sign3A_3326, %sign3A_3329 : i32
    %ne3A_3331 = arith.cmpi ne, %sign3A_3323, %sign3A_3330 : i32
    %rem3A_3332 = arith.remsi %reduce_max3A_3195, %jit3A_3315 : i32
    %ne3A_3333 = arith.constant 0 : i32
    %ne3A_3334 = arith.cmpi ne, %rem3A_3332, %ne3A_3333 : i32
    %and3A_3335 = arith.andi %ne3A_3331, %ne3A_3334 : i1
    %sub3A_3336 = arith.constant 1 : i32
    %sub3A_3337 = arith.subi %div3A_3316, %sub3A_3336 : i32
    %select_n3A_3338 = arith.select %and3A_3335, %sub3A_3337, %div3A_3316 : i32
    %jit3A_3339 = arith.constant 128 : i32
    %eq3A_3340 = arith.constant 0 : i32
    %eq3A_3341 = arith.cmpi eq, %jit3A_3339, %eq3A_3340 : i32
    %jit3A_3342 = arith.constant 1 : i32
    %select_n3A_3343 = arith.select %eq3A_3341, %jit3A_3342, %jit3A_3339 : i32
    %rem3A_3344 = arith.remsi %reduce_max3A_3195, %select_n3A_3343 : i32
    %ne3A_3345 = arith.constant 0 : i32
    %ne3A_3346 = arith.cmpi ne, %rem3A_3344, %ne3A_3345 : i32
    %lt3A_3347 = arith.constant 0 : i32
    %lt3A_3348 = arith.cmpi slt, %rem3A_3344, %lt3A_3347 : i32
    %lt3A_3349 = arith.constant 0 : i32
    %lt3A_3350 = arith.cmpi slt, %select_n3A_3343, %lt3A_3349 : i32
    %ne3A_3351 = arith.xori %lt3A_3348, %lt3A_3350 : i1
    %and3A_3352 = arith.andi %ne3A_3351, %ne3A_3346 : i1
    %add3A_3353 = arith.addi %rem3A_3344, %select_n3A_3343 : i32
    %select_n3A_3354 = arith.select %and3A_3352, %add3A_3353, %rem3A_3344 : i32
    %get3A_3355 = arith.constant 2 : index
    %get3A_3356 = arith.constant 0 : index
    %get3A_3357 = arith.index_cast %select_n3A_3338 : i32 to index
    %get3A_3358 = arith.constant 0 : index
    %get3A_3359 = vector.load %arg0[%get3A_3355, %get3A_3356, %get3A_3357, %get3A_3358] : memref<4x3x512x128xf32, #tpu.memory_space<vmem>>, vector<1x3x1x128xf32>
    %get3A_3360 = vector.shape_cast %get3A_3359 : vector<1x3x1x128xf32> to vector<3x1x128xf32>
    %eq3A_3361 = vector.broadcast %select_n3A_3354 : i32 to vector<3x1x128xi32>
    %eq3A_3362 = arith.cmpi eq, %iota3A_20, %eq3A_3361 : vector<3x1x128xi32>
    %jit3A_3363 = arith.constant 0.000000e+00 : f32
    %broadcast_in_dim3A_3364 = vector.broadcast %jit3A_3363 : f32 to vector<3x1x128xf32>
    %select_n3A_3365 = arith.select %eq3A_3362, %get3A_3360, %broadcast_in_dim3A_3364 : vector<3x1x128xi1>, vector<3x1x128xf32>
    %reduce_sum3A_3366 = arith.constant dense<0.000000e+00> : vector<3x1xf32>
    %reduce_sum3A_3367 = vector.multi_reduction <add>, %select_n3A_3365, %reduce_sum3A_3366 [2] : vector<3x1x128xf32> to vector<3x1xf32>
    %broadcast_in_dim3A_3368 = vector.shape_cast %reduce_sum3A_3367 : vector<3x1xf32> to vector<3x1x1xf32>
    %jit3A_3369 = arith.constant 128 : i32
    %div3A_3370 = arith.divsi %reduce_max3A_3206, %jit3A_3369 : i32
    %sign3A_3371 = arith.constant 0 : i32
    %sign3A_3372 = arith.cmpi sgt, %reduce_max3A_3206, %sign3A_3371 : i32
    %sign3A_3373 = arith.extui %sign3A_3372 : i1 to i32
    %sign3A_3374 = arith.constant 0 : i32
    %sign3A_3375 = arith.cmpi slt, %reduce_max3A_3206, %sign3A_3374 : i32
    %sign3A_3376 = arith.extui %sign3A_3375 : i1 to i32
    %sign3A_3377 = arith.subi %sign3A_3373, %sign3A_3376 : i32
    %sign3A_3378 = arith.constant 0 : i32
    %sign3A_3379 = arith.cmpi sgt, %jit3A_3369, %sign3A_3378 : i32
    %sign3A_3380 = arith.extui %sign3A_3379 : i1 to i32
    %sign3A_3381 = arith.constant 0 : i32
    %sign3A_3382 = arith.cmpi slt, %jit3A_3369, %sign3A_3381 : i32
    %sign3A_3383 = arith.extui %sign3A_3382 : i1 to i32
    %sign3A_3384 = arith.subi %sign3A_3380, %sign3A_3383 : i32
    %ne3A_3385 = arith.cmpi ne, %sign3A_3377, %sign3A_3384 : i32
    %rem3A_3386 = arith.remsi %reduce_max3A_3206, %jit3A_3369 : i32
    %ne3A_3387 = arith.constant 0 : i32
    %ne3A_3388 = arith.cmpi ne, %rem3A_3386, %ne3A_3387 : i32
    %and3A_3389 = arith.andi %ne3A_3385, %ne3A_3388 : i1
    %sub3A_3390 = arith.constant 1 : i32
    %sub3A_3391 = arith.subi %div3A_3370, %sub3A_3390 : i32
    %select_n3A_3392 = arith.select %and3A_3389, %sub3A_3391, %div3A_3370 : i32
    %jit3A_3393 = arith.constant 128 : i32
    %eq3A_3394 = arith.constant 0 : i32
    %eq3A_3395 = arith.cmpi eq, %jit3A_3393, %eq3A_3394 : i32
    %jit3A_3396 = arith.constant 1 : i32
    %select_n3A_3397 = arith.select %eq3A_3395, %jit3A_3396, %jit3A_3393 : i32
    %rem3A_3398 = arith.remsi %reduce_max3A_3206, %select_n3A_3397 : i32
    %ne3A_3399 = arith.constant 0 : i32
    %ne3A_3400 = arith.cmpi ne, %rem3A_3398, %ne3A_3399 : i32
    %lt3A_3401 = arith.constant 0 : i32
    %lt3A_3402 = arith.cmpi slt, %rem3A_3398, %lt3A_3401 : i32
    %lt3A_3403 = arith.constant 0 : i32
    %lt3A_3404 = arith.cmpi slt, %select_n3A_3397, %lt3A_3403 : i32
    %ne3A_3405 = arith.xori %lt3A_3402, %lt3A_3404 : i1
    %and3A_3406 = arith.andi %ne3A_3405, %ne3A_3400 : i1
    %add3A_3407 = arith.addi %rem3A_3398, %select_n3A_3397 : i32
    %select_n3A_3408 = arith.select %and3A_3406, %add3A_3407, %rem3A_3398 : i32
    %get3A_3409 = arith.constant 3 : index
    %get3A_3410 = arith.constant 0 : index
    %get3A_3411 = arith.index_cast %select_n3A_3392 : i32 to index
    %get3A_3412 = arith.constant 0 : index
    %get3A_3413 = vector.load %arg0[%get3A_3409, %get3A_3410, %get3A_3411, %get3A_3412] : memref<4x3x512x128xf32, #tpu.memory_space<vmem>>, vector<1x3x1x128xf32>
    %get3A_3414 = vector.shape_cast %get3A_3413 : vector<1x3x1x128xf32> to vector<3x1x128xf32>
    %eq3A_3415 = vector.broadcast %select_n3A_3408 : i32 to vector<3x1x128xi32>
    %eq3A_3416 = arith.cmpi eq, %iota3A_20, %eq3A_3415 : vector<3x1x128xi32>
    %jit3A_3417 = arith.constant 0.000000e+00 : f32
    %broadcast_in_dim3A_3418 = vector.broadcast %jit3A_3417 : f32 to vector<3x1x128xf32>
    %select_n3A_3419 = arith.select %eq3A_3416, %get3A_3414, %broadcast_in_dim3A_3418 : vector<3x1x128xi1>, vector<3x1x128xf32>
    %reduce_sum3A_3420 = arith.constant dense<0.000000e+00> : vector<3x1xf32>
    %reduce_sum3A_3421 = vector.multi_reduction <add>, %select_n3A_3419, %reduce_sum3A_3420 [2] : vector<3x1x128xf32> to vector<3x1xf32>
    %broadcast_in_dim3A_3422 = vector.shape_cast %reduce_sum3A_3421 : vector<3x1xf32> to vector<3x1x1xf32>
    %reshape3A_3423 = vector.shape_cast %broadcast_in_dim3A_3260 : vector<3x1x1xf32> to vector<1x1x3xf32>
    %swap3A_3424 = arith.constant 0 : index
    %swap3A_3425 = arith.constant 10 : index
    %swap3A_3426 = arith.constant 0 : index
    %swap3A_3427 = vector.load %arg2[%swap3A_3424, %swap3A_3425, %swap3A_3426] : memref<4x16x3xf32, #tpu.memory_space<vmem>>, vector<1x1x3xf32>
    tpu.vector_store %arg2[%swap3A_3424, %swap3A_3425, %swap3A_3426], %reshape3A_3423 {strides = array<i32>} : memref<4x16x3xf32, #tpu.memory_space<vmem>>, vector<1x1x3xf32>,
    %reshape3A_3428 = vector.shape_cast %broadcast_in_dim3A_3314 : vector<3x1x1xf32> to vector<1x1x3xf32>
    %swap3A_3429 = arith.constant 1 : index
    %swap3A_3430 = arith.constant 10 : index
    %swap3A_3431 = arith.constant 0 : index
    %swap3A_3432 = vector.load %arg2[%swap3A_3429, %swap3A_3430, %swap3A_3431] : memref<4x16x3xf32, #tpu.memory_space<vmem>>, vector<1x1x3xf32>
    tpu.vector_store %arg2[%swap3A_3429, %swap3A_3430, %swap3A_3431], %reshape3A_3428 {strides = array<i32>} : memref<4x16x3xf32, #tpu.memory_space<vmem>>, vector<1x1x3xf32>,
    %reshape3A_3433 = vector.shape_cast %broadcast_in_dim3A_3368 : vector<3x1x1xf32> to vector<1x1x3xf32>
    %swap3A_3434 = arith.constant 2 : index
    %swap3A_3435 = arith.constant 10 : index
    %swap3A_3436 = arith.constant 0 : index
    %swap3A_3437 = vector.load %arg2[%swap3A_3434, %swap3A_3435, %swap3A_3436] : memref<4x16x3xf32, #tpu.memory_space<vmem>>, vector<1x1x3xf32>
    tpu.vector_store %arg2[%swap3A_3434, %swap3A_3435, %swap3A_3436], %reshape3A_3433 {strides = array<i32>} : memref<4x16x3xf32, #tpu.memory_space<vmem>>, vector<1x1x3xf32>,
    %reshape3A_3438 = vector.shape_cast %broadcast_in_dim3A_3422 : vector<3x1x1xf32> to vector<1x1x3xf32>
    %swap3A_3439 = arith.constant 3 : index
    %swap3A_3440 = arith.constant 10 : index
    %swap3A_3441 = arith.constant 0 : index
    %swap3A_3442 = vector.load %arg2[%swap3A_3439, %swap3A_3440, %swap3A_3441] : memref<4x16x3xf32, #tpu.memory_space<vmem>>, vector<1x1x3xf32>
    tpu.vector_store %arg2[%swap3A_3439, %swap3A_3440, %swap3A_3441], %reshape3A_3438 {strides = array<i32>} : memref<4x16x3xf32, #tpu.memory_space<vmem>>, vector<1x1x3xf32>,
    %slice3A_3443 = vector.extract_strided_slice %broadcast_in_dim3A_3260 {offsets = [0, 0, 0], sizes = [1, 1, 1], strides = [1, 1, 1]} : vector<3x1x1xf32> to vector<1x1x1xf32>
    %slice3A_3444 = vector.extract_strided_slice %broadcast_in_dim3A_3314 {offsets = [0, 0, 0], sizes = [1, 1, 1], strides = [1, 1, 1]} : vector<3x1x1xf32> to vector<1x1x1xf32>
    %slice3A_3445 = vector.extract_strided_slice %broadcast_in_dim3A_3368 {offsets = [0, 0, 0], sizes = [1, 1, 1], strides = [1, 1, 1]} : vector<3x1x1xf32> to vector<1x1x1xf32>
    %slice3A_3446 = vector.extract_strided_slice %broadcast_in_dim3A_3422 {offsets = [0, 0, 0], sizes = [1, 1, 1], strides = [1, 1, 1]} : vector<3x1x1xf32> to vector<1x1x1xf32>
    %concatenate3A_3447 = tpu.concatenate %slice3A_3443, %slice3A_3444, %slice3A_3445, %slice3A_3446 in 0 : vector<1x1x1xf32>, vector<1x1x1xf32>, vector<1x1x1xf32>, vector<1x1x1xf32> -> vector<4x1x1xf32>
    %slice3A_3448 = vector.extract_strided_slice %broadcast_in_dim3A_3260 {offsets = [1, 0, 0], sizes = [1, 1, 1], strides = [1, 1, 1]} : vector<3x1x1xf32> to vector<1x1x1xf32>
    %slice3A_3449 = vector.extract_strided_slice %broadcast_in_dim3A_3314 {offsets = [1, 0, 0], sizes = [1, 1, 1], strides = [1, 1, 1]} : vector<3x1x1xf32> to vector<1x1x1xf32>
    %slice3A_3450 = vector.extract_strided_slice %broadcast_in_dim3A_3368 {offsets = [1, 0, 0], sizes = [1, 1, 1], strides = [1, 1, 1]} : vector<3x1x1xf32> to vector<1x1x1xf32>
    %slice3A_3451 = vector.extract_strided_slice %broadcast_in_dim3A_3422 {offsets = [1, 0, 0], sizes = [1, 1, 1], strides = [1, 1, 1]} : vector<3x1x1xf32> to vector<1x1x1xf32>
    %concatenate3A_3452 = tpu.concatenate %slice3A_3448, %slice3A_3449, %slice3A_3450, %slice3A_3451 in 0 : vector<1x1x1xf32>, vector<1x1x1xf32>, vector<1x1x1xf32>, vector<1x1x1xf32> -> vector<4x1x1xf32>
    %slice3A_3453 = vector.extract_strided_slice %broadcast_in_dim3A_3260 {offsets = [2, 0, 0], sizes = [1, 1, 1], strides = [1, 1, 1]} : vector<3x1x1xf32> to vector<1x1x1xf32>
    %slice3A_3454 = vector.extract_strided_slice %broadcast_in_dim3A_3314 {offsets = [2, 0, 0], sizes = [1, 1, 1], strides = [1, 1, 1]} : vector<3x1x1xf32> to vector<1x1x1xf32>
    %slice3A_3455 = vector.extract_strided_slice %broadcast_in_dim3A_3368 {offsets = [2, 0, 0], sizes = [1, 1, 1], strides = [1, 1, 1]} : vector<3x1x1xf32> to vector<1x1x1xf32>
    %slice3A_3456 = vector.extract_strided_slice %broadcast_in_dim3A_3422 {offsets = [2, 0, 0], sizes = [1, 1, 1], strides = [1, 1, 1]} : vector<3x1x1xf32> to vector<1x1x1xf32>
    %concatenate3A_3457 = tpu.concatenate %slice3A_3453, %slice3A_3454, %slice3A_3455, %slice3A_3456 in 0 : vector<1x1x1xf32>, vector<1x1x1xf32>, vector<1x1x1xf32>, vector<1x1x1xf32> -> vector<4x1x1xf32>
    %sub3A_3458 = vector.broadcast %concatenate3A_3447 : vector<4x1x1xf32> to vector<4x512x128xf32>
    %sub3A_3459 = arith.subf %get3A_4, %sub3A_3458 : vector<4x512x128xf32>
    %sub3A_3460 = vector.broadcast %concatenate3A_3452 : vector<4x1x1xf32> to vector<4x512x128xf32>
    %sub3A_3461 = arith.subf %get3A_10, %sub3A_3460 : vector<4x512x128xf32>
    %sub3A_3462 = vector.broadcast %concatenate3A_3457 : vector<4x1x1xf32> to vector<4x512x128xf32>
    %sub3A_3463 = arith.subf %get3A_16, %sub3A_3462 : vector<4x512x128xf32>
    %mul3A_3464 = arith.mulf %sub3A_3459, %sub3A_3459 : vector<4x512x128xf32>
    %mul3A_3465 = arith.mulf %sub3A_3461, %sub3A_3461 : vector<4x512x128xf32>
    %add3A_3466 = arith.addf %mul3A_3464, %mul3A_3465 : vector<4x512x128xf32>
    %mul3A_3467 = arith.mulf %sub3A_3463, %sub3A_3463 : vector<4x512x128xf32>
    %add3A_3468 = arith.addf %add3A_3466, %mul3A_3467 : vector<4x512x128xf32>
    %min3A_3469 = arith.minimumf %min3A_3150, %add3A_3468 : vector<4x512x128xf32>
    %reduce_max3A_3470 = arith.constant dense<0xFF800000> : vector<4xf32>
    %reduce_max3A_3471 = vector.multi_reduction <maximumf>, %min3A_3469, %reduce_max3A_3470 [1, 2] : vector<4x512x128xf32> to vector<4xf32>
    %broadcast_in_dim3A_3472 = vector.shape_cast %reduce_max3A_3471 : vector<4xf32> to vector<4x1x1xf32>
    %eq3A_3473 = vector.broadcast %broadcast_in_dim3A_3472 : vector<4x1x1xf32> to vector<4x512x128xf32>
    %eq3A_3474 = arith.cmpf oeq, %min3A_3469, %eq3A_3473 : vector<4x512x128xf32>
    %jit3A_3475 = arith.constant 2147483647 : i32
    %broadcast_in_dim3A_3476 = vector.shape_cast %add3A : vector<512x128xi32> to vector<1x512x128xi32>
    %broadcast_in_dim3A_3477 = vector.broadcast %broadcast_in_dim3A_3476 : vector<1x512x128xi32> to vector<4x512x128xi32>
    %broadcast_in_dim3A_3478 = vector.broadcast %jit3A_3475 : i32 to vector<4x512x128xi32>
    %select_n3A_3479 = arith.select %eq3A_3474, %broadcast_in_dim3A_3477, %broadcast_in_dim3A_3478 : vector<4x512x128xi1>, vector<4x512x128xi32>
    %reduce_min3A_3480 = arith.constant dense<2147483647> : vector<4xi32>
    %reduce_min3A_3481 = vector.multi_reduction <minsi>, %select_n3A_3479, %reduce_min3A_3480 [1, 2] : vector<4x512x128xi32> to vector<4xi32>
    %slice3A_3482 = vector.extract_strided_slice %reduce_min3A_3481 {offsets = [0], sizes = [1], strides = [1]} : vector<4xi32> to vector<1xi32>
    %reshape3A_3483 = vector.shape_cast %slice3A_3482 : vector<1xi32> to vector<1x1xi32>
    %swap3A_3484 = arith.constant 0 : index
    %swap3A_3485 = arith.constant 11 : index
    %swap3A_3486 = vector.load %arg1[%swap3A_3484, %swap3A_3485] : memref<1x64xi32, #tpu.memory_space<vmem>>, vector<1x1xi32>
    tpu.vector_store %arg1[%swap3A_3484, %swap3A_3485], %reshape3A_3483 {strides = array<i32>} : memref<1x64xi32, #tpu.memory_space<vmem>>, vector<1x1xi32>,
    %slice3A_3487 = vector.extract_strided_slice %reduce_min3A_3481 {offsets = [0], sizes = [1], strides = [1]} : vector<4xi32> to vector<1xi32>
    %reduce_max3A_3488 = vector.shape_cast %slice3A_3487 : vector<1xi32> to vector<1x1xi32>
    %reduce_max3A_3489 = arith.constant dense<-2147483648> : vector<1xi32>
    %reduce_max3A_3490 = vector.multi_reduction <maxsi>, %reduce_max3A_3488, %reduce_max3A_3489 [1] : vector<1x1xi32> to vector<1xi32>
    %reduce_max3A_3491 = vector.shape_cast %reduce_max3A_3490 : vector<1xi32> to vector<1x1xi32>
    %reduce_max3A_3492 = vector.extract %reduce_max3A_3491[0, 0] : i32 from vector<1x1xi32>
    %slice3A_3493 = vector.extract_strided_slice %reduce_min3A_3481 {offsets = [1], sizes = [1], strides = [1]} : vector<4xi32> to vector<1xi32>
    %reshape3A_3494 = vector.shape_cast %slice3A_3493 : vector<1xi32> to vector<1x1xi32>
    %swap3A_3495 = arith.constant 0 : index
    %swap3A_3496 = arith.constant 27 : index
    %swap3A_3497 = vector.load %arg1[%swap3A_3495, %swap3A_3496] : memref<1x64xi32, #tpu.memory_space<vmem>>, vector<1x1xi32>
    tpu.vector_store %arg1[%swap3A_3495, %swap3A_3496], %reshape3A_3494 {strides = array<i32>} : memref<1x64xi32, #tpu.memory_space<vmem>>, vector<1x1xi32>,
    %slice3A_3498 = vector.extract_strided_slice %reduce_min3A_3481 {offsets = [1], sizes = [1], strides = [1]} : vector<4xi32> to vector<1xi32>
    %reduce_max3A_3499 = vector.shape_cast %slice3A_3498 : vector<1xi32> to vector<1x1xi32>
    %reduce_max3A_3500 = arith.constant dense<-2147483648> : vector<1xi32>
    %reduce_max3A_3501 = vector.multi_reduction <maxsi>, %reduce_max3A_3499, %reduce_max3A_3500 [1] : vector<1x1xi32> to vector<1xi32>
    %reduce_max3A_3502 = vector.shape_cast %reduce_max3A_3501 : vector<1xi32> to vector<1x1xi32>
    %reduce_max3A_3503 = vector.extract %reduce_max3A_3502[0, 0] : i32 from vector<1x1xi32>
    %slice3A_3504 = vector.extract_strided_slice %reduce_min3A_3481 {offsets = [2], sizes = [1], strides = [1]} : vector<4xi32> to vector<1xi32>
    %reshape3A_3505 = vector.shape_cast %slice3A_3504 : vector<1xi32> to vector<1x1xi32>
    %swap3A_3506 = arith.constant 0 : index
    %swap3A_3507 = arith.constant 43 : index
    %swap3A_3508 = vector.load %arg1[%swap3A_3506, %swap3A_3507] : memref<1x64xi32, #tpu.memory_space<vmem>>, vector<1x1xi32>
    tpu.vector_store %arg1[%swap3A_3506, %swap3A_3507], %reshape3A_3505 {strides = array<i32>} : memref<1x64xi32, #tpu.memory_space<vmem>>, vector<1x1xi32>,
    %slice3A_3509 = vector.extract_strided_slice %reduce_min3A_3481 {offsets = [2], sizes = [1], strides = [1]} : vector<4xi32> to vector<1xi32>
    %reduce_max3A_3510 = vector.shape_cast %slice3A_3509 : vector<1xi32> to vector<1x1xi32>
    %reduce_max3A_3511 = arith.constant dense<-2147483648> : vector<1xi32>
    %reduce_max3A_3512 = vector.multi_reduction <maxsi>, %reduce_max3A_3510, %reduce_max3A_3511 [1] : vector<1x1xi32> to vector<1xi32>
    %reduce_max3A_3513 = vector.shape_cast %reduce_max3A_3512 : vector<1xi32> to vector<1x1xi32>
    %reduce_max3A_3514 = vector.extract %reduce_max3A_3513[0, 0] : i32 from vector<1x1xi32>
    %slice3A_3515 = vector.extract_strided_slice %reduce_min3A_3481 {offsets = [3], sizes = [1], strides = [1]} : vector<4xi32> to vector<1xi32>
    %reshape3A_3516 = vector.shape_cast %slice3A_3515 : vector<1xi32> to vector<1x1xi32>
    %swap3A_3517 = arith.constant 0 : index
    %swap3A_3518 = arith.constant 59 : index
    %swap3A_3519 = vector.load %arg1[%swap3A_3517, %swap3A_3518] : memref<1x64xi32, #tpu.memory_space<vmem>>, vector<1x1xi32>
    tpu.vector_store %arg1[%swap3A_3517, %swap3A_3518], %reshape3A_3516 {strides = array<i32>} : memref<1x64xi32, #tpu.memory_space<vmem>>, vector<1x1xi32>,
    %slice3A_3520 = vector.extract_strided_slice %reduce_min3A_3481 {offsets = [3], sizes = [1], strides = [1]} : vector<4xi32> to vector<1xi32>
    %reduce_max3A_3521 = vector.shape_cast %slice3A_3520 : vector<1xi32> to vector<1x1xi32>
    %reduce_max3A_3522 = arith.constant dense<-2147483648> : vector<1xi32>
    %reduce_max3A_3523 = vector.multi_reduction <maxsi>, %reduce_max3A_3521, %reduce_max3A_3522 [1] : vector<1x1xi32> to vector<1xi32>
    %reduce_max3A_3524 = vector.shape_cast %reduce_max3A_3523 : vector<1xi32> to vector<1x1xi32>
    %reduce_max3A_3525 = vector.extract %reduce_max3A_3524[0, 0] : i32 from vector<1x1xi32>
    %jit3A_3526 = arith.constant 128 : i32
    %div3A_3527 = arith.divsi %reduce_max3A_3492, %jit3A_3526 : i32
    %sign3A_3528 = arith.constant 0 : i32
    %sign3A_3529 = arith.cmpi sgt, %reduce_max3A_3492, %sign3A_3528 : i32
    %sign3A_3530 = arith.extui %sign3A_3529 : i1 to i32
    %sign3A_3531 = arith.constant 0 : i32
    %sign3A_3532 = arith.cmpi slt, %reduce_max3A_3492, %sign3A_3531 : i32
    %sign3A_3533 = arith.extui %sign3A_3532 : i1 to i32
    %sign3A_3534 = arith.subi %sign3A_3530, %sign3A_3533 : i32
    %sign3A_3535 = arith.constant 0 : i32
    %sign3A_3536 = arith.cmpi sgt, %jit3A_3526, %sign3A_3535 : i32
    %sign3A_3537 = arith.extui %sign3A_3536 : i1 to i32
    %sign3A_3538 = arith.constant 0 : i32
    %sign3A_3539 = arith.cmpi slt, %jit3A_3526, %sign3A_3538 : i32
    %sign3A_3540 = arith.extui %sign3A_3539 : i1 to i32
    %sign3A_3541 = arith.subi %sign3A_3537, %sign3A_3540 : i32
    %ne3A_3542 = arith.cmpi ne, %sign3A_3534, %sign3A_3541 : i32
    %rem3A_3543 = arith.remsi %reduce_max3A_3492, %jit3A_3526 : i32
    %ne3A_3544 = arith.constant 0 : i32
    %ne3A_3545 = arith.cmpi ne, %rem3A_3543, %ne3A_3544 : i32
    %and3A_3546 = arith.andi %ne3A_3542, %ne3A_3545 : i1
    %sub3A_3547 = arith.constant 1 : i32
    %sub3A_3548 = arith.subi %div3A_3527, %sub3A_3547 : i32
    %select_n3A_3549 = arith.select %and3A_3546, %sub3A_3548, %div3A_3527 : i32
    %jit3A_3550 = arith.constant 128 : i32
    %eq3A_3551 = arith.constant 0 : i32
    %eq3A_3552 = arith.cmpi eq, %jit3A_3550, %eq3A_3551 : i32
    %jit3A_3553 = arith.constant 1 : i32
    %select_n3A_3554 = arith.select %eq3A_3552, %jit3A_3553, %jit3A_3550 : i32
    %rem3A_3555 = arith.remsi %reduce_max3A_3492, %select_n3A_3554 : i32
    %ne3A_3556 = arith.constant 0 : i32
    %ne3A_3557 = arith.cmpi ne, %rem3A_3555, %ne3A_3556 : i32
    %lt3A_3558 = arith.constant 0 : i32
    %lt3A_3559 = arith.cmpi slt, %rem3A_3555, %lt3A_3558 : i32
    %lt3A_3560 = arith.constant 0 : i32
    %lt3A_3561 = arith.cmpi slt, %select_n3A_3554, %lt3A_3560 : i32
    %ne3A_3562 = arith.xori %lt3A_3559, %lt3A_3561 : i1
    %and3A_3563 = arith.andi %ne3A_3562, %ne3A_3557 : i1
    %add3A_3564 = arith.addi %rem3A_3555, %select_n3A_3554 : i32
    %select_n3A_3565 = arith.select %and3A_3563, %add3A_3564, %rem3A_3555 : i32
    %get3A_3566 = arith.constant 0 : index
    %get3A_3567 = arith.constant 0 : index
    %get3A_3568 = arith.index_cast %select_n3A_3549 : i32 to index
    %get3A_3569 = arith.constant 0 : index
    %get3A_3570 = vector.load %arg0[%get3A_3566, %get3A_3567, %get3A_3568, %get3A_3569] : memref<4x3x512x128xf32, #tpu.memory_space<vmem>>, vector<1x3x1x128xf32>
    %get3A_3571 = vector.shape_cast %get3A_3570 : vector<1x3x1x128xf32> to vector<3x1x128xf32>
    %eq3A_3572 = vector.broadcast %select_n3A_3565 : i32 to vector<3x1x128xi32>
    %eq3A_3573 = arith.cmpi eq, %iota3A_20, %eq3A_3572 : vector<3x1x128xi32>
    %jit3A_3574 = arith.constant 0.000000e+00 : f32
    %broadcast_in_dim3A_3575 = vector.broadcast %jit3A_3574 : f32 to vector<3x1x128xf32>
    %select_n3A_3576 = arith.select %eq3A_3573, %get3A_3571, %broadcast_in_dim3A_3575 : vector<3x1x128xi1>, vector<3x1x128xf32>
    %reduce_sum3A_3577 = arith.constant dense<0.000000e+00> : vector<3x1xf32>
    %reduce_sum3A_3578 = vector.multi_reduction <add>, %select_n3A_3576, %reduce_sum3A_3577 [2] : vector<3x1x128xf32> to vector<3x1xf32>
    %broadcast_in_dim3A_3579 = vector.shape_cast %reduce_sum3A_3578 : vector<3x1xf32> to vector<3x1x1xf32>
    %jit3A_3580 = arith.constant 128 : i32
    %div3A_3581 = arith.divsi %reduce_max3A_3503, %jit3A_3580 : i32
    %sign3A_3582 = arith.constant 0 : i32
    %sign3A_3583 = arith.cmpi sgt, %reduce_max3A_3503, %sign3A_3582 : i32
    %sign3A_3584 = arith.extui %sign3A_3583 : i1 to i32
    %sign3A_3585 = arith.constant 0 : i32
    %sign3A_3586 = arith.cmpi slt, %reduce_max3A_3503, %sign3A_3585 : i32
    %sign3A_3587 = arith.extui %sign3A_3586 : i1 to i32
    %sign3A_3588 = arith.subi %sign3A_3584, %sign3A_3587 : i32
    %sign3A_3589 = arith.constant 0 : i32
    %sign3A_3590 = arith.cmpi sgt, %jit3A_3580, %sign3A_3589 : i32
    %sign3A_3591 = arith.extui %sign3A_3590 : i1 to i32
    %sign3A_3592 = arith.constant 0 : i32
    %sign3A_3593 = arith.cmpi slt, %jit3A_3580, %sign3A_3592 : i32
    %sign3A_3594 = arith.extui %sign3A_3593 : i1 to i32
    %sign3A_3595 = arith.subi %sign3A_3591, %sign3A_3594 : i32
    %ne3A_3596 = arith.cmpi ne, %sign3A_3588, %sign3A_3595 : i32
    %rem3A_3597 = arith.remsi %reduce_max3A_3503, %jit3A_3580 : i32
    %ne3A_3598 = arith.constant 0 : i32
    %ne3A_3599 = arith.cmpi ne, %rem3A_3597, %ne3A_3598 : i32
    %and3A_3600 = arith.andi %ne3A_3596, %ne3A_3599 : i1
    %sub3A_3601 = arith.constant 1 : i32
    %sub3A_3602 = arith.subi %div3A_3581, %sub3A_3601 : i32
    %select_n3A_3603 = arith.select %and3A_3600, %sub3A_3602, %div3A_3581 : i32
    %jit3A_3604 = arith.constant 128 : i32
    %eq3A_3605 = arith.constant 0 : i32
    %eq3A_3606 = arith.cmpi eq, %jit3A_3604, %eq3A_3605 : i32
    %jit3A_3607 = arith.constant 1 : i32
    %select_n3A_3608 = arith.select %eq3A_3606, %jit3A_3607, %jit3A_3604 : i32
    %rem3A_3609 = arith.remsi %reduce_max3A_3503, %select_n3A_3608 : i32
    %ne3A_3610 = arith.constant 0 : i32
    %ne3A_3611 = arith.cmpi ne, %rem3A_3609, %ne3A_3610 : i32
    %lt3A_3612 = arith.constant 0 : i32
    %lt3A_3613 = arith.cmpi slt, %rem3A_3609, %lt3A_3612 : i32
    %lt3A_3614 = arith.constant 0 : i32
    %lt3A_3615 = arith.cmpi slt, %select_n3A_3608, %lt3A_3614 : i32
    %ne3A_3616 = arith.xori %lt3A_3613, %lt3A_3615 : i1
    %and3A_3617 = arith.andi %ne3A_3616, %ne3A_3611 : i1
    %add3A_3618 = arith.addi %rem3A_3609, %select_n3A_3608 : i32
    %select_n3A_3619 = arith.select %and3A_3617, %add3A_3618, %rem3A_3609 : i32
    %get3A_3620 = arith.constant 1 : index
    %get3A_3621 = arith.constant 0 : index
    %get3A_3622 = arith.index_cast %select_n3A_3603 : i32 to index
    %get3A_3623 = arith.constant 0 : index
    %get3A_3624 = vector.load %arg0[%get3A_3620, %get3A_3621, %get3A_3622, %get3A_3623] : memref<4x3x512x128xf32, #tpu.memory_space<vmem>>, vector<1x3x1x128xf32>
    %get3A_3625 = vector.shape_cast %get3A_3624 : vector<1x3x1x128xf32> to vector<3x1x128xf32>
    %eq3A_3626 = vector.broadcast %select_n3A_3619 : i32 to vector<3x1x128xi32>
    %eq3A_3627 = arith.cmpi eq, %iota3A_20, %eq3A_3626 : vector<3x1x128xi32>
    %jit3A_3628 = arith.constant 0.000000e+00 : f32
    %broadcast_in_dim3A_3629 = vector.broadcast %jit3A_3628 : f32 to vector<3x1x128xf32>
    %select_n3A_3630 = arith.select %eq3A_3627, %get3A_3625, %broadcast_in_dim3A_3629 : vector<3x1x128xi1>, vector<3x1x128xf32>
    %reduce_sum3A_3631 = arith.constant dense<0.000000e+00> : vector<3x1xf32>
    %reduce_sum3A_3632 = vector.multi_reduction <add>, %select_n3A_3630, %reduce_sum3A_3631 [2] : vector<3x1x128xf32> to vector<3x1xf32>
    %broadcast_in_dim3A_3633 = vector.shape_cast %reduce_sum3A_3632 : vector<3x1xf32> to vector<3x1x1xf32>
    %jit3A_3634 = arith.constant 128 : i32
    %div3A_3635 = arith.divsi %reduce_max3A_3514, %jit3A_3634 : i32
    %sign3A_3636 = arith.constant 0 : i32
    %sign3A_3637 = arith.cmpi sgt, %reduce_max3A_3514, %sign3A_3636 : i32
    %sign3A_3638 = arith.extui %sign3A_3637 : i1 to i32
    %sign3A_3639 = arith.constant 0 : i32
    %sign3A_3640 = arith.cmpi slt, %reduce_max3A_3514, %sign3A_3639 : i32
    %sign3A_3641 = arith.extui %sign3A_3640 : i1 to i32
    %sign3A_3642 = arith.subi %sign3A_3638, %sign3A_3641 : i32
    %sign3A_3643 = arith.constant 0 : i32
    %sign3A_3644 = arith.cmpi sgt, %jit3A_3634, %sign3A_3643 : i32
    %sign3A_3645 = arith.extui %sign3A_3644 : i1 to i32
    %sign3A_3646 = arith.constant 0 : i32
    %sign3A_3647 = arith.cmpi slt, %jit3A_3634, %sign3A_3646 : i32
    %sign3A_3648 = arith.extui %sign3A_3647 : i1 to i32
    %sign3A_3649 = arith.subi %sign3A_3645, %sign3A_3648 : i32
    %ne3A_3650 = arith.cmpi ne, %sign3A_3642, %sign3A_3649 : i32
    %rem3A_3651 = arith.remsi %reduce_max3A_3514, %jit3A_3634 : i32
    %ne3A_3652 = arith.constant 0 : i32
    %ne3A_3653 = arith.cmpi ne, %rem3A_3651, %ne3A_3652 : i32
    %and3A_3654 = arith.andi %ne3A_3650, %ne3A_3653 : i1
    %sub3A_3655 = arith.constant 1 : i32
    %sub3A_3656 = arith.subi %div3A_3635, %sub3A_3655 : i32
    %select_n3A_3657 = arith.select %and3A_3654, %sub3A_3656, %div3A_3635 : i32
    %jit3A_3658 = arith.constant 128 : i32
    %eq3A_3659 = arith.constant 0 : i32
    %eq3A_3660 = arith.cmpi eq, %jit3A_3658, %eq3A_3659 : i32
    %jit3A_3661 = arith.constant 1 : i32
    %select_n3A_3662 = arith.select %eq3A_3660, %jit3A_3661, %jit3A_3658 : i32
    %rem3A_3663 = arith.remsi %reduce_max3A_3514, %select_n3A_3662 : i32
    %ne3A_3664 = arith.constant 0 : i32
    %ne3A_3665 = arith.cmpi ne, %rem3A_3663, %ne3A_3664 : i32
    %lt3A_3666 = arith.constant 0 : i32
    %lt3A_3667 = arith.cmpi slt, %rem3A_3663, %lt3A_3666 : i32
    %lt3A_3668 = arith.constant 0 : i32
    %lt3A_3669 = arith.cmpi slt, %select_n3A_3662, %lt3A_3668 : i32
    %ne3A_3670 = arith.xori %lt3A_3667, %lt3A_3669 : i1
    %and3A_3671 = arith.andi %ne3A_3670, %ne3A_3665 : i1
    %add3A_3672 = arith.addi %rem3A_3663, %select_n3A_3662 : i32
    %select_n3A_3673 = arith.select %and3A_3671, %add3A_3672, %rem3A_3663 : i32
    %get3A_3674 = arith.constant 2 : index
    %get3A_3675 = arith.constant 0 : index
    %get3A_3676 = arith.index_cast %select_n3A_3657 : i32 to index
    %get3A_3677 = arith.constant 0 : index
    %get3A_3678 = vector.load %arg0[%get3A_3674, %get3A_3675, %get3A_3676, %get3A_3677] : memref<4x3x512x128xf32, #tpu.memory_space<vmem>>, vector<1x3x1x128xf32>
    %get3A_3679 = vector.shape_cast %get3A_3678 : vector<1x3x1x128xf32> to vector<3x1x128xf32>
    %eq3A_3680 = vector.broadcast %select_n3A_3673 : i32 to vector<3x1x128xi32>
    %eq3A_3681 = arith.cmpi eq, %iota3A_20, %eq3A_3680 : vector<3x1x128xi32>
    %jit3A_3682 = arith.constant 0.000000e+00 : f32
    %broadcast_in_dim3A_3683 = vector.broadcast %jit3A_3682 : f32 to vector<3x1x128xf32>
    %select_n3A_3684 = arith.select %eq3A_3681, %get3A_3679, %broadcast_in_dim3A_3683 : vector<3x1x128xi1>, vector<3x1x128xf32>
    %reduce_sum3A_3685 = arith.constant dense<0.000000e+00> : vector<3x1xf32>
    %reduce_sum3A_3686 = vector.multi_reduction <add>, %select_n3A_3684, %reduce_sum3A_3685 [2] : vector<3x1x128xf32> to vector<3x1xf32>
    %broadcast_in_dim3A_3687 = vector.shape_cast %reduce_sum3A_3686 : vector<3x1xf32> to vector<3x1x1xf32>
    %jit3A_3688 = arith.constant 128 : i32
    %div3A_3689 = arith.divsi %reduce_max3A_3525, %jit3A_3688 : i32
    %sign3A_3690 = arith.constant 0 : i32
    %sign3A_3691 = arith.cmpi sgt, %reduce_max3A_3525, %sign3A_3690 : i32
    %sign3A_3692 = arith.extui %sign3A_3691 : i1 to i32
    %sign3A_3693 = arith.constant 0 : i32
    %sign3A_3694 = arith.cmpi slt, %reduce_max3A_3525, %sign3A_3693 : i32
    %sign3A_3695 = arith.extui %sign3A_3694 : i1 to i32
    %sign3A_3696 = arith.subi %sign3A_3692, %sign3A_3695 : i32
    %sign3A_3697 = arith.constant 0 : i32
    %sign3A_3698 = arith.cmpi sgt, %jit3A_3688, %sign3A_3697 : i32
    %sign3A_3699 = arith.extui %sign3A_3698 : i1 to i32
    %sign3A_3700 = arith.constant 0 : i32
    %sign3A_3701 = arith.cmpi slt, %jit3A_3688, %sign3A_3700 : i32
    %sign3A_3702 = arith.extui %sign3A_3701 : i1 to i32
    %sign3A_3703 = arith.subi %sign3A_3699, %sign3A_3702 : i32
    %ne3A_3704 = arith.cmpi ne, %sign3A_3696, %sign3A_3703 : i32
    %rem3A_3705 = arith.remsi %reduce_max3A_3525, %jit3A_3688 : i32
    %ne3A_3706 = arith.constant 0 : i32
    %ne3A_3707 = arith.cmpi ne, %rem3A_3705, %ne3A_3706 : i32
    %and3A_3708 = arith.andi %ne3A_3704, %ne3A_3707 : i1
    %sub3A_3709 = arith.constant 1 : i32
    %sub3A_3710 = arith.subi %div3A_3689, %sub3A_3709 : i32
    %select_n3A_3711 = arith.select %and3A_3708, %sub3A_3710, %div3A_3689 : i32
    %jit3A_3712 = arith.constant 128 : i32
    %eq3A_3713 = arith.constant 0 : i32
    %eq3A_3714 = arith.cmpi eq, %jit3A_3712, %eq3A_3713 : i32
    %jit3A_3715 = arith.constant 1 : i32
    %select_n3A_3716 = arith.select %eq3A_3714, %jit3A_3715, %jit3A_3712 : i32
    %rem3A_3717 = arith.remsi %reduce_max3A_3525, %select_n3A_3716 : i32
    %ne3A_3718 = arith.constant 0 : i32
    %ne3A_3719 = arith.cmpi ne, %rem3A_3717, %ne3A_3718 : i32
    %lt3A_3720 = arith.constant 0 : i32
    %lt3A_3721 = arith.cmpi slt, %rem3A_3717, %lt3A_3720 : i32
    %lt3A_3722 = arith.constant 0 : i32
    %lt3A_3723 = arith.cmpi slt, %select_n3A_3716, %lt3A_3722 : i32
    %ne3A_3724 = arith.xori %lt3A_3721, %lt3A_3723 : i1
    %and3A_3725 = arith.andi %ne3A_3724, %ne3A_3719 : i1
    %add3A_3726 = arith.addi %rem3A_3717, %select_n3A_3716 : i32
    %select_n3A_3727 = arith.select %and3A_3725, %add3A_3726, %rem3A_3717 : i32
    %get3A_3728 = arith.constant 3 : index
    %get3A_3729 = arith.constant 0 : index
    %get3A_3730 = arith.index_cast %select_n3A_3711 : i32 to index
    %get3A_3731 = arith.constant 0 : index
    %get3A_3732 = vector.load %arg0[%get3A_3728, %get3A_3729, %get3A_3730, %get3A_3731] : memref<4x3x512x128xf32, #tpu.memory_space<vmem>>, vector<1x3x1x128xf32>
    %get3A_3733 = vector.shape_cast %get3A_3732 : vector<1x3x1x128xf32> to vector<3x1x128xf32>
    %eq3A_3734 = vector.broadcast %select_n3A_3727 : i32 to vector<3x1x128xi32>
    %eq3A_3735 = arith.cmpi eq, %iota3A_20, %eq3A_3734 : vector<3x1x128xi32>
    %jit3A_3736 = arith.constant 0.000000e+00 : f32
    %broadcast_in_dim3A_3737 = vector.broadcast %jit3A_3736 : f32 to vector<3x1x128xf32>
    %select_n3A_3738 = arith.select %eq3A_3735, %get3A_3733, %broadcast_in_dim3A_3737 : vector<3x1x128xi1>, vector<3x1x128xf32>
    %reduce_sum3A_3739 = arith.constant dense<0.000000e+00> : vector<3x1xf32>
    %reduce_sum3A_3740 = vector.multi_reduction <add>, %select_n3A_3738, %reduce_sum3A_3739 [2] : vector<3x1x128xf32> to vector<3x1xf32>
    %broadcast_in_dim3A_3741 = vector.shape_cast %reduce_sum3A_3740 : vector<3x1xf32> to vector<3x1x1xf32>
    %reshape3A_3742 = vector.shape_cast %broadcast_in_dim3A_3579 : vector<3x1x1xf32> to vector<1x1x3xf32>
    %swap3A_3743 = arith.constant 0 : index
    %swap3A_3744 = arith.constant 11 : index
    %swap3A_3745 = arith.constant 0 : index
    %swap3A_3746 = vector.load %arg2[%swap3A_3743, %swap3A_3744, %swap3A_3745] : memref<4x16x3xf32, #tpu.memory_space<vmem>>, vector<1x1x3xf32>
    tpu.vector_store %arg2[%swap3A_3743, %swap3A_3744, %swap3A_3745], %reshape3A_3742 {strides = array<i32>} : memref<4x16x3xf32, #tpu.memory_space<vmem>>, vector<1x1x3xf32>,
    %reshape3A_3747 = vector.shape_cast %broadcast_in_dim3A_3633 : vector<3x1x1xf32> to vector<1x1x3xf32>
    %swap3A_3748 = arith.constant 1 : index
    %swap3A_3749 = arith.constant 11 : index
    %swap3A_3750 = arith.constant 0 : index
    %swap3A_3751 = vector.load %arg2[%swap3A_3748, %swap3A_3749, %swap3A_3750] : memref<4x16x3xf32, #tpu.memory_space<vmem>>, vector<1x1x3xf32>
    tpu.vector_store %arg2[%swap3A_3748, %swap3A_3749, %swap3A_3750], %reshape3A_3747 {strides = array<i32>} : memref<4x16x3xf32, #tpu.memory_space<vmem>>, vector<1x1x3xf32>,
    %reshape3A_3752 = vector.shape_cast %broadcast_in_dim3A_3687 : vector<3x1x1xf32> to vector<1x1x3xf32>
    %swap3A_3753 = arith.constant 2 : index
    %swap3A_3754 = arith.constant 11 : index
    %swap3A_3755 = arith.constant 0 : index
    %swap3A_3756 = vector.load %arg2[%swap3A_3753, %swap3A_3754, %swap3A_3755] : memref<4x16x3xf32, #tpu.memory_space<vmem>>, vector<1x1x3xf32>
    tpu.vector_store %arg2[%swap3A_3753, %swap3A_3754, %swap3A_3755], %reshape3A_3752 {strides = array<i32>} : memref<4x16x3xf32, #tpu.memory_space<vmem>>, vector<1x1x3xf32>,
    %reshape3A_3757 = vector.shape_cast %broadcast_in_dim3A_3741 : vector<3x1x1xf32> to vector<1x1x3xf32>
    %swap3A_3758 = arith.constant 3 : index
    %swap3A_3759 = arith.constant 11 : index
    %swap3A_3760 = arith.constant 0 : index
    %swap3A_3761 = vector.load %arg2[%swap3A_3758, %swap3A_3759, %swap3A_3760] : memref<4x16x3xf32, #tpu.memory_space<vmem>>, vector<1x1x3xf32>
    tpu.vector_store %arg2[%swap3A_3758, %swap3A_3759, %swap3A_3760], %reshape3A_3757 {strides = array<i32>} : memref<4x16x3xf32, #tpu.memory_space<vmem>>, vector<1x1x3xf32>,
    %slice3A_3762 = vector.extract_strided_slice %broadcast_in_dim3A_3579 {offsets = [0, 0, 0], sizes = [1, 1, 1], strides = [1, 1, 1]} : vector<3x1x1xf32> to vector<1x1x1xf32>
    %slice3A_3763 = vector.extract_strided_slice %broadcast_in_dim3A_3633 {offsets = [0, 0, 0], sizes = [1, 1, 1], strides = [1, 1, 1]} : vector<3x1x1xf32> to vector<1x1x1xf32>
    %slice3A_3764 = vector.extract_strided_slice %broadcast_in_dim3A_3687 {offsets = [0, 0, 0], sizes = [1, 1, 1], strides = [1, 1, 1]} : vector<3x1x1xf32> to vector<1x1x1xf32>
    %slice3A_3765 = vector.extract_strided_slice %broadcast_in_dim3A_3741 {offsets = [0, 0, 0], sizes = [1, 1, 1], strides = [1, 1, 1]} : vector<3x1x1xf32> to vector<1x1x1xf32>
    %concatenate3A_3766 = tpu.concatenate %slice3A_3762, %slice3A_3763, %slice3A_3764, %slice3A_3765 in 0 : vector<1x1x1xf32>, vector<1x1x1xf32>, vector<1x1x1xf32>, vector<1x1x1xf32> -> vector<4x1x1xf32>
    %slice3A_3767 = vector.extract_strided_slice %broadcast_in_dim3A_3579 {offsets = [1, 0, 0], sizes = [1, 1, 1], strides = [1, 1, 1]} : vector<3x1x1xf32> to vector<1x1x1xf32>
    %slice3A_3768 = vector.extract_strided_slice %broadcast_in_dim3A_3633 {offsets = [1, 0, 0], sizes = [1, 1, 1], strides = [1, 1, 1]} : vector<3x1x1xf32> to vector<1x1x1xf32>
    %slice3A_3769 = vector.extract_strided_slice %broadcast_in_dim3A_3687 {offsets = [1, 0, 0], sizes = [1, 1, 1], strides = [1, 1, 1]} : vector<3x1x1xf32> to vector<1x1x1xf32>
    %slice3A_3770 = vector.extract_strided_slice %broadcast_in_dim3A_3741 {offsets = [1, 0, 0], sizes = [1, 1, 1], strides = [1, 1, 1]} : vector<3x1x1xf32> to vector<1x1x1xf32>
    %concatenate3A_3771 = tpu.concatenate %slice3A_3767, %slice3A_3768, %slice3A_3769, %slice3A_3770 in 0 : vector<1x1x1xf32>, vector<1x1x1xf32>, vector<1x1x1xf32>, vector<1x1x1xf32> -> vector<4x1x1xf32>
    %slice3A_3772 = vector.extract_strided_slice %broadcast_in_dim3A_3579 {offsets = [2, 0, 0], sizes = [1, 1, 1], strides = [1, 1, 1]} : vector<3x1x1xf32> to vector<1x1x1xf32>
    %slice3A_3773 = vector.extract_strided_slice %broadcast_in_dim3A_3633 {offsets = [2, 0, 0], sizes = [1, 1, 1], strides = [1, 1, 1]} : vector<3x1x1xf32> to vector<1x1x1xf32>
    %slice3A_3774 = vector.extract_strided_slice %broadcast_in_dim3A_3687 {offsets = [2, 0, 0], sizes = [1, 1, 1], strides = [1, 1, 1]} : vector<3x1x1xf32> to vector<1x1x1xf32>
    %slice3A_3775 = vector.extract_strided_slice %broadcast_in_dim3A_3741 {offsets = [2, 0, 0], sizes = [1, 1, 1], strides = [1, 1, 1]} : vector<3x1x1xf32> to vector<1x1x1xf32>
    %concatenate3A_3776 = tpu.concatenate %slice3A_3772, %slice3A_3773, %slice3A_3774, %slice3A_3775 in 0 : vector<1x1x1xf32>, vector<1x1x1xf32>, vector<1x1x1xf32>, vector<1x1x1xf32> -> vector<4x1x1xf32>
    %sub3A_3777 = vector.broadcast %concatenate3A_3766 : vector<4x1x1xf32> to vector<4x512x128xf32>
    %sub3A_3778 = arith.subf %get3A_4, %sub3A_3777 : vector<4x512x128xf32>
    %sub3A_3779 = vector.broadcast %concatenate3A_3771 : vector<4x1x1xf32> to vector<4x512x128xf32>
    %sub3A_3780 = arith.subf %get3A_10, %sub3A_3779 : vector<4x512x128xf32>
    %sub3A_3781 = vector.broadcast %concatenate3A_3776 : vector<4x1x1xf32> to vector<4x512x128xf32>
    %sub3A_3782 = arith.subf %get3A_16, %sub3A_3781 : vector<4x512x128xf32>
    %mul3A_3783 = arith.mulf %sub3A_3778, %sub3A_3778 : vector<4x512x128xf32>
    %mul3A_3784 = arith.mulf %sub3A_3780, %sub3A_3780 : vector<4x512x128xf32>
    %add3A_3785 = arith.addf %mul3A_3783, %mul3A_3784 : vector<4x512x128xf32>
    %mul3A_3786 = arith.mulf %sub3A_3782, %sub3A_3782 : vector<4x512x128xf32>
    %add3A_3787 = arith.addf %add3A_3785, %mul3A_3786 : vector<4x512x128xf32>
    %min3A_3788 = arith.minimumf %min3A_3469, %add3A_3787 : vector<4x512x128xf32>
    %reduce_max3A_3789 = arith.constant dense<0xFF800000> : vector<4xf32>
    %reduce_max3A_3790 = vector.multi_reduction <maximumf>, %min3A_3788, %reduce_max3A_3789 [1, 2] : vector<4x512x128xf32> to vector<4xf32>
    %broadcast_in_dim3A_3791 = vector.shape_cast %reduce_max3A_3790 : vector<4xf32> to vector<4x1x1xf32>
    %eq3A_3792 = vector.broadcast %broadcast_in_dim3A_3791 : vector<4x1x1xf32> to vector<4x512x128xf32>
    %eq3A_3793 = arith.cmpf oeq, %min3A_3788, %eq3A_3792 : vector<4x512x128xf32>
    %jit3A_3794 = arith.constant 2147483647 : i32
    %broadcast_in_dim3A_3795 = vector.shape_cast %add3A : vector<512x128xi32> to vector<1x512x128xi32>
    %broadcast_in_dim3A_3796 = vector.broadcast %broadcast_in_dim3A_3795 : vector<1x512x128xi32> to vector<4x512x128xi32>
    %broadcast_in_dim3A_3797 = vector.broadcast %jit3A_3794 : i32 to vector<4x512x128xi32>
    %select_n3A_3798 = arith.select %eq3A_3793, %broadcast_in_dim3A_3796, %broadcast_in_dim3A_3797 : vector<4x512x128xi1>, vector<4x512x128xi32>
    %reduce_min3A_3799 = arith.constant dense<2147483647> : vector<4xi32>
    %reduce_min3A_3800 = vector.multi_reduction <minsi>, %select_n3A_3798, %reduce_min3A_3799 [1, 2] : vector<4x512x128xi32> to vector<4xi32>
    %slice3A_3801 = vector.extract_strided_slice %reduce_min3A_3800 {offsets = [0], sizes = [1], strides = [1]} : vector<4xi32> to vector<1xi32>
    %reshape3A_3802 = vector.shape_cast %slice3A_3801 : vector<1xi32> to vector<1x1xi32>
    %swap3A_3803 = arith.constant 0 : index
    %swap3A_3804 = arith.constant 12 : index
    %swap3A_3805 = vector.load %arg1[%swap3A_3803, %swap3A_3804] : memref<1x64xi32, #tpu.memory_space<vmem>>, vector<1x1xi32>
    tpu.vector_store %arg1[%swap3A_3803, %swap3A_3804], %reshape3A_3802 {strides = array<i32>} : memref<1x64xi32, #tpu.memory_space<vmem>>, vector<1x1xi32>,
    %slice3A_3806 = vector.extract_strided_slice %reduce_min3A_3800 {offsets = [0], sizes = [1], strides = [1]} : vector<4xi32> to vector<1xi32>
    %reduce_max3A_3807 = vector.shape_cast %slice3A_3806 : vector<1xi32> to vector<1x1xi32>
    %reduce_max3A_3808 = arith.constant dense<-2147483648> : vector<1xi32>
    %reduce_max3A_3809 = vector.multi_reduction <maxsi>, %reduce_max3A_3807, %reduce_max3A_3808 [1] : vector<1x1xi32> to vector<1xi32>
    %reduce_max3A_3810 = vector.shape_cast %reduce_max3A_3809 : vector<1xi32> to vector<1x1xi32>
    %reduce_max3A_3811 = vector.extract %reduce_max3A_3810[0, 0] : i32 from vector<1x1xi32>
    %slice3A_3812 = vector.extract_strided_slice %reduce_min3A_3800 {offsets = [1], sizes = [1], strides = [1]} : vector<4xi32> to vector<1xi32>
    %reshape3A_3813 = vector.shape_cast %slice3A_3812 : vector<1xi32> to vector<1x1xi32>
    %swap3A_3814 = arith.constant 0 : index
    %swap3A_3815 = arith.constant 28 : index
    %swap3A_3816 = vector.load %arg1[%swap3A_3814, %swap3A_3815] : memref<1x64xi32, #tpu.memory_space<vmem>>, vector<1x1xi32>
    tpu.vector_store %arg1[%swap3A_3814, %swap3A_3815], %reshape3A_3813 {strides = array<i32>} : memref<1x64xi32, #tpu.memory_space<vmem>>, vector<1x1xi32>,
    %slice3A_3817 = vector.extract_strided_slice %reduce_min3A_3800 {offsets = [1], sizes = [1], strides = [1]} : vector<4xi32> to vector<1xi32>
    %reduce_max3A_3818 = vector.shape_cast %slice3A_3817 : vector<1xi32> to vector<1x1xi32>
    %reduce_max3A_3819 = arith.constant dense<-2147483648> : vector<1xi32>
    %reduce_max3A_3820 = vector.multi_reduction <maxsi>, %reduce_max3A_3818, %reduce_max3A_3819 [1] : vector<1x1xi32> to vector<1xi32>
    %reduce_max3A_3821 = vector.shape_cast %reduce_max3A_3820 : vector<1xi32> to vector<1x1xi32>
    %reduce_max3A_3822 = vector.extract %reduce_max3A_3821[0, 0] : i32 from vector<1x1xi32>
    %slice3A_3823 = vector.extract_strided_slice %reduce_min3A_3800 {offsets = [2], sizes = [1], strides = [1]} : vector<4xi32> to vector<1xi32>
    %reshape3A_3824 = vector.shape_cast %slice3A_3823 : vector<1xi32> to vector<1x1xi32>
    %swap3A_3825 = arith.constant 0 : index
    %swap3A_3826 = arith.constant 44 : index
    %swap3A_3827 = vector.load %arg1[%swap3A_3825, %swap3A_3826] : memref<1x64xi32, #tpu.memory_space<vmem>>, vector<1x1xi32>
    tpu.vector_store %arg1[%swap3A_3825, %swap3A_3826], %reshape3A_3824 {strides = array<i32>} : memref<1x64xi32, #tpu.memory_space<vmem>>, vector<1x1xi32>,
    %slice3A_3828 = vector.extract_strided_slice %reduce_min3A_3800 {offsets = [2], sizes = [1], strides = [1]} : vector<4xi32> to vector<1xi32>
    %reduce_max3A_3829 = vector.shape_cast %slice3A_3828 : vector<1xi32> to vector<1x1xi32>
    %reduce_max3A_3830 = arith.constant dense<-2147483648> : vector<1xi32>
    %reduce_max3A_3831 = vector.multi_reduction <maxsi>, %reduce_max3A_3829, %reduce_max3A_3830 [1] : vector<1x1xi32> to vector<1xi32>
    %reduce_max3A_3832 = vector.shape_cast %reduce_max3A_3831 : vector<1xi32> to vector<1x1xi32>
    %reduce_max3A_3833 = vector.extract %reduce_max3A_3832[0, 0] : i32 from vector<1x1xi32>
    %slice3A_3834 = vector.extract_strided_slice %reduce_min3A_3800 {offsets = [3], sizes = [1], strides = [1]} : vector<4xi32> to vector<1xi32>
    %reshape3A_3835 = vector.shape_cast %slice3A_3834 : vector<1xi32> to vector<1x1xi32>
    %swap3A_3836 = arith.constant 0 : index
    %swap3A_3837 = arith.constant 60 : index
    %swap3A_3838 = vector.load %arg1[%swap3A_3836, %swap3A_3837] : memref<1x64xi32, #tpu.memory_space<vmem>>, vector<1x1xi32>
    tpu.vector_store %arg1[%swap3A_3836, %swap3A_3837], %reshape3A_3835 {strides = array<i32>} : memref<1x64xi32, #tpu.memory_space<vmem>>, vector<1x1xi32>,
    %slice3A_3839 = vector.extract_strided_slice %reduce_min3A_3800 {offsets = [3], sizes = [1], strides = [1]} : vector<4xi32> to vector<1xi32>
    %reduce_max3A_3840 = vector.shape_cast %slice3A_3839 : vector<1xi32> to vector<1x1xi32>
    %reduce_max3A_3841 = arith.constant dense<-2147483648> : vector<1xi32>
    %reduce_max3A_3842 = vector.multi_reduction <maxsi>, %reduce_max3A_3840, %reduce_max3A_3841 [1] : vector<1x1xi32> to vector<1xi32>
    %reduce_max3A_3843 = vector.shape_cast %reduce_max3A_3842 : vector<1xi32> to vector<1x1xi32>
    %reduce_max3A_3844 = vector.extract %reduce_max3A_3843[0, 0] : i32 from vector<1x1xi32>
    %jit3A_3845 = arith.constant 128 : i32
    %div3A_3846 = arith.divsi %reduce_max3A_3811, %jit3A_3845 : i32
    %sign3A_3847 = arith.constant 0 : i32
    %sign3A_3848 = arith.cmpi sgt, %reduce_max3A_3811, %sign3A_3847 : i32
    %sign3A_3849 = arith.extui %sign3A_3848 : i1 to i32
    %sign3A_3850 = arith.constant 0 : i32
    %sign3A_3851 = arith.cmpi slt, %reduce_max3A_3811, %sign3A_3850 : i32
    %sign3A_3852 = arith.extui %sign3A_3851 : i1 to i32
    %sign3A_3853 = arith.subi %sign3A_3849, %sign3A_3852 : i32
    %sign3A_3854 = arith.constant 0 : i32
    %sign3A_3855 = arith.cmpi sgt, %jit3A_3845, %sign3A_3854 : i32
    %sign3A_3856 = arith.extui %sign3A_3855 : i1 to i32
    %sign3A_3857 = arith.constant 0 : i32
    %sign3A_3858 = arith.cmpi slt, %jit3A_3845, %sign3A_3857 : i32
    %sign3A_3859 = arith.extui %sign3A_3858 : i1 to i32
    %sign3A_3860 = arith.subi %sign3A_3856, %sign3A_3859 : i32
    %ne3A_3861 = arith.cmpi ne, %sign3A_3853, %sign3A_3860 : i32
    %rem3A_3862 = arith.remsi %reduce_max3A_3811, %jit3A_3845 : i32
    %ne3A_3863 = arith.constant 0 : i32
    %ne3A_3864 = arith.cmpi ne, %rem3A_3862, %ne3A_3863 : i32
    %and3A_3865 = arith.andi %ne3A_3861, %ne3A_3864 : i1
    %sub3A_3866 = arith.constant 1 : i32
    %sub3A_3867 = arith.subi %div3A_3846, %sub3A_3866 : i32
    %select_n3A_3868 = arith.select %and3A_3865, %sub3A_3867, %div3A_3846 : i32
    %jit3A_3869 = arith.constant 128 : i32
    %eq3A_3870 = arith.constant 0 : i32
    %eq3A_3871 = arith.cmpi eq, %jit3A_3869, %eq3A_3870 : i32
    %jit3A_3872 = arith.constant 1 : i32
    %select_n3A_3873 = arith.select %eq3A_3871, %jit3A_3872, %jit3A_3869 : i32
    %rem3A_3874 = arith.remsi %reduce_max3A_3811, %select_n3A_3873 : i32
    %ne3A_3875 = arith.constant 0 : i32
    %ne3A_3876 = arith.cmpi ne, %rem3A_3874, %ne3A_3875 : i32
    %lt3A_3877 = arith.constant 0 : i32
    %lt3A_3878 = arith.cmpi slt, %rem3A_3874, %lt3A_3877 : i32
    %lt3A_3879 = arith.constant 0 : i32
    %lt3A_3880 = arith.cmpi slt, %select_n3A_3873, %lt3A_3879 : i32
    %ne3A_3881 = arith.xori %lt3A_3878, %lt3A_3880 : i1
    %and3A_3882 = arith.andi %ne3A_3881, %ne3A_3876 : i1
    %add3A_3883 = arith.addi %rem3A_3874, %select_n3A_3873 : i32
    %select_n3A_3884 = arith.select %and3A_3882, %add3A_3883, %rem3A_3874 : i32
    %get3A_3885 = arith.constant 0 : index
    %get3A_3886 = arith.constant 0 : index
    %get3A_3887 = arith.index_cast %select_n3A_3868 : i32 to index
    %get3A_3888 = arith.constant 0 : index
    %get3A_3889 = vector.load %arg0[%get3A_3885, %get3A_3886, %get3A_3887, %get3A_3888] : memref<4x3x512x128xf32, #tpu.memory_space<vmem>>, vector<1x3x1x128xf32>
    %get3A_3890 = vector.shape_cast %get3A_3889 : vector<1x3x1x128xf32> to vector<3x1x128xf32>
    %eq3A_3891 = vector.broadcast %select_n3A_3884 : i32 to vector<3x1x128xi32>
    %eq3A_3892 = arith.cmpi eq, %iota3A_20, %eq3A_3891 : vector<3x1x128xi32>
    %jit3A_3893 = arith.constant 0.000000e+00 : f32
    %broadcast_in_dim3A_3894 = vector.broadcast %jit3A_3893 : f32 to vector<3x1x128xf32>
    %select_n3A_3895 = arith.select %eq3A_3892, %get3A_3890, %broadcast_in_dim3A_3894 : vector<3x1x128xi1>, vector<3x1x128xf32>
    %reduce_sum3A_3896 = arith.constant dense<0.000000e+00> : vector<3x1xf32>
    %reduce_sum3A_3897 = vector.multi_reduction <add>, %select_n3A_3895, %reduce_sum3A_3896 [2] : vector<3x1x128xf32> to vector<3x1xf32>
    %broadcast_in_dim3A_3898 = vector.shape_cast %reduce_sum3A_3897 : vector<3x1xf32> to vector<3x1x1xf32>
    %jit3A_3899 = arith.constant 128 : i32
    %div3A_3900 = arith.divsi %reduce_max3A_3822, %jit3A_3899 : i32
    %sign3A_3901 = arith.constant 0 : i32
    %sign3A_3902 = arith.cmpi sgt, %reduce_max3A_3822, %sign3A_3901 : i32
    %sign3A_3903 = arith.extui %sign3A_3902 : i1 to i32
    %sign3A_3904 = arith.constant 0 : i32
    %sign3A_3905 = arith.cmpi slt, %reduce_max3A_3822, %sign3A_3904 : i32
    %sign3A_3906 = arith.extui %sign3A_3905 : i1 to i32
    %sign3A_3907 = arith.subi %sign3A_3903, %sign3A_3906 : i32
    %sign3A_3908 = arith.constant 0 : i32
    %sign3A_3909 = arith.cmpi sgt, %jit3A_3899, %sign3A_3908 : i32
    %sign3A_3910 = arith.extui %sign3A_3909 : i1 to i32
    %sign3A_3911 = arith.constant 0 : i32
    %sign3A_3912 = arith.cmpi slt, %jit3A_3899, %sign3A_3911 : i32
    %sign3A_3913 = arith.extui %sign3A_3912 : i1 to i32
    %sign3A_3914 = arith.subi %sign3A_3910, %sign3A_3913 : i32
    %ne3A_3915 = arith.cmpi ne, %sign3A_3907, %sign3A_3914 : i32
    %rem3A_3916 = arith.remsi %reduce_max3A_3822, %jit3A_3899 : i32
    %ne3A_3917 = arith.constant 0 : i32
    %ne3A_3918 = arith.cmpi ne, %rem3A_3916, %ne3A_3917 : i32
    %and3A_3919 = arith.andi %ne3A_3915, %ne3A_3918 : i1
    %sub3A_3920 = arith.constant 1 : i32
    %sub3A_3921 = arith.subi %div3A_3900, %sub3A_3920 : i32
    %select_n3A_3922 = arith.select %and3A_3919, %sub3A_3921, %div3A_3900 : i32
    %jit3A_3923 = arith.constant 128 : i32
    %eq3A_3924 = arith.constant 0 : i32
    %eq3A_3925 = arith.cmpi eq, %jit3A_3923, %eq3A_3924 : i32
    %jit3A_3926 = arith.constant 1 : i32
    %select_n3A_3927 = arith.select %eq3A_3925, %jit3A_3926, %jit3A_3923 : i32
    %rem3A_3928 = arith.remsi %reduce_max3A_3822, %select_n3A_3927 : i32
    %ne3A_3929 = arith.constant 0 : i32
    %ne3A_3930 = arith.cmpi ne, %rem3A_3928, %ne3A_3929 : i32
    %lt3A_3931 = arith.constant 0 : i32
    %lt3A_3932 = arith.cmpi slt, %rem3A_3928, %lt3A_3931 : i32
    %lt3A_3933 = arith.constant 0 : i32
    %lt3A_3934 = arith.cmpi slt, %select_n3A_3927, %lt3A_3933 : i32
    %ne3A_3935 = arith.xori %lt3A_3932, %lt3A_3934 : i1
    %and3A_3936 = arith.andi %ne3A_3935, %ne3A_3930 : i1
    %add3A_3937 = arith.addi %rem3A_3928, %select_n3A_3927 : i32
    %select_n3A_3938 = arith.select %and3A_3936, %add3A_3937, %rem3A_3928 : i32
    %get3A_3939 = arith.constant 1 : index
    %get3A_3940 = arith.constant 0 : index
    %get3A_3941 = arith.index_cast %select_n3A_3922 : i32 to index
    %get3A_3942 = arith.constant 0 : index
    %get3A_3943 = vector.load %arg0[%get3A_3939, %get3A_3940, %get3A_3941, %get3A_3942] : memref<4x3x512x128xf32, #tpu.memory_space<vmem>>, vector<1x3x1x128xf32>
    %get3A_3944 = vector.shape_cast %get3A_3943 : vector<1x3x1x128xf32> to vector<3x1x128xf32>
    %eq3A_3945 = vector.broadcast %select_n3A_3938 : i32 to vector<3x1x128xi32>
    %eq3A_3946 = arith.cmpi eq, %iota3A_20, %eq3A_3945 : vector<3x1x128xi32>
    %jit3A_3947 = arith.constant 0.000000e+00 : f32
    %broadcast_in_dim3A_3948 = vector.broadcast %jit3A_3947 : f32 to vector<3x1x128xf32>
    %select_n3A_3949 = arith.select %eq3A_3946, %get3A_3944, %broadcast_in_dim3A_3948 : vector<3x1x128xi1>, vector<3x1x128xf32>
    %reduce_sum3A_3950 = arith.constant dense<0.000000e+00> : vector<3x1xf32>
    %reduce_sum3A_3951 = vector.multi_reduction <add>, %select_n3A_3949, %reduce_sum3A_3950 [2] : vector<3x1x128xf32> to vector<3x1xf32>
    %broadcast_in_dim3A_3952 = vector.shape_cast %reduce_sum3A_3951 : vector<3x1xf32> to vector<3x1x1xf32>
    %jit3A_3953 = arith.constant 128 : i32
    %div3A_3954 = arith.divsi %reduce_max3A_3833, %jit3A_3953 : i32
    %sign3A_3955 = arith.constant 0 : i32
    %sign3A_3956 = arith.cmpi sgt, %reduce_max3A_3833, %sign3A_3955 : i32
    %sign3A_3957 = arith.extui %sign3A_3956 : i1 to i32
    %sign3A_3958 = arith.constant 0 : i32
    %sign3A_3959 = arith.cmpi slt, %reduce_max3A_3833, %sign3A_3958 : i32
    %sign3A_3960 = arith.extui %sign3A_3959 : i1 to i32
    %sign3A_3961 = arith.subi %sign3A_3957, %sign3A_3960 : i32
    %sign3A_3962 = arith.constant 0 : i32
    %sign3A_3963 = arith.cmpi sgt, %jit3A_3953, %sign3A_3962 : i32
    %sign3A_3964 = arith.extui %sign3A_3963 : i1 to i32
    %sign3A_3965 = arith.constant 0 : i32
    %sign3A_3966 = arith.cmpi slt, %jit3A_3953, %sign3A_3965 : i32
    %sign3A_3967 = arith.extui %sign3A_3966 : i1 to i32
    %sign3A_3968 = arith.subi %sign3A_3964, %sign3A_3967 : i32
    %ne3A_3969 = arith.cmpi ne, %sign3A_3961, %sign3A_3968 : i32
    %rem3A_3970 = arith.remsi %reduce_max3A_3833, %jit3A_3953 : i32
    %ne3A_3971 = arith.constant 0 : i32
    %ne3A_3972 = arith.cmpi ne, %rem3A_3970, %ne3A_3971 : i32
    %and3A_3973 = arith.andi %ne3A_3969, %ne3A_3972 : i1
    %sub3A_3974 = arith.constant 1 : i32
    %sub3A_3975 = arith.subi %div3A_3954, %sub3A_3974 : i32
    %select_n3A_3976 = arith.select %and3A_3973, %sub3A_3975, %div3A_3954 : i32
    %jit3A_3977 = arith.constant 128 : i32
    %eq3A_3978 = arith.constant 0 : i32
    %eq3A_3979 = arith.cmpi eq, %jit3A_3977, %eq3A_3978 : i32
    %jit3A_3980 = arith.constant 1 : i32
    %select_n3A_3981 = arith.select %eq3A_3979, %jit3A_3980, %jit3A_3977 : i32
    %rem3A_3982 = arith.remsi %reduce_max3A_3833, %select_n3A_3981 : i32
    %ne3A_3983 = arith.constant 0 : i32
    %ne3A_3984 = arith.cmpi ne, %rem3A_3982, %ne3A_3983 : i32
    %lt3A_3985 = arith.constant 0 : i32
    %lt3A_3986 = arith.cmpi slt, %rem3A_3982, %lt3A_3985 : i32
    %lt3A_3987 = arith.constant 0 : i32
    %lt3A_3988 = arith.cmpi slt, %select_n3A_3981, %lt3A_3987 : i32
    %ne3A_3989 = arith.xori %lt3A_3986, %lt3A_3988 : i1
    %and3A_3990 = arith.andi %ne3A_3989, %ne3A_3984 : i1
    %add3A_3991 = arith.addi %rem3A_3982, %select_n3A_3981 : i32
    %select_n3A_3992 = arith.select %and3A_3990, %add3A_3991, %rem3A_3982 : i32
    %get3A_3993 = arith.constant 2 : index
    %get3A_3994 = arith.constant 0 : index
    %get3A_3995 = arith.index_cast %select_n3A_3976 : i32 to index
    %get3A_3996 = arith.constant 0 : index
    %get3A_3997 = vector.load %arg0[%get3A_3993, %get3A_3994, %get3A_3995, %get3A_3996] : memref<4x3x512x128xf32, #tpu.memory_space<vmem>>, vector<1x3x1x128xf32>
    %get3A_3998 = vector.shape_cast %get3A_3997 : vector<1x3x1x128xf32> to vector<3x1x128xf32>
    %eq3A_3999 = vector.broadcast %select_n3A_3992 : i32 to vector<3x1x128xi32>
    %eq3A_4000 = arith.cmpi eq, %iota3A_20, %eq3A_3999 : vector<3x1x128xi32>
    %jit3A_4001 = arith.constant 0.000000e+00 : f32
    %broadcast_in_dim3A_4002 = vector.broadcast %jit3A_4001 : f32 to vector<3x1x128xf32>
    %select_n3A_4003 = arith.select %eq3A_4000, %get3A_3998, %broadcast_in_dim3A_4002 : vector<3x1x128xi1>, vector<3x1x128xf32>
    %reduce_sum3A_4004 = arith.constant dense<0.000000e+00> : vector<3x1xf32>
    %reduce_sum3A_4005 = vector.multi_reduction <add>, %select_n3A_4003, %reduce_sum3A_4004 [2] : vector<3x1x128xf32> to vector<3x1xf32>
    %broadcast_in_dim3A_4006 = vector.shape_cast %reduce_sum3A_4005 : vector<3x1xf32> to vector<3x1x1xf32>
    %jit3A_4007 = arith.constant 128 : i32
    %div3A_4008 = arith.divsi %reduce_max3A_3844, %jit3A_4007 : i32
    %sign3A_4009 = arith.constant 0 : i32
    %sign3A_4010 = arith.cmpi sgt, %reduce_max3A_3844, %sign3A_4009 : i32
    %sign3A_4011 = arith.extui %sign3A_4010 : i1 to i32
    %sign3A_4012 = arith.constant 0 : i32
    %sign3A_4013 = arith.cmpi slt, %reduce_max3A_3844, %sign3A_4012 : i32
    %sign3A_4014 = arith.extui %sign3A_4013 : i1 to i32
    %sign3A_4015 = arith.subi %sign3A_4011, %sign3A_4014 : i32
    %sign3A_4016 = arith.constant 0 : i32
    %sign3A_4017 = arith.cmpi sgt, %jit3A_4007, %sign3A_4016 : i32
    %sign3A_4018 = arith.extui %sign3A_4017 : i1 to i32
    %sign3A_4019 = arith.constant 0 : i32
    %sign3A_4020 = arith.cmpi slt, %jit3A_4007, %sign3A_4019 : i32
    %sign3A_4021 = arith.extui %sign3A_4020 : i1 to i32
    %sign3A_4022 = arith.subi %sign3A_4018, %sign3A_4021 : i32
    %ne3A_4023 = arith.cmpi ne, %sign3A_4015, %sign3A_4022 : i32
    %rem3A_4024 = arith.remsi %reduce_max3A_3844, %jit3A_4007 : i32
    %ne3A_4025 = arith.constant 0 : i32
    %ne3A_4026 = arith.cmpi ne, %rem3A_4024, %ne3A_4025 : i32
    %and3A_4027 = arith.andi %ne3A_4023, %ne3A_4026 : i1
    %sub3A_4028 = arith.constant 1 : i32
    %sub3A_4029 = arith.subi %div3A_4008, %sub3A_4028 : i32
    %select_n3A_4030 = arith.select %and3A_4027, %sub3A_4029, %div3A_4008 : i32
    %jit3A_4031 = arith.constant 128 : i32
    %eq3A_4032 = arith.constant 0 : i32
    %eq3A_4033 = arith.cmpi eq, %jit3A_4031, %eq3A_4032 : i32
    %jit3A_4034 = arith.constant 1 : i32
    %select_n3A_4035 = arith.select %eq3A_4033, %jit3A_4034, %jit3A_4031 : i32
    %rem3A_4036 = arith.remsi %reduce_max3A_3844, %select_n3A_4035 : i32
    %ne3A_4037 = arith.constant 0 : i32
    %ne3A_4038 = arith.cmpi ne, %rem3A_4036, %ne3A_4037 : i32
    %lt3A_4039 = arith.constant 0 : i32
    %lt3A_4040 = arith.cmpi slt, %rem3A_4036, %lt3A_4039 : i32
    %lt3A_4041 = arith.constant 0 : i32
    %lt3A_4042 = arith.cmpi slt, %select_n3A_4035, %lt3A_4041 : i32
    %ne3A_4043 = arith.xori %lt3A_4040, %lt3A_4042 : i1
    %and3A_4044 = arith.andi %ne3A_4043, %ne3A_4038 : i1
    %add3A_4045 = arith.addi %rem3A_4036, %select_n3A_4035 : i32
    %select_n3A_4046 = arith.select %and3A_4044, %add3A_4045, %rem3A_4036 : i32
    %get3A_4047 = arith.constant 3 : index
    %get3A_4048 = arith.constant 0 : index
    %get3A_4049 = arith.index_cast %select_n3A_4030 : i32 to index
    %get3A_4050 = arith.constant 0 : index
    %get3A_4051 = vector.load %arg0[%get3A_4047, %get3A_4048, %get3A_4049, %get3A_4050] : memref<4x3x512x128xf32, #tpu.memory_space<vmem>>, vector<1x3x1x128xf32>
    %get3A_4052 = vector.shape_cast %get3A_4051 : vector<1x3x1x128xf32> to vector<3x1x128xf32>
    %eq3A_4053 = vector.broadcast %select_n3A_4046 : i32 to vector<3x1x128xi32>
    %eq3A_4054 = arith.cmpi eq, %iota3A_20, %eq3A_4053 : vector<3x1x128xi32>
    %jit3A_4055 = arith.constant 0.000000e+00 : f32
    %broadcast_in_dim3A_4056 = vector.broadcast %jit3A_4055 : f32 to vector<3x1x128xf32>
    %select_n3A_4057 = arith.select %eq3A_4054, %get3A_4052, %broadcast_in_dim3A_4056 : vector<3x1x128xi1>, vector<3x1x128xf32>
    %reduce_sum3A_4058 = arith.constant dense<0.000000e+00> : vector<3x1xf32>
    %reduce_sum3A_4059 = vector.multi_reduction <add>, %select_n3A_4057, %reduce_sum3A_4058 [2] : vector<3x1x128xf32> to vector<3x1xf32>
    %broadcast_in_dim3A_4060 = vector.shape_cast %reduce_sum3A_4059 : vector<3x1xf32> to vector<3x1x1xf32>
    %reshape3A_4061 = vector.shape_cast %broadcast_in_dim3A_3898 : vector<3x1x1xf32> to vector<1x1x3xf32>
    %swap3A_4062 = arith.constant 0 : index
    %swap3A_4063 = arith.constant 12 : index
    %swap3A_4064 = arith.constant 0 : index
    %swap3A_4065 = vector.load %arg2[%swap3A_4062, %swap3A_4063, %swap3A_4064] : memref<4x16x3xf32, #tpu.memory_space<vmem>>, vector<1x1x3xf32>
    tpu.vector_store %arg2[%swap3A_4062, %swap3A_4063, %swap3A_4064], %reshape3A_4061 {strides = array<i32>} : memref<4x16x3xf32, #tpu.memory_space<vmem>>, vector<1x1x3xf32>,
    %reshape3A_4066 = vector.shape_cast %broadcast_in_dim3A_3952 : vector<3x1x1xf32> to vector<1x1x3xf32>
    %swap3A_4067 = arith.constant 1 : index
    %swap3A_4068 = arith.constant 12 : index
    %swap3A_4069 = arith.constant 0 : index
    %swap3A_4070 = vector.load %arg2[%swap3A_4067, %swap3A_4068, %swap3A_4069] : memref<4x16x3xf32, #tpu.memory_space<vmem>>, vector<1x1x3xf32>
    tpu.vector_store %arg2[%swap3A_4067, %swap3A_4068, %swap3A_4069], %reshape3A_4066 {strides = array<i32>} : memref<4x16x3xf32, #tpu.memory_space<vmem>>, vector<1x1x3xf32>,
    %reshape3A_4071 = vector.shape_cast %broadcast_in_dim3A_4006 : vector<3x1x1xf32> to vector<1x1x3xf32>
    %swap3A_4072 = arith.constant 2 : index
    %swap3A_4073 = arith.constant 12 : index
    %swap3A_4074 = arith.constant 0 : index
    %swap3A_4075 = vector.load %arg2[%swap3A_4072, %swap3A_4073, %swap3A_4074] : memref<4x16x3xf32, #tpu.memory_space<vmem>>, vector<1x1x3xf32>
    tpu.vector_store %arg2[%swap3A_4072, %swap3A_4073, %swap3A_4074], %reshape3A_4071 {strides = array<i32>} : memref<4x16x3xf32, #tpu.memory_space<vmem>>, vector<1x1x3xf32>,
    %reshape3A_4076 = vector.shape_cast %broadcast_in_dim3A_4060 : vector<3x1x1xf32> to vector<1x1x3xf32>
    %swap3A_4077 = arith.constant 3 : index
    %swap3A_4078 = arith.constant 12 : index
    %swap3A_4079 = arith.constant 0 : index
    %swap3A_4080 = vector.load %arg2[%swap3A_4077, %swap3A_4078, %swap3A_4079] : memref<4x16x3xf32, #tpu.memory_space<vmem>>, vector<1x1x3xf32>
    tpu.vector_store %arg2[%swap3A_4077, %swap3A_4078, %swap3A_4079], %reshape3A_4076 {strides = array<i32>} : memref<4x16x3xf32, #tpu.memory_space<vmem>>, vector<1x1x3xf32>,
    %slice3A_4081 = vector.extract_strided_slice %broadcast_in_dim3A_3898 {offsets = [0, 0, 0], sizes = [1, 1, 1], strides = [1, 1, 1]} : vector<3x1x1xf32> to vector<1x1x1xf32>
    %slice3A_4082 = vector.extract_strided_slice %broadcast_in_dim3A_3952 {offsets = [0, 0, 0], sizes = [1, 1, 1], strides = [1, 1, 1]} : vector<3x1x1xf32> to vector<1x1x1xf32>
    %slice3A_4083 = vector.extract_strided_slice %broadcast_in_dim3A_4006 {offsets = [0, 0, 0], sizes = [1, 1, 1], strides = [1, 1, 1]} : vector<3x1x1xf32> to vector<1x1x1xf32>
    %slice3A_4084 = vector.extract_strided_slice %broadcast_in_dim3A_4060 {offsets = [0, 0, 0], sizes = [1, 1, 1], strides = [1, 1, 1]} : vector<3x1x1xf32> to vector<1x1x1xf32>
    %concatenate3A_4085 = tpu.concatenate %slice3A_4081, %slice3A_4082, %slice3A_4083, %slice3A_4084 in 0 : vector<1x1x1xf32>, vector<1x1x1xf32>, vector<1x1x1xf32>, vector<1x1x1xf32> -> vector<4x1x1xf32>
    %slice3A_4086 = vector.extract_strided_slice %broadcast_in_dim3A_3898 {offsets = [1, 0, 0], sizes = [1, 1, 1], strides = [1, 1, 1]} : vector<3x1x1xf32> to vector<1x1x1xf32>
    %slice3A_4087 = vector.extract_strided_slice %broadcast_in_dim3A_3952 {offsets = [1, 0, 0], sizes = [1, 1, 1], strides = [1, 1, 1]} : vector<3x1x1xf32> to vector<1x1x1xf32>
    %slice3A_4088 = vector.extract_strided_slice %broadcast_in_dim3A_4006 {offsets = [1, 0, 0], sizes = [1, 1, 1], strides = [1, 1, 1]} : vector<3x1x1xf32> to vector<1x1x1xf32>
    %slice3A_4089 = vector.extract_strided_slice %broadcast_in_dim3A_4060 {offsets = [1, 0, 0], sizes = [1, 1, 1], strides = [1, 1, 1]} : vector<3x1x1xf32> to vector<1x1x1xf32>
    %concatenate3A_4090 = tpu.concatenate %slice3A_4086, %slice3A_4087, %slice3A_4088, %slice3A_4089 in 0 : vector<1x1x1xf32>, vector<1x1x1xf32>, vector<1x1x1xf32>, vector<1x1x1xf32> -> vector<4x1x1xf32>
    %slice3A_4091 = vector.extract_strided_slice %broadcast_in_dim3A_3898 {offsets = [2, 0, 0], sizes = [1, 1, 1], strides = [1, 1, 1]} : vector<3x1x1xf32> to vector<1x1x1xf32>
    %slice3A_4092 = vector.extract_strided_slice %broadcast_in_dim3A_3952 {offsets = [2, 0, 0], sizes = [1, 1, 1], strides = [1, 1, 1]} : vector<3x1x1xf32> to vector<1x1x1xf32>
    %slice3A_4093 = vector.extract_strided_slice %broadcast_in_dim3A_4006 {offsets = [2, 0, 0], sizes = [1, 1, 1], strides = [1, 1, 1]} : vector<3x1x1xf32> to vector<1x1x1xf32>
    %slice3A_4094 = vector.extract_strided_slice %broadcast_in_dim3A_4060 {offsets = [2, 0, 0], sizes = [1, 1, 1], strides = [1, 1, 1]} : vector<3x1x1xf32> to vector<1x1x1xf32>
    %concatenate3A_4095 = tpu.concatenate %slice3A_4091, %slice3A_4092, %slice3A_4093, %slice3A_4094 in 0 : vector<1x1x1xf32>, vector<1x1x1xf32>, vector<1x1x1xf32>, vector<1x1x1xf32> -> vector<4x1x1xf32>
    %sub3A_4096 = vector.broadcast %concatenate3A_4085 : vector<4x1x1xf32> to vector<4x512x128xf32>
    %sub3A_4097 = arith.subf %get3A_4, %sub3A_4096 : vector<4x512x128xf32>
    %sub3A_4098 = vector.broadcast %concatenate3A_4090 : vector<4x1x1xf32> to vector<4x512x128xf32>
    %sub3A_4099 = arith.subf %get3A_10, %sub3A_4098 : vector<4x512x128xf32>
    %sub3A_4100 = vector.broadcast %concatenate3A_4095 : vector<4x1x1xf32> to vector<4x512x128xf32>
    %sub3A_4101 = arith.subf %get3A_16, %sub3A_4100 : vector<4x512x128xf32>
    %mul3A_4102 = arith.mulf %sub3A_4097, %sub3A_4097 : vector<4x512x128xf32>
    %mul3A_4103 = arith.mulf %sub3A_4099, %sub3A_4099 : vector<4x512x128xf32>
    %add3A_4104 = arith.addf %mul3A_4102, %mul3A_4103 : vector<4x512x128xf32>
    %mul3A_4105 = arith.mulf %sub3A_4101, %sub3A_4101 : vector<4x512x128xf32>
    %add3A_4106 = arith.addf %add3A_4104, %mul3A_4105 : vector<4x512x128xf32>
    %min3A_4107 = arith.minimumf %min3A_3788, %add3A_4106 : vector<4x512x128xf32>
    %reduce_max3A_4108 = arith.constant dense<0xFF800000> : vector<4xf32>
    %reduce_max3A_4109 = vector.multi_reduction <maximumf>, %min3A_4107, %reduce_max3A_4108 [1, 2] : vector<4x512x128xf32> to vector<4xf32>
    %broadcast_in_dim3A_4110 = vector.shape_cast %reduce_max3A_4109 : vector<4xf32> to vector<4x1x1xf32>
    %eq3A_4111 = vector.broadcast %broadcast_in_dim3A_4110 : vector<4x1x1xf32> to vector<4x512x128xf32>
    %eq3A_4112 = arith.cmpf oeq, %min3A_4107, %eq3A_4111 : vector<4x512x128xf32>
    %jit3A_4113 = arith.constant 2147483647 : i32
    %broadcast_in_dim3A_4114 = vector.shape_cast %add3A : vector<512x128xi32> to vector<1x512x128xi32>
    %broadcast_in_dim3A_4115 = vector.broadcast %broadcast_in_dim3A_4114 : vector<1x512x128xi32> to vector<4x512x128xi32>
    %broadcast_in_dim3A_4116 = vector.broadcast %jit3A_4113 : i32 to vector<4x512x128xi32>
    %select_n3A_4117 = arith.select %eq3A_4112, %broadcast_in_dim3A_4115, %broadcast_in_dim3A_4116 : vector<4x512x128xi1>, vector<4x512x128xi32>
    %reduce_min3A_4118 = arith.constant dense<2147483647> : vector<4xi32>
    %reduce_min3A_4119 = vector.multi_reduction <minsi>, %select_n3A_4117, %reduce_min3A_4118 [1, 2] : vector<4x512x128xi32> to vector<4xi32>
    %slice3A_4120 = vector.extract_strided_slice %reduce_min3A_4119 {offsets = [0], sizes = [1], strides = [1]} : vector<4xi32> to vector<1xi32>
    %reshape3A_4121 = vector.shape_cast %slice3A_4120 : vector<1xi32> to vector<1x1xi32>
    %swap3A_4122 = arith.constant 0 : index
    %swap3A_4123 = arith.constant 13 : index
    %swap3A_4124 = vector.load %arg1[%swap3A_4122, %swap3A_4123] : memref<1x64xi32, #tpu.memory_space<vmem>>, vector<1x1xi32>
    tpu.vector_store %arg1[%swap3A_4122, %swap3A_4123], %reshape3A_4121 {strides = array<i32>} : memref<1x64xi32, #tpu.memory_space<vmem>>, vector<1x1xi32>,
    %slice3A_4125 = vector.extract_strided_slice %reduce_min3A_4119 {offsets = [0], sizes = [1], strides = [1]} : vector<4xi32> to vector<1xi32>
    %reduce_max3A_4126 = vector.shape_cast %slice3A_4125 : vector<1xi32> to vector<1x1xi32>
    %reduce_max3A_4127 = arith.constant dense<-2147483648> : vector<1xi32>
    %reduce_max3A_4128 = vector.multi_reduction <maxsi>, %reduce_max3A_4126, %reduce_max3A_4127 [1] : vector<1x1xi32> to vector<1xi32>
    %reduce_max3A_4129 = vector.shape_cast %reduce_max3A_4128 : vector<1xi32> to vector<1x1xi32>
    %reduce_max3A_4130 = vector.extract %reduce_max3A_4129[0, 0] : i32 from vector<1x1xi32>
    %slice3A_4131 = vector.extract_strided_slice %reduce_min3A_4119 {offsets = [1], sizes = [1], strides = [1]} : vector<4xi32> to vector<1xi32>
    %reshape3A_4132 = vector.shape_cast %slice3A_4131 : vector<1xi32> to vector<1x1xi32>
    %swap3A_4133 = arith.constant 0 : index
    %swap3A_4134 = arith.constant 29 : index
    %swap3A_4135 = vector.load %arg1[%swap3A_4133, %swap3A_4134] : memref<1x64xi32, #tpu.memory_space<vmem>>, vector<1x1xi32>
    tpu.vector_store %arg1[%swap3A_4133, %swap3A_4134], %reshape3A_4132 {strides = array<i32>} : memref<1x64xi32, #tpu.memory_space<vmem>>, vector<1x1xi32>,
    %slice3A_4136 = vector.extract_strided_slice %reduce_min3A_4119 {offsets = [1], sizes = [1], strides = [1]} : vector<4xi32> to vector<1xi32>
    %reduce_max3A_4137 = vector.shape_cast %slice3A_4136 : vector<1xi32> to vector<1x1xi32>
    %reduce_max3A_4138 = arith.constant dense<-2147483648> : vector<1xi32>
    %reduce_max3A_4139 = vector.multi_reduction <maxsi>, %reduce_max3A_4137, %reduce_max3A_4138 [1] : vector<1x1xi32> to vector<1xi32>
    %reduce_max3A_4140 = vector.shape_cast %reduce_max3A_4139 : vector<1xi32> to vector<1x1xi32>
    %reduce_max3A_4141 = vector.extract %reduce_max3A_4140[0, 0] : i32 from vector<1x1xi32>
    %slice3A_4142 = vector.extract_strided_slice %reduce_min3A_4119 {offsets = [2], sizes = [1], strides = [1]} : vector<4xi32> to vector<1xi32>
    %reshape3A_4143 = vector.shape_cast %slice3A_4142 : vector<1xi32> to vector<1x1xi32>
    %swap3A_4144 = arith.constant 0 : index
    %swap3A_4145 = arith.constant 45 : index
    %swap3A_4146 = vector.load %arg1[%swap3A_4144, %swap3A_4145] : memref<1x64xi32, #tpu.memory_space<vmem>>, vector<1x1xi32>
    tpu.vector_store %arg1[%swap3A_4144, %swap3A_4145], %reshape3A_4143 {strides = array<i32>} : memref<1x64xi32, #tpu.memory_space<vmem>>, vector<1x1xi32>,
    %slice3A_4147 = vector.extract_strided_slice %reduce_min3A_4119 {offsets = [2], sizes = [1], strides = [1]} : vector<4xi32> to vector<1xi32>
    %reduce_max3A_4148 = vector.shape_cast %slice3A_4147 : vector<1xi32> to vector<1x1xi32>
    %reduce_max3A_4149 = arith.constant dense<-2147483648> : vector<1xi32>
    %reduce_max3A_4150 = vector.multi_reduction <maxsi>, %reduce_max3A_4148, %reduce_max3A_4149 [1] : vector<1x1xi32> to vector<1xi32>
    %reduce_max3A_4151 = vector.shape_cast %reduce_max3A_4150 : vector<1xi32> to vector<1x1xi32>
    %reduce_max3A_4152 = vector.extract %reduce_max3A_4151[0, 0] : i32 from vector<1x1xi32>
    %slice3A_4153 = vector.extract_strided_slice %reduce_min3A_4119 {offsets = [3], sizes = [1], strides = [1]} : vector<4xi32> to vector<1xi32>
    %reshape3A_4154 = vector.shape_cast %slice3A_4153 : vector<1xi32> to vector<1x1xi32>
    %swap3A_4155 = arith.constant 0 : index
    %swap3A_4156 = arith.constant 61 : index
    %swap3A_4157 = vector.load %arg1[%swap3A_4155, %swap3A_4156] : memref<1x64xi32, #tpu.memory_space<vmem>>, vector<1x1xi32>
    tpu.vector_store %arg1[%swap3A_4155, %swap3A_4156], %reshape3A_4154 {strides = array<i32>} : memref<1x64xi32, #tpu.memory_space<vmem>>, vector<1x1xi32>,
    %slice3A_4158 = vector.extract_strided_slice %reduce_min3A_4119 {offsets = [3], sizes = [1], strides = [1]} : vector<4xi32> to vector<1xi32>
    %reduce_max3A_4159 = vector.shape_cast %slice3A_4158 : vector<1xi32> to vector<1x1xi32>
    %reduce_max3A_4160 = arith.constant dense<-2147483648> : vector<1xi32>
    %reduce_max3A_4161 = vector.multi_reduction <maxsi>, %reduce_max3A_4159, %reduce_max3A_4160 [1] : vector<1x1xi32> to vector<1xi32>
    %reduce_max3A_4162 = vector.shape_cast %reduce_max3A_4161 : vector<1xi32> to vector<1x1xi32>
    %reduce_max3A_4163 = vector.extract %reduce_max3A_4162[0, 0] : i32 from vector<1x1xi32>
    %jit3A_4164 = arith.constant 128 : i32
    %div3A_4165 = arith.divsi %reduce_max3A_4130, %jit3A_4164 : i32
    %sign3A_4166 = arith.constant 0 : i32
    %sign3A_4167 = arith.cmpi sgt, %reduce_max3A_4130, %sign3A_4166 : i32
    %sign3A_4168 = arith.extui %sign3A_4167 : i1 to i32
    %sign3A_4169 = arith.constant 0 : i32
    %sign3A_4170 = arith.cmpi slt, %reduce_max3A_4130, %sign3A_4169 : i32
    %sign3A_4171 = arith.extui %sign3A_4170 : i1 to i32
    %sign3A_4172 = arith.subi %sign3A_4168, %sign3A_4171 : i32
    %sign3A_4173 = arith.constant 0 : i32
    %sign3A_4174 = arith.cmpi sgt, %jit3A_4164, %sign3A_4173 : i32
    %sign3A_4175 = arith.extui %sign3A_4174 : i1 to i32
    %sign3A_4176 = arith.constant 0 : i32
    %sign3A_4177 = arith.cmpi slt, %jit3A_4164, %sign3A_4176 : i32
    %sign3A_4178 = arith.extui %sign3A_4177 : i1 to i32
    %sign3A_4179 = arith.subi %sign3A_4175, %sign3A_4178 : i32
    %ne3A_4180 = arith.cmpi ne, %sign3A_4172, %sign3A_4179 : i32
    %rem3A_4181 = arith.remsi %reduce_max3A_4130, %jit3A_4164 : i32
    %ne3A_4182 = arith.constant 0 : i32
    %ne3A_4183 = arith.cmpi ne, %rem3A_4181, %ne3A_4182 : i32
    %and3A_4184 = arith.andi %ne3A_4180, %ne3A_4183 : i1
    %sub3A_4185 = arith.constant 1 : i32
    %sub3A_4186 = arith.subi %div3A_4165, %sub3A_4185 : i32
    %select_n3A_4187 = arith.select %and3A_4184, %sub3A_4186, %div3A_4165 : i32
    %jit3A_4188 = arith.constant 128 : i32
    %eq3A_4189 = arith.constant 0 : i32
    %eq3A_4190 = arith.cmpi eq, %jit3A_4188, %eq3A_4189 : i32
    %jit3A_4191 = arith.constant 1 : i32
    %select_n3A_4192 = arith.select %eq3A_4190, %jit3A_4191, %jit3A_4188 : i32
    %rem3A_4193 = arith.remsi %reduce_max3A_4130, %select_n3A_4192 : i32
    %ne3A_4194 = arith.constant 0 : i32
    %ne3A_4195 = arith.cmpi ne, %rem3A_4193, %ne3A_4194 : i32
    %lt3A_4196 = arith.constant 0 : i32
    %lt3A_4197 = arith.cmpi slt, %rem3A_4193, %lt3A_4196 : i32
    %lt3A_4198 = arith.constant 0 : i32
    %lt3A_4199 = arith.cmpi slt, %select_n3A_4192, %lt3A_4198 : i32
    %ne3A_4200 = arith.xori %lt3A_4197, %lt3A_4199 : i1
    %and3A_4201 = arith.andi %ne3A_4200, %ne3A_4195 : i1
    %add3A_4202 = arith.addi %rem3A_4193, %select_n3A_4192 : i32
    %select_n3A_4203 = arith.select %and3A_4201, %add3A_4202, %rem3A_4193 : i32
    %get3A_4204 = arith.constant 0 : index
    %get3A_4205 = arith.constant 0 : index
    %get3A_4206 = arith.index_cast %select_n3A_4187 : i32 to index
    %get3A_4207 = arith.constant 0 : index
    %get3A_4208 = vector.load %arg0[%get3A_4204, %get3A_4205, %get3A_4206, %get3A_4207] : memref<4x3x512x128xf32, #tpu.memory_space<vmem>>, vector<1x3x1x128xf32>
    %get3A_4209 = vector.shape_cast %get3A_4208 : vector<1x3x1x128xf32> to vector<3x1x128xf32>
    %eq3A_4210 = vector.broadcast %select_n3A_4203 : i32 to vector<3x1x128xi32>
    %eq3A_4211 = arith.cmpi eq, %iota3A_20, %eq3A_4210 : vector<3x1x128xi32>
    %jit3A_4212 = arith.constant 0.000000e+00 : f32
    %broadcast_in_dim3A_4213 = vector.broadcast %jit3A_4212 : f32 to vector<3x1x128xf32>
    %select_n3A_4214 = arith.select %eq3A_4211, %get3A_4209, %broadcast_in_dim3A_4213 : vector<3x1x128xi1>, vector<3x1x128xf32>
    %reduce_sum3A_4215 = arith.constant dense<0.000000e+00> : vector<3x1xf32>
    %reduce_sum3A_4216 = vector.multi_reduction <add>, %select_n3A_4214, %reduce_sum3A_4215 [2] : vector<3x1x128xf32> to vector<3x1xf32>
    %broadcast_in_dim3A_4217 = vector.shape_cast %reduce_sum3A_4216 : vector<3x1xf32> to vector<3x1x1xf32>
    %jit3A_4218 = arith.constant 128 : i32
    %div3A_4219 = arith.divsi %reduce_max3A_4141, %jit3A_4218 : i32
    %sign3A_4220 = arith.constant 0 : i32
    %sign3A_4221 = arith.cmpi sgt, %reduce_max3A_4141, %sign3A_4220 : i32
    %sign3A_4222 = arith.extui %sign3A_4221 : i1 to i32
    %sign3A_4223 = arith.constant 0 : i32
    %sign3A_4224 = arith.cmpi slt, %reduce_max3A_4141, %sign3A_4223 : i32
    %sign3A_4225 = arith.extui %sign3A_4224 : i1 to i32
    %sign3A_4226 = arith.subi %sign3A_4222, %sign3A_4225 : i32
    %sign3A_4227 = arith.constant 0 : i32
    %sign3A_4228 = arith.cmpi sgt, %jit3A_4218, %sign3A_4227 : i32
    %sign3A_4229 = arith.extui %sign3A_4228 : i1 to i32
    %sign3A_4230 = arith.constant 0 : i32
    %sign3A_4231 = arith.cmpi slt, %jit3A_4218, %sign3A_4230 : i32
    %sign3A_4232 = arith.extui %sign3A_4231 : i1 to i32
    %sign3A_4233 = arith.subi %sign3A_4229, %sign3A_4232 : i32
    %ne3A_4234 = arith.cmpi ne, %sign3A_4226, %sign3A_4233 : i32
    %rem3A_4235 = arith.remsi %reduce_max3A_4141, %jit3A_4218 : i32
    %ne3A_4236 = arith.constant 0 : i32
    %ne3A_4237 = arith.cmpi ne, %rem3A_4235, %ne3A_4236 : i32
    %and3A_4238 = arith.andi %ne3A_4234, %ne3A_4237 : i1
    %sub3A_4239 = arith.constant 1 : i32
    %sub3A_4240 = arith.subi %div3A_4219, %sub3A_4239 : i32
    %select_n3A_4241 = arith.select %and3A_4238, %sub3A_4240, %div3A_4219 : i32
    %jit3A_4242 = arith.constant 128 : i32
    %eq3A_4243 = arith.constant 0 : i32
    %eq3A_4244 = arith.cmpi eq, %jit3A_4242, %eq3A_4243 : i32
    %jit3A_4245 = arith.constant 1 : i32
    %select_n3A_4246 = arith.select %eq3A_4244, %jit3A_4245, %jit3A_4242 : i32
    %rem3A_4247 = arith.remsi %reduce_max3A_4141, %select_n3A_4246 : i32
    %ne3A_4248 = arith.constant 0 : i32
    %ne3A_4249 = arith.cmpi ne, %rem3A_4247, %ne3A_4248 : i32
    %lt3A_4250 = arith.constant 0 : i32
    %lt3A_4251 = arith.cmpi slt, %rem3A_4247, %lt3A_4250 : i32
    %lt3A_4252 = arith.constant 0 : i32
    %lt3A_4253 = arith.cmpi slt, %select_n3A_4246, %lt3A_4252 : i32
    %ne3A_4254 = arith.xori %lt3A_4251, %lt3A_4253 : i1
    %and3A_4255 = arith.andi %ne3A_4254, %ne3A_4249 : i1
    %add3A_4256 = arith.addi %rem3A_4247, %select_n3A_4246 : i32
    %select_n3A_4257 = arith.select %and3A_4255, %add3A_4256, %rem3A_4247 : i32
    %get3A_4258 = arith.constant 1 : index
    %get3A_4259 = arith.constant 0 : index
    %get3A_4260 = arith.index_cast %select_n3A_4241 : i32 to index
    %get3A_4261 = arith.constant 0 : index
    %get3A_4262 = vector.load %arg0[%get3A_4258, %get3A_4259, %get3A_4260, %get3A_4261] : memref<4x3x512x128xf32, #tpu.memory_space<vmem>>, vector<1x3x1x128xf32>
    %get3A_4263 = vector.shape_cast %get3A_4262 : vector<1x3x1x128xf32> to vector<3x1x128xf32>
    %eq3A_4264 = vector.broadcast %select_n3A_4257 : i32 to vector<3x1x128xi32>
    %eq3A_4265 = arith.cmpi eq, %iota3A_20, %eq3A_4264 : vector<3x1x128xi32>
    %jit3A_4266 = arith.constant 0.000000e+00 : f32
    %broadcast_in_dim3A_4267 = vector.broadcast %jit3A_4266 : f32 to vector<3x1x128xf32>
    %select_n3A_4268 = arith.select %eq3A_4265, %get3A_4263, %broadcast_in_dim3A_4267 : vector<3x1x128xi1>, vector<3x1x128xf32>
    %reduce_sum3A_4269 = arith.constant dense<0.000000e+00> : vector<3x1xf32>
    %reduce_sum3A_4270 = vector.multi_reduction <add>, %select_n3A_4268, %reduce_sum3A_4269 [2] : vector<3x1x128xf32> to vector<3x1xf32>
    %broadcast_in_dim3A_4271 = vector.shape_cast %reduce_sum3A_4270 : vector<3x1xf32> to vector<3x1x1xf32>
    %jit3A_4272 = arith.constant 128 : i32
    %div3A_4273 = arith.divsi %reduce_max3A_4152, %jit3A_4272 : i32
    %sign3A_4274 = arith.constant 0 : i32
    %sign3A_4275 = arith.cmpi sgt, %reduce_max3A_4152, %sign3A_4274 : i32
    %sign3A_4276 = arith.extui %sign3A_4275 : i1 to i32
    %sign3A_4277 = arith.constant 0 : i32
    %sign3A_4278 = arith.cmpi slt, %reduce_max3A_4152, %sign3A_4277 : i32
    %sign3A_4279 = arith.extui %sign3A_4278 : i1 to i32
    %sign3A_4280 = arith.subi %sign3A_4276, %sign3A_4279 : i32
    %sign3A_4281 = arith.constant 0 : i32
    %sign3A_4282 = arith.cmpi sgt, %jit3A_4272, %sign3A_4281 : i32
    %sign3A_4283 = arith.extui %sign3A_4282 : i1 to i32
    %sign3A_4284 = arith.constant 0 : i32
    %sign3A_4285 = arith.cmpi slt, %jit3A_4272, %sign3A_4284 : i32
    %sign3A_4286 = arith.extui %sign3A_4285 : i1 to i32
    %sign3A_4287 = arith.subi %sign3A_4283, %sign3A_4286 : i32
    %ne3A_4288 = arith.cmpi ne, %sign3A_4280, %sign3A_4287 : i32
    %rem3A_4289 = arith.remsi %reduce_max3A_4152, %jit3A_4272 : i32
    %ne3A_4290 = arith.constant 0 : i32
    %ne3A_4291 = arith.cmpi ne, %rem3A_4289, %ne3A_4290 : i32
    %and3A_4292 = arith.andi %ne3A_4288, %ne3A_4291 : i1
    %sub3A_4293 = arith.constant 1 : i32
    %sub3A_4294 = arith.subi %div3A_4273, %sub3A_4293 : i32
    %select_n3A_4295 = arith.select %and3A_4292, %sub3A_4294, %div3A_4273 : i32
    %jit3A_4296 = arith.constant 128 : i32
    %eq3A_4297 = arith.constant 0 : i32
    %eq3A_4298 = arith.cmpi eq, %jit3A_4296, %eq3A_4297 : i32
    %jit3A_4299 = arith.constant 1 : i32
    %select_n3A_4300 = arith.select %eq3A_4298, %jit3A_4299, %jit3A_4296 : i32
    %rem3A_4301 = arith.remsi %reduce_max3A_4152, %select_n3A_4300 : i32
    %ne3A_4302 = arith.constant 0 : i32
    %ne3A_4303 = arith.cmpi ne, %rem3A_4301, %ne3A_4302 : i32
    %lt3A_4304 = arith.constant 0 : i32
    %lt3A_4305 = arith.cmpi slt, %rem3A_4301, %lt3A_4304 : i32
    %lt3A_4306 = arith.constant 0 : i32
    %lt3A_4307 = arith.cmpi slt, %select_n3A_4300, %lt3A_4306 : i32
    %ne3A_4308 = arith.xori %lt3A_4305, %lt3A_4307 : i1
    %and3A_4309 = arith.andi %ne3A_4308, %ne3A_4303 : i1
    %add3A_4310 = arith.addi %rem3A_4301, %select_n3A_4300 : i32
    %select_n3A_4311 = arith.select %and3A_4309, %add3A_4310, %rem3A_4301 : i32
    %get3A_4312 = arith.constant 2 : index
    %get3A_4313 = arith.constant 0 : index
    %get3A_4314 = arith.index_cast %select_n3A_4295 : i32 to index
    %get3A_4315 = arith.constant 0 : index
    %get3A_4316 = vector.load %arg0[%get3A_4312, %get3A_4313, %get3A_4314, %get3A_4315] : memref<4x3x512x128xf32, #tpu.memory_space<vmem>>, vector<1x3x1x128xf32>
    %get3A_4317 = vector.shape_cast %get3A_4316 : vector<1x3x1x128xf32> to vector<3x1x128xf32>
    %eq3A_4318 = vector.broadcast %select_n3A_4311 : i32 to vector<3x1x128xi32>
    %eq3A_4319 = arith.cmpi eq, %iota3A_20, %eq3A_4318 : vector<3x1x128xi32>
    %jit3A_4320 = arith.constant 0.000000e+00 : f32
    %broadcast_in_dim3A_4321 = vector.broadcast %jit3A_4320 : f32 to vector<3x1x128xf32>
    %select_n3A_4322 = arith.select %eq3A_4319, %get3A_4317, %broadcast_in_dim3A_4321 : vector<3x1x128xi1>, vector<3x1x128xf32>
    %reduce_sum3A_4323 = arith.constant dense<0.000000e+00> : vector<3x1xf32>
    %reduce_sum3A_4324 = vector.multi_reduction <add>, %select_n3A_4322, %reduce_sum3A_4323 [2] : vector<3x1x128xf32> to vector<3x1xf32>
    %broadcast_in_dim3A_4325 = vector.shape_cast %reduce_sum3A_4324 : vector<3x1xf32> to vector<3x1x1xf32>
    %jit3A_4326 = arith.constant 128 : i32
    %div3A_4327 = arith.divsi %reduce_max3A_4163, %jit3A_4326 : i32
    %sign3A_4328 = arith.constant 0 : i32
    %sign3A_4329 = arith.cmpi sgt, %reduce_max3A_4163, %sign3A_4328 : i32
    %sign3A_4330 = arith.extui %sign3A_4329 : i1 to i32
    %sign3A_4331 = arith.constant 0 : i32
    %sign3A_4332 = arith.cmpi slt, %reduce_max3A_4163, %sign3A_4331 : i32
    %sign3A_4333 = arith.extui %sign3A_4332 : i1 to i32
    %sign3A_4334 = arith.subi %sign3A_4330, %sign3A_4333 : i32
    %sign3A_4335 = arith.constant 0 : i32
    %sign3A_4336 = arith.cmpi sgt, %jit3A_4326, %sign3A_4335 : i32
    %sign3A_4337 = arith.extui %sign3A_4336 : i1 to i32
    %sign3A_4338 = arith.constant 0 : i32
    %sign3A_4339 = arith.cmpi slt, %jit3A_4326, %sign3A_4338 : i32
    %sign3A_4340 = arith.extui %sign3A_4339 : i1 to i32
    %sign3A_4341 = arith.subi %sign3A_4337, %sign3A_4340 : i32
    %ne3A_4342 = arith.cmpi ne, %sign3A_4334, %sign3A_4341 : i32
    %rem3A_4343 = arith.remsi %reduce_max3A_4163, %jit3A_4326 : i32
    %ne3A_4344 = arith.constant 0 : i32
    %ne3A_4345 = arith.cmpi ne, %rem3A_4343, %ne3A_4344 : i32
    %and3A_4346 = arith.andi %ne3A_4342, %ne3A_4345 : i1
    %sub3A_4347 = arith.constant 1 : i32
    %sub3A_4348 = arith.subi %div3A_4327, %sub3A_4347 : i32
    %select_n3A_4349 = arith.select %and3A_4346, %sub3A_4348, %div3A_4327 : i32
    %jit3A_4350 = arith.constant 128 : i32
    %eq3A_4351 = arith.constant 0 : i32
    %eq3A_4352 = arith.cmpi eq, %jit3A_4350, %eq3A_4351 : i32
    %jit3A_4353 = arith.constant 1 : i32
    %select_n3A_4354 = arith.select %eq3A_4352, %jit3A_4353, %jit3A_4350 : i32
    %rem3A_4355 = arith.remsi %reduce_max3A_4163, %select_n3A_4354 : i32
    %ne3A_4356 = arith.constant 0 : i32
    %ne3A_4357 = arith.cmpi ne, %rem3A_4355, %ne3A_4356 : i32
    %lt3A_4358 = arith.constant 0 : i32
    %lt3A_4359 = arith.cmpi slt, %rem3A_4355, %lt3A_4358 : i32
    %lt3A_4360 = arith.constant 0 : i32
    %lt3A_4361 = arith.cmpi slt, %select_n3A_4354, %lt3A_4360 : i32
    %ne3A_4362 = arith.xori %lt3A_4359, %lt3A_4361 : i1
    %and3A_4363 = arith.andi %ne3A_4362, %ne3A_4357 : i1
    %add3A_4364 = arith.addi %rem3A_4355, %select_n3A_4354 : i32
    %select_n3A_4365 = arith.select %and3A_4363, %add3A_4364, %rem3A_4355 : i32
    %get3A_4366 = arith.constant 3 : index
    %get3A_4367 = arith.constant 0 : index
    %get3A_4368 = arith.index_cast %select_n3A_4349 : i32 to index
    %get3A_4369 = arith.constant 0 : index
    %get3A_4370 = vector.load %arg0[%get3A_4366, %get3A_4367, %get3A_4368, %get3A_4369] : memref<4x3x512x128xf32, #tpu.memory_space<vmem>>, vector<1x3x1x128xf32>
    %get3A_4371 = vector.shape_cast %get3A_4370 : vector<1x3x1x128xf32> to vector<3x1x128xf32>
    %eq3A_4372 = vector.broadcast %select_n3A_4365 : i32 to vector<3x1x128xi32>
    %eq3A_4373 = arith.cmpi eq, %iota3A_20, %eq3A_4372 : vector<3x1x128xi32>
    %jit3A_4374 = arith.constant 0.000000e+00 : f32
    %broadcast_in_dim3A_4375 = vector.broadcast %jit3A_4374 : f32 to vector<3x1x128xf32>
    %select_n3A_4376 = arith.select %eq3A_4373, %get3A_4371, %broadcast_in_dim3A_4375 : vector<3x1x128xi1>, vector<3x1x128xf32>
    %reduce_sum3A_4377 = arith.constant dense<0.000000e+00> : vector<3x1xf32>
    %reduce_sum3A_4378 = vector.multi_reduction <add>, %select_n3A_4376, %reduce_sum3A_4377 [2] : vector<3x1x128xf32> to vector<3x1xf32>
    %broadcast_in_dim3A_4379 = vector.shape_cast %reduce_sum3A_4378 : vector<3x1xf32> to vector<3x1x1xf32>
    %reshape3A_4380 = vector.shape_cast %broadcast_in_dim3A_4217 : vector<3x1x1xf32> to vector<1x1x3xf32>
    %swap3A_4381 = arith.constant 0 : index
    %swap3A_4382 = arith.constant 13 : index
    %swap3A_4383 = arith.constant 0 : index
    %swap3A_4384 = vector.load %arg2[%swap3A_4381, %swap3A_4382, %swap3A_4383] : memref<4x16x3xf32, #tpu.memory_space<vmem>>, vector<1x1x3xf32>
    tpu.vector_store %arg2[%swap3A_4381, %swap3A_4382, %swap3A_4383], %reshape3A_4380 {strides = array<i32>} : memref<4x16x3xf32, #tpu.memory_space<vmem>>, vector<1x1x3xf32>,
    %reshape3A_4385 = vector.shape_cast %broadcast_in_dim3A_4271 : vector<3x1x1xf32> to vector<1x1x3xf32>
    %swap3A_4386 = arith.constant 1 : index
    %swap3A_4387 = arith.constant 13 : index
    %swap3A_4388 = arith.constant 0 : index
    %swap3A_4389 = vector.load %arg2[%swap3A_4386, %swap3A_4387, %swap3A_4388] : memref<4x16x3xf32, #tpu.memory_space<vmem>>, vector<1x1x3xf32>
    tpu.vector_store %arg2[%swap3A_4386, %swap3A_4387, %swap3A_4388], %reshape3A_4385 {strides = array<i32>} : memref<4x16x3xf32, #tpu.memory_space<vmem>>, vector<1x1x3xf32>,
    %reshape3A_4390 = vector.shape_cast %broadcast_in_dim3A_4325 : vector<3x1x1xf32> to vector<1x1x3xf32>
    %swap3A_4391 = arith.constant 2 : index
    %swap3A_4392 = arith.constant 13 : index
    %swap3A_4393 = arith.constant 0 : index
    %swap3A_4394 = vector.load %arg2[%swap3A_4391, %swap3A_4392, %swap3A_4393] : memref<4x16x3xf32, #tpu.memory_space<vmem>>, vector<1x1x3xf32>
    tpu.vector_store %arg2[%swap3A_4391, %swap3A_4392, %swap3A_4393], %reshape3A_4390 {strides = array<i32>} : memref<4x16x3xf32, #tpu.memory_space<vmem>>, vector<1x1x3xf32>,
    %reshape3A_4395 = vector.shape_cast %broadcast_in_dim3A_4379 : vector<3x1x1xf32> to vector<1x1x3xf32>
    %swap3A_4396 = arith.constant 3 : index
    %swap3A_4397 = arith.constant 13 : index
    %swap3A_4398 = arith.constant 0 : index
    %swap3A_4399 = vector.load %arg2[%swap3A_4396, %swap3A_4397, %swap3A_4398] : memref<4x16x3xf32, #tpu.memory_space<vmem>>, vector<1x1x3xf32>
    tpu.vector_store %arg2[%swap3A_4396, %swap3A_4397, %swap3A_4398], %reshape3A_4395 {strides = array<i32>} : memref<4x16x3xf32, #tpu.memory_space<vmem>>, vector<1x1x3xf32>,
    %slice3A_4400 = vector.extract_strided_slice %broadcast_in_dim3A_4217 {offsets = [0, 0, 0], sizes = [1, 1, 1], strides = [1, 1, 1]} : vector<3x1x1xf32> to vector<1x1x1xf32>
    %slice3A_4401 = vector.extract_strided_slice %broadcast_in_dim3A_4271 {offsets = [0, 0, 0], sizes = [1, 1, 1], strides = [1, 1, 1]} : vector<3x1x1xf32> to vector<1x1x1xf32>
    %slice3A_4402 = vector.extract_strided_slice %broadcast_in_dim3A_4325 {offsets = [0, 0, 0], sizes = [1, 1, 1], strides = [1, 1, 1]} : vector<3x1x1xf32> to vector<1x1x1xf32>
    %slice3A_4403 = vector.extract_strided_slice %broadcast_in_dim3A_4379 {offsets = [0, 0, 0], sizes = [1, 1, 1], strides = [1, 1, 1]} : vector<3x1x1xf32> to vector<1x1x1xf32>
    %concatenate3A_4404 = tpu.concatenate %slice3A_4400, %slice3A_4401, %slice3A_4402, %slice3A_4403 in 0 : vector<1x1x1xf32>, vector<1x1x1xf32>, vector<1x1x1xf32>, vector<1x1x1xf32> -> vector<4x1x1xf32>
    %slice3A_4405 = vector.extract_strided_slice %broadcast_in_dim3A_4217 {offsets = [1, 0, 0], sizes = [1, 1, 1], strides = [1, 1, 1]} : vector<3x1x1xf32> to vector<1x1x1xf32>
    %slice3A_4406 = vector.extract_strided_slice %broadcast_in_dim3A_4271 {offsets = [1, 0, 0], sizes = [1, 1, 1], strides = [1, 1, 1]} : vector<3x1x1xf32> to vector<1x1x1xf32>
    %slice3A_4407 = vector.extract_strided_slice %broadcast_in_dim3A_4325 {offsets = [1, 0, 0], sizes = [1, 1, 1], strides = [1, 1, 1]} : vector<3x1x1xf32> to vector<1x1x1xf32>
    %slice3A_4408 = vector.extract_strided_slice %broadcast_in_dim3A_4379 {offsets = [1, 0, 0], sizes = [1, 1, 1], strides = [1, 1, 1]} : vector<3x1x1xf32> to vector<1x1x1xf32>
    %concatenate3A_4409 = tpu.concatenate %slice3A_4405, %slice3A_4406, %slice3A_4407, %slice3A_4408 in 0 : vector<1x1x1xf32>, vector<1x1x1xf32>, vector<1x1x1xf32>, vector<1x1x1xf32> -> vector<4x1x1xf32>
    %slice3A_4410 = vector.extract_strided_slice %broadcast_in_dim3A_4217 {offsets = [2, 0, 0], sizes = [1, 1, 1], strides = [1, 1, 1]} : vector<3x1x1xf32> to vector<1x1x1xf32>
    %slice3A_4411 = vector.extract_strided_slice %broadcast_in_dim3A_4271 {offsets = [2, 0, 0], sizes = [1, 1, 1], strides = [1, 1, 1]} : vector<3x1x1xf32> to vector<1x1x1xf32>
    %slice3A_4412 = vector.extract_strided_slice %broadcast_in_dim3A_4325 {offsets = [2, 0, 0], sizes = [1, 1, 1], strides = [1, 1, 1]} : vector<3x1x1xf32> to vector<1x1x1xf32>
    %slice3A_4413 = vector.extract_strided_slice %broadcast_in_dim3A_4379 {offsets = [2, 0, 0], sizes = [1, 1, 1], strides = [1, 1, 1]} : vector<3x1x1xf32> to vector<1x1x1xf32>
    %concatenate3A_4414 = tpu.concatenate %slice3A_4410, %slice3A_4411, %slice3A_4412, %slice3A_4413 in 0 : vector<1x1x1xf32>, vector<1x1x1xf32>, vector<1x1x1xf32>, vector<1x1x1xf32> -> vector<4x1x1xf32>
    %sub3A_4415 = vector.broadcast %concatenate3A_4404 : vector<4x1x1xf32> to vector<4x512x128xf32>
    %sub3A_4416 = arith.subf %get3A_4, %sub3A_4415 : vector<4x512x128xf32>
    %sub3A_4417 = vector.broadcast %concatenate3A_4409 : vector<4x1x1xf32> to vector<4x512x128xf32>
    %sub3A_4418 = arith.subf %get3A_10, %sub3A_4417 : vector<4x512x128xf32>
    %sub3A_4419 = vector.broadcast %concatenate3A_4414 : vector<4x1x1xf32> to vector<4x512x128xf32>
    %sub3A_4420 = arith.subf %get3A_16, %sub3A_4419 : vector<4x512x128xf32>
    %mul3A_4421 = arith.mulf %sub3A_4416, %sub3A_4416 : vector<4x512x128xf32>
    %mul3A_4422 = arith.mulf %sub3A_4418, %sub3A_4418 : vector<4x512x128xf32>
    %add3A_4423 = arith.addf %mul3A_4421, %mul3A_4422 : vector<4x512x128xf32>
    %mul3A_4424 = arith.mulf %sub3A_4420, %sub3A_4420 : vector<4x512x128xf32>
    %add3A_4425 = arith.addf %add3A_4423, %mul3A_4424 : vector<4x512x128xf32>
    %min3A_4426 = arith.minimumf %min3A_4107, %add3A_4425 : vector<4x512x128xf32>
    %reduce_max3A_4427 = arith.constant dense<0xFF800000> : vector<4xf32>
    %reduce_max3A_4428 = vector.multi_reduction <maximumf>, %min3A_4426, %reduce_max3A_4427 [1, 2] : vector<4x512x128xf32> to vector<4xf32>
    %broadcast_in_dim3A_4429 = vector.shape_cast %reduce_max3A_4428 : vector<4xf32> to vector<4x1x1xf32>
    %eq3A_4430 = vector.broadcast %broadcast_in_dim3A_4429 : vector<4x1x1xf32> to vector<4x512x128xf32>
    %eq3A_4431 = arith.cmpf oeq, %min3A_4426, %eq3A_4430 : vector<4x512x128xf32>
    %jit3A_4432 = arith.constant 2147483647 : i32
    %broadcast_in_dim3A_4433 = vector.shape_cast %add3A : vector<512x128xi32> to vector<1x512x128xi32>
    %broadcast_in_dim3A_4434 = vector.broadcast %broadcast_in_dim3A_4433 : vector<1x512x128xi32> to vector<4x512x128xi32>
    %broadcast_in_dim3A_4435 = vector.broadcast %jit3A_4432 : i32 to vector<4x512x128xi32>
    %select_n3A_4436 = arith.select %eq3A_4431, %broadcast_in_dim3A_4434, %broadcast_in_dim3A_4435 : vector<4x512x128xi1>, vector<4x512x128xi32>
    %reduce_min3A_4437 = arith.constant dense<2147483647> : vector<4xi32>
    %reduce_min3A_4438 = vector.multi_reduction <minsi>, %select_n3A_4436, %reduce_min3A_4437 [1, 2] : vector<4x512x128xi32> to vector<4xi32>
    %slice3A_4439 = vector.extract_strided_slice %reduce_min3A_4438 {offsets = [0], sizes = [1], strides = [1]} : vector<4xi32> to vector<1xi32>
    %reshape3A_4440 = vector.shape_cast %slice3A_4439 : vector<1xi32> to vector<1x1xi32>
    %swap3A_4441 = arith.constant 0 : index
    %swap3A_4442 = arith.constant 14 : index
    %swap3A_4443 = vector.load %arg1[%swap3A_4441, %swap3A_4442] : memref<1x64xi32, #tpu.memory_space<vmem>>, vector<1x1xi32>
    tpu.vector_store %arg1[%swap3A_4441, %swap3A_4442], %reshape3A_4440 {strides = array<i32>} : memref<1x64xi32, #tpu.memory_space<vmem>>, vector<1x1xi32>,
    %slice3A_4444 = vector.extract_strided_slice %reduce_min3A_4438 {offsets = [0], sizes = [1], strides = [1]} : vector<4xi32> to vector<1xi32>
    %reduce_max3A_4445 = vector.shape_cast %slice3A_4444 : vector<1xi32> to vector<1x1xi32>
    %reduce_max3A_4446 = arith.constant dense<-2147483648> : vector<1xi32>
    %reduce_max3A_4447 = vector.multi_reduction <maxsi>, %reduce_max3A_4445, %reduce_max3A_4446 [1] : vector<1x1xi32> to vector<1xi32>
    %reduce_max3A_4448 = vector.shape_cast %reduce_max3A_4447 : vector<1xi32> to vector<1x1xi32>
    %reduce_max3A_4449 = vector.extract %reduce_max3A_4448[0, 0] : i32 from vector<1x1xi32>
    %slice3A_4450 = vector.extract_strided_slice %reduce_min3A_4438 {offsets = [1], sizes = [1], strides = [1]} : vector<4xi32> to vector<1xi32>
    %reshape3A_4451 = vector.shape_cast %slice3A_4450 : vector<1xi32> to vector<1x1xi32>
    %swap3A_4452 = arith.constant 0 : index
    %swap3A_4453 = arith.constant 30 : index
    %swap3A_4454 = vector.load %arg1[%swap3A_4452, %swap3A_4453] : memref<1x64xi32, #tpu.memory_space<vmem>>, vector<1x1xi32>
    tpu.vector_store %arg1[%swap3A_4452, %swap3A_4453], %reshape3A_4451 {strides = array<i32>} : memref<1x64xi32, #tpu.memory_space<vmem>>, vector<1x1xi32>,
    %slice3A_4455 = vector.extract_strided_slice %reduce_min3A_4438 {offsets = [1], sizes = [1], strides = [1]} : vector<4xi32> to vector<1xi32>
    %reduce_max3A_4456 = vector.shape_cast %slice3A_4455 : vector<1xi32> to vector<1x1xi32>
    %reduce_max3A_4457 = arith.constant dense<-2147483648> : vector<1xi32>
    %reduce_max3A_4458 = vector.multi_reduction <maxsi>, %reduce_max3A_4456, %reduce_max3A_4457 [1] : vector<1x1xi32> to vector<1xi32>
    %reduce_max3A_4459 = vector.shape_cast %reduce_max3A_4458 : vector<1xi32> to vector<1x1xi32>
    %reduce_max3A_4460 = vector.extract %reduce_max3A_4459[0, 0] : i32 from vector<1x1xi32>
    %slice3A_4461 = vector.extract_strided_slice %reduce_min3A_4438 {offsets = [2], sizes = [1], strides = [1]} : vector<4xi32> to vector<1xi32>
    %reshape3A_4462 = vector.shape_cast %slice3A_4461 : vector<1xi32> to vector<1x1xi32>
    %swap3A_4463 = arith.constant 0 : index
    %swap3A_4464 = arith.constant 46 : index
    %swap3A_4465 = vector.load %arg1[%swap3A_4463, %swap3A_4464] : memref<1x64xi32, #tpu.memory_space<vmem>>, vector<1x1xi32>
    tpu.vector_store %arg1[%swap3A_4463, %swap3A_4464], %reshape3A_4462 {strides = array<i32>} : memref<1x64xi32, #tpu.memory_space<vmem>>, vector<1x1xi32>,
    %slice3A_4466 = vector.extract_strided_slice %reduce_min3A_4438 {offsets = [2], sizes = [1], strides = [1]} : vector<4xi32> to vector<1xi32>
    %reduce_max3A_4467 = vector.shape_cast %slice3A_4466 : vector<1xi32> to vector<1x1xi32>
    %reduce_max3A_4468 = arith.constant dense<-2147483648> : vector<1xi32>
    %reduce_max3A_4469 = vector.multi_reduction <maxsi>, %reduce_max3A_4467, %reduce_max3A_4468 [1] : vector<1x1xi32> to vector<1xi32>
    %reduce_max3A_4470 = vector.shape_cast %reduce_max3A_4469 : vector<1xi32> to vector<1x1xi32>
    %reduce_max3A_4471 = vector.extract %reduce_max3A_4470[0, 0] : i32 from vector<1x1xi32>
    %slice3A_4472 = vector.extract_strided_slice %reduce_min3A_4438 {offsets = [3], sizes = [1], strides = [1]} : vector<4xi32> to vector<1xi32>
    %reshape3A_4473 = vector.shape_cast %slice3A_4472 : vector<1xi32> to vector<1x1xi32>
    %swap3A_4474 = arith.constant 0 : index
    %swap3A_4475 = arith.constant 62 : index
    %swap3A_4476 = vector.load %arg1[%swap3A_4474, %swap3A_4475] : memref<1x64xi32, #tpu.memory_space<vmem>>, vector<1x1xi32>
    tpu.vector_store %arg1[%swap3A_4474, %swap3A_4475], %reshape3A_4473 {strides = array<i32>} : memref<1x64xi32, #tpu.memory_space<vmem>>, vector<1x1xi32>,
    %slice3A_4477 = vector.extract_strided_slice %reduce_min3A_4438 {offsets = [3], sizes = [1], strides = [1]} : vector<4xi32> to vector<1xi32>
    %reduce_max3A_4478 = vector.shape_cast %slice3A_4477 : vector<1xi32> to vector<1x1xi32>
    %reduce_max3A_4479 = arith.constant dense<-2147483648> : vector<1xi32>
    %reduce_max3A_4480 = vector.multi_reduction <maxsi>, %reduce_max3A_4478, %reduce_max3A_4479 [1] : vector<1x1xi32> to vector<1xi32>
    %reduce_max3A_4481 = vector.shape_cast %reduce_max3A_4480 : vector<1xi32> to vector<1x1xi32>
    %reduce_max3A_4482 = vector.extract %reduce_max3A_4481[0, 0] : i32 from vector<1x1xi32>
    %jit3A_4483 = arith.constant 128 : i32
    %div3A_4484 = arith.divsi %reduce_max3A_4449, %jit3A_4483 : i32
    %sign3A_4485 = arith.constant 0 : i32
    %sign3A_4486 = arith.cmpi sgt, %reduce_max3A_4449, %sign3A_4485 : i32
    %sign3A_4487 = arith.extui %sign3A_4486 : i1 to i32
    %sign3A_4488 = arith.constant 0 : i32
    %sign3A_4489 = arith.cmpi slt, %reduce_max3A_4449, %sign3A_4488 : i32
    %sign3A_4490 = arith.extui %sign3A_4489 : i1 to i32
    %sign3A_4491 = arith.subi %sign3A_4487, %sign3A_4490 : i32
    %sign3A_4492 = arith.constant 0 : i32
    %sign3A_4493 = arith.cmpi sgt, %jit3A_4483, %sign3A_4492 : i32
    %sign3A_4494 = arith.extui %sign3A_4493 : i1 to i32
    %sign3A_4495 = arith.constant 0 : i32
    %sign3A_4496 = arith.cmpi slt, %jit3A_4483, %sign3A_4495 : i32
    %sign3A_4497 = arith.extui %sign3A_4496 : i1 to i32
    %sign3A_4498 = arith.subi %sign3A_4494, %sign3A_4497 : i32
    %ne3A_4499 = arith.cmpi ne, %sign3A_4491, %sign3A_4498 : i32
    %rem3A_4500 = arith.remsi %reduce_max3A_4449, %jit3A_4483 : i32
    %ne3A_4501 = arith.constant 0 : i32
    %ne3A_4502 = arith.cmpi ne, %rem3A_4500, %ne3A_4501 : i32
    %and3A_4503 = arith.andi %ne3A_4499, %ne3A_4502 : i1
    %sub3A_4504 = arith.constant 1 : i32
    %sub3A_4505 = arith.subi %div3A_4484, %sub3A_4504 : i32
    %select_n3A_4506 = arith.select %and3A_4503, %sub3A_4505, %div3A_4484 : i32
    %jit3A_4507 = arith.constant 128 : i32
    %eq3A_4508 = arith.constant 0 : i32
    %eq3A_4509 = arith.cmpi eq, %jit3A_4507, %eq3A_4508 : i32
    %jit3A_4510 = arith.constant 1 : i32
    %select_n3A_4511 = arith.select %eq3A_4509, %jit3A_4510, %jit3A_4507 : i32
    %rem3A_4512 = arith.remsi %reduce_max3A_4449, %select_n3A_4511 : i32
    %ne3A_4513 = arith.constant 0 : i32
    %ne3A_4514 = arith.cmpi ne, %rem3A_4512, %ne3A_4513 : i32
    %lt3A_4515 = arith.constant 0 : i32
    %lt3A_4516 = arith.cmpi slt, %rem3A_4512, %lt3A_4515 : i32
    %lt3A_4517 = arith.constant 0 : i32
    %lt3A_4518 = arith.cmpi slt, %select_n3A_4511, %lt3A_4517 : i32
    %ne3A_4519 = arith.xori %lt3A_4516, %lt3A_4518 : i1
    %and3A_4520 = arith.andi %ne3A_4519, %ne3A_4514 : i1
    %add3A_4521 = arith.addi %rem3A_4512, %select_n3A_4511 : i32
    %select_n3A_4522 = arith.select %and3A_4520, %add3A_4521, %rem3A_4512 : i32
    %get3A_4523 = arith.constant 0 : index
    %get3A_4524 = arith.constant 0 : index
    %get3A_4525 = arith.index_cast %select_n3A_4506 : i32 to index
    %get3A_4526 = arith.constant 0 : index
    %get3A_4527 = vector.load %arg0[%get3A_4523, %get3A_4524, %get3A_4525, %get3A_4526] : memref<4x3x512x128xf32, #tpu.memory_space<vmem>>, vector<1x3x1x128xf32>
    %get3A_4528 = vector.shape_cast %get3A_4527 : vector<1x3x1x128xf32> to vector<3x1x128xf32>
    %eq3A_4529 = vector.broadcast %select_n3A_4522 : i32 to vector<3x1x128xi32>
    %eq3A_4530 = arith.cmpi eq, %iota3A_20, %eq3A_4529 : vector<3x1x128xi32>
    %jit3A_4531 = arith.constant 0.000000e+00 : f32
    %broadcast_in_dim3A_4532 = vector.broadcast %jit3A_4531 : f32 to vector<3x1x128xf32>
    %select_n3A_4533 = arith.select %eq3A_4530, %get3A_4528, %broadcast_in_dim3A_4532 : vector<3x1x128xi1>, vector<3x1x128xf32>
    %reduce_sum3A_4534 = arith.constant dense<0.000000e+00> : vector<3x1xf32>
    %reduce_sum3A_4535 = vector.multi_reduction <add>, %select_n3A_4533, %reduce_sum3A_4534 [2] : vector<3x1x128xf32> to vector<3x1xf32>
    %broadcast_in_dim3A_4536 = vector.shape_cast %reduce_sum3A_4535 : vector<3x1xf32> to vector<3x1x1xf32>
    %jit3A_4537 = arith.constant 128 : i32
    %div3A_4538 = arith.divsi %reduce_max3A_4460, %jit3A_4537 : i32
    %sign3A_4539 = arith.constant 0 : i32
    %sign3A_4540 = arith.cmpi sgt, %reduce_max3A_4460, %sign3A_4539 : i32
    %sign3A_4541 = arith.extui %sign3A_4540 : i1 to i32
    %sign3A_4542 = arith.constant 0 : i32
    %sign3A_4543 = arith.cmpi slt, %reduce_max3A_4460, %sign3A_4542 : i32
    %sign3A_4544 = arith.extui %sign3A_4543 : i1 to i32
    %sign3A_4545 = arith.subi %sign3A_4541, %sign3A_4544 : i32
    %sign3A_4546 = arith.constant 0 : i32
    %sign3A_4547 = arith.cmpi sgt, %jit3A_4537, %sign3A_4546 : i32
    %sign3A_4548 = arith.extui %sign3A_4547 : i1 to i32
    %sign3A_4549 = arith.constant 0 : i32
    %sign3A_4550 = arith.cmpi slt, %jit3A_4537, %sign3A_4549 : i32
    %sign3A_4551 = arith.extui %sign3A_4550 : i1 to i32
    %sign3A_4552 = arith.subi %sign3A_4548, %sign3A_4551 : i32
    %ne3A_4553 = arith.cmpi ne, %sign3A_4545, %sign3A_4552 : i32
    %rem3A_4554 = arith.remsi %reduce_max3A_4460, %jit3A_4537 : i32
    %ne3A_4555 = arith.constant 0 : i32
    %ne3A_4556 = arith.cmpi ne, %rem3A_4554, %ne3A_4555 : i32
    %and3A_4557 = arith.andi %ne3A_4553, %ne3A_4556 : i1
    %sub3A_4558 = arith.constant 1 : i32
    %sub3A_4559 = arith.subi %div3A_4538, %sub3A_4558 : i32
    %select_n3A_4560 = arith.select %and3A_4557, %sub3A_4559, %div3A_4538 : i32
    %jit3A_4561 = arith.constant 128 : i32
    %eq3A_4562 = arith.constant 0 : i32
    %eq3A_4563 = arith.cmpi eq, %jit3A_4561, %eq3A_4562 : i32
    %jit3A_4564 = arith.constant 1 : i32
    %select_n3A_4565 = arith.select %eq3A_4563, %jit3A_4564, %jit3A_4561 : i32
    %rem3A_4566 = arith.remsi %reduce_max3A_4460, %select_n3A_4565 : i32
    %ne3A_4567 = arith.constant 0 : i32
    %ne3A_4568 = arith.cmpi ne, %rem3A_4566, %ne3A_4567 : i32
    %lt3A_4569 = arith.constant 0 : i32
    %lt3A_4570 = arith.cmpi slt, %rem3A_4566, %lt3A_4569 : i32
    %lt3A_4571 = arith.constant 0 : i32
    %lt3A_4572 = arith.cmpi slt, %select_n3A_4565, %lt3A_4571 : i32
    %ne3A_4573 = arith.xori %lt3A_4570, %lt3A_4572 : i1
    %and3A_4574 = arith.andi %ne3A_4573, %ne3A_4568 : i1
    %add3A_4575 = arith.addi %rem3A_4566, %select_n3A_4565 : i32
    %select_n3A_4576 = arith.select %and3A_4574, %add3A_4575, %rem3A_4566 : i32
    %get3A_4577 = arith.constant 1 : index
    %get3A_4578 = arith.constant 0 : index
    %get3A_4579 = arith.index_cast %select_n3A_4560 : i32 to index
    %get3A_4580 = arith.constant 0 : index
    %get3A_4581 = vector.load %arg0[%get3A_4577, %get3A_4578, %get3A_4579, %get3A_4580] : memref<4x3x512x128xf32, #tpu.memory_space<vmem>>, vector<1x3x1x128xf32>
    %get3A_4582 = vector.shape_cast %get3A_4581 : vector<1x3x1x128xf32> to vector<3x1x128xf32>
    %eq3A_4583 = vector.broadcast %select_n3A_4576 : i32 to vector<3x1x128xi32>
    %eq3A_4584 = arith.cmpi eq, %iota3A_20, %eq3A_4583 : vector<3x1x128xi32>
    %jit3A_4585 = arith.constant 0.000000e+00 : f32
    %broadcast_in_dim3A_4586 = vector.broadcast %jit3A_4585 : f32 to vector<3x1x128xf32>
    %select_n3A_4587 = arith.select %eq3A_4584, %get3A_4582, %broadcast_in_dim3A_4586 : vector<3x1x128xi1>, vector<3x1x128xf32>
    %reduce_sum3A_4588 = arith.constant dense<0.000000e+00> : vector<3x1xf32>
    %reduce_sum3A_4589 = vector.multi_reduction <add>, %select_n3A_4587, %reduce_sum3A_4588 [2] : vector<3x1x128xf32> to vector<3x1xf32>
    %broadcast_in_dim3A_4590 = vector.shape_cast %reduce_sum3A_4589 : vector<3x1xf32> to vector<3x1x1xf32>
    %jit3A_4591 = arith.constant 128 : i32
    %div3A_4592 = arith.divsi %reduce_max3A_4471, %jit3A_4591 : i32
    %sign3A_4593 = arith.constant 0 : i32
    %sign3A_4594 = arith.cmpi sgt, %reduce_max3A_4471, %sign3A_4593 : i32
    %sign3A_4595 = arith.extui %sign3A_4594 : i1 to i32
    %sign3A_4596 = arith.constant 0 : i32
    %sign3A_4597 = arith.cmpi slt, %reduce_max3A_4471, %sign3A_4596 : i32
    %sign3A_4598 = arith.extui %sign3A_4597 : i1 to i32
    %sign3A_4599 = arith.subi %sign3A_4595, %sign3A_4598 : i32
    %sign3A_4600 = arith.constant 0 : i32
    %sign3A_4601 = arith.cmpi sgt, %jit3A_4591, %sign3A_4600 : i32
    %sign3A_4602 = arith.extui %sign3A_4601 : i1 to i32
    %sign3A_4603 = arith.constant 0 : i32
    %sign3A_4604 = arith.cmpi slt, %jit3A_4591, %sign3A_4603 : i32
    %sign3A_4605 = arith.extui %sign3A_4604 : i1 to i32
    %sign3A_4606 = arith.subi %sign3A_4602, %sign3A_4605 : i32
    %ne3A_4607 = arith.cmpi ne, %sign3A_4599, %sign3A_4606 : i32
    %rem3A_4608 = arith.remsi %reduce_max3A_4471, %jit3A_4591 : i32
    %ne3A_4609 = arith.constant 0 : i32
    %ne3A_4610 = arith.cmpi ne, %rem3A_4608, %ne3A_4609 : i32
    %and3A_4611 = arith.andi %ne3A_4607, %ne3A_4610 : i1
    %sub3A_4612 = arith.constant 1 : i32
    %sub3A_4613 = arith.subi %div3A_4592, %sub3A_4612 : i32
    %select_n3A_4614 = arith.select %and3A_4611, %sub3A_4613, %div3A_4592 : i32
    %jit3A_4615 = arith.constant 128 : i32
    %eq3A_4616 = arith.constant 0 : i32
    %eq3A_4617 = arith.cmpi eq, %jit3A_4615, %eq3A_4616 : i32
    %jit3A_4618 = arith.constant 1 : i32
    %select_n3A_4619 = arith.select %eq3A_4617, %jit3A_4618, %jit3A_4615 : i32
    %rem3A_4620 = arith.remsi %reduce_max3A_4471, %select_n3A_4619 : i32
    %ne3A_4621 = arith.constant 0 : i32
    %ne3A_4622 = arith.cmpi ne, %rem3A_4620, %ne3A_4621 : i32
    %lt3A_4623 = arith.constant 0 : i32
    %lt3A_4624 = arith.cmpi slt, %rem3A_4620, %lt3A_4623 : i32
    %lt3A_4625 = arith.constant 0 : i32
    %lt3A_4626 = arith.cmpi slt, %select_n3A_4619, %lt3A_4625 : i32
    %ne3A_4627 = arith.xori %lt3A_4624, %lt3A_4626 : i1
    %and3A_4628 = arith.andi %ne3A_4627, %ne3A_4622 : i1
    %add3A_4629 = arith.addi %rem3A_4620, %select_n3A_4619 : i32
    %select_n3A_4630 = arith.select %and3A_4628, %add3A_4629, %rem3A_4620 : i32
    %get3A_4631 = arith.constant 2 : index
    %get3A_4632 = arith.constant 0 : index
    %get3A_4633 = arith.index_cast %select_n3A_4614 : i32 to index
    %get3A_4634 = arith.constant 0 : index
    %get3A_4635 = vector.load %arg0[%get3A_4631, %get3A_4632, %get3A_4633, %get3A_4634] : memref<4x3x512x128xf32, #tpu.memory_space<vmem>>, vector<1x3x1x128xf32>
    %get3A_4636 = vector.shape_cast %get3A_4635 : vector<1x3x1x128xf32> to vector<3x1x128xf32>
    %eq3A_4637 = vector.broadcast %select_n3A_4630 : i32 to vector<3x1x128xi32>
    %eq3A_4638 = arith.cmpi eq, %iota3A_20, %eq3A_4637 : vector<3x1x128xi32>
    %jit3A_4639 = arith.constant 0.000000e+00 : f32
    %broadcast_in_dim3A_4640 = vector.broadcast %jit3A_4639 : f32 to vector<3x1x128xf32>
    %select_n3A_4641 = arith.select %eq3A_4638, %get3A_4636, %broadcast_in_dim3A_4640 : vector<3x1x128xi1>, vector<3x1x128xf32>
    %reduce_sum3A_4642 = arith.constant dense<0.000000e+00> : vector<3x1xf32>
    %reduce_sum3A_4643 = vector.multi_reduction <add>, %select_n3A_4641, %reduce_sum3A_4642 [2] : vector<3x1x128xf32> to vector<3x1xf32>
    %broadcast_in_dim3A_4644 = vector.shape_cast %reduce_sum3A_4643 : vector<3x1xf32> to vector<3x1x1xf32>
    %jit3A_4645 = arith.constant 128 : i32
    %div3A_4646 = arith.divsi %reduce_max3A_4482, %jit3A_4645 : i32
    %sign3A_4647 = arith.constant 0 : i32
    %sign3A_4648 = arith.cmpi sgt, %reduce_max3A_4482, %sign3A_4647 : i32
    %sign3A_4649 = arith.extui %sign3A_4648 : i1 to i32
    %sign3A_4650 = arith.constant 0 : i32
    %sign3A_4651 = arith.cmpi slt, %reduce_max3A_4482, %sign3A_4650 : i32
    %sign3A_4652 = arith.extui %sign3A_4651 : i1 to i32
    %sign3A_4653 = arith.subi %sign3A_4649, %sign3A_4652 : i32
    %sign3A_4654 = arith.constant 0 : i32
    %sign3A_4655 = arith.cmpi sgt, %jit3A_4645, %sign3A_4654 : i32
    %sign3A_4656 = arith.extui %sign3A_4655 : i1 to i32
    %sign3A_4657 = arith.constant 0 : i32
    %sign3A_4658 = arith.cmpi slt, %jit3A_4645, %sign3A_4657 : i32
    %sign3A_4659 = arith.extui %sign3A_4658 : i1 to i32
    %sign3A_4660 = arith.subi %sign3A_4656, %sign3A_4659 : i32
    %ne3A_4661 = arith.cmpi ne, %sign3A_4653, %sign3A_4660 : i32
    %rem3A_4662 = arith.remsi %reduce_max3A_4482, %jit3A_4645 : i32
    %ne3A_4663 = arith.constant 0 : i32
    %ne3A_4664 = arith.cmpi ne, %rem3A_4662, %ne3A_4663 : i32
    %and3A_4665 = arith.andi %ne3A_4661, %ne3A_4664 : i1
    %sub3A_4666 = arith.constant 1 : i32
    %sub3A_4667 = arith.subi %div3A_4646, %sub3A_4666 : i32
    %select_n3A_4668 = arith.select %and3A_4665, %sub3A_4667, %div3A_4646 : i32
    %jit3A_4669 = arith.constant 128 : i32
    %eq3A_4670 = arith.constant 0 : i32
    %eq3A_4671 = arith.cmpi eq, %jit3A_4669, %eq3A_4670 : i32
    %jit3A_4672 = arith.constant 1 : i32
    %select_n3A_4673 = arith.select %eq3A_4671, %jit3A_4672, %jit3A_4669 : i32
    %rem3A_4674 = arith.remsi %reduce_max3A_4482, %select_n3A_4673 : i32
    %ne3A_4675 = arith.constant 0 : i32
    %ne3A_4676 = arith.cmpi ne, %rem3A_4674, %ne3A_4675 : i32
    %lt3A_4677 = arith.constant 0 : i32
    %lt3A_4678 = arith.cmpi slt, %rem3A_4674, %lt3A_4677 : i32
    %lt3A_4679 = arith.constant 0 : i32
    %lt3A_4680 = arith.cmpi slt, %select_n3A_4673, %lt3A_4679 : i32
    %ne3A_4681 = arith.xori %lt3A_4678, %lt3A_4680 : i1
    %and3A_4682 = arith.andi %ne3A_4681, %ne3A_4676 : i1
    %add3A_4683 = arith.addi %rem3A_4674, %select_n3A_4673 : i32
    %select_n3A_4684 = arith.select %and3A_4682, %add3A_4683, %rem3A_4674 : i32
    %get3A_4685 = arith.constant 3 : index
    %get3A_4686 = arith.constant 0 : index
    %get3A_4687 = arith.index_cast %select_n3A_4668 : i32 to index
    %get3A_4688 = arith.constant 0 : index
    %get3A_4689 = vector.load %arg0[%get3A_4685, %get3A_4686, %get3A_4687, %get3A_4688] : memref<4x3x512x128xf32, #tpu.memory_space<vmem>>, vector<1x3x1x128xf32>
    %get3A_4690 = vector.shape_cast %get3A_4689 : vector<1x3x1x128xf32> to vector<3x1x128xf32>
    %eq3A_4691 = vector.broadcast %select_n3A_4684 : i32 to vector<3x1x128xi32>
    %eq3A_4692 = arith.cmpi eq, %iota3A_20, %eq3A_4691 : vector<3x1x128xi32>
    %jit3A_4693 = arith.constant 0.000000e+00 : f32
    %broadcast_in_dim3A_4694 = vector.broadcast %jit3A_4693 : f32 to vector<3x1x128xf32>
    %select_n3A_4695 = arith.select %eq3A_4692, %get3A_4690, %broadcast_in_dim3A_4694 : vector<3x1x128xi1>, vector<3x1x128xf32>
    %reduce_sum3A_4696 = arith.constant dense<0.000000e+00> : vector<3x1xf32>
    %reduce_sum3A_4697 = vector.multi_reduction <add>, %select_n3A_4695, %reduce_sum3A_4696 [2] : vector<3x1x128xf32> to vector<3x1xf32>
    %broadcast_in_dim3A_4698 = vector.shape_cast %reduce_sum3A_4697 : vector<3x1xf32> to vector<3x1x1xf32>
    %reshape3A_4699 = vector.shape_cast %broadcast_in_dim3A_4536 : vector<3x1x1xf32> to vector<1x1x3xf32>
    %swap3A_4700 = arith.constant 0 : index
    %swap3A_4701 = arith.constant 14 : index
    %swap3A_4702 = arith.constant 0 : index
    %swap3A_4703 = vector.load %arg2[%swap3A_4700, %swap3A_4701, %swap3A_4702] : memref<4x16x3xf32, #tpu.memory_space<vmem>>, vector<1x1x3xf32>
    tpu.vector_store %arg2[%swap3A_4700, %swap3A_4701, %swap3A_4702], %reshape3A_4699 {strides = array<i32>} : memref<4x16x3xf32, #tpu.memory_space<vmem>>, vector<1x1x3xf32>,
    %reshape3A_4704 = vector.shape_cast %broadcast_in_dim3A_4590 : vector<3x1x1xf32> to vector<1x1x3xf32>
    %swap3A_4705 = arith.constant 1 : index
    %swap3A_4706 = arith.constant 14 : index
    %swap3A_4707 = arith.constant 0 : index
    %swap3A_4708 = vector.load %arg2[%swap3A_4705, %swap3A_4706, %swap3A_4707] : memref<4x16x3xf32, #tpu.memory_space<vmem>>, vector<1x1x3xf32>
    tpu.vector_store %arg2[%swap3A_4705, %swap3A_4706, %swap3A_4707], %reshape3A_4704 {strides = array<i32>} : memref<4x16x3xf32, #tpu.memory_space<vmem>>, vector<1x1x3xf32>,
    %reshape3A_4709 = vector.shape_cast %broadcast_in_dim3A_4644 : vector<3x1x1xf32> to vector<1x1x3xf32>
    %swap3A_4710 = arith.constant 2 : index
    %swap3A_4711 = arith.constant 14 : index
    %swap3A_4712 = arith.constant 0 : index
    %swap3A_4713 = vector.load %arg2[%swap3A_4710, %swap3A_4711, %swap3A_4712] : memref<4x16x3xf32, #tpu.memory_space<vmem>>, vector<1x1x3xf32>
    tpu.vector_store %arg2[%swap3A_4710, %swap3A_4711, %swap3A_4712], %reshape3A_4709 {strides = array<i32>} : memref<4x16x3xf32, #tpu.memory_space<vmem>>, vector<1x1x3xf32>,
    %reshape3A_4714 = vector.shape_cast %broadcast_in_dim3A_4698 : vector<3x1x1xf32> to vector<1x1x3xf32>
    %swap3A_4715 = arith.constant 3 : index
    %swap3A_4716 = arith.constant 14 : index
    %swap3A_4717 = arith.constant 0 : index
    %swap3A_4718 = vector.load %arg2[%swap3A_4715, %swap3A_4716, %swap3A_4717] : memref<4x16x3xf32, #tpu.memory_space<vmem>>, vector<1x1x3xf32>
    tpu.vector_store %arg2[%swap3A_4715, %swap3A_4716, %swap3A_4717], %reshape3A_4714 {strides = array<i32>} : memref<4x16x3xf32, #tpu.memory_space<vmem>>, vector<1x1x3xf32>,
    %slice3A_4719 = vector.extract_strided_slice %broadcast_in_dim3A_4536 {offsets = [0, 0, 0], sizes = [1, 1, 1], strides = [1, 1, 1]} : vector<3x1x1xf32> to vector<1x1x1xf32>
    %slice3A_4720 = vector.extract_strided_slice %broadcast_in_dim3A_4590 {offsets = [0, 0, 0], sizes = [1, 1, 1], strides = [1, 1, 1]} : vector<3x1x1xf32> to vector<1x1x1xf32>
    %slice3A_4721 = vector.extract_strided_slice %broadcast_in_dim3A_4644 {offsets = [0, 0, 0], sizes = [1, 1, 1], strides = [1, 1, 1]} : vector<3x1x1xf32> to vector<1x1x1xf32>
    %slice3A_4722 = vector.extract_strided_slice %broadcast_in_dim3A_4698 {offsets = [0, 0, 0], sizes = [1, 1, 1], strides = [1, 1, 1]} : vector<3x1x1xf32> to vector<1x1x1xf32>
    %concatenate3A_4723 = tpu.concatenate %slice3A_4719, %slice3A_4720, %slice3A_4721, %slice3A_4722 in 0 : vector<1x1x1xf32>, vector<1x1x1xf32>, vector<1x1x1xf32>, vector<1x1x1xf32> -> vector<4x1x1xf32>
    %slice3A_4724 = vector.extract_strided_slice %broadcast_in_dim3A_4536 {offsets = [1, 0, 0], sizes = [1, 1, 1], strides = [1, 1, 1]} : vector<3x1x1xf32> to vector<1x1x1xf32>
    %slice3A_4725 = vector.extract_strided_slice %broadcast_in_dim3A_4590 {offsets = [1, 0, 0], sizes = [1, 1, 1], strides = [1, 1, 1]} : vector<3x1x1xf32> to vector<1x1x1xf32>
    %slice3A_4726 = vector.extract_strided_slice %broadcast_in_dim3A_4644 {offsets = [1, 0, 0], sizes = [1, 1, 1], strides = [1, 1, 1]} : vector<3x1x1xf32> to vector<1x1x1xf32>
    %slice3A_4727 = vector.extract_strided_slice %broadcast_in_dim3A_4698 {offsets = [1, 0, 0], sizes = [1, 1, 1], strides = [1, 1, 1]} : vector<3x1x1xf32> to vector<1x1x1xf32>
    %concatenate3A_4728 = tpu.concatenate %slice3A_4724, %slice3A_4725, %slice3A_4726, %slice3A_4727 in 0 : vector<1x1x1xf32>, vector<1x1x1xf32>, vector<1x1x1xf32>, vector<1x1x1xf32> -> vector<4x1x1xf32>
    %slice3A_4729 = vector.extract_strided_slice %broadcast_in_dim3A_4536 {offsets = [2, 0, 0], sizes = [1, 1, 1], strides = [1, 1, 1]} : vector<3x1x1xf32> to vector<1x1x1xf32>
    %slice3A_4730 = vector.extract_strided_slice %broadcast_in_dim3A_4590 {offsets = [2, 0, 0], sizes = [1, 1, 1], strides = [1, 1, 1]} : vector<3x1x1xf32> to vector<1x1x1xf32>
    %slice3A_4731 = vector.extract_strided_slice %broadcast_in_dim3A_4644 {offsets = [2, 0, 0], sizes = [1, 1, 1], strides = [1, 1, 1]} : vector<3x1x1xf32> to vector<1x1x1xf32>
    %slice3A_4732 = vector.extract_strided_slice %broadcast_in_dim3A_4698 {offsets = [2, 0, 0], sizes = [1, 1, 1], strides = [1, 1, 1]} : vector<3x1x1xf32> to vector<1x1x1xf32>
    %concatenate3A_4733 = tpu.concatenate %slice3A_4729, %slice3A_4730, %slice3A_4731, %slice3A_4732 in 0 : vector<1x1x1xf32>, vector<1x1x1xf32>, vector<1x1x1xf32>, vector<1x1x1xf32> -> vector<4x1x1xf32>
    %sub3A_4734 = vector.broadcast %concatenate3A_4723 : vector<4x1x1xf32> to vector<4x512x128xf32>
    %sub3A_4735 = arith.subf %get3A_4, %sub3A_4734 : vector<4x512x128xf32>
    %sub3A_4736 = vector.broadcast %concatenate3A_4728 : vector<4x1x1xf32> to vector<4x512x128xf32>
    %sub3A_4737 = arith.subf %get3A_10, %sub3A_4736 : vector<4x512x128xf32>
    %sub3A_4738 = vector.broadcast %concatenate3A_4733 : vector<4x1x1xf32> to vector<4x512x128xf32>
    %sub3A_4739 = arith.subf %get3A_16, %sub3A_4738 : vector<4x512x128xf32>
    %mul3A_4740 = arith.mulf %sub3A_4735, %sub3A_4735 : vector<4x512x128xf32>
    %mul3A_4741 = arith.mulf %sub3A_4737, %sub3A_4737 : vector<4x512x128xf32>
    %add3A_4742 = arith.addf %mul3A_4740, %mul3A_4741 : vector<4x512x128xf32>
    %mul3A_4743 = arith.mulf %sub3A_4739, %sub3A_4739 : vector<4x512x128xf32>
    %add3A_4744 = arith.addf %add3A_4742, %mul3A_4743 : vector<4x512x128xf32>
    %min3A_4745 = arith.minimumf %min3A_4426, %add3A_4744 : vector<4x512x128xf32>
    %reduce_max3A_4746 = arith.constant dense<0xFF800000> : vector<4xf32>
    %reduce_max3A_4747 = vector.multi_reduction <maximumf>, %min3A_4745, %reduce_max3A_4746 [1, 2] : vector<4x512x128xf32> to vector<4xf32>
    %broadcast_in_dim3A_4748 = vector.shape_cast %reduce_max3A_4747 : vector<4xf32> to vector<4x1x1xf32>
    %eq3A_4749 = vector.broadcast %broadcast_in_dim3A_4748 : vector<4x1x1xf32> to vector<4x512x128xf32>
    %eq3A_4750 = arith.cmpf oeq, %min3A_4745, %eq3A_4749 : vector<4x512x128xf32>
    %jit3A_4751 = arith.constant 2147483647 : i32
    %broadcast_in_dim3A_4752 = vector.shape_cast %add3A : vector<512x128xi32> to vector<1x512x128xi32>
    %broadcast_in_dim3A_4753 = vector.broadcast %broadcast_in_dim3A_4752 : vector<1x512x128xi32> to vector<4x512x128xi32>
    %broadcast_in_dim3A_4754 = vector.broadcast %jit3A_4751 : i32 to vector<4x512x128xi32>
    %select_n3A_4755 = arith.select %eq3A_4750, %broadcast_in_dim3A_4753, %broadcast_in_dim3A_4754 : vector<4x512x128xi1>, vector<4x512x128xi32>
    %reduce_min3A_4756 = arith.constant dense<2147483647> : vector<4xi32>
    %reduce_min3A_4757 = vector.multi_reduction <minsi>, %select_n3A_4755, %reduce_min3A_4756 [1, 2] : vector<4x512x128xi32> to vector<4xi32>
    %slice3A_4758 = vector.extract_strided_slice %reduce_min3A_4757 {offsets = [0], sizes = [1], strides = [1]} : vector<4xi32> to vector<1xi32>
    %reshape3A_4759 = vector.shape_cast %slice3A_4758 : vector<1xi32> to vector<1x1xi32>
    %swap3A_4760 = arith.constant 0 : index
    %swap3A_4761 = arith.constant 15 : index
    %swap3A_4762 = vector.load %arg1[%swap3A_4760, %swap3A_4761] : memref<1x64xi32, #tpu.memory_space<vmem>>, vector<1x1xi32>
    tpu.vector_store %arg1[%swap3A_4760, %swap3A_4761], %reshape3A_4759 {strides = array<i32>} : memref<1x64xi32, #tpu.memory_space<vmem>>, vector<1x1xi32>,
    %slice3A_4763 = vector.extract_strided_slice %reduce_min3A_4757 {offsets = [0], sizes = [1], strides = [1]} : vector<4xi32> to vector<1xi32>
    %reduce_max3A_4764 = vector.shape_cast %slice3A_4763 : vector<1xi32> to vector<1x1xi32>
    %reduce_max3A_4765 = arith.constant dense<-2147483648> : vector<1xi32>
    %reduce_max3A_4766 = vector.multi_reduction <maxsi>, %reduce_max3A_4764, %reduce_max3A_4765 [1] : vector<1x1xi32> to vector<1xi32>
    %reduce_max3A_4767 = vector.shape_cast %reduce_max3A_4766 : vector<1xi32> to vector<1x1xi32>
    %reduce_max3A_4768 = vector.extract %reduce_max3A_4767[0, 0] : i32 from vector<1x1xi32>
    %slice3A_4769 = vector.extract_strided_slice %reduce_min3A_4757 {offsets = [1], sizes = [1], strides = [1]} : vector<4xi32> to vector<1xi32>
    %reshape3A_4770 = vector.shape_cast %slice3A_4769 : vector<1xi32> to vector<1x1xi32>
    %swap3A_4771 = arith.constant 0 : index
    %swap3A_4772 = arith.constant 31 : index
    %swap3A_4773 = vector.load %arg1[%swap3A_4771, %swap3A_4772] : memref<1x64xi32, #tpu.memory_space<vmem>>, vector<1x1xi32>
    tpu.vector_store %arg1[%swap3A_4771, %swap3A_4772], %reshape3A_4770 {strides = array<i32>} : memref<1x64xi32, #tpu.memory_space<vmem>>, vector<1x1xi32>,
    %slice3A_4774 = vector.extract_strided_slice %reduce_min3A_4757 {offsets = [1], sizes = [1], strides = [1]} : vector<4xi32> to vector<1xi32>
    %reduce_max3A_4775 = vector.shape_cast %slice3A_4774 : vector<1xi32> to vector<1x1xi32>
    %reduce_max3A_4776 = arith.constant dense<-2147483648> : vector<1xi32>
    %reduce_max3A_4777 = vector.multi_reduction <maxsi>, %reduce_max3A_4775, %reduce_max3A_4776 [1] : vector<1x1xi32> to vector<1xi32>
    %reduce_max3A_4778 = vector.shape_cast %reduce_max3A_4777 : vector<1xi32> to vector<1x1xi32>
    %reduce_max3A_4779 = vector.extract %reduce_max3A_4778[0, 0] : i32 from vector<1x1xi32>
    %slice3A_4780 = vector.extract_strided_slice %reduce_min3A_4757 {offsets = [2], sizes = [1], strides = [1]} : vector<4xi32> to vector<1xi32>
    %reshape3A_4781 = vector.shape_cast %slice3A_4780 : vector<1xi32> to vector<1x1xi32>
    %swap3A_4782 = arith.constant 0 : index
    %swap3A_4783 = arith.constant 47 : index
    %swap3A_4784 = vector.load %arg1[%swap3A_4782, %swap3A_4783] : memref<1x64xi32, #tpu.memory_space<vmem>>, vector<1x1xi32>
    tpu.vector_store %arg1[%swap3A_4782, %swap3A_4783], %reshape3A_4781 {strides = array<i32>} : memref<1x64xi32, #tpu.memory_space<vmem>>, vector<1x1xi32>,
    %slice3A_4785 = vector.extract_strided_slice %reduce_min3A_4757 {offsets = [2], sizes = [1], strides = [1]} : vector<4xi32> to vector<1xi32>
    %reduce_max3A_4786 = vector.shape_cast %slice3A_4785 : vector<1xi32> to vector<1x1xi32>
    %reduce_max3A_4787 = arith.constant dense<-2147483648> : vector<1xi32>
    %reduce_max3A_4788 = vector.multi_reduction <maxsi>, %reduce_max3A_4786, %reduce_max3A_4787 [1] : vector<1x1xi32> to vector<1xi32>
    %reduce_max3A_4789 = vector.shape_cast %reduce_max3A_4788 : vector<1xi32> to vector<1x1xi32>
    %reduce_max3A_4790 = vector.extract %reduce_max3A_4789[0, 0] : i32 from vector<1x1xi32>
    %slice3A_4791 = vector.extract_strided_slice %reduce_min3A_4757 {offsets = [3], sizes = [1], strides = [1]} : vector<4xi32> to vector<1xi32>
    %reshape3A_4792 = vector.shape_cast %slice3A_4791 : vector<1xi32> to vector<1x1xi32>
    %swap3A_4793 = arith.constant 0 : index
    %swap3A_4794 = arith.constant 63 : index
    %swap3A_4795 = vector.load %arg1[%swap3A_4793, %swap3A_4794] : memref<1x64xi32, #tpu.memory_space<vmem>>, vector<1x1xi32>
    tpu.vector_store %arg1[%swap3A_4793, %swap3A_4794], %reshape3A_4792 {strides = array<i32>} : memref<1x64xi32, #tpu.memory_space<vmem>>, vector<1x1xi32>,
    %slice3A_4796 = vector.extract_strided_slice %reduce_min3A_4757 {offsets = [3], sizes = [1], strides = [1]} : vector<4xi32> to vector<1xi32>
    %reduce_max3A_4797 = vector.shape_cast %slice3A_4796 : vector<1xi32> to vector<1x1xi32>
    %reduce_max3A_4798 = arith.constant dense<-2147483648> : vector<1xi32>
    %reduce_max3A_4799 = vector.multi_reduction <maxsi>, %reduce_max3A_4797, %reduce_max3A_4798 [1] : vector<1x1xi32> to vector<1xi32>
    %reduce_max3A_4800 = vector.shape_cast %reduce_max3A_4799 : vector<1xi32> to vector<1x1xi32>
    %reduce_max3A_4801 = vector.extract %reduce_max3A_4800[0, 0] : i32 from vector<1x1xi32>
    %jit3A_4802 = arith.constant 128 : i32
    %div3A_4803 = arith.divsi %reduce_max3A_4768, %jit3A_4802 : i32
    %sign3A_4804 = arith.constant 0 : i32
    %sign3A_4805 = arith.cmpi sgt, %reduce_max3A_4768, %sign3A_4804 : i32
    %sign3A_4806 = arith.extui %sign3A_4805 : i1 to i32
    %sign3A_4807 = arith.constant 0 : i32
    %sign3A_4808 = arith.cmpi slt, %reduce_max3A_4768, %sign3A_4807 : i32
    %sign3A_4809 = arith.extui %sign3A_4808 : i1 to i32
    %sign3A_4810 = arith.subi %sign3A_4806, %sign3A_4809 : i32
    %sign3A_4811 = arith.constant 0 : i32
    %sign3A_4812 = arith.cmpi sgt, %jit3A_4802, %sign3A_4811 : i32
    %sign3A_4813 = arith.extui %sign3A_4812 : i1 to i32
    %sign3A_4814 = arith.constant 0 : i32
    %sign3A_4815 = arith.cmpi slt, %jit3A_4802, %sign3A_4814 : i32
    %sign3A_4816 = arith.extui %sign3A_4815 : i1 to i32
    %sign3A_4817 = arith.subi %sign3A_4813, %sign3A_4816 : i32
    %ne3A_4818 = arith.cmpi ne, %sign3A_4810, %sign3A_4817 : i32
    %rem3A_4819 = arith.remsi %reduce_max3A_4768, %jit3A_4802 : i32
    %ne3A_4820 = arith.constant 0 : i32
    %ne3A_4821 = arith.cmpi ne, %rem3A_4819, %ne3A_4820 : i32
    %and3A_4822 = arith.andi %ne3A_4818, %ne3A_4821 : i1
    %sub3A_4823 = arith.constant 1 : i32
    %sub3A_4824 = arith.subi %div3A_4803, %sub3A_4823 : i32
    %select_n3A_4825 = arith.select %and3A_4822, %sub3A_4824, %div3A_4803 : i32
    %jit3A_4826 = arith.constant 128 : i32
    %eq3A_4827 = arith.constant 0 : i32
    %eq3A_4828 = arith.cmpi eq, %jit3A_4826, %eq3A_4827 : i32
    %jit3A_4829 = arith.constant 1 : i32
    %select_n3A_4830 = arith.select %eq3A_4828, %jit3A_4829, %jit3A_4826 : i32
    %rem3A_4831 = arith.remsi %reduce_max3A_4768, %select_n3A_4830 : i32
    %ne3A_4832 = arith.constant 0 : i32
    %ne3A_4833 = arith.cmpi ne, %rem3A_4831, %ne3A_4832 : i32
    %lt3A_4834 = arith.constant 0 : i32
    %lt3A_4835 = arith.cmpi slt, %rem3A_4831, %lt3A_4834 : i32
    %lt3A_4836 = arith.constant 0 : i32
    %lt3A_4837 = arith.cmpi slt, %select_n3A_4830, %lt3A_4836 : i32
    %ne3A_4838 = arith.xori %lt3A_4835, %lt3A_4837 : i1
    %and3A_4839 = arith.andi %ne3A_4838, %ne3A_4833 : i1
    %add3A_4840 = arith.addi %rem3A_4831, %select_n3A_4830 : i32
    %select_n3A_4841 = arith.select %and3A_4839, %add3A_4840, %rem3A_4831 : i32
    %get3A_4842 = arith.constant 0 : index
    %get3A_4843 = arith.constant 0 : index
    %get3A_4844 = arith.index_cast %select_n3A_4825 : i32 to index
    %get3A_4845 = arith.constant 0 : index
    %get3A_4846 = vector.load %arg0[%get3A_4842, %get3A_4843, %get3A_4844, %get3A_4845] : memref<4x3x512x128xf32, #tpu.memory_space<vmem>>, vector<1x3x1x128xf32>
    %get3A_4847 = vector.shape_cast %get3A_4846 : vector<1x3x1x128xf32> to vector<3x1x128xf32>
    %eq3A_4848 = vector.broadcast %select_n3A_4841 : i32 to vector<3x1x128xi32>
    %eq3A_4849 = arith.cmpi eq, %iota3A_20, %eq3A_4848 : vector<3x1x128xi32>
    %jit3A_4850 = arith.constant 0.000000e+00 : f32
    %broadcast_in_dim3A_4851 = vector.broadcast %jit3A_4850 : f32 to vector<3x1x128xf32>
    %select_n3A_4852 = arith.select %eq3A_4849, %get3A_4847, %broadcast_in_dim3A_4851 : vector<3x1x128xi1>, vector<3x1x128xf32>
    %reduce_sum3A_4853 = arith.constant dense<0.000000e+00> : vector<3x1xf32>
    %reduce_sum3A_4854 = vector.multi_reduction <add>, %select_n3A_4852, %reduce_sum3A_4853 [2] : vector<3x1x128xf32> to vector<3x1xf32>
    %broadcast_in_dim3A_4855 = vector.shape_cast %reduce_sum3A_4854 : vector<3x1xf32> to vector<3x1x1xf32>
    %jit3A_4856 = arith.constant 128 : i32
    %div3A_4857 = arith.divsi %reduce_max3A_4779, %jit3A_4856 : i32
    %sign3A_4858 = arith.constant 0 : i32
    %sign3A_4859 = arith.cmpi sgt, %reduce_max3A_4779, %sign3A_4858 : i32
    %sign3A_4860 = arith.extui %sign3A_4859 : i1 to i32
    %sign3A_4861 = arith.constant 0 : i32
    %sign3A_4862 = arith.cmpi slt, %reduce_max3A_4779, %sign3A_4861 : i32
    %sign3A_4863 = arith.extui %sign3A_4862 : i1 to i32
    %sign3A_4864 = arith.subi %sign3A_4860, %sign3A_4863 : i32
    %sign3A_4865 = arith.constant 0 : i32
    %sign3A_4866 = arith.cmpi sgt, %jit3A_4856, %sign3A_4865 : i32
    %sign3A_4867 = arith.extui %sign3A_4866 : i1 to i32
    %sign3A_4868 = arith.constant 0 : i32
    %sign3A_4869 = arith.cmpi slt, %jit3A_4856, %sign3A_4868 : i32
    %sign3A_4870 = arith.extui %sign3A_4869 : i1 to i32
    %sign3A_4871 = arith.subi %sign3A_4867, %sign3A_4870 : i32
    %ne3A_4872 = arith.cmpi ne, %sign3A_4864, %sign3A_4871 : i32
    %rem3A_4873 = arith.remsi %reduce_max3A_4779, %jit3A_4856 : i32
    %ne3A_4874 = arith.constant 0 : i32
    %ne3A_4875 = arith.cmpi ne, %rem3A_4873, %ne3A_4874 : i32
    %and3A_4876 = arith.andi %ne3A_4872, %ne3A_4875 : i1
    %sub3A_4877 = arith.constant 1 : i32
    %sub3A_4878 = arith.subi %div3A_4857, %sub3A_4877 : i32
    %select_n3A_4879 = arith.select %and3A_4876, %sub3A_4878, %div3A_4857 : i32
    %jit3A_4880 = arith.constant 128 : i32
    %eq3A_4881 = arith.constant 0 : i32
    %eq3A_4882 = arith.cmpi eq, %jit3A_4880, %eq3A_4881 : i32
    %jit3A_4883 = arith.constant 1 : i32
    %select_n3A_4884 = arith.select %eq3A_4882, %jit3A_4883, %jit3A_4880 : i32
    %rem3A_4885 = arith.remsi %reduce_max3A_4779, %select_n3A_4884 : i32
    %ne3A_4886 = arith.constant 0 : i32
    %ne3A_4887 = arith.cmpi ne, %rem3A_4885, %ne3A_4886 : i32
    %lt3A_4888 = arith.constant 0 : i32
    %lt3A_4889 = arith.cmpi slt, %rem3A_4885, %lt3A_4888 : i32
    %lt3A_4890 = arith.constant 0 : i32
    %lt3A_4891 = arith.cmpi slt, %select_n3A_4884, %lt3A_4890 : i32
    %ne3A_4892 = arith.xori %lt3A_4889, %lt3A_4891 : i1
    %and3A_4893 = arith.andi %ne3A_4892, %ne3A_4887 : i1
    %add3A_4894 = arith.addi %rem3A_4885, %select_n3A_4884 : i32
    %select_n3A_4895 = arith.select %and3A_4893, %add3A_4894, %rem3A_4885 : i32
    %get3A_4896 = arith.constant 1 : index
    %get3A_4897 = arith.constant 0 : index
    %get3A_4898 = arith.index_cast %select_n3A_4879 : i32 to index
    %get3A_4899 = arith.constant 0 : index
    %get3A_4900 = vector.load %arg0[%get3A_4896, %get3A_4897, %get3A_4898, %get3A_4899] : memref<4x3x512x128xf32, #tpu.memory_space<vmem>>, vector<1x3x1x128xf32>
    %get3A_4901 = vector.shape_cast %get3A_4900 : vector<1x3x1x128xf32> to vector<3x1x128xf32>
    %eq3A_4902 = vector.broadcast %select_n3A_4895 : i32 to vector<3x1x128xi32>
    %eq3A_4903 = arith.cmpi eq, %iota3A_20, %eq3A_4902 : vector<3x1x128xi32>
    %jit3A_4904 = arith.constant 0.000000e+00 : f32
    %broadcast_in_dim3A_4905 = vector.broadcast %jit3A_4904 : f32 to vector<3x1x128xf32>
    %select_n3A_4906 = arith.select %eq3A_4903, %get3A_4901, %broadcast_in_dim3A_4905 : vector<3x1x128xi1>, vector<3x1x128xf32>
    %reduce_sum3A_4907 = arith.constant dense<0.000000e+00> : vector<3x1xf32>
    %reduce_sum3A_4908 = vector.multi_reduction <add>, %select_n3A_4906, %reduce_sum3A_4907 [2] : vector<3x1x128xf32> to vector<3x1xf32>
    %broadcast_in_dim3A_4909 = vector.shape_cast %reduce_sum3A_4908 : vector<3x1xf32> to vector<3x1x1xf32>
    %jit3A_4910 = arith.constant 128 : i32
    %div3A_4911 = arith.divsi %reduce_max3A_4790, %jit3A_4910 : i32
    %sign3A_4912 = arith.constant 0 : i32
    %sign3A_4913 = arith.cmpi sgt, %reduce_max3A_4790, %sign3A_4912 : i32
    %sign3A_4914 = arith.extui %sign3A_4913 : i1 to i32
    %sign3A_4915 = arith.constant 0 : i32
    %sign3A_4916 = arith.cmpi slt, %reduce_max3A_4790, %sign3A_4915 : i32
    %sign3A_4917 = arith.extui %sign3A_4916 : i1 to i32
    %sign3A_4918 = arith.subi %sign3A_4914, %sign3A_4917 : i32
    %sign3A_4919 = arith.constant 0 : i32
    %sign3A_4920 = arith.cmpi sgt, %jit3A_4910, %sign3A_4919 : i32
    %sign3A_4921 = arith.extui %sign3A_4920 : i1 to i32
    %sign3A_4922 = arith.constant 0 : i32
    %sign3A_4923 = arith.cmpi slt, %jit3A_4910, %sign3A_4922 : i32
    %sign3A_4924 = arith.extui %sign3A_4923 : i1 to i32
    %sign3A_4925 = arith.subi %sign3A_4921, %sign3A_4924 : i32
    %ne3A_4926 = arith.cmpi ne, %sign3A_4918, %sign3A_4925 : i32
    %rem3A_4927 = arith.remsi %reduce_max3A_4790, %jit3A_4910 : i32
    %ne3A_4928 = arith.constant 0 : i32
    %ne3A_4929 = arith.cmpi ne, %rem3A_4927, %ne3A_4928 : i32
    %and3A_4930 = arith.andi %ne3A_4926, %ne3A_4929 : i1
    %sub3A_4931 = arith.constant 1 : i32
    %sub3A_4932 = arith.subi %div3A_4911, %sub3A_4931 : i32
    %select_n3A_4933 = arith.select %and3A_4930, %sub3A_4932, %div3A_4911 : i32
    %jit3A_4934 = arith.constant 128 : i32
    %eq3A_4935 = arith.constant 0 : i32
    %eq3A_4936 = arith.cmpi eq, %jit3A_4934, %eq3A_4935 : i32
    %jit3A_4937 = arith.constant 1 : i32
    %select_n3A_4938 = arith.select %eq3A_4936, %jit3A_4937, %jit3A_4934 : i32
    %rem3A_4939 = arith.remsi %reduce_max3A_4790, %select_n3A_4938 : i32
    %ne3A_4940 = arith.constant 0 : i32
    %ne3A_4941 = arith.cmpi ne, %rem3A_4939, %ne3A_4940 : i32
    %lt3A_4942 = arith.constant 0 : i32
    %lt3A_4943 = arith.cmpi slt, %rem3A_4939, %lt3A_4942 : i32
    %lt3A_4944 = arith.constant 0 : i32
    %lt3A_4945 = arith.cmpi slt, %select_n3A_4938, %lt3A_4944 : i32
    %ne3A_4946 = arith.xori %lt3A_4943, %lt3A_4945 : i1
    %and3A_4947 = arith.andi %ne3A_4946, %ne3A_4941 : i1
    %add3A_4948 = arith.addi %rem3A_4939, %select_n3A_4938 : i32
    %select_n3A_4949 = arith.select %and3A_4947, %add3A_4948, %rem3A_4939 : i32
    %get3A_4950 = arith.constant 2 : index
    %get3A_4951 = arith.constant 0 : index
    %get3A_4952 = arith.index_cast %select_n3A_4933 : i32 to index
    %get3A_4953 = arith.constant 0 : index
    %get3A_4954 = vector.load %arg0[%get3A_4950, %get3A_4951, %get3A_4952, %get3A_4953] : memref<4x3x512x128xf32, #tpu.memory_space<vmem>>, vector<1x3x1x128xf32>
    %get3A_4955 = vector.shape_cast %get3A_4954 : vector<1x3x1x128xf32> to vector<3x1x128xf32>
    %eq3A_4956 = vector.broadcast %select_n3A_4949 : i32 to vector<3x1x128xi32>
    %eq3A_4957 = arith.cmpi eq, %iota3A_20, %eq3A_4956 : vector<3x1x128xi32>
    %jit3A_4958 = arith.constant 0.000000e+00 : f32
    %broadcast_in_dim3A_4959 = vector.broadcast %jit3A_4958 : f32 to vector<3x1x128xf32>
    %select_n3A_4960 = arith.select %eq3A_4957, %get3A_4955, %broadcast_in_dim3A_4959 : vector<3x1x128xi1>, vector<3x1x128xf32>
    %reduce_sum3A_4961 = arith.constant dense<0.000000e+00> : vector<3x1xf32>
    %reduce_sum3A_4962 = vector.multi_reduction <add>, %select_n3A_4960, %reduce_sum3A_4961 [2] : vector<3x1x128xf32> to vector<3x1xf32>
    %broadcast_in_dim3A_4963 = vector.shape_cast %reduce_sum3A_4962 : vector<3x1xf32> to vector<3x1x1xf32>
    %jit3A_4964 = arith.constant 128 : i32
    %div3A_4965 = arith.divsi %reduce_max3A_4801, %jit3A_4964 : i32
    %sign3A_4966 = arith.constant 0 : i32
    %sign3A_4967 = arith.cmpi sgt, %reduce_max3A_4801, %sign3A_4966 : i32
    %sign3A_4968 = arith.extui %sign3A_4967 : i1 to i32
    %sign3A_4969 = arith.constant 0 : i32
    %sign3A_4970 = arith.cmpi slt, %reduce_max3A_4801, %sign3A_4969 : i32
    %sign3A_4971 = arith.extui %sign3A_4970 : i1 to i32
    %sign3A_4972 = arith.subi %sign3A_4968, %sign3A_4971 : i32
    %sign3A_4973 = arith.constant 0 : i32
    %sign3A_4974 = arith.cmpi sgt, %jit3A_4964, %sign3A_4973 : i32
    %sign3A_4975 = arith.extui %sign3A_4974 : i1 to i32
    %sign3A_4976 = arith.constant 0 : i32
    %sign3A_4977 = arith.cmpi slt, %jit3A_4964, %sign3A_4976 : i32
    %sign3A_4978 = arith.extui %sign3A_4977 : i1 to i32
    %sign3A_4979 = arith.subi %sign3A_4975, %sign3A_4978 : i32
    %ne3A_4980 = arith.cmpi ne, %sign3A_4972, %sign3A_4979 : i32
    %rem3A_4981 = arith.remsi %reduce_max3A_4801, %jit3A_4964 : i32
    %ne3A_4982 = arith.constant 0 : i32
    %ne3A_4983 = arith.cmpi ne, %rem3A_4981, %ne3A_4982 : i32
    %and3A_4984 = arith.andi %ne3A_4980, %ne3A_4983 : i1
    %sub3A_4985 = arith.constant 1 : i32
    %sub3A_4986 = arith.subi %div3A_4965, %sub3A_4985 : i32
    %select_n3A_4987 = arith.select %and3A_4984, %sub3A_4986, %div3A_4965 : i32
    %jit3A_4988 = arith.constant 128 : i32
    %eq3A_4989 = arith.constant 0 : i32
    %eq3A_4990 = arith.cmpi eq, %jit3A_4988, %eq3A_4989 : i32
    %jit3A_4991 = arith.constant 1 : i32
    %select_n3A_4992 = arith.select %eq3A_4990, %jit3A_4991, %jit3A_4988 : i32
    %rem3A_4993 = arith.remsi %reduce_max3A_4801, %select_n3A_4992 : i32
    %ne3A_4994 = arith.constant 0 : i32
    %ne3A_4995 = arith.cmpi ne, %rem3A_4993, %ne3A_4994 : i32
    %lt3A_4996 = arith.constant 0 : i32
    %lt3A_4997 = arith.cmpi slt, %rem3A_4993, %lt3A_4996 : i32
    %lt3A_4998 = arith.constant 0 : i32
    %lt3A_4999 = arith.cmpi slt, %select_n3A_4992, %lt3A_4998 : i32
    %ne3A_5000 = arith.xori %lt3A_4997, %lt3A_4999 : i1
    %and3A_5001 = arith.andi %ne3A_5000, %ne3A_4995 : i1
    %add3A_5002 = arith.addi %rem3A_4993, %select_n3A_4992 : i32
    %select_n3A_5003 = arith.select %and3A_5001, %add3A_5002, %rem3A_4993 : i32
    %get3A_5004 = arith.constant 3 : index
    %get3A_5005 = arith.constant 0 : index
    %get3A_5006 = arith.index_cast %select_n3A_4987 : i32 to index
    %get3A_5007 = arith.constant 0 : index
    %get3A_5008 = vector.load %arg0[%get3A_5004, %get3A_5005, %get3A_5006, %get3A_5007] : memref<4x3x512x128xf32, #tpu.memory_space<vmem>>, vector<1x3x1x128xf32>
    %get3A_5009 = vector.shape_cast %get3A_5008 : vector<1x3x1x128xf32> to vector<3x1x128xf32>
    %eq3A_5010 = vector.broadcast %select_n3A_5003 : i32 to vector<3x1x128xi32>
    %eq3A_5011 = arith.cmpi eq, %iota3A_20, %eq3A_5010 : vector<3x1x128xi32>
    %jit3A_5012 = arith.constant 0.000000e+00 : f32
    %broadcast_in_dim3A_5013 = vector.broadcast %jit3A_5012 : f32 to vector<3x1x128xf32>
    %select_n3A_5014 = arith.select %eq3A_5011, %get3A_5009, %broadcast_in_dim3A_5013 : vector<3x1x128xi1>, vector<3x1x128xf32>
    %reduce_sum3A_5015 = arith.constant dense<0.000000e+00> : vector<3x1xf32>
    %reduce_sum3A_5016 = vector.multi_reduction <add>, %select_n3A_5014, %reduce_sum3A_5015 [2] : vector<3x1x128xf32> to vector<3x1xf32>
    %broadcast_in_dim3A_5017 = vector.shape_cast %reduce_sum3A_5016 : vector<3x1xf32> to vector<3x1x1xf32>
    %reshape3A_5018 = vector.shape_cast %broadcast_in_dim3A_4855 : vector<3x1x1xf32> to vector<1x1x3xf32>
    %swap3A_5019 = arith.constant 0 : index
    %swap3A_5020 = arith.constant 15 : index
    %swap3A_5021 = arith.constant 0 : index
    %swap3A_5022 = vector.load %arg2[%swap3A_5019, %swap3A_5020, %swap3A_5021] : memref<4x16x3xf32, #tpu.memory_space<vmem>>, vector<1x1x3xf32>
    tpu.vector_store %arg2[%swap3A_5019, %swap3A_5020, %swap3A_5021], %reshape3A_5018 {strides = array<i32>} : memref<4x16x3xf32, #tpu.memory_space<vmem>>, vector<1x1x3xf32>,
    %reshape3A_5023 = vector.shape_cast %broadcast_in_dim3A_4909 : vector<3x1x1xf32> to vector<1x1x3xf32>
    %swap3A_5024 = arith.constant 1 : index
    %swap3A_5025 = arith.constant 15 : index
    %swap3A_5026 = arith.constant 0 : index
    %swap3A_5027 = vector.load %arg2[%swap3A_5024, %swap3A_5025, %swap3A_5026] : memref<4x16x3xf32, #tpu.memory_space<vmem>>, vector<1x1x3xf32>
    tpu.vector_store %arg2[%swap3A_5024, %swap3A_5025, %swap3A_5026], %reshape3A_5023 {strides = array<i32>} : memref<4x16x3xf32, #tpu.memory_space<vmem>>, vector<1x1x3xf32>,
    %reshape3A_5028 = vector.shape_cast %broadcast_in_dim3A_4963 : vector<3x1x1xf32> to vector<1x1x3xf32>
    %swap3A_5029 = arith.constant 2 : index
    %swap3A_5030 = arith.constant 15 : index
    %swap3A_5031 = arith.constant 0 : index
    %swap3A_5032 = vector.load %arg2[%swap3A_5029, %swap3A_5030, %swap3A_5031] : memref<4x16x3xf32, #tpu.memory_space<vmem>>, vector<1x1x3xf32>
    tpu.vector_store %arg2[%swap3A_5029, %swap3A_5030, %swap3A_5031], %reshape3A_5028 {strides = array<i32>} : memref<4x16x3xf32, #tpu.memory_space<vmem>>, vector<1x1x3xf32>,
    %reshape3A_5033 = vector.shape_cast %broadcast_in_dim3A_5017 : vector<3x1x1xf32> to vector<1x1x3xf32>
    %swap3A_5034 = arith.constant 3 : index
    %swap3A_5035 = arith.constant 15 : index
    %swap3A_5036 = arith.constant 0 : index
    %swap3A_5037 = vector.load %arg2[%swap3A_5034, %swap3A_5035, %swap3A_5036] : memref<4x16x3xf32, #tpu.memory_space<vmem>>, vector<1x1x3xf32>
    tpu.vector_store %arg2[%swap3A_5034, %swap3A_5035, %swap3A_5036], %reshape3A_5033 {strides = array<i32>} : memref<4x16x3xf32, #tpu.memory_space<vmem>>, vector<1x1x3xf32>,
    return
  }
}

</mosaic_0001>

<sc_bundles>
// kernel: kernel.4.cloned.1.call-start
scs
__scs_entry_jumppad:
0x0: {  	(pc) =	sbr.rel $0x88, $3  }
0x1: {  	(tag) =	ssettag $0x0;
	lr =	simm.s32 $0x1  }
0x2: {  	[smem:$0x3F9F] =	sst lr;
	_ =	strace $0xD0000000  }
0x3: {  	_ = 	snop  }
0x4: {  	_ = 	snop  }
0x5: {  	_ = 	snop  }
0x6: {  	_ = 	snop  }
0x7: {  	_ = 	snop  }
__scs_overlays_trampoline_lowered:
0x8: {  	[smem:$0x3FAE] =	sst s0  }
0x9: {  	[smem:$0x3FAF] =	sst s1  }
0xa: {  	[smem:$0x3FB0] =	sst s2  }
0xb: {  	[smem:$0x3FB1] =	sst s3  }
0xc: {  	[smem:$0x3FB2] =	sst s4  }
0xd: {  	[smem:$0x3FB3] =	sst s5  }
0xe: {  	[smem:$0x3FB4] =	sst s6  }
0xf: {  	[smem:$0x3FB5] =	sst s7  }
0x10: {  	[smem:$0x3FB6] =	sst s8  }
0x11: {  	[smem:$0x3FB7] =	sst s9;
	s0 =	simm.s32 @!p0 $0x0  }
0x12: {  	s1 =	sld [smem:$0x3F9D];
	s0 =	simm.s32 @p0 $0x1  }
0x13: {  	[smem:$0x3FB8] =	sst s0;
	s0 =	simm.s32 @!p1 $0x0  }
0x14: {  	s2 =	sld [smem:$0x3F9C];
	s0 =	simm.s32 @p1 $0x1  }
0x15: {  	[smem:$0x3FB9] =	sst s0;
	s0 =	simm.s32 @!p2 $0x0  }
0x16: {  	s3 =	sld [smem:$0x3FDB];
	s0 =	simm.s32 @p2 $0x1  }
0x17: {  	s4 =	simm.s32 $0x1BF5;
	[smem:$0x3FBB] =	sst s0  }
0x18: {  	s0 =	sld [smem:$0x3F9E];
	_ =	swait.ge [sflag:s4], $0x0  }
0x19: {  	s7 =	sld [smem:$0x3F9F]  }
0x1a: {  	s8 =	sadd.s32 $0xFFFFE003, lr  }
0x1b: {  	s9 =	sadd.s32 $0xFFFFFEF7, lr;
	s5 =	simm.s32 $0xFFFFFFFF;
	p2 =	slt.u32 s8, $0xFFFFF086  }
0x1c: {  	p1 =	slt.u32 s9, $0xF7A;
	s5 =	simm.s32 @!p2 $0x0  }
0x1d: {  	s5 =	simm.s32 @p1 $0x1;
	p0 =	seq.s32 s7, s2  }
0x1e: {  	s7 =	smul.u32 @!p0 $0xF7A, s2;
	p2 =	seq.s32 @!p0 s5, $0x0  }
0x1f: {  	s9 =	smul.u32 $0xF7A, s1;
	s8 =	simm.s32 @!p0 $0x1BF5;
	p2 =	por !p2, p0  }
0x20: {  	[sflag:s8] =	ssyncset.s32 @!p0 $0xFFFFF086;
	s6 =	sadd.s32 @!p0 s3, s7;
	s7 =	simm.s32 @!p0 $0x108  }
0x21: {  	s3 =	sadd.s32 s3, s9;
	s6 =	sadd.s32 @!p0 $0x88, s6;
	s7 =	simm.s32 @p2 $0x1082  }
0x22: {  	[simem:s7], [sflag:s8] =	dma.local @!p0 [hbm:s6], $0xF7A  }
0x23: {  	s9 =	sor.u32 $0xD0000000, s2;
	s6 =	simm.s32 $0x108;
	_ =	swait.ge @!p0 [sflag:s8], $0x0  }
0x24: {  	s3 =	sadd.s32 $0x88, s3;
	s6 =	simm.s32 @!p1 $0x1082;
	[sflag:s4] =	ssyncset.s32 $0xFFFFF086  }
0x25: {  	[simem:s6], [sflag:s4] =	dma.local [hbm:s3], $0xF7A  }
0x26: {  	[smem:$0x3F9F] =	sst s1;
	(tag) =	ssettag s2;
	_ =	strace s9  }
0x27: {  	s1 =	sld [smem:$0x3FAF]  }
0x28: {  	s2 =	sld [smem:$0x3FB0]  }
0x29: {  	s4 =	sld [smem:$0x3FB2]  }
0x2a: {  	p0 =	seq.s32 s5, $0x0;
	s5 =	sld [smem:$0x3FB3]  }
0x2b: {  	s6 =	sld [smem:$0x3FB4]  }
0x2c: {  	s7 =	sld [smem:$0x3FB5]  }
0x2d: {  	s3 =	simm.s32 $0x108;
	s8 =	sld [smem:$0x3FB6]  }
0x2e: {  	s3 =	simm.s32 @!p0 $0x1082;
	s9 =	sld [smem:$0x3FB7]  }
0x2f: {  	lr =	sadd.s32 s0, s3;
	s0 =	sld [smem:$0x3FAE]  }
0x30: {  	s3 =	sld [smem:$0x3FB1]  }
0x31: {  	[smem:$0x3FBA] =	sst s10  }
0x32: {  	s10 =	sld [smem:$0x3FB8];
	_ =	sdelay $0x3  }
0x33: {  	p0 =	seq.s32 s10, $0x1;
	s10 =	sld [smem:$0x3FBA];
	_ =	sdelay $0x3  }
0x34: {  	[smem:$0x3FBA] =	sst s10  }
0x35: {  	s10 =	sld [smem:$0x3FB9];
	_ =	sdelay $0x3  }
0x36: {  	p1 =	seq.s32 s10, $0x1;
	s10 =	sld [smem:$0x3FBA];
	_ =	sdelay $0x3  }
0x37: {  	[smem:$0x3FBA] =	sst s10  }
0x38: {  	s10 =	sld [smem:$0x3FBB]  }
0x39: {  	_ = 	snop;
	(pc) =	sbr.ind lr, $3  }
0x3a: {  	_ = 	snop  }
0x3b: {  	_ = 	snop  }
0x3c: {  	p2 =	seq.s32 s10, $0x1;
	s10 =	sld [smem:$0x3FBA]  }
0x3d: {  	_ =	shalt  }
0x3e: {  	_ =	shalt  }
0x3f: {  	_ =	shalt  }
0x40: {  	_ =	shalt  }
0x41: {  	_ =	shalt  }
0x42: {  	_ =	shalt  }
0x43: {  	_ =	shalt  }
0x44: {  	_ =	shalt  }
0x45: {  	_ =	shalt  }
0x46: {  	_ =	shalt  }
0x47: {  	_ =	shalt  }
0x48: {  	_ =	shalt  }
0x49: {  	_ =	shalt  }
0x4a: {  	_ =	shalt  }
0x4b: {  	_ =	shalt  }
0x4c: {  	_ =	shalt  }
0x4d: {  	_ =	shalt  }
0x4e: {  	_ =	shalt  }
0x4f: {  	_ =	shalt  }
0x50: {  	_ =	shalt  }
0x51: {  	_ =	shalt  }
0x52: {  	_ =	shalt  }
0x53: {  	_ =	shalt  }
0x54: {  	_ =	shalt  }
0x55: {  	_ =	shalt  }
0x56: {  	_ =	shalt  }
0x57: {  	_ =	shalt  }
0x58: {  	_ =	shalt  }
0x59: {  	_ =	shalt  }
0x5a: {  	_ =	shalt  }
0x5b: {  	_ =	shalt  }
0x5c: {  	_ =	shalt  }
0x5d: {  	_ =	shalt  }
0x5e: {  	_ =	shalt  }
0x5f: {  	_ =	shalt  }
0x60: {  	_ =	shalt  }
0x61: {  	_ =	shalt  }
0x62: {  	_ =	shalt  }
0x63: {  	_ =	shalt  }
0x64: {  	_ =	shalt  }
0x65: {  	_ =	shalt  }
0x66: {  	_ =	shalt  }
0x67: {  	_ =	shalt  }
0x68: {  	_ =	shalt  }
0x69: {  	_ =	shalt  }
0x6a: {  	_ =	shalt  }
0x6b: {  	_ =	shalt  }
0x6c: {  	_ =	shalt  }
0x6d: {  	_ =	shalt  }
0x6e: {  	_ =	shalt  }
0x6f: {  	_ =	shalt  }
0x70: {  	_ =	shalt  }
0x71: {  	_ =	shalt  }
0x72: {  	_ =	shalt  }
0x73: {  	_ =	shalt  }
0x74: {  	_ =	shalt  }
0x75: {  	_ =	shalt  }
0x76: {  	_ =	shalt  }
0x77: {  	_ =	shalt  }
0x78: {  	_ =	shalt  }
0x79: {  	_ =	shalt  }
0x7a: {  	_ =	shalt  }
0x7b: {  	_ =	shalt  }
0x7c: {  	_ =	shalt  }
0x7d: {  	_ =	shalt  }
0x7e: {  	_ =	shalt  }
0x7f: {  	_ =	shalt  }
0x80: {  	_ =	shalt  }
0x81: {  	_ =	shalt  }
0x82: {  	_ =	shalt  }
0x83: {  	_ =	shalt  }
0x84: {  	_ =	shalt  }
0x85: {  	_ =	shalt  }
0x86: {  	_ =	shalt  }
0x87: {  	_ =	shalt  }
.Lfunc_end0:
.L_simem_size_0:
called_computation_lowered:
.L_overlay_start_0:
0x88: {  	s2 =	sld [smem:$0x3FD9]  }
0x89: {  	s3 =	sld [smem:$0x3FFE];
	_ =	sdelay $0x1  }
0x8a: {  	s1 =	srdreg.scid  }
0x8b: {  	s0 =	sand.u32 $0x1, s1  }
0x8c: {  	s14 =	sshll.u32 s0, $0xA;
	s2 =	sadd.s32 s3, s2  }
0x8d: {  	s2 =	sadd.s32 s2, s14  }
0x8e: {  	[smem:$0x3FC6] =	sst s2  }
0x8f: {  	_ = 	snop  }
0x90: {  	s2 =	sld [smem:$0x3FD0];
	_ =	sdelay $0x2  }
0x91: {  	s4 =	simm.s32 $0xA;
	s5 =	simm.s32 $0x10;
	s15 =	sld [smem:$0x3FC8]  }
0x92: {  	[smem:s5], [sflag:s4] =	dma.local [hbm:s2], $0x1  }
0x93: {  	_ =	swait.eq [sflag:s4], $0x1  }
0x94: {  	[sflag:s4] =	ssyncset.done $0x0  }
0x95: {  	[sflag:s4] =	ssyncadd.s32 $0xFFFFFFFF  }
0x96: {  	s16 =	sld [smem:$0x11];
	(tm) =	ssettm $0x1  }
0x97: {  	s17 =	sld [smem:$0x3FFB];
	_ =	sdelay $0x3  }
0x98: {  	_ =	strace s17  }
0x99: {  	s4 =	sld [smem:$0x3FFC];
	_ =	sdelay $0x3  }
0x9a: {  	_ =	strace s4  }
0x9b: {  	s4 =	sld [smem:$0x3FFD];
	_ =	sdelay $0x3  }
0x9c: {  	_ =	strace s4  }
0x9d: {  	_ =	strace $0x8FFFFFFF  }
0x9e: {  	s18 =	sld [smem:$0x3FDB];
	_ =	sdelay $0x1  }
0x9f: {  	s19 =	simm.s32 $_scs_section_size  }
0xa0: {  	s6 =	simm.s32 $_size__tile_overlayer_lowered;
	s7 =	simm.s32 $_tile_overlayer_lowered  }
0xa1: {  	s22 =	simm.s32 $0x1BFF;
	s21 =	sshll.u32 s7, $0x1;
	s4 =	sadd.s32 s19, s18  }
0xa2: {  	s8 =	simm.s32 $0x0;
	s20 =	sshll.u32 s6, $0x1;
	s6 =	sadd.s32 s21, s4  }
0xa3: {  	[timem:s8], [sflag:s22] =	dma.local [hbm:s6], s20  }
0xa4: {  	_ =	swait.ge [sflag:s22], s20  }
0xa5: {  	s5 =	ssub.s32 $0x0, s20;
	[sflag:s22] =	ssyncset.done $0x0  }
0xa6: {  	[sflag:s22] =	ssyncadd.s32 s5;
	_ =	sdelay $0x1  }
0xa7: {  	s23 =	simm.s32 $0x1B8B  }
0xa8: {  	_ =	swait.ge [sflag:s23], $0x1  }
0xa9: {  	[sflag:s23] =	ssyncset.done $0x0  }
0xaa: {  	s25 =	simm.s32 $0x1B8E;
	s24 =	sld [smem:$0x3FFE];
	[sflag:s23] =	ssyncadd.s32 $0xFFFFFFFF  }
0xab: {  	s26 =	simm.s32 $execute0_lowered;
	[smem:$0x3FD2] =	sst s25  }
0xac: {  	s6 =	sshll.u32 s26, $0x1;
	_ =	strace $0x80000046;
	[dreg:$0x1] =	wrdreg $0xFFFFFFFF  }
0xad: {  	s28 =	simm.s32 $_size_execute0_lowered;
	s4 =	sadd.s32 s4, s6;
	[dreg:$0x0] =	wrdreg $0x0  }
0xae: {  	s6 =	sshll.u32 s28, $0x1;
	[dreg:$0x2] =	wrdreg s4  }
0xaf: {  	[dreg:$0x3] =	wrdreg s6  }
0xb0: {  	[dreg:$0x4] =	wrdreg $0xC0  }
0xb1: {  	_ =	task [dreg:s8], $0x5FFFF  }
0xb2: {  	[dreg:$0x1] =	wrdreg $0xFFFFFFFF  }
0xb3: {  	[dreg:$0x0] =	wrdreg $0x60  }
0xb4: {  	[dreg:$0x2] =	wrdreg s15  }
0xb5: {  	[dreg:$0x3] =	wrdreg s24  }
0xb6: {  	[dreg:$0x4] =	wrdreg s16  }
0xb7: {  	[dreg:$0x5] =	wrdreg $0x9  }
0xb8: {  	_ =	task.clear_ibuf [dreg:s8], $0x6FFFF;
	_ =	strace $0x90000046  }
0xb9: {  	s29 =	simm.s32 $0x9;
	_ =	strace $0x80000048  }
0xba: {  	_ =	swait.ge [sflag:s29], $0x1  }
0xbb: {  	[sflag:s29] =	ssyncadd.s32 $0xFFFFFFFF  }
0xbc: {  	_ =	strace $0x90000048  }
0xbd: {  	_ =	sfence  }
0xbe: {  	s30 =	sld [smem:$0x0];
	_ =	sdelay $0x2  }
0xbf: {  	s31 =	sshll.u32 s1, $0xD;
	s1 =	sshrl.u32 s1, $0x2  }
0xc0: {  	s3 =	sand.u32 $0x4000, s31;
	s1 =	sadd.s32 s1, s30  }
0xc1: {  	s0 =	sor.u32 s3, s0;
	s1 =	sshll.u32 s1, $0x11  }
0xc2: {  	s0 =	sor.u32 s1, s0  }
0xc3: {  	s0 =	sadd.s32 $0x8F2B, s0  }
0xc4: {  	[sflag:s0] =	ssyncadd.remote.s32 $0x1  }
0xc5: {  	_ =	sfence.sel $0xFFFF  }
0xc6: {  	[dreg:$0x0] =	wrdreg $0xFFFFFFFF;
	(pc) =	sbr.abs _section_cstart, $3  }
0xc7: {  	[dreg:$0x1] =	wrdreg $0xFFFFFFFF  }
0xc8: {  	_ =	task.clear_ibuf [dreg:s8], $0x2FFFF;
	_ =	strace $0x9FFFFFFF  }
0xc9: {  	(tm) =	ssettm $0x7FFFFFFF  }
tec
execute0_lowered:
.L_overlay_start_1:
0x0: {  	(tag) =	ssettag $0x1  }
0x1: {  	s1 =	srdreg.scid;
	s0 =	stileid.u32  }
0x2: {  	s2 =	rddreg [dreg:$0x0];
	s14 =	sand.u32 $0x1, s1;
	s28 =	sshll.u32 s0, $0x1  }
0x3: {  	s4 =	rddreg [dreg:$0x1];
	s12 =	sor.u32 s14, s28  }
0x4: {  	s15 =	rddreg [dreg:$0x2];
	s3 =	simm.s32 $0x0;
	s5 =	sshll.u32 s12, $0x1  }
0x5: {  	[smem:$0x7FF] =	sst s3;
	v0 =	vmov s5  }
0x6: {  	s1 =	rddreg [dreg:$0x3];
	s4 =	sadd.s32 $0x600, s4;
	_ =	strace $0x80000047;
	v0 =	vbroadcast v0, $0x0  }
0x7: {  	[tilespmem:s3], [sflag:$0x3] =	stream.linear.gather [hbm4b:s4+s3], $0x80, $0x38;
	[tilespmem:$0x8180] =	vst v63  }
0x8: {  	s5 =	simm.s32 $0x3  }
0x9: {  	_ =	swait.ge [sflag:s5], $0x80  }
0xa: {  	[sflag:s5] =	ssyncset.done $0x0  }
0xb: {  	[sflag:s5] =	ssyncadd.s32 $0xFFFFFF80  }
0xc: {  	v3 =	vld.idx.msk [tilespmem:v0+s3+$0x0], $0xffff;
	_ =	sdelay $0x4  }
0xd: {  	v1 =	vxor.u32 $0x80000000, v3  }
0xe: {  	(xrf0) =	vmax.scan.msk.u32 $0xffff, v1;
	_ =	sdelay $0x5  }
0xf: {  	v1, _, _ =	vpop (xrf0)  }
0x10: {  	(v2sf) =	vpush v1, $0xF;
	_ =	sdelay $0xe  }
0x11: {  	s6 =	spop (v2sf)  }
0x12: {  	s7 =	sshll.u32 s0, $0x15;
	s16 =	sshllo.u32 s12, $0x1;
	s8 =	sshll.u32 s6, $0x3  }
0x13: {  	v1 =	vmov s16;
	s6 =	sand.u32 $0x1800000, s7;
	s29 =	sand.u32 $0xFFFFFC00, s8  }
0x14: {  	s8 =	sadd.s32 s6, s29  }
0x15: {  	s9 =	simm.s32 $0x80;
	s10 =	sshrl.u32 s8, $0x3  }
0x16: {  	s7 =	simm.s32 $0x400;
	s8 =	simm.s32 $0x80000;
	s10 =	sadd.s32 s2, s10  }
0x17: {  	[tilespmem:s9], [sflag:$0x1] =	stream.strided.gather [hbm4b:s10+s7], $0x4000, s8, s7, $0x38;
	[tilespmem:$0x8180] =	vst v63  }
0x18: {  	v10 =	vld.idx.msk [tilespmem:v1+s3+$0x0], $0xffff;
	_ =	sdelay $0x4  }
0x19: {  	v2 =	vxor.u32 $0x80000000, v10  }
0x1a: {  	(xrf0) =	vmax.scan.msk.u32 $0xffff, v2;
	_ =	sdelay $0x5  }
0x1b: {  	v2, _, _ =	vpop (xrf0)  }
0x1c: {  	(v2sf) =	vpush v2, $0xF;
	_ =	sdelay $0xe  }
0x1d: {  	s30 =	spop (v2sf)  }
0x1e: {  	s10 =	sshll.u32 s30, $0x3  }
0x1f: {  	v2 =	vlaneseq.u32;
	s10 =	sand.u32 $0xFFFFFC00, s10  }
0x20: {  	v2 =	vmul.u32 $0x80, v2;
	s10 =	sadd.s32 s6, s10  }
0x21: {  	v11 =	vand.u32 $0x7F, v3;
	s13 =	sshrl.u32 s10, $0x3  }
0x22: {  	s11 =	simm.s32 $0x1;
	v4 =	vor.u32 v2, v11;
	s10 =	simm.s32 $0x4080;
	s13 =	sadd.s32 s2, s13  }
0x23: {  	[tilespmem:s10], [sflag:$0x1] =	stream.strided.gather [hbm4b:s13+s7], $0x4000, s8, s7, $0x38;
	[tilespmem:$0x8180] =	vst v63  }
0x24: {  	_ =	swait.ge [sflag:s11], $0x4000  }
0x25: {  	[sflag:s11] =	ssyncset.done $0x0  }
0x26: {  	[sflag:s11] =	ssyncadd.s32 $0xFFFFC000  }
0x27: {  	v3 =	vor.u32 $0x800, v2;
	v4 =	vld.idx.msk [tilespmem:v4+s9+$0x0], $0xffff  }
0x28: {  	v5 =	vor.u32 v3, v11;
	_ =	sdelay $0x3  }
0x29: {  	[tilespmem:$0x8080] =	vst v4  }
0x2a: {  	v4 =	vor.u32 $0x1000, v2;
	v5 =	vld.idx.msk [tilespmem:v5+s9+$0x0], $0xffff  }
0x2b: {  	v6 =	vor.u32 v4, v11;
	_ =	sdelay $0x3  }
0x2c: {  	[tilespmem:$0x8090] =	vst v5  }
0x2d: {  	v5 =	vor.u32 $0x1800, v2;
	v6 =	vld.idx.msk [tilespmem:v6+s9+$0x0], $0xffff  }
0x2e: {  	v7 =	vor.u32 v5, v11;
	_ =	sdelay $0x3  }
0x2f: {  	[tilespmem:$0x80A0] =	vst v6  }
0x30: {  	v6 =	vor.u32 $0x2000, v2;
	v7 =	vld.idx.msk [tilespmem:v7+s9+$0x0], $0xffff  }
0x31: {  	v8 =	vor.u32 v6, v11;
	_ =	sdelay $0x3  }
0x32: {  	[tilespmem:$0x80B0] =	vst v7  }
0x33: {  	v7 =	vor.u32 $0x2800, v2;
	v8 =	vld.idx.msk [tilespmem:v8+s9+$0x0], $0xffff  }
0x34: {  	v9 =	vor.u32 v7, v11;
	_ =	sdelay $0x3  }
0x35: {  	[tilespmem:$0x80C0] =	vst v8  }
0x36: {  	v8 =	vor.u32 $0x3000, v2;
	v9 =	vld.idx.msk [tilespmem:v9+s9+$0x0], $0xffff  }
0x37: {  	v12 =	vor.u32 v8, v11;
	_ =	sdelay $0x3  }
0x38: {  	[tilespmem:$0x80D0] =	vst v9  }
0x39: {  	v9 =	vor.u32 $0x3800, v2;
	v12 =	vld.idx.msk [tilespmem:v12+s9+$0x0], $0xffff  }
0x3a: {  	v11 =	vor.u32 v9, v11;
	_ =	sdelay $0x3  }
0x3b: {  	[tilespmem:$0x80E0] =	vst v12  }
0x3c: {  	v11 =	vld.idx.msk [tilespmem:v11+s9+$0x0], $0xffff;
	_ =	sdelay $0x3  }
0x3d: {  	s12 =	sshll.u32 s12, $0x5;
	v10 =	vand.u32 $0x7F, v10  }
0x3e: {  	s12 =	sadd.s32 s15, s12;
	s13 =	simm.s32 $0x8080;
	[tilespmem:$0x80F0] =	vst v11;
	v11 =	vor.u32 v2, v10  }
0x3f: {  	[hbm4b:s12+s3] =	stream.linear.scatter [tilespmem:s13], [sflag:$0x2], $0x80, $0x38;
	[tilespmem:$0x8180] =	vst v63  }
0x40: {  	_ =	swait.ge [sflag:s11], $0x4000  }
0x41: {  	[sflag:s11] =	ssyncset.done $0x0  }
0x42: {  	[sflag:s11] =	ssyncadd.s32 $0xFFFFC000  }
0x43: {  	v11 =	vld.idx.msk [tilespmem:v11+s10+$0x0], $0xffff  }
0x44: {  	v58 =	vor.u32 v3, v10;
	_ =	sdelay $0x3  }
0x45: {  	[tilespmem:$0x8100] =	vst v11  }
0x46: {  	v11 =	vld.idx.msk [tilespmem:v58+s10+$0x0], $0xffff  }
0x47: {  	v59 =	vor.u32 v4, v10;
	_ =	sdelay $0x3  }
0x48: {  	[tilespmem:$0x8110] =	vst v11  }
0x49: {  	v11 =	vld.idx.msk [tilespmem:v59+s10+$0x0], $0xffff  }
0x4a: {  	v60 =	vor.u32 v5, v10;
	_ =	sdelay $0x3  }
0x4b: {  	[tilespmem:$0x8120] =	vst v11  }
0x4c: {  	v11 =	vld.idx.msk [tilespmem:v60+s10+$0x0], $0xffff  }
0x4d: {  	v61 =	vor.u32 v6, v10;
	_ =	sdelay $0x3  }
0x4e: {  	[tilespmem:$0x8130] =	vst v11  }
0x4f: {  	v11 =	vld.idx.msk [tilespmem:v61+s10+$0x0], $0xffff  }
0x50: {  	v62 =	vor.u32 v7, v10;
	_ =	sdelay $0x3  }
0x51: {  	[tilespmem:$0x8140] =	vst v11  }
0x52: {  	v11 =	vld.idx.msk [tilespmem:v62+s10+$0x0], $0xffff  }
0x53: {  	v63 =	vor.u32 v8, v10;
	_ =	sdelay $0x3  }
0x54: {  	[tilespmem:$0x8150] =	vst v11  }
0x55: {  	v11 =	vld.idx.msk [tilespmem:v63+s10+$0x0], $0xffff  }
0x56: {  	v10 =	vor.u32 v9, v10;
	_ =	sdelay $0x3  }
0x57: {  	[tilespmem:$0x8160] =	vst v11  }
0x58: {  	v10 =	vld.idx.msk [tilespmem:v10+s10+$0x0], $0xffff  }
0x59: {  	s17 =	ssub.s32 $0x2, s14  }
0x5a: {  	s18 =	sshrl.u32 s17, $0x1  }
0x5b: {  	s31 =	sshll.u32 s16, $0x4;
	s17 =	ssub.s32 s17, s18  }
0x5c: {  	s14 =	sadd.s32 s15, s31;
	s17 =	smax.u32 s17, $0x1  }
0x5d: {  	s15 =	simm.s32 $0x2;
	p0 =	sne.s32 s17, $0x1;
	s16 =	simm.s32 $0x8100;
	[tilespmem:$0x8170] =	vst v10  }
0x5e: {  	[hbm4b:s14+s3] =	stream.linear.scatter [tilespmem:s16], [sflag:$0x2], $0x80, $0x38;
	[tilespmem:$0x8180] =	vst v63  }
.Ltmp0:
0x5f: {  	_ =	swait.ge [sflag:s15], $0x80;
	(pc) =	sbr.rel @!p0 .LBB2_2-.Ltmp0, $4  }
0x60: {  	[sflag:s15] =	ssyncset.done $0x0  }
0x61: {  	[sflag:s15] =	ssyncadd.s32 $0xFFFFFF80  }
0x62: {  	_ =	swait.ge [sflag:s15], $0x80  }
0x63: {  	s17 =	sadd.s32 $0xFFFFFFFF, s17;
	[sflag:s15] =	ssyncset.done $0x0  }
.LBB2_1:
0x64: {  	p0 =	sne.s32 s17, $0x1;
	s17 =	sadd.s32 $0xFFFFFFFF, s17;
	[sflag:s15] =	ssyncadd.s32 $0xFFFFFF80  }
0x65: {  	[tilespmem:s3], [sflag:$0x3] =	stream.linear.gather [hbm4b:s4+s3], $0x80, $0x38;
	[tilespmem:$0x8180] =	vst v63  }
0x66: {  	_ =	swait.ge [sflag:s5], $0x80  }
0x67: {  	[sflag:s5] =	ssyncset.done $0x0  }
0x68: {  	[sflag:s5] =	ssyncadd.s32 $0xFFFFFF80  }
0x69: {  	v10 =	vld.idx.msk [tilespmem:v0+s3+$0x0], $0xffff;
	_ =	sdelay $0x5  }
0x6a: {  	v11 =	vand.u32 $0x7F, v10;
	v10 =	vxor.u32 $0x80000000, v10  }
0x6b: {  	(xrf0) =	vmax.scan.msk.u32 $0xffff, v10;
	_ =	sdelay $0x5  }
0x6c: {  	v10, _, _ =	vpop (xrf0)  }
0x6d: {  	(v2sf) =	vpush v10, $0xF;
	_ =	sdelay $0xe  }
0x6e: {  	s18 =	spop (v2sf)  }
0x6f: {  	s18 =	sshll.u32 s18, $0x3  }
0x70: {  	s18 =	sand.u32 $0xFFFFFC00, s18  }
0x71: {  	s18 =	sadd.s32 s6, s18  }
0x72: {  	s18 =	sshrl.u32 s18, $0x3  }
0x73: {  	s18 =	sadd.s32 s2, s18  }
0x74: {  	[tilespmem:s9], [sflag:$0x1] =	stream.strided.gather [hbm4b:s18+s7], $0x4000, s8, s7, $0x38;
	[tilespmem:$0x8180] =	vst v63  }
0x75: {  	v12 =	vld.idx.msk [tilespmem:v1+s3+$0x0], $0xffff;
	_ =	sdelay $0x5  }
0x76: {  	v10 =	vand.u32 $0x7F, v12;
	v12 =	vxor.u32 $0x80000000, v12  }
0x77: {  	(xrf0) =	vmax.scan.msk.u32 $0xffff, v12;
	_ =	sdelay $0x5  }
0x78: {  	v12, _, _ =	vpop (xrf0)  }
0x79: {  	(v2sf) =	vpush v12, $0xF;
	_ =	sdelay $0xe  }
0x7a: {  	s18 =	spop (v2sf)  }
0x7b: {  	s18 =	sshll.u32 s18, $0x3  }
0x7c: {  	s18 =	sand.u32 $0xFFFFFC00, s18  }
0x7d: {  	s18 =	sadd.s32 s6, s18  }
0x7e: {  	s18 =	sshrl.u32 s18, $0x3  }
0x7f: {  	v12 =	vor.u32 v2, v11;
	s18 =	sadd.s32 s2, s18  }
0x80: {  	[tilespmem:s10], [sflag:$0x1] =	stream.strided.gather [hbm4b:s18+s7], $0x4000, s8, s7, $0x38;
	[tilespmem:$0x8180] =	vst v63  }
0x81: {  	_ =	swait.ge [sflag:s11], $0x4000  }
0x82: {  	[sflag:s11] =	ssyncset.done $0x0  }
0x83: {  	[sflag:s11] =	ssyncadd.s32 $0xFFFFC000  }
0x84: {  	v12 =	vld.idx.msk [tilespmem:v12+s9+$0x0], $0xffff;
	_ =	sdelay $0x1  }
0x85: {  	v13 =	vor.u32 v3, v11;
	_ =	sdelay $0x3  }
0x86: {  	[tilespmem:$0x8080] =	vst v12  }
0x87: {  	v12 =	vld.idx.msk [tilespmem:v13+s9+$0x0], $0xffff;
	_ =	sdelay $0x1  }
0x88: {  	v13 =	vor.u32 v4, v11;
	_ =	sdelay $0x3  }
0x89: {  	[tilespmem:$0x8090] =	vst v12  }
0x8a: {  	v12 =	vld.idx.msk [tilespmem:v13+s9+$0x0], $0xffff;
	_ =	sdelay $0x1  }
0x8b: {  	v13 =	vor.u32 v5, v11;
	_ =	sdelay $0x3  }
0x8c: {  	[tilespmem:$0x80A0] =	vst v12  }
0x8d: {  	v12 =	vld.idx.msk [tilespmem:v13+s9+$0x0], $0xffff;
	_ =	sdelay $0x1  }
0x8e: {  	v13 =	vor.u32 v6, v11;
	_ =	sdelay $0x3  }
0x8f: {  	[tilespmem:$0x80B0] =	vst v12  }
0x90: {  	v12 =	vld.idx.msk [tilespmem:v13+s9+$0x0], $0xffff;
	_ =	sdelay $0x1  }
0x91: {  	v13 =	vor.u32 v7, v11;
	_ =	sdelay $0x3  }
0x92: {  	[tilespmem:$0x80C0] =	vst v12  }
0x93: {  	v12 =	vld.idx.msk [tilespmem:v13+s9+$0x0], $0xffff;
	_ =	sdelay $0x1  }
0x94: {  	v13 =	vor.u32 v8, v11;
	_ =	sdelay $0x3  }
0x95: {  	[tilespmem:$0x80D0] =	vst v12  }
0x96: {  	v12 =	vld.idx.msk [tilespmem:v13+s9+$0x0], $0xffff;
	_ =	sdelay $0x1  }
0x97: {  	v11 =	vor.u32 v9, v11;
	_ =	sdelay $0x3  }
0x98: {  	[tilespmem:$0x80E0] =	vst v12  }
0x99: {  	v11 =	vld.idx.msk [tilespmem:v11+s9+$0x0], $0xffff;
	_ =	sdelay $0x5  }
0x9a: {  	[tilespmem:$0x80F0] =	vst v11;
	v11 =	vor.u32 v2, v10  }
0x9b: {  	[hbm4b:s12+s3] =	stream.linear.scatter [tilespmem:s13], [sflag:$0x2], $0x80, $0x38;
	[tilespmem:$0x8180] =	vst v63  }
0x9c: {  	_ =	swait.ge [sflag:s11], $0x4000  }
0x9d: {  	[sflag:s11] =	ssyncset.done $0x0  }
0x9e: {  	[sflag:s11] =	ssyncadd.s32 $0xFFFFC000  }
0x9f: {  	v11 =	vld.idx.msk [tilespmem:v11+s10+$0x0], $0xffff;
	_ =	sdelay $0x1  }
0xa0: {  	v12 =	vor.u32 v3, v10;
	_ =	sdelay $0x3  }
0xa1: {  	[tilespmem:$0x8100] =	vst v11  }
0xa2: {  	v11 =	vld.idx.msk [tilespmem:v12+s10+$0x0], $0xffff;
	_ =	sdelay $0x1  }
0xa3: {  	v12 =	vor.u32 v4, v10;
	_ =	sdelay $0x3  }
0xa4: {  	[tilespmem:$0x8110] =	vst v11  }
0xa5: {  	v11 =	vld.idx.msk [tilespmem:v12+s10+$0x0], $0xffff;
	_ =	sdelay $0x1  }
0xa6: {  	v12 =	vor.u32 v5, v10;
	_ =	sdelay $0x3  }
0xa7: {  	[tilespmem:$0x8120] =	vst v11  }
0xa8: {  	v11 =	vld.idx.msk [tilespmem:v12+s10+$0x0], $0xffff;
	_ =	sdelay $0x1  }
0xa9: {  	v12 =	vor.u32 v6, v10;
	_ =	sdelay $0x3  }
0xaa: {  	[tilespmem:$0x8130] =	vst v11  }
0xab: {  	v11 =	vld.idx.msk [tilespmem:v12+s10+$0x0], $0xffff;
	_ =	sdelay $0x1  }
0xac: {  	v12 =	vor.u32 v7, v10;
	_ =	sdelay $0x3  }
0xad: {  	[tilespmem:$0x8140] =	vst v11  }
0xae: {  	v11 =	vld.idx.msk [tilespmem:v12+s10+$0x0], $0xffff;
	_ =	sdelay $0x1  }
0xaf: {  	v12 =	vor.u32 v8, v10;
	_ =	sdelay $0x3  }
0xb0: {  	[tilespmem:$0x8150] =	vst v11  }
0xb1: {  	v11 =	vld.idx.msk [tilespmem:v12+s10+$0x0], $0xffff;
	_ =	sdelay $0x1  }
0xb2: {  	v10 =	vor.u32 v9, v10;
	_ =	sdelay $0x3  }
0xb3: {  	[tilespmem:$0x8160] =	vst v11  }
0xb4: {  	v10 =	vld.idx.msk [tilespmem:v10+s10+$0x0], $0xffff;
	_ =	sdelay $0x5  }
0xb5: {  	[tilespmem:$0x8170] =	vst v10  }
0xb6: {  	[hbm4b:s14+s3] =	stream.linear.scatter [tilespmem:s16], [sflag:$0x2], $0x80, $0x38;
	[tilespmem:$0x8180] =	vst v63  }
.Ltmp1:
0xb7: {  	_ =	swait.ge [sflag:s15], $0x80;
	(pc) =	sbr.rel @p0 .LBB2_1-.Ltmp1, $4  }
0xb8: {  	[sflag:s15] =	ssyncset.done $0x0  }
0xb9: {  	[sflag:s15] =	ssyncadd.s32 $0xFFFFFF80  }
0xba: {  	_ =	swait.ge [sflag:s15], $0x80  }
0xbb: {  	[sflag:s15] =	ssyncset.done $0x0  }
.LBB2_2:
0xbc: {  	[sflag:s15] =	ssyncadd.s32 $0xFFFFFF80  }
0xbd: {  	_ =	sfence.sel $0x180000  }
0xbe: {  	[bflag:$0x0] =	sbarrier.arrive $0xFFFF  }
0xbf: {  	p0 =	sne.s32 s0, $0x0;
	_ =	strace $0x90000047  }
0xc0: {  	s0 =	sadd.s32 @!p0 $0x100000, s1;
	[bflag:$0x2] =	sbarrier.arrive $0xFFFF  }
0xc1: {  	[sflag:s0] =	ssyncadd.tile.s32 @!p0 $0x1;
	_ =	shalt  }
.Lfunc_end2:
_tile_overlayer_lowered:
.L_overlay_start_2:
0xc2: {  	(tag) =	ssettag $0x2  }
0xc3: {  	s0 =	rddreg [dreg:$0x0];
	s2 =	stileid.u32  }
0xc4: {  	s1 =	rddreg [dreg:$0x1];
	p0 =	sne.s32 s2, $0x0  }
0xc5: {  	s3 =	rddreg [dreg:$0x2];
	[bflag:$0x3] =	sbarrier.arrive $0xFFFF;
	s2 =	simm.s32 @!p0 $0x1C03  }
0xc6: {  	[timem:s3], [sflag:s2] =	dma.local @!p0 [hbm:s0], s1  }
0xc7: {  	s0 =	simm.s32 @!p0 $0x3  }
0xc8: {  	_ =	swait.ge @!p0 [sflag:s0], s1  }
0xc9: {  	s1 =	ssub.s32 @!p0 $0x0, s1;
	[sflag:s0] =	ssyncset.done @!p0 $0x0  }
0xca: {  	[sflag:s0] =	ssyncadd.s32 @!p0 s1  }
0xcb: {  	[bflag:$0x3] =	sbarrier.arrive $0xFFFF  }
0xcc: {  	_ =	shalt  }

</sc_bundles>
